<compile_context>
chip_gen: v7x
topology: tpu7x:2x2x1
jax: 0.10.2.dev20260603
libtpu: 0.0.44.dev20260713+nightly
codegen_flags: <defaults>
</compile_context>

<pallas_src>
import functools

import jax
import jax.numpy as jnp
from jax import lax
from jax.experimental import pallas as pl
from jax.experimental.pallas import tpu as pltpu
from jax.experimental.pallas import tpu_sc as plsc

NEXP = 8
TILE = 512
DIN = 768
HMID = 384
DOUT = 256
NWORKERS = 32


def _sc_gather_rows(table, idx, chunk):
    rows, d = table.shape
    b = idx.shape[0]
    per_w = b // NWORKERS
    nchunk = per_w // chunk
    mesh = plsc.VectorSubcoreMesh(core_axis_name="c", subcore_axis_name="s")

    @functools.partial(
        pl.kernel,
        out_type=jax.ShapeDtypeStruct((b, d), table.dtype),
        mesh=mesh,
        scratch_types=[
            pltpu.VMEM((per_w,), jnp.int32),
            pltpu.VMEM((2, chunk, d), table.dtype),
            pltpu.SemaphoreType.DMA((2,)),
            pltpu.SemaphoreType.DMA((2,)),
        ],
    )
    def gather_kernel(table_hbm, idx_hbm, out_hbm, idx_v, rows_v, gsem, osem):
        wid = lax.axis_index("s") * 2 + lax.axis_index("c")
        base = pl.multiple_of(wid * per_w, 8)
        pltpu.sync_copy(idx_hbm.at[pl.ds(base, per_w)], idx_v)

        def start_gather(k):
            slot = k % 2
            return pltpu.async_copy(
                table_hbm.at[idx_v.at[pl.ds(k * chunk, chunk)]],
                rows_v.at[slot], gsem.at[slot])

        def start_out(k):
            slot = k % 2
            return pltpu.async_copy(
                rows_v.at[slot], out_hbm.at[pl.ds(base + k * chunk, chunk)],
                osem.at[slot])

        g = [None, None]
        o = [None, None]
        g[0] = start_gather(0)
        for k in range(nchunk):
            slot = k % 2
            nxt = (k + 1) % 2
            if k + 1 < nchunk:
                if o[nxt] is not None:
                    o[nxt].wait()
                g[nxt] = start_gather(k + 1)
            g[slot].wait()
            o[slot] = start_out(k)
        o[(nchunk - 1) % 2].wait()
        if nchunk >= 2:
            o[nchunk % 2].wait()

    return gather_kernel(table, idx)


def _sc_scatter_rows(src, pos, out_rows, chunk):
    n, d = src.shape
    per_w = n // NWORKERS
    nchunk = per_w // chunk
    pos3d = pos.reshape(NWORKERS, nchunk, chunk)
    mesh = plsc.VectorSubcoreMesh(core_axis_name="c", subcore_axis_name="s")

    @functools.partial(
        pl.kernel,
        out_type=jax.ShapeDtypeStruct((out_rows, d), src.dtype),
        mesh=mesh,
        scratch_types=[
            pltpu.VMEM((nchunk, chunk), jnp.int32),
            pltpu.VMEM((2, chunk, d), src.dtype),
            pltpu.SemaphoreType.DMA((2,)),
            pltpu.SemaphoreType.DMA((2,)),
        ],
    )
    def scatter_kernel(src_hbm, pos_hbm, out_hbm, idx_v, rows_v, isem, osem):
        wid = lax.axis_index("s") * 2 + lax.axis_index("c")
        base = pl.multiple_of(wid * per_w, 8)
        pltpu.sync_copy(pos_hbm.at[wid], idx_v)

        def start_in(k):
            slot = k % 2
            return pltpu.async_copy(
                src_hbm.at[pl.ds(base + k * chunk, chunk)],
                rows_v.at[slot], isem.at[slot])

        def start_out(k):
            slot = k % 2
            return pltpu.async_copy(
                rows_v.at[slot], out_hbm.at[idx_v.at[k]], osem.at[slot])

        g = [None, None]
        o = [None, None]
        g[0] = start_in(0)
        for k in range(nchunk):
            slot = k % 2
            nxt = (k + 1) % 2
            if k + 1 < nchunk:
                if o[nxt] is not None:
                    o[nxt].wait()
                g[nxt] = start_in(k + 1)
            g[slot].wait()
            o[slot] = start_out(k)
        o[(nchunk - 1) % 2].wait()
        if nchunk >= 2:
            o[nchunk % 2].wait()

    return scatter_kernel(src, pos3d)


def _tc_mlp_body(e_map, x_ref, w0, w1, w2, w3, w4, b0, b1, b2, b3, b4, o_ref):
    e = e_map[pl.program_id(0)]
    xb = x_ref[...].astype(jnp.bfloat16)

    def lin(h, wref, bref, din, dout):
        w = wref[0, :din, :dout].astype(jnp.bfloat16)
        return jnp.dot(h, w, preferred_element_type=jnp.float32) + bref[0, :, :dout]

    def rl(h):
        return jnp.maximum(h, 0.0).astype(jnp.bfloat16)

    @pl.when(e < 2)
    def _():
        h = rl(lin(xb, w0, b0, 768, 384))
        h = rl(lin(h, w1, b1, 384, 384))
        o_ref[...] = lin(h, w4, b4, 384, 256)

    @pl.when((e >= 2) & (e < 4))
    def _():
        h = rl(lin(xb, w0, b0, 768, 256))
        h = rl(lin(h, w1, b1, 256, 256))
        h = rl(lin(h, w2, b2, 256, 256))
        o_ref[...] = lin(h, w4, b4, 256, 256)

    @pl.when((e >= 4) & (e < NEXP))
    def _():
        h = rl(lin(xb, w0, b0, 768, 256))
        h = rl(lin(h, w1, b1, 256, 256))
        h = rl(lin(h, w2, b2, 256, 256))
        h = rl(lin(h, w3, b3, 256, 256))
        o_ref[...] = lin(h, w4, b4, 256, 256)


def _tc_grouped_mlp(x_sorted, e_of_tile, ws, bs):
    np_rows = x_sorted.shape[0]
    nt = np_rows // TILE
    w0, w1, w2, w3, w4 = ws
    b0, b1, b2, b3, b4 = bs

    def wspec(shape):
        return pl.BlockSpec(
            (1,) + shape, lambda t, e: (jnp.minimum(e[t], NEXP - 1), 0, 0))

    grid_spec = pltpu.PrefetchScalarGridSpec(
        num_scalar_prefetch=1,
        grid=(nt,),
        in_specs=[
            pl.BlockSpec((TILE, DIN), lambda t, e: (t, 0)),
            wspec((DIN, HMID)),
            wspec((HMID, HMID)),
            wspec((HMID, HMID)),
            wspec((HMID, HMID)),
            wspec((HMID, DOUT)),
            wspec((1, HMID)),
            wspec((1, HMID)),
            wspec((1, HMID)),
            wspec((1, HMID)),
            wspec((1, DOUT)),
        ],
        out_specs=pl.BlockSpec((TILE, DOUT), lambda t, e: (t, 0)),
    )
    return pl.pallas_call(
        _tc_mlp_body,
        grid_spec=grid_spec,
        out_shape=jax.ShapeDtypeStruct((np_rows, DOUT), jnp.float32),
    )(e_of_tile, x_sorted, w0, w1, w2, w3, w4, b0, b1, b2, b3, b4)


def _pack_params(params):
    eye = jnp.eye(HMID, dtype=jnp.float32)
    zb = jnp.zeros((HMID,), dtype=jnp.float32)

    def padw(w, rin, rout):
        return jnp.zeros((rin, rout), jnp.float32).at[: w.shape[0], : w.shape[1]].set(w)

    def padb(b, r):
        return jnp.zeros((r,), jnp.float32).at[: b.shape[0]].set(b)

    slot_w = [[] for _ in range(5)]
    slot_b = [[] for _ in range(5)]
    for mlp in params:
        n = len(mlp)
        if n == 3:
            order = [0, 1, None, None, 2]
        elif n == 4:
            order = [0, 1, 2, None, 3]
        else:
            order = [0, 1, 2, 3, 4]
        for s, li in enumerate(order):
            rin = DIN if s == 0 else HMID
            rout = DOUT if s == 4 else HMID
            if li is None:
                slot_w[s].append(eye)
                slot_b[s].append(zb)
            else:
                w, b = mlp[li]
                slot_w[s].append(padw(w, rin, rout))
                slot_b[s].append(padb(b, rout))
    ws = tuple(jnp.stack(slot_w[s]) for s in range(5))
    bs = tuple(jnp.stack(slot_b[s])[:, None, :] for s in range(5))
    return ws, bs


def kernel(x, path_lengths, params):
    batch, nodes, _ = x.shape
    n = batch * nodes
    np_rows = n + NEXP * TILE
    nt = np_rows // TILE

    x_flat = x.reshape(n, DIN)
    plf = jnp.clip(path_lengths.reshape(n), 0, NEXP - 1).astype(jnp.int32)

    onehot = (plf[:, None] == jnp.arange(NEXP, dtype=jnp.int32)[None, :]).astype(jnp.int32)
    incl = jnp.cumsum(onehot, axis=0)
    counts = incl[-1]
    tiles_e = (counts + TILE - 1) // TILE
    tile_end = jnp.cumsum(tiles_e)
    row_off = (tile_end - tiles_e) * TILE
    pos = (jnp.sum((row_off[None, :] + incl) * onehot, axis=1) - 1).astype(jnp.int32)
    e_of_tile = jnp.sum(
        (jnp.arange(nt, dtype=jnp.int32)[:, None] >= tile_end[None, :])
        .astype(jnp.int32), axis=1).astype(jnp.int32)

    ws, bs = _pack_params(params)

    x_sorted = _sc_scatter_rows(x_flat, pos, np_rows, chunk=64)
    out_sorted = _tc_grouped_mlp(x_sorted, e_of_tile, ws, bs)
    out = _sc_gather_rows(out_sorted, pos, chunk=128)
    return out.reshape(batch, nodes, DOUT)

# --- scband reference (transcript-rebuilt; emitter-appended) ---
"""Pipeline reference for scband-adaptive-path-length-cpgnn-31035433681316 (READ-ONLY COPY).

The authoritative reference and input builder live on the scoring server;
editing this copy changes nothing except your own understanding.
"""

import jax, jax.numpy as jnp
import numpy as np

INPUT_DIM = 768
HIDDEN = [256, 256, 256]
MAX_PATH_LENGTH = 8
BATCH = 4
NUM_NODES = 8192


def _dims_for_length(path_length):
    if path_length <= 2:
        dims = [max(d // 2, INPUT_DIM // 2) for d in HIDDEN[:2]]
    elif path_length <= 4:
        dims = list(HIDDEN[:3])
    else:
        dims = list(HIDDEN) + [HIDDEN[-1]]
    return dims + [HIDDEN[-1]]


def setup_inputs(seed: int = 0):
    key = jax.random.key(seed)
    kx, kp, kw = jax.random.split(key, 3)
    x = jax.random.normal(kx, (BATCH, NUM_NODES, INPUT_DIM), dtype=jnp.float32)
    path_lengths = jax.random.randint(kp, (BATCH, NUM_NODES), 0, MAX_PATH_LENGTH)
    params = []
    for l in range(MAX_PATH_LENGTH):
        dims = _dims_for_length(l + 1)
        prev = INPUT_DIM
        mlp = []
        for d in dims:
            kw, k1, k2 = jax.random.split(kw, 3)
            bound = 1.0 / np.sqrt(prev)
            W = jax.random.uniform(k1, (prev, d), minval=-bound, maxval=bound, dtype=jnp.float32)
            b = jax.random.uniform(k2, (d,), minval=-bound, maxval=bound, dtype=jnp.float32)
            mlp.append((W, b))
            prev = d
        params.append(mlp)
    return {"x": x, "path_lengths": path_lengths, "params": params}


def _mlp_apply(h, mlp):
    # Linear -> ReLU -> (Dropout: identity in eval) repeated, then final Linear
    for (W, b) in mlp[:-1]:
        h = jax.nn.relu(h @ W + b)
    W, b = mlp[-1]
    return h @ W + b


def reference(x, path_lengths, params):
    # AdaptiveLengthMLP.forward: route each token to the expert MLP for its path length.
    # Torch gathers tokens per length-mask, runs that length's MLP, scatters back.
    # Here we compute each expert densely and select by mask; math is identical
    # (dropout is identity in eval mode).
    pl = jnp.clip(path_lengths, 0, MAX_PATH_LENGTH - 1)
    out = jnp.zeros((x.shape[0], x.shape[1], HIDDEN[-1]), dtype=x.dtype)
    for l in range(MAX_PATH_LENGTH):
        h = _mlp_apply(x, params[l])
        mask = (pl == l)[..., None]
        out = jnp.where(mask, h, out)
    return out

if __name__ == "__main__":
    import jax
    _d = setup_inputs()
    print(jax.jit(kernel)(*tuple(_d.values())))

</pallas_src>

<mosaic_0001>
#map = affine_map<(d0, d1) -> (0, 0)>
#map1 = affine_map<(d0, d1) -> (0, 0, 0)>
module attributes {stable_mosaic.version = 14 : i64} {
  func.func @scatter_kernel(%arg0: i32, %arg1: i32, %arg2: memref<32768x768xf32, #tpu.memory_space<hbm>>, %arg3: memref<32x16x64xi32, #tpu.memory_space<hbm>>, %arg4: memref<36864x768xf32, #tpu.memory_space<hbm>>, %arg5: memref<16x64xi32, #tpu.memory_space<vmem>>, %arg6: memref<2x64x768xf32, #tpu.memory_space<vmem>>, %arg7: memref<2x!tpu.dma_semaphore, #tpu.memory_space<semaphore_mem>>, %arg8: memref<2x!tpu.dma_semaphore, #tpu.memory_space<semaphore_mem>>) attributes {dimension_semantics = [#tpu.dimension_semantics<core_parallel>, #tpu.dimension_semantics<subcore_parallel>], iteration_bounds = array<i64: 2, 16>, scalar_prefetch = 0 : i64, scratch_operands = 4 : i64, tpu.core_type = #tpu.core_type<sc_vector_subcore>, window_params = [{transform_indices = #map}, {transform_indices = #map1}, {transform_indices = #map}]} {
    %mul3A = arith.constant 2 : i32
    %mul3A_0 = arith.muli %arg1, %mul3A : i32
    %add3A = arith.addi %mul3A_0, %arg0 : i32
    %mul3A_1 = arith.constant 1024 : i32
    %mul3A_2 = arith.muli %add3A, %mul3A_1 : i32
    %multiple_of3A = tpu.assume_multiple %mul3A_2, 8 : i32
    "tpu.region"() ({
      %run_scoped3A = tpu.sem_alloc : memref<!tpu.dma_semaphore, #tpu.memory_space<semaphore_mem>>
      %dma_start3A_1025 = arith.constant 0 : i32
      %dma_start3A_1026 = arith.constant 0 : i32
      %dma_start3A_1027 = tpu.memref_slice %arg3[%add3A, %dma_start3A_1025, %dma_start3A_1026] : memref<32x16x64xi32, #tpu.memory_space<hbm>> -> memref<1x16x64xi32, #tpu.memory_space<hbm>>
      %dma_start3A_1028 = tpu.memref_squeeze %dma_start3A_1027 : memref<1x16x64xi32, #tpu.memory_space<hbm>> -> memref<16x64xi32, #tpu.memory_space<hbm>>
      %dma_start3A_1029 = arith.constant 0 : i32
      %dma_start3A_1030 = arith.constant 0 : i32
      %dma_start3A_1031 = tpu.memref_slice %arg3[%add3A, %dma_start3A_1029, %dma_start3A_1030] : memref<32x16x64xi32, #tpu.memory_space<hbm>> -> memref<1x16x64xi32, #tpu.memory_space<hbm>>
      %dma_start3A_1032 = tpu.memref_squeeze %dma_start3A_1031 : memref<1x16x64xi32, #tpu.memory_space<hbm>> -> memref<16x64xi32, #tpu.memory_space<hbm>>
      tpu.enqueue_dma source(%dma_start3A_1032 : memref<16x64xi32, #tpu.memory_space<hbm>>) target(%arg5 : memref<16x64xi32, #tpu.memory_space<vmem>>) target_semaphore(%run_scoped3A : memref<!tpu.dma_semaphore, #tpu.memory_space<semaphore_mem>>)
      %dma_wait3A_1033 = arith.constant 0 : i32
      %dma_wait3A_1034 = arith.constant 0 : i32
      %dma_wait3A_1035 = tpu.memref_slice %arg3[%add3A, %dma_wait3A_1033, %dma_wait3A_1034] : memref<32x16x64xi32, #tpu.memory_space<hbm>> -> memref<1x16x64xi32, #tpu.memory_space<hbm>>
      %dma_wait3A_1036 = tpu.memref_squeeze %dma_wait3A_1035 : memref<1x16x64xi32, #tpu.memory_space<hbm>> -> memref<16x64xi32, #tpu.memory_space<hbm>>
      %dma_wait3A_1037 = arith.constant 0 : i32
      %dma_wait3A_1038 = arith.constant 0 : i32
      %dma_wait3A_1039 = tpu.memref_slice %arg3[%add3A, %dma_wait3A_1037, %dma_wait3A_1038] : memref<32x16x64xi32, #tpu.memory_space<hbm>> -> memref<1x16x64xi32, #tpu.memory_space<hbm>>
      %dma_wait3A_1040 = tpu.memref_squeeze %dma_wait3A_1039 : memref<1x16x64xi32, #tpu.memory_space<hbm>> -> memref<16x64xi32, #tpu.memory_space<hbm>>
      tpu.wait_dma2 semaphore(%run_scoped3A : memref<!tpu.dma_semaphore, #tpu.memory_space<semaphore_mem>>) src(%dma_wait3A_1040 : memref<16x64xi32, #tpu.memory_space<hbm>>) dst(%arg5 : memref<16x64xi32, #tpu.memory_space<vmem>>)
      tpu.yield
    }) : () -> ()
    %add3A_3 = arith.constant 0 : i32
    %add3A_4 = arith.addi %multiple_of3A, %add3A_3 : i32
    %dma_start3A = arith.constant 0 : i32
    %dma_start3A_5 = arith.constant 0 : i32
    %dma_start3A_6 = arith.constant 0 : i32
    %dma_start3A_7 = arith.constant 0 : i32
    %dma_start3A_8 = tpu.memref_slice %arg6[%dma_start3A, %dma_start3A_6, %dma_start3A_7] : memref<2x64x768xf32, #tpu.memory_space<vmem>> -> memref<1x64x768xf32, #tpu.memory_space<vmem>>
    %dma_start3A_9 = tpu.memref_squeeze %dma_start3A_8 : memref<1x64x768xf32, #tpu.memory_space<vmem>> -> memref<64x768xf32, #tpu.memory_space<vmem>>
    %dma_start3A_10 = arith.constant 0 : i32
    %dma_start3A_11 = tpu.memref_slice %arg2[%add3A_4, %dma_start3A_10] : memref<32768x768xf32, #tpu.memory_space<hbm>> -> memref<64x768xf32, #tpu.memory_space<hbm>>
    %dma_start3A_12 = tpu.memref_slice %arg7[%dma_start3A_5] : memref<2x!tpu.dma_semaphore, #tpu.memory_space<semaphore_mem>> -> memref<1x!tpu.dma_semaphore, #tpu.memory_space<semaphore_mem>>
    %dma_start3A_13 = tpu.memref_squeeze %dma_start3A_12 : memref<1x!tpu.dma_semaphore, #tpu.memory_space<semaphore_mem>> -> memref<!tpu.dma_semaphore, #tpu.memory_space<semaphore_mem>>
    %dma_start3A_14 = arith.constant 0 : i32
    %dma_start3A_15 = arith.constant 0 : i32
    %dma_start3A_16 = tpu.memref_slice %arg6[%dma_start3A, %dma_start3A_14, %dma_start3A_15] : memref<2x64x768xf32, #tpu.memory_space<vmem>> -> memref<1x64x768xf32, #tpu.memory_space<vmem>>
    %dma_start3A_17 = tpu.memref_squeeze %dma_start3A_16 : memref<1x64x768xf32, #tpu.memory_space<vmem>> -> memref<64x768xf32, #tpu.memory_space<vmem>>
    %dma_start3A_18 = arith.constant 0 : i32
    %dma_start3A_19 = tpu.memref_slice %arg2[%add3A_4, %dma_start3A_18] : memref<32768x768xf32, #tpu.memory_space<hbm>> -> memref<64x768xf32, #tpu.memory_space<hbm>>
    tpu.enqueue_dma source(%dma_start3A_19 : memref<64x768xf32, #tpu.memory_space<hbm>>) target(%dma_start3A_17 : memref<64x768xf32, #tpu.memory_space<vmem>>) target_semaphore(%dma_start3A_13 : memref<!tpu.dma_semaphore, #tpu.memory_space<semaphore_mem>>)
    %add3A_20 = arith.constant 64 : i32
    %add3A_21 = arith.addi %multiple_of3A, %add3A_20 : i32
    %dma_start3A_22 = arith.constant 1 : i32
    %dma_start3A_23 = arith.constant 1 : i32
    %dma_start3A_24 = arith.constant 0 : i32
    %dma_start3A_25 = arith.constant 0 : i32
    %dma_start3A_26 = tpu.memref_slice %arg6[%dma_start3A_22, %dma_start3A_24, %dma_start3A_25] : memref<2x64x768xf32, #tpu.memory_space<vmem>> -> memref<1x64x768xf32, #tpu.memory_space<vmem>>
    %dma_start3A_27 = tpu.memref_squeeze %dma_start3A_26 : memref<1x64x768xf32, #tpu.memory_space<vmem>> -> memref<64x768xf32, #tpu.memory_space<vmem>>
    %dma_start3A_28 = arith.constant 0 : i32
    %dma_start3A_29 = tpu.memref_slice %arg2[%add3A_21, %dma_start3A_28] : memref<32768x768xf32, #tpu.memory_space<hbm>> -> memref<64x768xf32, #tpu.memory_space<hbm>>
    %dma_start3A_30 = tpu.memref_slice %arg7[%dma_start3A_23] : memref<2x!tpu.dma_semaphore, #tpu.memory_space<semaphore_mem>> -> memref<1x!tpu.dma_semaphore, #tpu.memory_space<semaphore_mem>>
    %dma_start3A_31 = tpu.memref_squeeze %dma_start3A_30 : memref<1x!tpu.dma_semaphore, #tpu.memory_space<semaphore_mem>> -> memref<!tpu.dma_semaphore, #tpu.memory_space<semaphore_mem>>
    %dma_start3A_32 = arith.constant 0 : i32
    %dma_start3A_33 = arith.constant 0 : i32
    %dma_start3A_34 = tpu.memref_slice %arg6[%dma_start3A_22, %dma_start3A_32, %dma_start3A_33] : memref<2x64x768xf32, #tpu.memory_space<vmem>> -> memref<1x64x768xf32, #tpu.memory_space<vmem>>
    %dma_start3A_35 = tpu.memref_squeeze %dma_start3A_34 : memref<1x64x768xf32, #tpu.memory_space<vmem>> -> memref<64x768xf32, #tpu.memory_space<vmem>>
    %dma_start3A_36 = arith.constant 0 : i32
    %dma_start3A_37 = tpu.memref_slice %arg2[%add3A_21, %dma_start3A_36] : memref<32768x768xf32, #tpu.memory_space<hbm>> -> memref<64x768xf32, #tpu.memory_space<hbm>>
    tpu.enqueue_dma source(%dma_start3A_37 : memref<64x768xf32, #tpu.memory_space<hbm>>) target(%dma_start3A_35 : memref<64x768xf32, #tpu.memory_space<vmem>>) target_semaphore(%dma_start3A_31 : memref<!tpu.dma_semaphore, #tpu.memory_space<semaphore_mem>>)
    %dma_wait3A = arith.constant 0 : i32
    %dma_wait3A_38 = arith.constant 0 : i32
    %dma_wait3A_39 = arith.constant 0 : i32
    %dma_wait3A_40 = arith.constant 0 : i32
    %dma_wait3A_41 = tpu.memref_slice %arg6[%dma_wait3A, %dma_wait3A_39, %dma_wait3A_40] : memref<2x64x768xf32, #tpu.memory_space<vmem>> -> memref<1x64x768xf32, #tpu.memory_space<vmem>>
    %dma_wait3A_42 = tpu.memref_squeeze %dma_wait3A_41 : memref<1x64x768xf32, #tpu.memory_space<vmem>> -> memref<64x768xf32, #tpu.memory_space<vmem>>
    %dma_wait3A_43 = arith.constant 0 : i32
    %dma_wait3A_44 = tpu.memref_slice %arg2[%add3A_4, %dma_wait3A_43] : memref<32768x768xf32, #tpu.memory_space<hbm>> -> memref<64x768xf32, #tpu.memory_space<hbm>>
    %dma_wait3A_45 = tpu.memref_slice %arg7[%dma_wait3A_38] : memref<2x!tpu.dma_semaphore, #tpu.memory_space<semaphore_mem>> -> memref<1x!tpu.dma_semaphore, #tpu.memory_space<semaphore_mem>>
    %dma_wait3A_46 = tpu.memref_squeeze %dma_wait3A_45 : memref<1x!tpu.dma_semaphore, #tpu.memory_space<semaphore_mem>> -> memref<!tpu.dma_semaphore, #tpu.memory_space<semaphore_mem>>
    %dma_wait3A_47 = arith.constant 0 : i32
    %dma_wait3A_48 = arith.constant 0 : i32
    %dma_wait3A_49 = tpu.memref_slice %arg6[%dma_wait3A, %dma_wait3A_47, %dma_wait3A_48] : memref<2x64x768xf32, #tpu.memory_space<vmem>> -> memref<1x64x768xf32, #tpu.memory_space<vmem>>
    %dma_wait3A_50 = tpu.memref_squeeze %dma_wait3A_49 : memref<1x64x768xf32, #tpu.memory_space<vmem>> -> memref<64x768xf32, #tpu.memory_space<vmem>>
    %dma_wait3A_51 = arith.constant 0 : i32
    %dma_wait3A_52 = tpu.memref_slice %arg2[%add3A_4, %dma_wait3A_51] : memref<32768x768xf32, #tpu.memory_space<hbm>> -> memref<64x768xf32, #tpu.memory_space<hbm>>
    tpu.wait_dma2 semaphore(%dma_wait3A_46 : memref<!tpu.dma_semaphore, #tpu.memory_space<semaphore_mem>>) src(%dma_wait3A_52 : memref<64x768xf32, #tpu.memory_space<hbm>>) dst(%dma_wait3A_50 : memref<64x768xf32, #tpu.memory_space<vmem>>)
    %dma_start3A_53 = arith.constant 0 : i32
    %dma_start3A_54 = arith.constant 0 : i32
    %dma_start3A_55 = arith.constant 0 : i32
    %dma_start3A_56 = arith.constant 0 : i32
    %dma_start3A_57 = arith.constant 0 : i32
    %dma_start3A_58 = tpu.memref_slice %arg6[%dma_start3A_53, %dma_start3A_56, %dma_start3A_57] : memref<2x64x768xf32, #tpu.memory_space<vmem>> -> memref<1x64x768xf32, #tpu.memory_space<vmem>>
    %dma_start3A_59 = tpu.memref_squeeze %dma_start3A_58 : memref<1x64x768xf32, #tpu.memory_space<vmem>> -> memref<64x768xf32, #tpu.memory_space<vmem>>
    %dma_start3A_60 = arith.constant 0 : i32
    %dma_start3A_61 = tpu.memref_slice %arg5[%dma_start3A_54, %dma_start3A_60] : memref<16x64xi32, #tpu.memory_space<vmem>> -> memref<1x64xi32, #tpu.memory_space<vmem>>
    %dma_start3A_62 = tpu.memref_squeeze %dma_start3A_61 : memref<1x64xi32, #tpu.memory_space<vmem>> -> memref<64xi32, #tpu.memory_space<vmem>>
    %dma_start3A_63 = arith.constant 0 : i32
    %dma_start3A_64 = arith.constant 0 : i32
    %dma_start3A_65 = tpu.memref_slice %arg4[%dma_start3A_63, %dma_start3A_64] : memref<36864x768xf32, #tpu.memory_space<hbm>> -> memref<36864x768xf32, #tpu.memory_space<hbm>>
    %dma_start3A_66 = tpu.memref_slice %arg8[%dma_start3A_55] : memref<2x!tpu.dma_semaphore, #tpu.memory_space<semaphore_mem>> -> memref<1x!tpu.dma_semaphore, #tpu.memory_space<semaphore_mem>>
    %dma_start3A_67 = tpu.memref_squeeze %dma_start3A_66 : memref<1x!tpu.dma_semaphore, #tpu.memory_space<semaphore_mem>> -> memref<!tpu.dma_semaphore, #tpu.memory_space<semaphore_mem>>
    tpu.enqueue_indirect_dma source(%dma_start3A_59 : memref<64x768xf32, #tpu.memory_space<vmem>>) target(%dma_start3A_65 : memref<36864x768xf32, #tpu.memory_space<hbm>>) offsets(%dma_start3A_62 : memref<64xi32, #tpu.memory_space<vmem>>) semaphore(%dma_start3A_67 : memref<!tpu.dma_semaphore, #tpu.memory_space<semaphore_mem>>)
    %dma_wait3A_68 = arith.constant 0 : i32
    %dma_wait3A_69 = arith.constant 0 : i32
    %dma_wait3A_70 = arith.constant 0 : i32
    %dma_wait3A_71 = arith.constant 0 : i32
    %dma_wait3A_72 = arith.constant 0 : i32
    %dma_wait3A_73 = tpu.memref_slice %arg6[%dma_wait3A_68, %dma_wait3A_71, %dma_wait3A_72] : memref<2x64x768xf32, #tpu.memory_space<vmem>> -> memref<1x64x768xf32, #tpu.memory_space<vmem>>
    %dma_wait3A_74 = tpu.memref_squeeze %dma_wait3A_73 : memref<1x64x768xf32, #tpu.memory_space<vmem>> -> memref<64x768xf32, #tpu.memory_space<vmem>>
    %dma_wait3A_75 = arith.constant 0 : i32
    %dma_wait3A_76 = tpu.memref_slice %arg5[%dma_wait3A_69, %dma_wait3A_75] : memref<16x64xi32, #tpu.memory_space<vmem>> -> memref<1x64xi32, #tpu.memory_space<vmem>>
    %dma_wait3A_77 = tpu.memref_squeeze %dma_wait3A_76 : memref<1x64xi32, #tpu.memory_space<vmem>> -> memref<64xi32, #tpu.memory_space<vmem>>
    %dma_wait3A_78 = arith.constant 0 : i32
    %dma_wait3A_79 = arith.constant 0 : i32
    %dma_wait3A_80 = tpu.memref_slice %arg4[%dma_wait3A_78, %dma_wait3A_79] : memref<36864x768xf32, #tpu.memory_space<hbm>> -> memref<36864x768xf32, #tpu.memory_space<hbm>>
    %dma_wait3A_81 = tpu.memref_slice %arg8[%dma_wait3A_70] : memref<2x!tpu.dma_semaphore, #tpu.memory_space<semaphore_mem>> -> memref<1x!tpu.dma_semaphore, #tpu.memory_space<semaphore_mem>>
    %dma_wait3A_82 = tpu.memref_squeeze %dma_wait3A_81 : memref<1x!tpu.dma_semaphore, #tpu.memory_space<semaphore_mem>> -> memref<!tpu.dma_semaphore, #tpu.memory_space<semaphore_mem>>
    tpu.wait_indirect_dma semaphore(%dma_wait3A_82 : memref<!tpu.dma_semaphore, #tpu.memory_space<semaphore_mem>>) src(%dma_wait3A_74 : memref<64x768xf32, #tpu.memory_space<vmem>>) dst(%dma_wait3A_80 : memref<36864x768xf32, #tpu.memory_space<hbm>>)
    %add3A_83 = arith.constant 128 : i32
    %add3A_84 = arith.addi %multiple_of3A, %add3A_83 : i32
    %dma_start3A_85 = arith.constant 0 : i32
    %dma_start3A_86 = arith.constant 0 : i32
    %dma_start3A_87 = arith.constant 0 : i32
    %dma_start3A_88 = arith.constant 0 : i32
    %dma_start3A_89 = tpu.memref_slice %arg6[%dma_start3A_85, %dma_start3A_87, %dma_start3A_88] : memref<2x64x768xf32, #tpu.memory_space<vmem>> -> memref<1x64x768xf32, #tpu.memory_space<vmem>>
    %dma_start3A_90 = tpu.memref_squeeze %dma_start3A_89 : memref<1x64x768xf32, #tpu.memory_space<vmem>> -> memref<64x768xf32, #tpu.memory_space<vmem>>
    %dma_start3A_91 = arith.constant 0 : i32
    %dma_start3A_92 = tpu.memref_slice %arg2[%add3A_84, %dma_start3A_91] : memref<32768x768xf32, #tpu.memory_space<hbm>> -> memref<64x768xf32, #tpu.memory_space<hbm>>
    %dma_start3A_93 = tpu.memref_slice %arg7[%dma_start3A_86] : memref<2x!tpu.dma_semaphore, #tpu.memory_space<semaphore_mem>> -> memref<1x!tpu.dma_semaphore, #tpu.memory_space<semaphore_mem>>
    %dma_start3A_94 = tpu.memref_squeeze %dma_start3A_93 : memref<1x!tpu.dma_semaphore, #tpu.memory_space<semaphore_mem>> -> memref<!tpu.dma_semaphore, #tpu.memory_space<semaphore_mem>>
    %dma_start3A_95 = arith.constant 0 : i32
    %dma_start3A_96 = arith.constant 0 : i32
    %dma_start3A_97 = tpu.memref_slice %arg6[%dma_start3A_85, %dma_start3A_95, %dma_start3A_96] : memref<2x64x768xf32, #tpu.memory_space<vmem>> -> memref<1x64x768xf32, #tpu.memory_space<vmem>>
    %dma_start3A_98 = tpu.memref_squeeze %dma_start3A_97 : memref<1x64x768xf32, #tpu.memory_space<vmem>> -> memref<64x768xf32, #tpu.memory_space<vmem>>
    %dma_start3A_99 = arith.constant 0 : i32
    %dma_start3A_100 = tpu.memref_slice %arg2[%add3A_84, %dma_start3A_99] : memref<32768x768xf32, #tpu.memory_space<hbm>> -> memref<64x768xf32, #tpu.memory_space<hbm>>
    tpu.enqueue_dma source(%dma_start3A_100 : memref<64x768xf32, #tpu.memory_space<hbm>>) target(%dma_start3A_98 : memref<64x768xf32, #tpu.memory_space<vmem>>) target_semaphore(%dma_start3A_94 : memref<!tpu.dma_semaphore, #tpu.memory_space<semaphore_mem>>)
    %dma_wait3A_101 = arith.constant 1 : i32
    %dma_wait3A_102 = arith.constant 1 : i32
    %dma_wait3A_103 = arith.constant 0 : i32
    %dma_wait3A_104 = arith.constant 0 : i32
    %dma_wait3A_105 = tpu.memref_slice %arg6[%dma_wait3A_101, %dma_wait3A_103, %dma_wait3A_104] : memref<2x64x768xf32, #tpu.memory_space<vmem>> -> memref<1x64x768xf32, #tpu.memory_space<vmem>>
    %dma_wait3A_106 = tpu.memref_squeeze %dma_wait3A_105 : memref<1x64x768xf32, #tpu.memory_space<vmem>> -> memref<64x768xf32, #tpu.memory_space<vmem>>
    %dma_wait3A_107 = arith.constant 0 : i32
    %dma_wait3A_108 = tpu.memref_slice %arg2[%add3A_21, %dma_wait3A_107] : memref<32768x768xf32, #tpu.memory_space<hbm>> -> memref<64x768xf32, #tpu.memory_space<hbm>>
    %dma_wait3A_109 = tpu.memref_slice %arg7[%dma_wait3A_102] : memref<2x!tpu.dma_semaphore, #tpu.memory_space<semaphore_mem>> -> memref<1x!tpu.dma_semaphore, #tpu.memory_space<semaphore_mem>>
    %dma_wait3A_110 = tpu.memref_squeeze %dma_wait3A_109 : memref<1x!tpu.dma_semaphore, #tpu.memory_space<semaphore_mem>> -> memref<!tpu.dma_semaphore, #tpu.memory_space<semaphore_mem>>
    %dma_wait3A_111 = arith.constant 0 : i32
    %dma_wait3A_112 = arith.constant 0 : i32
    %dma_wait3A_113 = tpu.memref_slice %arg6[%dma_wait3A_101, %dma_wait3A_111, %dma_wait3A_112] : memref<2x64x768xf32, #tpu.memory_space<vmem>> -> memref<1x64x768xf32, #tpu.memory_space<vmem>>
    %dma_wait3A_114 = tpu.memref_squeeze %dma_wait3A_113 : memref<1x64x768xf32, #tpu.memory_space<vmem>> -> memref<64x768xf32, #tpu.memory_space<vmem>>
    %dma_wait3A_115 = arith.constant 0 : i32
    %dma_wait3A_116 = tpu.memref_slice %arg2[%add3A_21, %dma_wait3A_115] : memref<32768x768xf32, #tpu.memory_space<hbm>> -> memref<64x768xf32, #tpu.memory_space<hbm>>
    tpu.wait_dma2 semaphore(%dma_wait3A_110 : memref<!tpu.dma_semaphore, #tpu.memory_space<semaphore_mem>>) src(%dma_wait3A_116 : memref<64x768xf32, #tpu.memory_space<hbm>>) dst(%dma_wait3A_114 : memref<64x768xf32, #tpu.memory_space<vmem>>)
    %dma_start3A_117 = arith.constant 1 : i32
    %dma_start3A_118 = arith.constant 1 : i32
    %dma_start3A_119 = arith.constant 1 : i32
    %dma_start3A_120 = arith.constant 0 : i32
    %dma_start3A_121 = arith.constant 0 : i32
    %dma_start3A_122 = tpu.memref_slice %arg6[%dma_start3A_117, %dma_start3A_120, %dma_start3A_121] : memref<2x64x768xf32, #tpu.memory_space<vmem>> -> memref<1x64x768xf32, #tpu.memory_space<vmem>>
    %dma_start3A_123 = tpu.memref_squeeze %dma_start3A_122 : memref<1x64x768xf32, #tpu.memory_space<vmem>> -> memref<64x768xf32, #tpu.memory_space<vmem>>
    %dma_start3A_124 = arith.constant 0 : i32
    %dma_start3A_125 = tpu.memref_slice %arg5[%dma_start3A_118, %dma_start3A_124] : memref<16x64xi32, #tpu.memory_space<vmem>> -> memref<1x64xi32, #tpu.memory_space<vmem>>
    %dma_start3A_126 = tpu.memref_squeeze %dma_start3A_125 : memref<1x64xi32, #tpu.memory_space<vmem>> -> memref<64xi32, #tpu.memory_space<vmem>>
    %dma_start3A_127 = arith.constant 0 : i32
    %dma_start3A_128 = arith.constant 0 : i32
    %dma_start3A_129 = tpu.memref_slice %arg4[%dma_start3A_127, %dma_start3A_128] : memref<36864x768xf32, #tpu.memory_space<hbm>> -> memref<36864x768xf32, #tpu.memory_space<hbm>>
    %dma_start3A_130 = tpu.memref_slice %arg8[%dma_start3A_119] : memref<2x!tpu.dma_semaphore, #tpu.memory_space<semaphore_mem>> -> memref<1x!tpu.dma_semaphore, #tpu.memory_space<semaphore_mem>>
    %dma_start3A_131 = tpu.memref_squeeze %dma_start3A_130 : memref<1x!tpu.dma_semaphore, #tpu.memory_space<semaphore_mem>> -> memref<!tpu.dma_semaphore, #tpu.memory_space<semaphore_mem>>
    tpu.enqueue_indirect_dma source(%dma_start3A_123 : memref<64x768xf32, #tpu.memory_space<vmem>>) target(%dma_start3A_129 : memref<36864x768xf32, #tpu.memory_space<hbm>>) offsets(%dma_start3A_126 : memref<64xi32, #tpu.memory_space<vmem>>) semaphore(%dma_start3A_131 : memref<!tpu.dma_semaphore, #tpu.memory_space<semaphore_mem>>)
    %dma_wait3A_132 = arith.constant 1 : i32
    %dma_wait3A_133 = arith.constant 1 : i32
    %dma_wait3A_134 = arith.constant 1 : i32
    %dma_wait3A_135 = arith.constant 0 : i32
    %dma_wait3A_136 = arith.constant 0 : i32
    %dma_wait3A_137 = tpu.memref_slice %arg6[%dma_wait3A_132, %dma_wait3A_135, %dma_wait3A_136] : memref<2x64x768xf32, #tpu.memory_space<vmem>> -> memref<1x64x768xf32, #tpu.memory_space<vmem>>
    %dma_wait3A_138 = tpu.memref_squeeze %dma_wait3A_137 : memref<1x64x768xf32, #tpu.memory_space<vmem>> -> memref<64x768xf32, #tpu.memory_space<vmem>>
    %dma_wait3A_139 = arith.constant 0 : i32
    %dma_wait3A_140 = tpu.memref_slice %arg5[%dma_wait3A_133, %dma_wait3A_139] : memref<16x64xi32, #tpu.memory_space<vmem>> -> memref<1x64xi32, #tpu.memory_space<vmem>>
    %dma_wait3A_141 = tpu.memref_squeeze %dma_wait3A_140 : memref<1x64xi32, #tpu.memory_space<vmem>> -> memref<64xi32, #tpu.memory_space<vmem>>
    %dma_wait3A_142 = arith.constant 0 : i32
    %dma_wait3A_143 = arith.constant 0 : i32
    %dma_wait3A_144 = tpu.memref_slice %arg4[%dma_wait3A_142, %dma_wait3A_143] : memref<36864x768xf32, #tpu.memory_space<hbm>> -> memref<36864x768xf32, #tpu.memory_space<hbm>>
    %dma_wait3A_145 = tpu.memref_slice %arg8[%dma_wait3A_134] : memref<2x!tpu.dma_semaphore, #tpu.memory_space<semaphore_mem>> -> memref<1x!tpu.dma_semaphore, #tpu.memory_space<semaphore_mem>>
    %dma_wait3A_146 = tpu.memref_squeeze %dma_wait3A_145 : memref<1x!tpu.dma_semaphore, #tpu.memory_space<semaphore_mem>> -> memref<!tpu.dma_semaphore, #tpu.memory_space<semaphore_mem>>
    tpu.wait_indirect_dma semaphore(%dma_wait3A_146 : memref<!tpu.dma_semaphore, #tpu.memory_space<semaphore_mem>>) src(%dma_wait3A_138 : memref<64x768xf32, #tpu.memory_space<vmem>>) dst(%dma_wait3A_144 : memref<36864x768xf32, #tpu.memory_space<hbm>>)
    %add3A_147 = arith.constant 192 : i32
    %add3A_148 = arith.addi %multiple_of3A, %add3A_147 : i32
    %dma_start3A_149 = arith.constant 1 : i32
    %dma_start3A_150 = arith.constant 1 : i32
    %dma_start3A_151 = arith.constant 0 : i32
    %dma_start3A_152 = arith.constant 0 : i32
    %dma_start3A_153 = tpu.memref_slice %arg6[%dma_start3A_149, %dma_start3A_151, %dma_start3A_152] : memref<2x64x768xf32, #tpu.memory_space<vmem>> -> memref<1x64x768xf32, #tpu.memory_space<vmem>>
    %dma_start3A_154 = tpu.memref_squeeze %dma_start3A_153 : memref<1x64x768xf32, #tpu.memory_space<vmem>> -> memref<64x768xf32, #tpu.memory_space<vmem>>
    %dma_start3A_155 = arith.constant 0 : i32
    %dma_start3A_156 = tpu.memref_slice %arg2[%add3A_148, %dma_start3A_155] : memref<32768x768xf32, #tpu.memory_space<hbm>> -> memref<64x768xf32, #tpu.memory_space<hbm>>
    %dma_start3A_157 = tpu.memref_slice %arg7[%dma_start3A_150] : memref<2x!tpu.dma_semaphore, #tpu.memory_space<semaphore_mem>> -> memref<1x!tpu.dma_semaphore, #tpu.memory_space<semaphore_mem>>
    %dma_start3A_158 = tpu.memref_squeeze %dma_start3A_157 : memref<1x!tpu.dma_semaphore, #tpu.memory_space<semaphore_mem>> -> memref<!tpu.dma_semaphore, #tpu.memory_space<semaphore_mem>>
    %dma_start3A_159 = arith.constant 0 : i32
    %dma_start3A_160 = arith.constant 0 : i32
    %dma_start3A_161 = tpu.memref_slice %arg6[%dma_start3A_149, %dma_start3A_159, %dma_start3A_160] : memref<2x64x768xf32, #tpu.memory_space<vmem>> -> memref<1x64x768xf32, #tpu.memory_space<vmem>>
    %dma_start3A_162 = tpu.memref_squeeze %dma_start3A_161 : memref<1x64x768xf32, #tpu.memory_space<vmem>> -> memref<64x768xf32, #tpu.memory_space<vmem>>
    %dma_start3A_163 = arith.constant 0 : i32
    %dma_start3A_164 = tpu.memref_slice %arg2[%add3A_148, %dma_start3A_163] : memref<32768x768xf32, #tpu.memory_space<hbm>> -> memref<64x768xf32, #tpu.memory_space<hbm>>
    tpu.enqueue_dma source(%dma_start3A_164 : memref<64x768xf32, #tpu.memory_space<hbm>>) target(%dma_start3A_162 : memref<64x768xf32, #tpu.memory_space<vmem>>) target_semaphore(%dma_start3A_158 : memref<!tpu.dma_semaphore, #tpu.memory_space<semaphore_mem>>)
    %dma_wait3A_165 = arith.constant 0 : i32
    %dma_wait3A_166 = arith.constant 0 : i32
    %dma_wait3A_167 = arith.constant 0 : i32
    %dma_wait3A_168 = arith.constant 0 : i32
    %dma_wait3A_169 = tpu.memref_slice %arg6[%dma_wait3A_165, %dma_wait3A_167, %dma_wait3A_168] : memref<2x64x768xf32, #tpu.memory_space<vmem>> -> memref<1x64x768xf32, #tpu.memory_space<vmem>>
    %dma_wait3A_170 = tpu.memref_squeeze %dma_wait3A_169 : memref<1x64x768xf32, #tpu.memory_space<vmem>> -> memref<64x768xf32, #tpu.memory_space<vmem>>
    %dma_wait3A_171 = arith.constant 0 : i32
    %dma_wait3A_172 = tpu.memref_slice %arg2[%add3A_84, %dma_wait3A_171] : memref<32768x768xf32, #tpu.memory_space<hbm>> -> memref<64x768xf32, #tpu.memory_space<hbm>>
    %dma_wait3A_173 = tpu.memref_slice %arg7[%dma_wait3A_166] : memref<2x!tpu.dma_semaphore, #tpu.memory_space<semaphore_mem>> -> memref<1x!tpu.dma_semaphore, #tpu.memory_space<semaphore_mem>>
    %dma_wait3A_174 = tpu.memref_squeeze %dma_wait3A_173 : memref<1x!tpu.dma_semaphore, #tpu.memory_space<semaphore_mem>> -> memref<!tpu.dma_semaphore, #tpu.memory_space<semaphore_mem>>
    %dma_wait3A_175 = arith.constant 0 : i32
    %dma_wait3A_176 = arith.constant 0 : i32
    %dma_wait3A_177 = tpu.memref_slice %arg6[%dma_wait3A_165, %dma_wait3A_175, %dma_wait3A_176] : memref<2x64x768xf32, #tpu.memory_space<vmem>> -> memref<1x64x768xf32, #tpu.memory_space<vmem>>
    %dma_wait3A_178 = tpu.memref_squeeze %dma_wait3A_177 : memref<1x64x768xf32, #tpu.memory_space<vmem>> -> memref<64x768xf32, #tpu.memory_space<vmem>>
    %dma_wait3A_179 = arith.constant 0 : i32
    %dma_wait3A_180 = tpu.memref_slice %arg2[%add3A_84, %dma_wait3A_179] : memref<32768x768xf32, #tpu.memory_space<hbm>> -> memref<64x768xf32, #tpu.memory_space<hbm>>
    tpu.wait_dma2 semaphore(%dma_wait3A_174 : memref<!tpu.dma_semaphore, #tpu.memory_space<semaphore_mem>>) src(%dma_wait3A_180 : memref<64x768xf32, #tpu.memory_space<hbm>>) dst(%dma_wait3A_178 : memref<64x768xf32, #tpu.memory_space<vmem>>)
    %dma_start3A_181 = arith.constant 0 : i32
    %dma_start3A_182 = arith.constant 2 : i32
    %dma_start3A_183 = arith.constant 0 : i32
    %dma_start3A_184 = arith.constant 0 : i32
    %dma_start3A_185 = arith.constant 0 : i32
    %dma_start3A_186 = tpu.memref_slice %arg6[%dma_start3A_181, %dma_start3A_184, %dma_start3A_185] : memref<2x64x768xf32, #tpu.memory_space<vmem>> -> memref<1x64x768xf32, #tpu.memory_space<vmem>>
    %dma_start3A_187 = tpu.memref_squeeze %dma_start3A_186 : memref<1x64x768xf32, #tpu.memory_space<vmem>> -> memref<64x768xf32, #tpu.memory_space<vmem>>
    %dma_start3A_188 = arith.constant 0 : i32
    %dma_start3A_189 = tpu.memref_slice %arg5[%dma_start3A_182, %dma_start3A_188] : memref<16x64xi32, #tpu.memory_space<vmem>> -> memref<1x64xi32, #tpu.memory_space<vmem>>
    %dma_start3A_190 = tpu.memref_squeeze %dma_start3A_189 : memref<1x64xi32, #tpu.memory_space<vmem>> -> memref<64xi32, #tpu.memory_space<vmem>>
    %dma_start3A_191 = arith.constant 0 : i32
    %dma_start3A_192 = arith.constant 0 : i32
    %dma_start3A_193 = tpu.memref_slice %arg4[%dma_start3A_191, %dma_start3A_192] : memref<36864x768xf32, #tpu.memory_space<hbm>> -> memref<36864x768xf32, #tpu.memory_space<hbm>>
    %dma_start3A_194 = tpu.memref_slice %arg8[%dma_start3A_183] : memref<2x!tpu.dma_semaphore, #tpu.memory_space<semaphore_mem>> -> memref<1x!tpu.dma_semaphore, #tpu.memory_space<semaphore_mem>>
    %dma_start3A_195 = tpu.memref_squeeze %dma_start3A_194 : memref<1x!tpu.dma_semaphore, #tpu.memory_space<semaphore_mem>> -> memref<!tpu.dma_semaphore, #tpu.memory_space<semaphore_mem>>
    tpu.enqueue_indirect_dma source(%dma_start3A_187 : memref<64x768xf32, #tpu.memory_space<vmem>>) target(%dma_start3A_193 : memref<36864x768xf32, #tpu.memory_space<hbm>>) offsets(%dma_start3A_190 : memref<64xi32, #tpu.memory_space<vmem>>) semaphore(%dma_start3A_195 : memref<!tpu.dma_semaphore, #tpu.memory_space<semaphore_mem>>)
    %dma_wait3A_196 = arith.constant 0 : i32
    %dma_wait3A_197 = arith.constant 2 : i32
    %dma_wait3A_198 = arith.constant 0 : i32
    %dma_wait3A_199 = arith.constant 0 : i32
    %dma_wait3A_200 = arith.constant 0 : i32
    %dma_wait3A_201 = tpu.memref_slice %arg6[%dma_wait3A_196, %dma_wait3A_199, %dma_wait3A_200] : memref<2x64x768xf32, #tpu.memory_space<vmem>> -> memref<1x64x768xf32, #tpu.memory_space<vmem>>
    %dma_wait3A_202 = tpu.memref_squeeze %dma_wait3A_201 : memref<1x64x768xf32, #tpu.memory_space<vmem>> -> memref<64x768xf32, #tpu.memory_space<vmem>>
    %dma_wait3A_203 = arith.constant 0 : i32
    %dma_wait3A_204 = tpu.memref_slice %arg5[%dma_wait3A_197, %dma_wait3A_203] : memref<16x64xi32, #tpu.memory_space<vmem>> -> memref<1x64xi32, #tpu.memory_space<vmem>>
    %dma_wait3A_205 = tpu.memref_squeeze %dma_wait3A_204 : memref<1x64xi32, #tpu.memory_space<vmem>> -> memref<64xi32, #tpu.memory_space<vmem>>
    %dma_wait3A_206 = arith.constant 0 : i32
    %dma_wait3A_207 = arith.constant 0 : i32
    %dma_wait3A_208 = tpu.memref_slice %arg4[%dma_wait3A_206, %dma_wait3A_207] : memref<36864x768xf32, #tpu.memory_space<hbm>> -> memref<36864x768xf32, #tpu.memory_space<hbm>>
    %dma_wait3A_209 = tpu.memref_slice %arg8[%dma_wait3A_198] : memref<2x!tpu.dma_semaphore, #tpu.memory_space<semaphore_mem>> -> memref<1x!tpu.dma_semaphore, #tpu.memory_space<semaphore_mem>>
    %dma_wait3A_210 = tpu.memref_squeeze %dma_wait3A_209 : memref<1x!tpu.dma_semaphore, #tpu.memory_space<semaphore_mem>> -> memref<!tpu.dma_semaphore, #tpu.memory_space<semaphore_mem>>
    tpu.wait_indirect_dma semaphore(%dma_wait3A_210 : memref<!tpu.dma_semaphore, #tpu.memory_space<semaphore_mem>>) src(%dma_wait3A_202 : memref<64x768xf32, #tpu.memory_space<vmem>>) dst(%dma_wait3A_208 : memref<36864x768xf32, #tpu.memory_space<hbm>>)
    %add3A_211 = arith.constant 256 : i32
    %add3A_212 = arith.addi %multiple_of3A, %add3A_211 : i32
    %dma_start3A_213 = arith.constant 0 : i32
    %dma_start3A_214 = arith.constant 0 : i32
    %dma_start3A_215 = arith.constant 0 : i32
    %dma_start3A_216 = arith.constant 0 : i32
    %dma_start3A_217 = tpu.memref_slice %arg6[%dma_start3A_213, %dma_start3A_215, %dma_start3A_216] : memref<2x64x768xf32, #tpu.memory_space<vmem>> -> memref<1x64x768xf32, #tpu.memory_space<vmem>>
    %dma_start3A_218 = tpu.memref_squeeze %dma_start3A_217 : memref<1x64x768xf32, #tpu.memory_space<vmem>> -> memref<64x768xf32, #tpu.memory_space<vmem>>
    %dma_start3A_219 = arith.constant 0 : i32
    %dma_start3A_220 = tpu.memref_slice %arg2[%add3A_212, %dma_start3A_219] : memref<32768x768xf32, #tpu.memory_space<hbm>> -> memref<64x768xf32, #tpu.memory_space<hbm>>
    %dma_start3A_221 = tpu.memref_slice %arg7[%dma_start3A_214] : memref<2x!tpu.dma_semaphore, #tpu.memory_space<semaphore_mem>> -> memref<1x!tpu.dma_semaphore, #tpu.memory_space<semaphore_mem>>
    %dma_start3A_222 = tpu.memref_squeeze %dma_start3A_221 : memref<1x!tpu.dma_semaphore, #tpu.memory_space<semaphore_mem>> -> memref<!tpu.dma_semaphore, #tpu.memory_space<semaphore_mem>>
    %dma_start3A_223 = arith.constant 0 : i32
    %dma_start3A_224 = arith.constant 0 : i32
    %dma_start3A_225 = tpu.memref_slice %arg6[%dma_start3A_213, %dma_start3A_223, %dma_start3A_224] : memref<2x64x768xf32, #tpu.memory_space<vmem>> -> memref<1x64x768xf32, #tpu.memory_space<vmem>>
    %dma_start3A_226 = tpu.memref_squeeze %dma_start3A_225 : memref<1x64x768xf32, #tpu.memory_space<vmem>> -> memref<64x768xf32, #tpu.memory_space<vmem>>
    %dma_start3A_227 = arith.constant 0 : i32
    %dma_start3A_228 = tpu.memref_slice %arg2[%add3A_212, %dma_start3A_227] : memref<32768x768xf32, #tpu.memory_space<hbm>> -> memref<64x768xf32, #tpu.memory_space<hbm>>
    tpu.enqueue_dma source(%dma_start3A_228 : memref<64x768xf32, #tpu.memory_space<hbm>>) target(%dma_start3A_226 : memref<64x768xf32, #tpu.memory_space<vmem>>) target_semaphore(%dma_start3A_222 : memref<!tpu.dma_semaphore, #tpu.memory_space<semaphore_mem>>)
    %dma_wait3A_229 = arith.constant 1 : i32
    %dma_wait3A_230 = arith.constant 1 : i32
    %dma_wait3A_231 = arith.constant 0 : i32
    %dma_wait3A_232 = arith.constant 0 : i32
    %dma_wait3A_233 = tpu.memref_slice %arg6[%dma_wait3A_229, %dma_wait3A_231, %dma_wait3A_232] : memref<2x64x768xf32, #tpu.memory_space<vmem>> -> memref<1x64x768xf32, #tpu.memory_space<vmem>>
    %dma_wait3A_234 = tpu.memref_squeeze %dma_wait3A_233 : memref<1x64x768xf32, #tpu.memory_space<vmem>> -> memref<64x768xf32, #tpu.memory_space<vmem>>
    %dma_wait3A_235 = arith.constant 0 : i32
    %dma_wait3A_236 = tpu.memref_slice %arg2[%add3A_148, %dma_wait3A_235] : memref<32768x768xf32, #tpu.memory_space<hbm>> -> memref<64x768xf32, #tpu.memory_space<hbm>>
    %dma_wait3A_237 = tpu.memref_slice %arg7[%dma_wait3A_230] : memref<2x!tpu.dma_semaphore, #tpu.memory_space<semaphore_mem>> -> memref<1x!tpu.dma_semaphore, #tpu.memory_space<semaphore_mem>>
    %dma_wait3A_238 = tpu.memref_squeeze %dma_wait3A_237 : memref<1x!tpu.dma_semaphore, #tpu.memory_space<semaphore_mem>> -> memref<!tpu.dma_semaphore, #tpu.memory_space<semaphore_mem>>
    %dma_wait3A_239 = arith.constant 0 : i32
    %dma_wait3A_240 = arith.constant 0 : i32
    %dma_wait3A_241 = tpu.memref_slice %arg6[%dma_wait3A_229, %dma_wait3A_239, %dma_wait3A_240] : memref<2x64x768xf32, #tpu.memory_space<vmem>> -> memref<1x64x768xf32, #tpu.memory_space<vmem>>
    %dma_wait3A_242 = tpu.memref_squeeze %dma_wait3A_241 : memref<1x64x768xf32, #tpu.memory_space<vmem>> -> memref<64x768xf32, #tpu.memory_space<vmem>>
    %dma_wait3A_243 = arith.constant 0 : i32
    %dma_wait3A_244 = tpu.memref_slice %arg2[%add3A_148, %dma_wait3A_243] : memref<32768x768xf32, #tpu.memory_space<hbm>> -> memref<64x768xf32, #tpu.memory_space<hbm>>
    tpu.wait_dma2 semaphore(%dma_wait3A_238 : memref<!tpu.dma_semaphore, #tpu.memory_space<semaphore_mem>>) src(%dma_wait3A_244 : memref<64x768xf32, #tpu.memory_space<hbm>>) dst(%dma_wait3A_242 : memref<64x768xf32, #tpu.memory_space<vmem>>)
    %dma_start3A_245 = arith.constant 1 : i32
    %dma_start3A_246 = arith.constant 3 : i32
    %dma_start3A_247 = arith.constant 1 : i32
    %dma_start3A_248 = arith.constant 0 : i32
    %dma_start3A_249 = arith.constant 0 : i32
    %dma_start3A_250 = tpu.memref_slice %arg6[%dma_start3A_245, %dma_start3A_248, %dma_start3A_249] : memref<2x64x768xf32, #tpu.memory_space<vmem>> -> memref<1x64x768xf32, #tpu.memory_space<vmem>>
    %dma_start3A_251 = tpu.memref_squeeze %dma_start3A_250 : memref<1x64x768xf32, #tpu.memory_space<vmem>> -> memref<64x768xf32, #tpu.memory_space<vmem>>
    %dma_start3A_252 = arith.constant 0 : i32
    %dma_start3A_253 = tpu.memref_slice %arg5[%dma_start3A_246, %dma_start3A_252] : memref<16x64xi32, #tpu.memory_space<vmem>> -> memref<1x64xi32, #tpu.memory_space<vmem>>
    %dma_start3A_254 = tpu.memref_squeeze %dma_start3A_253 : memref<1x64xi32, #tpu.memory_space<vmem>> -> memref<64xi32, #tpu.memory_space<vmem>>
    %dma_start3A_255 = arith.constant 0 : i32
    %dma_start3A_256 = arith.constant 0 : i32
    %dma_start3A_257 = tpu.memref_slice %arg4[%dma_start3A_255, %dma_start3A_256] : memref<36864x768xf32, #tpu.memory_space<hbm>> -> memref<36864x768xf32, #tpu.memory_space<hbm>>
    %dma_start3A_258 = tpu.memref_slice %arg8[%dma_start3A_247] : memref<2x!tpu.dma_semaphore, #tpu.memory_space<semaphore_mem>> -> memref<1x!tpu.dma_semaphore, #tpu.memory_space<semaphore_mem>>
    %dma_start3A_259 = tpu.memref_squeeze %dma_start3A_258 : memref<1x!tpu.dma_semaphore, #tpu.memory_space<semaphore_mem>> -> memref<!tpu.dma_semaphore, #tpu.memory_space<semaphore_mem>>
    tpu.enqueue_indirect_dma source(%dma_start3A_251 : memref<64x768xf32, #tpu.memory_space<vmem>>) target(%dma_start3A_257 : memref<36864x768xf32, #tpu.memory_space<hbm>>) offsets(%dma_start3A_254 : memref<64xi32, #tpu.memory_space<vmem>>) semaphore(%dma_start3A_259 : memref<!tpu.dma_semaphore, #tpu.memory_space<semaphore_mem>>)
    %dma_wait3A_260 = arith.constant 1 : i32
    %dma_wait3A_261 = arith.constant 3 : i32
    %dma_wait3A_262 = arith.constant 1 : i32
    %dma_wait3A_263 = arith.constant 0 : i32
    %dma_wait3A_264 = arith.constant 0 : i32
    %dma_wait3A_265 = tpu.memref_slice %arg6[%dma_wait3A_260, %dma_wait3A_263, %dma_wait3A_264] : memref<2x64x768xf32, #tpu.memory_space<vmem>> -> memref<1x64x768xf32, #tpu.memory_space<vmem>>
    %dma_wait3A_266 = tpu.memref_squeeze %dma_wait3A_265 : memref<1x64x768xf32, #tpu.memory_space<vmem>> -> memref<64x768xf32, #tpu.memory_space<vmem>>
    %dma_wait3A_267 = arith.constant 0 : i32
    %dma_wait3A_268 = tpu.memref_slice %arg5[%dma_wait3A_261, %dma_wait3A_267] : memref<16x64xi32, #tpu.memory_space<vmem>> -> memref<1x64xi32, #tpu.memory_space<vmem>>
    %dma_wait3A_269 = tpu.memref_squeeze %dma_wait3A_268 : memref<1x64xi32, #tpu.memory_space<vmem>> -> memref<64xi32, #tpu.memory_space<vmem>>
    %dma_wait3A_270 = arith.constant 0 : i32
    %dma_wait3A_271 = arith.constant 0 : i32
    %dma_wait3A_272 = tpu.memref_slice %arg4[%dma_wait3A_270, %dma_wait3A_271] : memref<36864x768xf32, #tpu.memory_space<hbm>> -> memref<36864x768xf32, #tpu.memory_space<hbm>>
    %dma_wait3A_273 = tpu.memref_slice %arg8[%dma_wait3A_262] : memref<2x!tpu.dma_semaphore, #tpu.memory_space<semaphore_mem>> -> memref<1x!tpu.dma_semaphore, #tpu.memory_space<semaphore_mem>>
    %dma_wait3A_274 = tpu.memref_squeeze %dma_wait3A_273 : memref<1x!tpu.dma_semaphore, #tpu.memory_space<semaphore_mem>> -> memref<!tpu.dma_semaphore, #tpu.memory_space<semaphore_mem>>
    tpu.wait_indirect_dma semaphore(%dma_wait3A_274 : memref<!tpu.dma_semaphore, #tpu.memory_space<semaphore_mem>>) src(%dma_wait3A_266 : memref<64x768xf32, #tpu.memory_space<vmem>>) dst(%dma_wait3A_272 : memref<36864x768xf32, #tpu.memory_space<hbm>>)
    %add3A_275 = arith.constant 320 : i32
    %add3A_276 = arith.addi %multiple_of3A, %add3A_275 : i32
    %dma_start3A_277 = arith.constant 1 : i32
    %dma_start3A_278 = arith.constant 1 : i32
    %dma_start3A_279 = arith.constant 0 : i32
    %dma_start3A_280 = arith.constant 0 : i32
    %dma_start3A_281 = tpu.memref_slice %arg6[%dma_start3A_277, %dma_start3A_279, %dma_start3A_280] : memref<2x64x768xf32, #tpu.memory_space<vmem>> -> memref<1x64x768xf32, #tpu.memory_space<vmem>>
    %dma_start3A_282 = tpu.memref_squeeze %dma_start3A_281 : memref<1x64x768xf32, #tpu.memory_space<vmem>> -> memref<64x768xf32, #tpu.memory_space<vmem>>
    %dma_start3A_283 = arith.constant 0 : i32
    %dma_start3A_284 = tpu.memref_slice %arg2[%add3A_276, %dma_start3A_283] : memref<32768x768xf32, #tpu.memory_space<hbm>> -> memref<64x768xf32, #tpu.memory_space<hbm>>
    %dma_start3A_285 = tpu.memref_slice %arg7[%dma_start3A_278] : memref<2x!tpu.dma_semaphore, #tpu.memory_space<semaphore_mem>> -> memref<1x!tpu.dma_semaphore, #tpu.memory_space<semaphore_mem>>
    %dma_start3A_286 = tpu.memref_squeeze %dma_start3A_285 : memref<1x!tpu.dma_semaphore, #tpu.memory_space<semaphore_mem>> -> memref<!tpu.dma_semaphore, #tpu.memory_space<semaphore_mem>>
    %dma_start3A_287 = arith.constant 0 : i32
    %dma_start3A_288 = arith.constant 0 : i32
    %dma_start3A_289 = tpu.memref_slice %arg6[%dma_start3A_277, %dma_start3A_287, %dma_start3A_288] : memref<2x64x768xf32, #tpu.memory_space<vmem>> -> memref<1x64x768xf32, #tpu.memory_space<vmem>>
    %dma_start3A_290 = tpu.memref_squeeze %dma_start3A_289 : memref<1x64x768xf32, #tpu.memory_space<vmem>> -> memref<64x768xf32, #tpu.memory_space<vmem>>
    %dma_start3A_291 = arith.constant 0 : i32
    %dma_start3A_292 = tpu.memref_slice %arg2[%add3A_276, %dma_start3A_291] : memref<32768x768xf32, #tpu.memory_space<hbm>> -> memref<64x768xf32, #tpu.memory_space<hbm>>
    tpu.enqueue_dma source(%dma_start3A_292 : memref<64x768xf32, #tpu.memory_space<hbm>>) target(%dma_start3A_290 : memref<64x768xf32, #tpu.memory_space<vmem>>) target_semaphore(%dma_start3A_286 : memref<!tpu.dma_semaphore, #tpu.memory_space<semaphore_mem>>)
    %dma_wait3A_293 = arith.constant 0 : i32
    %dma_wait3A_294 = arith.constant 0 : i32
    %dma_wait3A_295 = arith.constant 0 : i32
    %dma_wait3A_296 = arith.constant 0 : i32
    %dma_wait3A_297 = tpu.memref_slice %arg6[%dma_wait3A_293, %dma_wait3A_295, %dma_wait3A_296] : memref<2x64x768xf32, #tpu.memory_space<vmem>> -> memref<1x64x768xf32, #tpu.memory_space<vmem>>
    %dma_wait3A_298 = tpu.memref_squeeze %dma_wait3A_297 : memref<1x64x768xf32, #tpu.memory_space<vmem>> -> memref<64x768xf32, #tpu.memory_space<vmem>>
    %dma_wait3A_299 = arith.constant 0 : i32
    %dma_wait3A_300 = tpu.memref_slice %arg2[%add3A_212, %dma_wait3A_299] : memref<32768x768xf32, #tpu.memory_space<hbm>> -> memref<64x768xf32, #tpu.memory_space<hbm>>
    %dma_wait3A_301 = tpu.memref_slice %arg7[%dma_wait3A_294] : memref<2x!tpu.dma_semaphore, #tpu.memory_space<semaphore_mem>> -> memref<1x!tpu.dma_semaphore, #tpu.memory_space<semaphore_mem>>
    %dma_wait3A_302 = tpu.memref_squeeze %dma_wait3A_301 : memref<1x!tpu.dma_semaphore, #tpu.memory_space<semaphore_mem>> -> memref<!tpu.dma_semaphore, #tpu.memory_space<semaphore_mem>>
    %dma_wait3A_303 = arith.constant 0 : i32
    %dma_wait3A_304 = arith.constant 0 : i32
    %dma_wait3A_305 = tpu.memref_slice %arg6[%dma_wait3A_293, %dma_wait3A_303, %dma_wait3A_304] : memref<2x64x768xf32, #tpu.memory_space<vmem>> -> memref<1x64x768xf32, #tpu.memory_space<vmem>>
    %dma_wait3A_306 = tpu.memref_squeeze %dma_wait3A_305 : memref<1x64x768xf32, #tpu.memory_space<vmem>> -> memref<64x768xf32, #tpu.memory_space<vmem>>
    %dma_wait3A_307 = arith.constant 0 : i32
    %dma_wait3A_308 = tpu.memref_slice %arg2[%add3A_212, %dma_wait3A_307] : memref<32768x768xf32, #tpu.memory_space<hbm>> -> memref<64x768xf32, #tpu.memory_space<hbm>>
    tpu.wait_dma2 semaphore(%dma_wait3A_302 : memref<!tpu.dma_semaphore, #tpu.memory_space<semaphore_mem>>) src(%dma_wait3A_308 : memref<64x768xf32, #tpu.memory_space<hbm>>) dst(%dma_wait3A_306 : memref<64x768xf32, #tpu.memory_space<vmem>>)
    %dma_start3A_309 = arith.constant 0 : i32
    %dma_start3A_310 = arith.constant 4 : i32
    %dma_start3A_311 = arith.constant 0 : i32
    %dma_start3A_312 = arith.constant 0 : i32
    %dma_start3A_313 = arith.constant 0 : i32
    %dma_start3A_314 = tpu.memref_slice %arg6[%dma_start3A_309, %dma_start3A_312, %dma_start3A_313] : memref<2x64x768xf32, #tpu.memory_space<vmem>> -> memref<1x64x768xf32, #tpu.memory_space<vmem>>
    %dma_start3A_315 = tpu.memref_squeeze %dma_start3A_314 : memref<1x64x768xf32, #tpu.memory_space<vmem>> -> memref<64x768xf32, #tpu.memory_space<vmem>>
    %dma_start3A_316 = arith.constant 0 : i32
    %dma_start3A_317 = tpu.memref_slice %arg5[%dma_start3A_310, %dma_start3A_316] : memref<16x64xi32, #tpu.memory_space<vmem>> -> memref<1x64xi32, #tpu.memory_space<vmem>>
    %dma_start3A_318 = tpu.memref_squeeze %dma_start3A_317 : memref<1x64xi32, #tpu.memory_space<vmem>> -> memref<64xi32, #tpu.memory_space<vmem>>
    %dma_start3A_319 = arith.constant 0 : i32
    %dma_start3A_320 = arith.constant 0 : i32
    %dma_start3A_321 = tpu.memref_slice %arg4[%dma_start3A_319, %dma_start3A_320] : memref<36864x768xf32, #tpu.memory_space<hbm>> -> memref<36864x768xf32, #tpu.memory_space<hbm>>
    %dma_start3A_322 = tpu.memref_slice %arg8[%dma_start3A_311] : memref<2x!tpu.dma_semaphore, #tpu.memory_space<semaphore_mem>> -> memref<1x!tpu.dma_semaphore, #tpu.memory_space<semaphore_mem>>
    %dma_start3A_323 = tpu.memref_squeeze %dma_start3A_322 : memref<1x!tpu.dma_semaphore, #tpu.memory_space<semaphore_mem>> -> memref<!tpu.dma_semaphore, #tpu.memory_space<semaphore_mem>>
    tpu.enqueue_indirect_dma source(%dma_start3A_315 : memref<64x768xf32, #tpu.memory_space<vmem>>) target(%dma_start3A_321 : memref<36864x768xf32, #tpu.memory_space<hbm>>) offsets(%dma_start3A_318 : memref<64xi32, #tpu.memory_space<vmem>>) semaphore(%dma_start3A_323 : memref<!tpu.dma_semaphore, #tpu.memory_space<semaphore_mem>>)
    %dma_wait3A_324 = arith.constant 0 : i32
    %dma_wait3A_325 = arith.constant 4 : i32
    %dma_wait3A_326 = arith.constant 0 : i32
    %dma_wait3A_327 = arith.constant 0 : i32
    %dma_wait3A_328 = arith.constant 0 : i32
    %dma_wait3A_329 = tpu.memref_slice %arg6[%dma_wait3A_324, %dma_wait3A_327, %dma_wait3A_328] : memref<2x64x768xf32, #tpu.memory_space<vmem>> -> memref<1x64x768xf32, #tpu.memory_space<vmem>>
    %dma_wait3A_330 = tpu.memref_squeeze %dma_wait3A_329 : memref<1x64x768xf32, #tpu.memory_space<vmem>> -> memref<64x768xf32, #tpu.memory_space<vmem>>
    %dma_wait3A_331 = arith.constant 0 : i32
    %dma_wait3A_332 = tpu.memref_slice %arg5[%dma_wait3A_325, %dma_wait3A_331] : memref<16x64xi32, #tpu.memory_space<vmem>> -> memref<1x64xi32, #tpu.memory_space<vmem>>
    %dma_wait3A_333 = tpu.memref_squeeze %dma_wait3A_332 : memref<1x64xi32, #tpu.memory_space<vmem>> -> memref<64xi32, #tpu.memory_space<vmem>>
    %dma_wait3A_334 = arith.constant 0 : i32
    %dma_wait3A_335 = arith.constant 0 : i32
    %dma_wait3A_336 = tpu.memref_slice %arg4[%dma_wait3A_334, %dma_wait3A_335] : memref<36864x768xf32, #tpu.memory_space<hbm>> -> memref<36864x768xf32, #tpu.memory_space<hbm>>
    %dma_wait3A_337 = tpu.memref_slice %arg8[%dma_wait3A_326] : memref<2x!tpu.dma_semaphore, #tpu.memory_space<semaphore_mem>> -> memref<1x!tpu.dma_semaphore, #tpu.memory_space<semaphore_mem>>
    %dma_wait3A_338 = tpu.memref_squeeze %dma_wait3A_337 : memref<1x!tpu.dma_semaphore, #tpu.memory_space<semaphore_mem>> -> memref<!tpu.dma_semaphore, #tpu.memory_space<semaphore_mem>>
    tpu.wait_indirect_dma semaphore(%dma_wait3A_338 : memref<!tpu.dma_semaphore, #tpu.memory_space<semaphore_mem>>) src(%dma_wait3A_330 : memref<64x768xf32, #tpu.memory_space<vmem>>) dst(%dma_wait3A_336 : memref<36864x768xf32, #tpu.memory_space<hbm>>)
    %add3A_339 = arith.constant 384 : i32
    %add3A_340 = arith.addi %multiple_of3A, %add3A_339 : i32
    %dma_start3A_341 = arith.constant 0 : i32
    %dma_start3A_342 = arith.constant 0 : i32
    %dma_start3A_343 = arith.constant 0 : i32
    %dma_start3A_344 = arith.constant 0 : i32
    %dma_start3A_345 = tpu.memref_slice %arg6[%dma_start3A_341, %dma_start3A_343, %dma_start3A_344] : memref<2x64x768xf32, #tpu.memory_space<vmem>> -> memref<1x64x768xf32, #tpu.memory_space<vmem>>
    %dma_start3A_346 = tpu.memref_squeeze %dma_start3A_345 : memref<1x64x768xf32, #tpu.memory_space<vmem>> -> memref<64x768xf32, #tpu.memory_space<vmem>>
    %dma_start3A_347 = arith.constant 0 : i32
    %dma_start3A_348 = tpu.memref_slice %arg2[%add3A_340, %dma_start3A_347] : memref<32768x768xf32, #tpu.memory_space<hbm>> -> memref<64x768xf32, #tpu.memory_space<hbm>>
    %dma_start3A_349 = tpu.memref_slice %arg7[%dma_start3A_342] : memref<2x!tpu.dma_semaphore, #tpu.memory_space<semaphore_mem>> -> memref<1x!tpu.dma_semaphore, #tpu.memory_space<semaphore_mem>>
    %dma_start3A_350 = tpu.memref_squeeze %dma_start3A_349 : memref<1x!tpu.dma_semaphore, #tpu.memory_space<semaphore_mem>> -> memref<!tpu.dma_semaphore, #tpu.memory_space<semaphore_mem>>
    %dma_start3A_351 = arith.constant 0 : i32
    %dma_start3A_352 = arith.constant 0 : i32
    %dma_start3A_353 = tpu.memref_slice %arg6[%dma_start3A_341, %dma_start3A_351, %dma_start3A_352] : memref<2x64x768xf32, #tpu.memory_space<vmem>> -> memref<1x64x768xf32, #tpu.memory_space<vmem>>
    %dma_start3A_354 = tpu.memref_squeeze %dma_start3A_353 : memref<1x64x768xf32, #tpu.memory_space<vmem>> -> memref<64x768xf32, #tpu.memory_space<vmem>>
    %dma_start3A_355 = arith.constant 0 : i32
    %dma_start3A_356 = tpu.memref_slice %arg2[%add3A_340, %dma_start3A_355] : memref<32768x768xf32, #tpu.memory_space<hbm>> -> memref<64x768xf32, #tpu.memory_space<hbm>>
    tpu.enqueue_dma source(%dma_start3A_356 : memref<64x768xf32, #tpu.memory_space<hbm>>) target(%dma_start3A_354 : memref<64x768xf32, #tpu.memory_space<vmem>>) target_semaphore(%dma_start3A_350 : memref<!tpu.dma_semaphore, #tpu.memory_space<semaphore_mem>>)
    %dma_wait3A_357 = arith.constant 1 : i32
    %dma_wait3A_358 = arith.constant 1 : i32
    %dma_wait3A_359 = arith.constant 0 : i32
    %dma_wait3A_360 = arith.constant 0 : i32
    %dma_wait3A_361 = tpu.memref_slice %arg6[%dma_wait3A_357, %dma_wait3A_359, %dma_wait3A_360] : memref<2x64x768xf32, #tpu.memory_space<vmem>> -> memref<1x64x768xf32, #tpu.memory_space<vmem>>
    %dma_wait3A_362 = tpu.memref_squeeze %dma_wait3A_361 : memref<1x64x768xf32, #tpu.memory_space<vmem>> -> memref<64x768xf32, #tpu.memory_space<vmem>>
    %dma_wait3A_363 = arith.constant 0 : i32
    %dma_wait3A_364 = tpu.memref_slice %arg2[%add3A_276, %dma_wait3A_363] : memref<32768x768xf32, #tpu.memory_space<hbm>> -> memref<64x768xf32, #tpu.memory_space<hbm>>
    %dma_wait3A_365 = tpu.memref_slice %arg7[%dma_wait3A_358] : memref<2x!tpu.dma_semaphore, #tpu.memory_space<semaphore_mem>> -> memref<1x!tpu.dma_semaphore, #tpu.memory_space<semaphore_mem>>
    %dma_wait3A_366 = tpu.memref_squeeze %dma_wait3A_365 : memref<1x!tpu.dma_semaphore, #tpu.memory_space<semaphore_mem>> -> memref<!tpu.dma_semaphore, #tpu.memory_space<semaphore_mem>>
    %dma_wait3A_367 = arith.constant 0 : i32
    %dma_wait3A_368 = arith.constant 0 : i32
    %dma_wait3A_369 = tpu.memref_slice %arg6[%dma_wait3A_357, %dma_wait3A_367, %dma_wait3A_368] : memref<2x64x768xf32, #tpu.memory_space<vmem>> -> memref<1x64x768xf32, #tpu.memory_space<vmem>>
    %dma_wait3A_370 = tpu.memref_squeeze %dma_wait3A_369 : memref<1x64x768xf32, #tpu.memory_space<vmem>> -> memref<64x768xf32, #tpu.memory_space<vmem>>
    %dma_wait3A_371 = arith.constant 0 : i32
    %dma_wait3A_372 = tpu.memref_slice %arg2[%add3A_276, %dma_wait3A_371] : memref<32768x768xf32, #tpu.memory_space<hbm>> -> memref<64x768xf32, #tpu.memory_space<hbm>>
    tpu.wait_dma2 semaphore(%dma_wait3A_366 : memref<!tpu.dma_semaphore, #tpu.memory_space<semaphore_mem>>) src(%dma_wait3A_372 : memref<64x768xf32, #tpu.memory_space<hbm>>) dst(%dma_wait3A_370 : memref<64x768xf32, #tpu.memory_space<vmem>>)
    %dma_start3A_373 = arith.constant 1 : i32
    %dma_start3A_374 = arith.constant 5 : i32
    %dma_start3A_375 = arith.constant 1 : i32
    %dma_start3A_376 = arith.constant 0 : i32
    %dma_start3A_377 = arith.constant 0 : i32
    %dma_start3A_378 = tpu.memref_slice %arg6[%dma_start3A_373, %dma_start3A_376, %dma_start3A_377] : memref<2x64x768xf32, #tpu.memory_space<vmem>> -> memref<1x64x768xf32, #tpu.memory_space<vmem>>
    %dma_start3A_379 = tpu.memref_squeeze %dma_start3A_378 : memref<1x64x768xf32, #tpu.memory_space<vmem>> -> memref<64x768xf32, #tpu.memory_space<vmem>>
    %dma_start3A_380 = arith.constant 0 : i32
    %dma_start3A_381 = tpu.memref_slice %arg5[%dma_start3A_374, %dma_start3A_380] : memref<16x64xi32, #tpu.memory_space<vmem>> -> memref<1x64xi32, #tpu.memory_space<vmem>>
    %dma_start3A_382 = tpu.memref_squeeze %dma_start3A_381 : memref<1x64xi32, #tpu.memory_space<vmem>> -> memref<64xi32, #tpu.memory_space<vmem>>
    %dma_start3A_383 = arith.constant 0 : i32
    %dma_start3A_384 = arith.constant 0 : i32
    %dma_start3A_385 = tpu.memref_slice %arg4[%dma_start3A_383, %dma_start3A_384] : memref<36864x768xf32, #tpu.memory_space<hbm>> -> memref<36864x768xf32, #tpu.memory_space<hbm>>
    %dma_start3A_386 = tpu.memref_slice %arg8[%dma_start3A_375] : memref<2x!tpu.dma_semaphore, #tpu.memory_space<semaphore_mem>> -> memref<1x!tpu.dma_semaphore, #tpu.memory_space<semaphore_mem>>
    %dma_start3A_387 = tpu.memref_squeeze %dma_start3A_386 : memref<1x!tpu.dma_semaphore, #tpu.memory_space<semaphore_mem>> -> memref<!tpu.dma_semaphore, #tpu.memory_space<semaphore_mem>>
    tpu.enqueue_indirect_dma source(%dma_start3A_379 : memref<64x768xf32, #tpu.memory_space<vmem>>) target(%dma_start3A_385 : memref<36864x768xf32, #tpu.memory_space<hbm>>) offsets(%dma_start3A_382 : memref<64xi32, #tpu.memory_space<vmem>>) semaphore(%dma_start3A_387 : memref<!tpu.dma_semaphore, #tpu.memory_space<semaphore_mem>>)
    %dma_wait3A_388 = arith.constant 1 : i32
    %dma_wait3A_389 = arith.constant 5 : i32
    %dma_wait3A_390 = arith.constant 1 : i32
    %dma_wait3A_391 = arith.constant 0 : i32
    %dma_wait3A_392 = arith.constant 0 : i32
    %dma_wait3A_393 = tpu.memref_slice %arg6[%dma_wait3A_388, %dma_wait3A_391, %dma_wait3A_392] : memref<2x64x768xf32, #tpu.memory_space<vmem>> -> memref<1x64x768xf32, #tpu.memory_space<vmem>>
    %dma_wait3A_394 = tpu.memref_squeeze %dma_wait3A_393 : memref<1x64x768xf32, #tpu.memory_space<vmem>> -> memref<64x768xf32, #tpu.memory_space<vmem>>
    %dma_wait3A_395 = arith.constant 0 : i32
    %dma_wait3A_396 = tpu.memref_slice %arg5[%dma_wait3A_389, %dma_wait3A_395] : memref<16x64xi32, #tpu.memory_space<vmem>> -> memref<1x64xi32, #tpu.memory_space<vmem>>
    %dma_wait3A_397 = tpu.memref_squeeze %dma_wait3A_396 : memref<1x64xi32, #tpu.memory_space<vmem>> -> memref<64xi32, #tpu.memory_space<vmem>>
    %dma_wait3A_398 = arith.constant 0 : i32
    %dma_wait3A_399 = arith.constant 0 : i32
    %dma_wait3A_400 = tpu.memref_slice %arg4[%dma_wait3A_398, %dma_wait3A_399] : memref<36864x768xf32, #tpu.memory_space<hbm>> -> memref<36864x768xf32, #tpu.memory_space<hbm>>
    %dma_wait3A_401 = tpu.memref_slice %arg8[%dma_wait3A_390] : memref<2x!tpu.dma_semaphore, #tpu.memory_space<semaphore_mem>> -> memref<1x!tpu.dma_semaphore, #tpu.memory_space<semaphore_mem>>
    %dma_wait3A_402 = tpu.memref_squeeze %dma_wait3A_401 : memref<1x!tpu.dma_semaphore, #tpu.memory_space<semaphore_mem>> -> memref<!tpu.dma_semaphore, #tpu.memory_space<semaphore_mem>>
    tpu.wait_indirect_dma semaphore(%dma_wait3A_402 : memref<!tpu.dma_semaphore, #tpu.memory_space<semaphore_mem>>) src(%dma_wait3A_394 : memref<64x768xf32, #tpu.memory_space<vmem>>) dst(%dma_wait3A_400 : memref<36864x768xf32, #tpu.memory_space<hbm>>)
    %add3A_403 = arith.constant 448 : i32
    %add3A_404 = arith.addi %multiple_of3A, %add3A_403 : i32
    %dma_start3A_405 = arith.constant 1 : i32
    %dma_start3A_406 = arith.constant 1 : i32
    %dma_start3A_407 = arith.constant 0 : i32
    %dma_start3A_408 = arith.constant 0 : i32
    %dma_start3A_409 = tpu.memref_slice %arg6[%dma_start3A_405, %dma_start3A_407, %dma_start3A_408] : memref<2x64x768xf32, #tpu.memory_space<vmem>> -> memref<1x64x768xf32, #tpu.memory_space<vmem>>
    %dma_start3A_410 = tpu.memref_squeeze %dma_start3A_409 : memref<1x64x768xf32, #tpu.memory_space<vmem>> -> memref<64x768xf32, #tpu.memory_space<vmem>>
    %dma_start3A_411 = arith.constant 0 : i32
    %dma_start3A_412 = tpu.memref_slice %arg2[%add3A_404, %dma_start3A_411] : memref<32768x768xf32, #tpu.memory_space<hbm>> -> memref<64x768xf32, #tpu.memory_space<hbm>>
    %dma_start3A_413 = tpu.memref_slice %arg7[%dma_start3A_406] : memref<2x!tpu.dma_semaphore, #tpu.memory_space<semaphore_mem>> -> memref<1x!tpu.dma_semaphore, #tpu.memory_space<semaphore_mem>>
    %dma_start3A_414 = tpu.memref_squeeze %dma_start3A_413 : memref<1x!tpu.dma_semaphore, #tpu.memory_space<semaphore_mem>> -> memref<!tpu.dma_semaphore, #tpu.memory_space<semaphore_mem>>
    %dma_start3A_415 = arith.constant 0 : i32
    %dma_start3A_416 = arith.constant 0 : i32
    %dma_start3A_417 = tpu.memref_slice %arg6[%dma_start3A_405, %dma_start3A_415, %dma_start3A_416] : memref<2x64x768xf32, #tpu.memory_space<vmem>> -> memref<1x64x768xf32, #tpu.memory_space<vmem>>
    %dma_start3A_418 = tpu.memref_squeeze %dma_start3A_417 : memref<1x64x768xf32, #tpu.memory_space<vmem>> -> memref<64x768xf32, #tpu.memory_space<vmem>>
    %dma_start3A_419 = arith.constant 0 : i32
    %dma_start3A_420 = tpu.memref_slice %arg2[%add3A_404, %dma_start3A_419] : memref<32768x768xf32, #tpu.memory_space<hbm>> -> memref<64x768xf32, #tpu.memory_space<hbm>>
    tpu.enqueue_dma source(%dma_start3A_420 : memref<64x768xf32, #tpu.memory_space<hbm>>) target(%dma_start3A_418 : memref<64x768xf32, #tpu.memory_space<vmem>>) target_semaphore(%dma_start3A_414 : memref<!tpu.dma_semaphore, #tpu.memory_space<semaphore_mem>>)
    %dma_wait3A_421 = arith.constant 0 : i32
    %dma_wait3A_422 = arith.constant 0 : i32
    %dma_wait3A_423 = arith.constant 0 : i32
    %dma_wait3A_424 = arith.constant 0 : i32
    %dma_wait3A_425 = tpu.memref_slice %arg6[%dma_wait3A_421, %dma_wait3A_423, %dma_wait3A_424] : memref<2x64x768xf32, #tpu.memory_space<vmem>> -> memref<1x64x768xf32, #tpu.memory_space<vmem>>
    %dma_wait3A_426 = tpu.memref_squeeze %dma_wait3A_425 : memref<1x64x768xf32, #tpu.memory_space<vmem>> -> memref<64x768xf32, #tpu.memory_space<vmem>>
    %dma_wait3A_427 = arith.constant 0 : i32
    %dma_wait3A_428 = tpu.memref_slice %arg2[%add3A_340, %dma_wait3A_427] : memref<32768x768xf32, #tpu.memory_space<hbm>> -> memref<64x768xf32, #tpu.memory_space<hbm>>
    %dma_wait3A_429 = tpu.memref_slice %arg7[%dma_wait3A_422] : memref<2x!tpu.dma_semaphore, #tpu.memory_space<semaphore_mem>> -> memref<1x!tpu.dma_semaphore, #tpu.memory_space<semaphore_mem>>
    %dma_wait3A_430 = tpu.memref_squeeze %dma_wait3A_429 : memref<1x!tpu.dma_semaphore, #tpu.memory_space<semaphore_mem>> -> memref<!tpu.dma_semaphore, #tpu.memory_space<semaphore_mem>>
    %dma_wait3A_431 = arith.constant 0 : i32
    %dma_wait3A_432 = arith.constant 0 : i32
    %dma_wait3A_433 = tpu.memref_slice %arg6[%dma_wait3A_421, %dma_wait3A_431, %dma_wait3A_432] : memref<2x64x768xf32, #tpu.memory_space<vmem>> -> memref<1x64x768xf32, #tpu.memory_space<vmem>>
    %dma_wait3A_434 = tpu.memref_squeeze %dma_wait3A_433 : memref<1x64x768xf32, #tpu.memory_space<vmem>> -> memref<64x768xf32, #tpu.memory_space<vmem>>
    %dma_wait3A_435 = arith.constant 0 : i32
    %dma_wait3A_436 = tpu.memref_slice %arg2[%add3A_340, %dma_wait3A_435] : memref<32768x768xf32, #tpu.memory_space<hbm>> -> memref<64x768xf32, #tpu.memory_space<hbm>>
    tpu.wait_dma2 semaphore(%dma_wait3A_430 : memref<!tpu.dma_semaphore, #tpu.memory_space<semaphore_mem>>) src(%dma_wait3A_436 : memref<64x768xf32, #tpu.memory_space<hbm>>) dst(%dma_wait3A_434 : memref<64x768xf32, #tpu.memory_space<vmem>>)
    %dma_start3A_437 = arith.constant 0 : i32
    %dma_start3A_438 = arith.constant 6 : i32
    %dma_start3A_439 = arith.constant 0 : i32
    %dma_start3A_440 = arith.constant 0 : i32
    %dma_start3A_441 = arith.constant 0 : i32
    %dma_start3A_442 = tpu.memref_slice %arg6[%dma_start3A_437, %dma_start3A_440, %dma_start3A_441] : memref<2x64x768xf32, #tpu.memory_space<vmem>> -> memref<1x64x768xf32, #tpu.memory_space<vmem>>
    %dma_start3A_443 = tpu.memref_squeeze %dma_start3A_442 : memref<1x64x768xf32, #tpu.memory_space<vmem>> -> memref<64x768xf32, #tpu.memory_space<vmem>>
    %dma_start3A_444 = arith.constant 0 : i32
    %dma_start3A_445 = tpu.memref_slice %arg5[%dma_start3A_438, %dma_start3A_444] : memref<16x64xi32, #tpu.memory_space<vmem>> -> memref<1x64xi32, #tpu.memory_space<vmem>>
    %dma_start3A_446 = tpu.memref_squeeze %dma_start3A_445 : memref<1x64xi32, #tpu.memory_space<vmem>> -> memref<64xi32, #tpu.memory_space<vmem>>
    %dma_start3A_447 = arith.constant 0 : i32
    %dma_start3A_448 = arith.constant 0 : i32
    %dma_start3A_449 = tpu.memref_slice %arg4[%dma_start3A_447, %dma_start3A_448] : memref<36864x768xf32, #tpu.memory_space<hbm>> -> memref<36864x768xf32, #tpu.memory_space<hbm>>
    %dma_start3A_450 = tpu.memref_slice %arg8[%dma_start3A_439] : memref<2x!tpu.dma_semaphore, #tpu.memory_space<semaphore_mem>> -> memref<1x!tpu.dma_semaphore, #tpu.memory_space<semaphore_mem>>
    %dma_start3A_451 = tpu.memref_squeeze %dma_start3A_450 : memref<1x!tpu.dma_semaphore, #tpu.memory_space<semaphore_mem>> -> memref<!tpu.dma_semaphore, #tpu.memory_space<semaphore_mem>>
    tpu.enqueue_indirect_dma source(%dma_start3A_443 : memref<64x768xf32, #tpu.memory_space<vmem>>) target(%dma_start3A_449 : memref<36864x768xf32, #tpu.memory_space<hbm>>) offsets(%dma_start3A_446 : memref<64xi32, #tpu.memory_space<vmem>>) semaphore(%dma_start3A_451 : memref<!tpu.dma_semaphore, #tpu.memory_space<semaphore_mem>>)
    %dma_wait3A_452 = arith.constant 0 : i32
    %dma_wait3A_453 = arith.constant 6 : i32
    %dma_wait3A_454 = arith.constant 0 : i32
    %dma_wait3A_455 = arith.constant 0 : i32
    %dma_wait3A_456 = arith.constant 0 : i32
    %dma_wait3A_457 = tpu.memref_slice %arg6[%dma_wait3A_452, %dma_wait3A_455, %dma_wait3A_456] : memref<2x64x768xf32, #tpu.memory_space<vmem>> -> memref<1x64x768xf32, #tpu.memory_space<vmem>>
    %dma_wait3A_458 = tpu.memref_squeeze %dma_wait3A_457 : memref<1x64x768xf32, #tpu.memory_space<vmem>> -> memref<64x768xf32, #tpu.memory_space<vmem>>
    %dma_wait3A_459 = arith.constant 0 : i32
    %dma_wait3A_460 = tpu.memref_slice %arg5[%dma_wait3A_453, %dma_wait3A_459] : memref<16x64xi32, #tpu.memory_space<vmem>> -> memref<1x64xi32, #tpu.memory_space<vmem>>
    %dma_wait3A_461 = tpu.memref_squeeze %dma_wait3A_460 : memref<1x64xi32, #tpu.memory_space<vmem>> -> memref<64xi32, #tpu.memory_space<vmem>>
    %dma_wait3A_462 = arith.constant 0 : i32
    %dma_wait3A_463 = arith.constant 0 : i32
    %dma_wait3A_464 = tpu.memref_slice %arg4[%dma_wait3A_462, %dma_wait3A_463] : memref<36864x768xf32, #tpu.memory_space<hbm>> -> memref<36864x768xf32, #tpu.memory_space<hbm>>
    %dma_wait3A_465 = tpu.memref_slice %arg8[%dma_wait3A_454] : memref<2x!tpu.dma_semaphore, #tpu.memory_space<semaphore_mem>> -> memref<1x!tpu.dma_semaphore, #tpu.memory_space<semaphore_mem>>
    %dma_wait3A_466 = tpu.memref_squeeze %dma_wait3A_465 : memref<1x!tpu.dma_semaphore, #tpu.memory_space<semaphore_mem>> -> memref<!tpu.dma_semaphore, #tpu.memory_space<semaphore_mem>>
    tpu.wait_indirect_dma semaphore(%dma_wait3A_466 : memref<!tpu.dma_semaphore, #tpu.memory_space<semaphore_mem>>) src(%dma_wait3A_458 : memref<64x768xf32, #tpu.memory_space<vmem>>) dst(%dma_wait3A_464 : memref<36864x768xf32, #tpu.memory_space<hbm>>)
    %add3A_467 = arith.constant 512 : i32
    %add3A_468 = arith.addi %multiple_of3A, %add3A_467 : i32
    %dma_start3A_469 = arith.constant 0 : i32
    %dma_start3A_470 = arith.constant 0 : i32
    %dma_start3A_471 = arith.constant 0 : i32
    %dma_start3A_472 = arith.constant 0 : i32
    %dma_start3A_473 = tpu.memref_slice %arg6[%dma_start3A_469, %dma_start3A_471, %dma_start3A_472] : memref<2x64x768xf32, #tpu.memory_space<vmem>> -> memref<1x64x768xf32, #tpu.memory_space<vmem>>
    %dma_start3A_474 = tpu.memref_squeeze %dma_start3A_473 : memref<1x64x768xf32, #tpu.memory_space<vmem>> -> memref<64x768xf32, #tpu.memory_space<vmem>>
    %dma_start3A_475 = arith.constant 0 : i32
    %dma_start3A_476 = tpu.memref_slice %arg2[%add3A_468, %dma_start3A_475] : memref<32768x768xf32, #tpu.memory_space<hbm>> -> memref<64x768xf32, #tpu.memory_space<hbm>>
    %dma_start3A_477 = tpu.memref_slice %arg7[%dma_start3A_470] : memref<2x!tpu.dma_semaphore, #tpu.memory_space<semaphore_mem>> -> memref<1x!tpu.dma_semaphore, #tpu.memory_space<semaphore_mem>>
    %dma_start3A_478 = tpu.memref_squeeze %dma_start3A_477 : memref<1x!tpu.dma_semaphore, #tpu.memory_space<semaphore_mem>> -> memref<!tpu.dma_semaphore, #tpu.memory_space<semaphore_mem>>
    %dma_start3A_479 = arith.constant 0 : i32
    %dma_start3A_480 = arith.constant 0 : i32
    %dma_start3A_481 = tpu.memref_slice %arg6[%dma_start3A_469, %dma_start3A_479, %dma_start3A_480] : memref<2x64x768xf32, #tpu.memory_space<vmem>> -> memref<1x64x768xf32, #tpu.memory_space<vmem>>
    %dma_start3A_482 = tpu.memref_squeeze %dma_start3A_481 : memref<1x64x768xf32, #tpu.memory_space<vmem>> -> memref<64x768xf32, #tpu.memory_space<vmem>>
    %dma_start3A_483 = arith.constant 0 : i32
    %dma_start3A_484 = tpu.memref_slice %arg2[%add3A_468, %dma_start3A_483] : memref<32768x768xf32, #tpu.memory_space<hbm>> -> memref<64x768xf32, #tpu.memory_space<hbm>>
    tpu.enqueue_dma source(%dma_start3A_484 : memref<64x768xf32, #tpu.memory_space<hbm>>) target(%dma_start3A_482 : memref<64x768xf32, #tpu.memory_space<vmem>>) target_semaphore(%dma_start3A_478 : memref<!tpu.dma_semaphore, #tpu.memory_space<semaphore_mem>>)
    %dma_wait3A_485 = arith.constant 1 : i32
    %dma_wait3A_486 = arith.constant 1 : i32
    %dma_wait3A_487 = arith.constant 0 : i32
    %dma_wait3A_488 = arith.constant 0 : i32
    %dma_wait3A_489 = tpu.memref_slice %arg6[%dma_wait3A_485, %dma_wait3A_487, %dma_wait3A_488] : memref<2x64x768xf32, #tpu.memory_space<vmem>> -> memref<1x64x768xf32, #tpu.memory_space<vmem>>
    %dma_wait3A_490 = tpu.memref_squeeze %dma_wait3A_489 : memref<1x64x768xf32, #tpu.memory_space<vmem>> -> memref<64x768xf32, #tpu.memory_space<vmem>>
    %dma_wait3A_491 = arith.constant 0 : i32
    %dma_wait3A_492 = tpu.memref_slice %arg2[%add3A_404, %dma_wait3A_491] : memref<32768x768xf32, #tpu.memory_space<hbm>> -> memref<64x768xf32, #tpu.memory_space<hbm>>
    %dma_wait3A_493 = tpu.memref_slice %arg7[%dma_wait3A_486] : memref<2x!tpu.dma_semaphore, #tpu.memory_space<semaphore_mem>> -> memref<1x!tpu.dma_semaphore, #tpu.memory_space<semaphore_mem>>
    %dma_wait3A_494 = tpu.memref_squeeze %dma_wait3A_493 : memref<1x!tpu.dma_semaphore, #tpu.memory_space<semaphore_mem>> -> memref<!tpu.dma_semaphore, #tpu.memory_space<semaphore_mem>>
    %dma_wait3A_495 = arith.constant 0 : i32
    %dma_wait3A_496 = arith.constant 0 : i32
    %dma_wait3A_497 = tpu.memref_slice %arg6[%dma_wait3A_485, %dma_wait3A_495, %dma_wait3A_496] : memref<2x64x768xf32, #tpu.memory_space<vmem>> -> memref<1x64x768xf32, #tpu.memory_space<vmem>>
    %dma_wait3A_498 = tpu.memref_squeeze %dma_wait3A_497 : memref<1x64x768xf32, #tpu.memory_space<vmem>> -> memref<64x768xf32, #tpu.memory_space<vmem>>
    %dma_wait3A_499 = arith.constant 0 : i32
    %dma_wait3A_500 = tpu.memref_slice %arg2[%add3A_404, %dma_wait3A_499] : memref<32768x768xf32, #tpu.memory_space<hbm>> -> memref<64x768xf32, #tpu.memory_space<hbm>>
    tpu.wait_dma2 semaphore(%dma_wait3A_494 : memref<!tpu.dma_semaphore, #tpu.memory_space<semaphore_mem>>) src(%dma_wait3A_500 : memref<64x768xf32, #tpu.memory_space<hbm>>) dst(%dma_wait3A_498 : memref<64x768xf32, #tpu.memory_space<vmem>>)
    %dma_start3A_501 = arith.constant 1 : i32
    %dma_start3A_502 = arith.constant 7 : i32
    %dma_start3A_503 = arith.constant 1 : i32
    %dma_start3A_504 = arith.constant 0 : i32
    %dma_start3A_505 = arith.constant 0 : i32
    %dma_start3A_506 = tpu.memref_slice %arg6[%dma_start3A_501, %dma_start3A_504, %dma_start3A_505] : memref<2x64x768xf32, #tpu.memory_space<vmem>> -> memref<1x64x768xf32, #tpu.memory_space<vmem>>
    %dma_start3A_507 = tpu.memref_squeeze %dma_start3A_506 : memref<1x64x768xf32, #tpu.memory_space<vmem>> -> memref<64x768xf32, #tpu.memory_space<vmem>>
    %dma_start3A_508 = arith.constant 0 : i32
    %dma_start3A_509 = tpu.memref_slice %arg5[%dma_start3A_502, %dma_start3A_508] : memref<16x64xi32, #tpu.memory_space<vmem>> -> memref<1x64xi32, #tpu.memory_space<vmem>>
    %dma_start3A_510 = tpu.memref_squeeze %dma_start3A_509 : memref<1x64xi32, #tpu.memory_space<vmem>> -> memref<64xi32, #tpu.memory_space<vmem>>
    %dma_start3A_511 = arith.constant 0 : i32
    %dma_start3A_512 = arith.constant 0 : i32
    %dma_start3A_513 = tpu.memref_slice %arg4[%dma_start3A_511, %dma_start3A_512] : memref<36864x768xf32, #tpu.memory_space<hbm>> -> memref<36864x768xf32, #tpu.memory_space<hbm>>
    %dma_start3A_514 = tpu.memref_slice %arg8[%dma_start3A_503] : memref<2x!tpu.dma_semaphore, #tpu.memory_space<semaphore_mem>> -> memref<1x!tpu.dma_semaphore, #tpu.memory_space<semaphore_mem>>
    %dma_start3A_515 = tpu.memref_squeeze %dma_start3A_514 : memref<1x!tpu.dma_semaphore, #tpu.memory_space<semaphore_mem>> -> memref<!tpu.dma_semaphore, #tpu.memory_space<semaphore_mem>>
    tpu.enqueue_indirect_dma source(%dma_start3A_507 : memref<64x768xf32, #tpu.memory_space<vmem>>) target(%dma_start3A_513 : memref<36864x768xf32, #tpu.memory_space<hbm>>) offsets(%dma_start3A_510 : memref<64xi32, #tpu.memory_space<vmem>>) semaphore(%dma_start3A_515 : memref<!tpu.dma_semaphore, #tpu.memory_space<semaphore_mem>>)
    %dma_wait3A_516 = arith.constant 1 : i32
    %dma_wait3A_517 = arith.constant 7 : i32
    %dma_wait3A_518 = arith.constant 1 : i32
    %dma_wait3A_519 = arith.constant 0 : i32
    %dma_wait3A_520 = arith.constant 0 : i32
    %dma_wait3A_521 = tpu.memref_slice %arg6[%dma_wait3A_516, %dma_wait3A_519, %dma_wait3A_520] : memref<2x64x768xf32, #tpu.memory_space<vmem>> -> memref<1x64x768xf32, #tpu.memory_space<vmem>>
    %dma_wait3A_522 = tpu.memref_squeeze %dma_wait3A_521 : memref<1x64x768xf32, #tpu.memory_space<vmem>> -> memref<64x768xf32, #tpu.memory_space<vmem>>
    %dma_wait3A_523 = arith.constant 0 : i32
    %dma_wait3A_524 = tpu.memref_slice %arg5[%dma_wait3A_517, %dma_wait3A_523] : memref<16x64xi32, #tpu.memory_space<vmem>> -> memref<1x64xi32, #tpu.memory_space<vmem>>
    %dma_wait3A_525 = tpu.memref_squeeze %dma_wait3A_524 : memref<1x64xi32, #tpu.memory_space<vmem>> -> memref<64xi32, #tpu.memory_space<vmem>>
    %dma_wait3A_526 = arith.constant 0 : i32
    %dma_wait3A_527 = arith.constant 0 : i32
    %dma_wait3A_528 = tpu.memref_slice %arg4[%dma_wait3A_526, %dma_wait3A_527] : memref<36864x768xf32, #tpu.memory_space<hbm>> -> memref<36864x768xf32, #tpu.memory_space<hbm>>
    %dma_wait3A_529 = tpu.memref_slice %arg8[%dma_wait3A_518] : memref<2x!tpu.dma_semaphore, #tpu.memory_space<semaphore_mem>> -> memref<1x!tpu.dma_semaphore, #tpu.memory_space<semaphore_mem>>
    %dma_wait3A_530 = tpu.memref_squeeze %dma_wait3A_529 : memref<1x!tpu.dma_semaphore, #tpu.memory_space<semaphore_mem>> -> memref<!tpu.dma_semaphore, #tpu.memory_space<semaphore_mem>>
    tpu.wait_indirect_dma semaphore(%dma_wait3A_530 : memref<!tpu.dma_semaphore, #tpu.memory_space<semaphore_mem>>) src(%dma_wait3A_522 : memref<64x768xf32, #tpu.memory_space<vmem>>) dst(%dma_wait3A_528 : memref<36864x768xf32, #tpu.memory_space<hbm>>)
    %add3A_531 = arith.constant 576 : i32
    %add3A_532 = arith.addi %multiple_of3A, %add3A_531 : i32
    %dma_start3A_533 = arith.constant 1 : i32
    %dma_start3A_534 = arith.constant 1 : i32
    %dma_start3A_535 = arith.constant 0 : i32
    %dma_start3A_536 = arith.constant 0 : i32
    %dma_start3A_537 = tpu.memref_slice %arg6[%dma_start3A_533, %dma_start3A_535, %dma_start3A_536] : memref<2x64x768xf32, #tpu.memory_space<vmem>> -> memref<1x64x768xf32, #tpu.memory_space<vmem>>
    %dma_start3A_538 = tpu.memref_squeeze %dma_start3A_537 : memref<1x64x768xf32, #tpu.memory_space<vmem>> -> memref<64x768xf32, #tpu.memory_space<vmem>>
    %dma_start3A_539 = arith.constant 0 : i32
    %dma_start3A_540 = tpu.memref_slice %arg2[%add3A_532, %dma_start3A_539] : memref<32768x768xf32, #tpu.memory_space<hbm>> -> memref<64x768xf32, #tpu.memory_space<hbm>>
    %dma_start3A_541 = tpu.memref_slice %arg7[%dma_start3A_534] : memref<2x!tpu.dma_semaphore, #tpu.memory_space<semaphore_mem>> -> memref<1x!tpu.dma_semaphore, #tpu.memory_space<semaphore_mem>>
    %dma_start3A_542 = tpu.memref_squeeze %dma_start3A_541 : memref<1x!tpu.dma_semaphore, #tpu.memory_space<semaphore_mem>> -> memref<!tpu.dma_semaphore, #tpu.memory_space<semaphore_mem>>
    %dma_start3A_543 = arith.constant 0 : i32
    %dma_start3A_544 = arith.constant 0 : i32
    %dma_start3A_545 = tpu.memref_slice %arg6[%dma_start3A_533, %dma_start3A_543, %dma_start3A_544] : memref<2x64x768xf32, #tpu.memory_space<vmem>> -> memref<1x64x768xf32, #tpu.memory_space<vmem>>
    %dma_start3A_546 = tpu.memref_squeeze %dma_start3A_545 : memref<1x64x768xf32, #tpu.memory_space<vmem>> -> memref<64x768xf32, #tpu.memory_space<vmem>>
    %dma_start3A_547 = arith.constant 0 : i32
    %dma_start3A_548 = tpu.memref_slice %arg2[%add3A_532, %dma_start3A_547] : memref<32768x768xf32, #tpu.memory_space<hbm>> -> memref<64x768xf32, #tpu.memory_space<hbm>>
    tpu.enqueue_dma source(%dma_start3A_548 : memref<64x768xf32, #tpu.memory_space<hbm>>) target(%dma_start3A_546 : memref<64x768xf32, #tpu.memory_space<vmem>>) target_semaphore(%dma_start3A_542 : memref<!tpu.dma_semaphore, #tpu.memory_space<semaphore_mem>>)
    %dma_wait3A_549 = arith.constant 0 : i32
    %dma_wait3A_550 = arith.constant 0 : i32
    %dma_wait3A_551 = arith.constant 0 : i32
    %dma_wait3A_552 = arith.constant 0 : i32
    %dma_wait3A_553 = tpu.memref_slice %arg6[%dma_wait3A_549, %dma_wait3A_551, %dma_wait3A_552] : memref<2x64x768xf32, #tpu.memory_space<vmem>> -> memref<1x64x768xf32, #tpu.memory_space<vmem>>
    %dma_wait3A_554 = tpu.memref_squeeze %dma_wait3A_553 : memref<1x64x768xf32, #tpu.memory_space<vmem>> -> memref<64x768xf32, #tpu.memory_space<vmem>>
    %dma_wait3A_555 = arith.constant 0 : i32
    %dma_wait3A_556 = tpu.memref_slice %arg2[%add3A_468, %dma_wait3A_555] : memref<32768x768xf32, #tpu.memory_space<hbm>> -> memref<64x768xf32, #tpu.memory_space<hbm>>
    %dma_wait3A_557 = tpu.memref_slice %arg7[%dma_wait3A_550] : memref<2x!tpu.dma_semaphore, #tpu.memory_space<semaphore_mem>> -> memref<1x!tpu.dma_semaphore, #tpu.memory_space<semaphore_mem>>
    %dma_wait3A_558 = tpu.memref_squeeze %dma_wait3A_557 : memref<1x!tpu.dma_semaphore, #tpu.memory_space<semaphore_mem>> -> memref<!tpu.dma_semaphore, #tpu.memory_space<semaphore_mem>>
    %dma_wait3A_559 = arith.constant 0 : i32
    %dma_wait3A_560 = arith.constant 0 : i32
    %dma_wait3A_561 = tpu.memref_slice %arg6[%dma_wait3A_549, %dma_wait3A_559, %dma_wait3A_560] : memref<2x64x768xf32, #tpu.memory_space<vmem>> -> memref<1x64x768xf32, #tpu.memory_space<vmem>>
    %dma_wait3A_562 = tpu.memref_squeeze %dma_wait3A_561 : memref<1x64x768xf32, #tpu.memory_space<vmem>> -> memref<64x768xf32, #tpu.memory_space<vmem>>
    %dma_wait3A_563 = arith.constant 0 : i32
    %dma_wait3A_564 = tpu.memref_slice %arg2[%add3A_468, %dma_wait3A_563] : memref<32768x768xf32, #tpu.memory_space<hbm>> -> memref<64x768xf32, #tpu.memory_space<hbm>>
    tpu.wait_dma2 semaphore(%dma_wait3A_558 : memref<!tpu.dma_semaphore, #tpu.memory_space<semaphore_mem>>) src(%dma_wait3A_564 : memref<64x768xf32, #tpu.memory_space<hbm>>) dst(%dma_wait3A_562 : memref<64x768xf32, #tpu.memory_space<vmem>>)
    %dma_start3A_565 = arith.constant 0 : i32
    %dma_start3A_566 = arith.constant 8 : i32
    %dma_start3A_567 = arith.constant 0 : i32
    %dma_start3A_568 = arith.constant 0 : i32
    %dma_start3A_569 = arith.constant 0 : i32
    %dma_start3A_570 = tpu.memref_slice %arg6[%dma_start3A_565, %dma_start3A_568, %dma_start3A_569] : memref<2x64x768xf32, #tpu.memory_space<vmem>> -> memref<1x64x768xf32, #tpu.memory_space<vmem>>
    %dma_start3A_571 = tpu.memref_squeeze %dma_start3A_570 : memref<1x64x768xf32, #tpu.memory_space<vmem>> -> memref<64x768xf32, #tpu.memory_space<vmem>>
    %dma_start3A_572 = arith.constant 0 : i32
    %dma_start3A_573 = tpu.memref_slice %arg5[%dma_start3A_566, %dma_start3A_572] : memref<16x64xi32, #tpu.memory_space<vmem>> -> memref<1x64xi32, #tpu.memory_space<vmem>>
    %dma_start3A_574 = tpu.memref_squeeze %dma_start3A_573 : memref<1x64xi32, #tpu.memory_space<vmem>> -> memref<64xi32, #tpu.memory_space<vmem>>
    %dma_start3A_575 = arith.constant 0 : i32
    %dma_start3A_576 = arith.constant 0 : i32
    %dma_start3A_577 = tpu.memref_slice %arg4[%dma_start3A_575, %dma_start3A_576] : memref<36864x768xf32, #tpu.memory_space<hbm>> -> memref<36864x768xf32, #tpu.memory_space<hbm>>
    %dma_start3A_578 = tpu.memref_slice %arg8[%dma_start3A_567] : memref<2x!tpu.dma_semaphore, #tpu.memory_space<semaphore_mem>> -> memref<1x!tpu.dma_semaphore, #tpu.memory_space<semaphore_mem>>
    %dma_start3A_579 = tpu.memref_squeeze %dma_start3A_578 : memref<1x!tpu.dma_semaphore, #tpu.memory_space<semaphore_mem>> -> memref<!tpu.dma_semaphore, #tpu.memory_space<semaphore_mem>>
    tpu.enqueue_indirect_dma source(%dma_start3A_571 : memref<64x768xf32, #tpu.memory_space<vmem>>) target(%dma_start3A_577 : memref<36864x768xf32, #tpu.memory_space<hbm>>) offsets(%dma_start3A_574 : memref<64xi32, #tpu.memory_space<vmem>>) semaphore(%dma_start3A_579 : memref<!tpu.dma_semaphore, #tpu.memory_space<semaphore_mem>>)
    %dma_wait3A_580 = arith.constant 0 : i32
    %dma_wait3A_581 = arith.constant 8 : i32
    %dma_wait3A_582 = arith.constant 0 : i32
    %dma_wait3A_583 = arith.constant 0 : i32
    %dma_wait3A_584 = arith.constant 0 : i32
    %dma_wait3A_585 = tpu.memref_slice %arg6[%dma_wait3A_580, %dma_wait3A_583, %dma_wait3A_584] : memref<2x64x768xf32, #tpu.memory_space<vmem>> -> memref<1x64x768xf32, #tpu.memory_space<vmem>>
    %dma_wait3A_586 = tpu.memref_squeeze %dma_wait3A_585 : memref<1x64x768xf32, #tpu.memory_space<vmem>> -> memref<64x768xf32, #tpu.memory_space<vmem>>
    %dma_wait3A_587 = arith.constant 0 : i32
    %dma_wait3A_588 = tpu.memref_slice %arg5[%dma_wait3A_581, %dma_wait3A_587] : memref<16x64xi32, #tpu.memory_space<vmem>> -> memref<1x64xi32, #tpu.memory_space<vmem>>
    %dma_wait3A_589 = tpu.memref_squeeze %dma_wait3A_588 : memref<1x64xi32, #tpu.memory_space<vmem>> -> memref<64xi32, #tpu.memory_space<vmem>>
    %dma_wait3A_590 = arith.constant 0 : i32
    %dma_wait3A_591 = arith.constant 0 : i32
    %dma_wait3A_592 = tpu.memref_slice %arg4[%dma_wait3A_590, %dma_wait3A_591] : memref<36864x768xf32, #tpu.memory_space<hbm>> -> memref<36864x768xf32, #tpu.memory_space<hbm>>
    %dma_wait3A_593 = tpu.memref_slice %arg8[%dma_wait3A_582] : memref<2x!tpu.dma_semaphore, #tpu.memory_space<semaphore_mem>> -> memref<1x!tpu.dma_semaphore, #tpu.memory_space<semaphore_mem>>
    %dma_wait3A_594 = tpu.memref_squeeze %dma_wait3A_593 : memref<1x!tpu.dma_semaphore, #tpu.memory_space<semaphore_mem>> -> memref<!tpu.dma_semaphore, #tpu.memory_space<semaphore_mem>>
    tpu.wait_indirect_dma semaphore(%dma_wait3A_594 : memref<!tpu.dma_semaphore, #tpu.memory_space<semaphore_mem>>) src(%dma_wait3A_586 : memref<64x768xf32, #tpu.memory_space<vmem>>) dst(%dma_wait3A_592 : memref<36864x768xf32, #tpu.memory_space<hbm>>)
    %add3A_595 = arith.constant 640 : i32
    %add3A_596 = arith.addi %multiple_of3A, %add3A_595 : i32
    %dma_start3A_597 = arith.constant 0 : i32
    %dma_start3A_598 = arith.constant 0 : i32
    %dma_start3A_599 = arith.constant 0 : i32
    %dma_start3A_600 = arith.constant 0 : i32
    %dma_start3A_601 = tpu.memref_slice %arg6[%dma_start3A_597, %dma_start3A_599, %dma_start3A_600] : memref<2x64x768xf32, #tpu.memory_space<vmem>> -> memref<1x64x768xf32, #tpu.memory_space<vmem>>
    %dma_start3A_602 = tpu.memref_squeeze %dma_start3A_601 : memref<1x64x768xf32, #tpu.memory_space<vmem>> -> memref<64x768xf32, #tpu.memory_space<vmem>>
    %dma_start3A_603 = arith.constant 0 : i32
    %dma_start3A_604 = tpu.memref_slice %arg2[%add3A_596, %dma_start3A_603] : memref<32768x768xf32, #tpu.memory_space<hbm>> -> memref<64x768xf32, #tpu.memory_space<hbm>>
    %dma_start3A_605 = tpu.memref_slice %arg7[%dma_start3A_598] : memref<2x!tpu.dma_semaphore, #tpu.memory_space<semaphore_mem>> -> memref<1x!tpu.dma_semaphore, #tpu.memory_space<semaphore_mem>>
    %dma_start3A_606 = tpu.memref_squeeze %dma_start3A_605 : memref<1x!tpu.dma_semaphore, #tpu.memory_space<semaphore_mem>> -> memref<!tpu.dma_semaphore, #tpu.memory_space<semaphore_mem>>
    %dma_start3A_607 = arith.constant 0 : i32
    %dma_start3A_608 = arith.constant 0 : i32
    %dma_start3A_609 = tpu.memref_slice %arg6[%dma_start3A_597, %dma_start3A_607, %dma_start3A_608] : memref<2x64x768xf32, #tpu.memory_space<vmem>> -> memref<1x64x768xf32, #tpu.memory_space<vmem>>
    %dma_start3A_610 = tpu.memref_squeeze %dma_start3A_609 : memref<1x64x768xf32, #tpu.memory_space<vmem>> -> memref<64x768xf32, #tpu.memory_space<vmem>>
    %dma_start3A_611 = arith.constant 0 : i32
    %dma_start3A_612 = tpu.memref_slice %arg2[%add3A_596, %dma_start3A_611] : memref<32768x768xf32, #tpu.memory_space<hbm>> -> memref<64x768xf32, #tpu.memory_space<hbm>>
    tpu.enqueue_dma source(%dma_start3A_612 : memref<64x768xf32, #tpu.memory_space<hbm>>) target(%dma_start3A_610 : memref<64x768xf32, #tpu.memory_space<vmem>>) target_semaphore(%dma_start3A_606 : memref<!tpu.dma_semaphore, #tpu.memory_space<semaphore_mem>>)
    %dma_wait3A_613 = arith.constant 1 : i32
    %dma_wait3A_614 = arith.constant 1 : i32
    %dma_wait3A_615 = arith.constant 0 : i32
    %dma_wait3A_616 = arith.constant 0 : i32
    %dma_wait3A_617 = tpu.memref_slice %arg6[%dma_wait3A_613, %dma_wait3A_615, %dma_wait3A_616] : memref<2x64x768xf32, #tpu.memory_space<vmem>> -> memref<1x64x768xf32, #tpu.memory_space<vmem>>
    %dma_wait3A_618 = tpu.memref_squeeze %dma_wait3A_617 : memref<1x64x768xf32, #tpu.memory_space<vmem>> -> memref<64x768xf32, #tpu.memory_space<vmem>>
    %dma_wait3A_619 = arith.constant 0 : i32
    %dma_wait3A_620 = tpu.memref_slice %arg2[%add3A_532, %dma_wait3A_619] : memref<32768x768xf32, #tpu.memory_space<hbm>> -> memref<64x768xf32, #tpu.memory_space<hbm>>
    %dma_wait3A_621 = tpu.memref_slice %arg7[%dma_wait3A_614] : memref<2x!tpu.dma_semaphore, #tpu.memory_space<semaphore_mem>> -> memref<1x!tpu.dma_semaphore, #tpu.memory_space<semaphore_mem>>
    %dma_wait3A_622 = tpu.memref_squeeze %dma_wait3A_621 : memref<1x!tpu.dma_semaphore, #tpu.memory_space<semaphore_mem>> -> memref<!tpu.dma_semaphore, #tpu.memory_space<semaphore_mem>>
    %dma_wait3A_623 = arith.constant 0 : i32
    %dma_wait3A_624 = arith.constant 0 : i32
    %dma_wait3A_625 = tpu.memref_slice %arg6[%dma_wait3A_613, %dma_wait3A_623, %dma_wait3A_624] : memref<2x64x768xf32, #tpu.memory_space<vmem>> -> memref<1x64x768xf32, #tpu.memory_space<vmem>>
    %dma_wait3A_626 = tpu.memref_squeeze %dma_wait3A_625 : memref<1x64x768xf32, #tpu.memory_space<vmem>> -> memref<64x768xf32, #tpu.memory_space<vmem>>
    %dma_wait3A_627 = arith.constant 0 : i32
    %dma_wait3A_628 = tpu.memref_slice %arg2[%add3A_532, %dma_wait3A_627] : memref<32768x768xf32, #tpu.memory_space<hbm>> -> memref<64x768xf32, #tpu.memory_space<hbm>>
    tpu.wait_dma2 semaphore(%dma_wait3A_622 : memref<!tpu.dma_semaphore, #tpu.memory_space<semaphore_mem>>) src(%dma_wait3A_628 : memref<64x768xf32, #tpu.memory_space<hbm>>) dst(%dma_wait3A_626 : memref<64x768xf32, #tpu.memory_space<vmem>>)
    %dma_start3A_629 = arith.constant 1 : i32
    %dma_start3A_630 = arith.constant 9 : i32
    %dma_start3A_631 = arith.constant 1 : i32
    %dma_start3A_632 = arith.constant 0 : i32
    %dma_start3A_633 = arith.constant 0 : i32
    %dma_start3A_634 = tpu.memref_slice %arg6[%dma_start3A_629, %dma_start3A_632, %dma_start3A_633] : memref<2x64x768xf32, #tpu.memory_space<vmem>> -> memref<1x64x768xf32, #tpu.memory_space<vmem>>
    %dma_start3A_635 = tpu.memref_squeeze %dma_start3A_634 : memref<1x64x768xf32, #tpu.memory_space<vmem>> -> memref<64x768xf32, #tpu.memory_space<vmem>>
    %dma_start3A_636 = arith.constant 0 : i32
    %dma_start3A_637 = tpu.memref_slice %arg5[%dma_start3A_630, %dma_start3A_636] : memref<16x64xi32, #tpu.memory_space<vmem>> -> memref<1x64xi32, #tpu.memory_space<vmem>>
    %dma_start3A_638 = tpu.memref_squeeze %dma_start3A_637 : memref<1x64xi32, #tpu.memory_space<vmem>> -> memref<64xi32, #tpu.memory_space<vmem>>
    %dma_start3A_639 = arith.constant 0 : i32
    %dma_start3A_640 = arith.constant 0 : i32
    %dma_start3A_641 = tpu.memref_slice %arg4[%dma_start3A_639, %dma_start3A_640] : memref<36864x768xf32, #tpu.memory_space<hbm>> -> memref<36864x768xf32, #tpu.memory_space<hbm>>
    %dma_start3A_642 = tpu.memref_slice %arg8[%dma_start3A_631] : memref<2x!tpu.dma_semaphore, #tpu.memory_space<semaphore_mem>> -> memref<1x!tpu.dma_semaphore, #tpu.memory_space<semaphore_mem>>
    %dma_start3A_643 = tpu.memref_squeeze %dma_start3A_642 : memref<1x!tpu.dma_semaphore, #tpu.memory_space<semaphore_mem>> -> memref<!tpu.dma_semaphore, #tpu.memory_space<semaphore_mem>>
    tpu.enqueue_indirect_dma source(%dma_start3A_635 : memref<64x768xf32, #tpu.memory_space<vmem>>) target(%dma_start3A_641 : memref<36864x768xf32, #tpu.memory_space<hbm>>) offsets(%dma_start3A_638 : memref<64xi32, #tpu.memory_space<vmem>>) semaphore(%dma_start3A_643 : memref<!tpu.dma_semaphore, #tpu.memory_space<semaphore_mem>>)
    %dma_wait3A_644 = arith.constant 1 : i32
    %dma_wait3A_645 = arith.constant 9 : i32
    %dma_wait3A_646 = arith.constant 1 : i32
    %dma_wait3A_647 = arith.constant 0 : i32
    %dma_wait3A_648 = arith.constant 0 : i32
    %dma_wait3A_649 = tpu.memref_slice %arg6[%dma_wait3A_644, %dma_wait3A_647, %dma_wait3A_648] : memref<2x64x768xf32, #tpu.memory_space<vmem>> -> memref<1x64x768xf32, #tpu.memory_space<vmem>>
    %dma_wait3A_650 = tpu.memref_squeeze %dma_wait3A_649 : memref<1x64x768xf32, #tpu.memory_space<vmem>> -> memref<64x768xf32, #tpu.memory_space<vmem>>
    %dma_wait3A_651 = arith.constant 0 : i32
    %dma_wait3A_652 = tpu.memref_slice %arg5[%dma_wait3A_645, %dma_wait3A_651] : memref<16x64xi32, #tpu.memory_space<vmem>> -> memref<1x64xi32, #tpu.memory_space<vmem>>
    %dma_wait3A_653 = tpu.memref_squeeze %dma_wait3A_652 : memref<1x64xi32, #tpu.memory_space<vmem>> -> memref<64xi32, #tpu.memory_space<vmem>>
    %dma_wait3A_654 = arith.constant 0 : i32
    %dma_wait3A_655 = arith.constant 0 : i32
    %dma_wait3A_656 = tpu.memref_slice %arg4[%dma_wait3A_654, %dma_wait3A_655] : memref<36864x768xf32, #tpu.memory_space<hbm>> -> memref<36864x768xf32, #tpu.memory_space<hbm>>
    %dma_wait3A_657 = tpu.memref_slice %arg8[%dma_wait3A_646] : memref<2x!tpu.dma_semaphore, #tpu.memory_space<semaphore_mem>> -> memref<1x!tpu.dma_semaphore, #tpu.memory_space<semaphore_mem>>
    %dma_wait3A_658 = tpu.memref_squeeze %dma_wait3A_657 : memref<1x!tpu.dma_semaphore, #tpu.memory_space<semaphore_mem>> -> memref<!tpu.dma_semaphore, #tpu.memory_space<semaphore_mem>>
    tpu.wait_indirect_dma semaphore(%dma_wait3A_658 : memref<!tpu.dma_semaphore, #tpu.memory_space<semaphore_mem>>) src(%dma_wait3A_650 : memref<64x768xf32, #tpu.memory_space<vmem>>) dst(%dma_wait3A_656 : memref<36864x768xf32, #tpu.memory_space<hbm>>)
    %add3A_659 = arith.constant 704 : i32
    %add3A_660 = arith.addi %multiple_of3A, %add3A_659 : i32
    %dma_start3A_661 = arith.constant 1 : i32
    %dma_start3A_662 = arith.constant 1 : i32
    %dma_start3A_663 = arith.constant 0 : i32
    %dma_start3A_664 = arith.constant 0 : i32
    %dma_start3A_665 = tpu.memref_slice %arg6[%dma_start3A_661, %dma_start3A_663, %dma_start3A_664] : memref<2x64x768xf32, #tpu.memory_space<vmem>> -> memref<1x64x768xf32, #tpu.memory_space<vmem>>
    %dma_start3A_666 = tpu.memref_squeeze %dma_start3A_665 : memref<1x64x768xf32, #tpu.memory_space<vmem>> -> memref<64x768xf32, #tpu.memory_space<vmem>>
    %dma_start3A_667 = arith.constant 0 : i32
    %dma_start3A_668 = tpu.memref_slice %arg2[%add3A_660, %dma_start3A_667] : memref<32768x768xf32, #tpu.memory_space<hbm>> -> memref<64x768xf32, #tpu.memory_space<hbm>>
    %dma_start3A_669 = tpu.memref_slice %arg7[%dma_start3A_662] : memref<2x!tpu.dma_semaphore, #tpu.memory_space<semaphore_mem>> -> memref<1x!tpu.dma_semaphore, #tpu.memory_space<semaphore_mem>>
    %dma_start3A_670 = tpu.memref_squeeze %dma_start3A_669 : memref<1x!tpu.dma_semaphore, #tpu.memory_space<semaphore_mem>> -> memref<!tpu.dma_semaphore, #tpu.memory_space<semaphore_mem>>
    %dma_start3A_671 = arith.constant 0 : i32
    %dma_start3A_672 = arith.constant 0 : i32
    %dma_start3A_673 = tpu.memref_slice %arg6[%dma_start3A_661, %dma_start3A_671, %dma_start3A_672] : memref<2x64x768xf32, #tpu.memory_space<vmem>> -> memref<1x64x768xf32, #tpu.memory_space<vmem>>
    %dma_start3A_674 = tpu.memref_squeeze %dma_start3A_673 : memref<1x64x768xf32, #tpu.memory_space<vmem>> -> memref<64x768xf32, #tpu.memory_space<vmem>>
    %dma_start3A_675 = arith.constant 0 : i32
    %dma_start3A_676 = tpu.memref_slice %arg2[%add3A_660, %dma_start3A_675] : memref<32768x768xf32, #tpu.memory_space<hbm>> -> memref<64x768xf32, #tpu.memory_space<hbm>>
    tpu.enqueue_dma source(%dma_start3A_676 : memref<64x768xf32, #tpu.memory_space<hbm>>) target(%dma_start3A_674 : memref<64x768xf32, #tpu.memory_space<vmem>>) target_semaphore(%dma_start3A_670 : memref<!tpu.dma_semaphore, #tpu.memory_space<semaphore_mem>>)
    %dma_wait3A_677 = arith.constant 0 : i32
    %dma_wait3A_678 = arith.constant 0 : i32
    %dma_wait3A_679 = arith.constant 0 : i32
    %dma_wait3A_680 = arith.constant 0 : i32
    %dma_wait3A_681 = tpu.memref_slice %arg6[%dma_wait3A_677, %dma_wait3A_679, %dma_wait3A_680] : memref<2x64x768xf32, #tpu.memory_space<vmem>> -> memref<1x64x768xf32, #tpu.memory_space<vmem>>
    %dma_wait3A_682 = tpu.memref_squeeze %dma_wait3A_681 : memref<1x64x768xf32, #tpu.memory_space<vmem>> -> memref<64x768xf32, #tpu.memory_space<vmem>>
    %dma_wait3A_683 = arith.constant 0 : i32
    %dma_wait3A_684 = tpu.memref_slice %arg2[%add3A_596, %dma_wait3A_683] : memref<32768x768xf32, #tpu.memory_space<hbm>> -> memref<64x768xf32, #tpu.memory_space<hbm>>
    %dma_wait3A_685 = tpu.memref_slice %arg7[%dma_wait3A_678] : memref<2x!tpu.dma_semaphore, #tpu.memory_space<semaphore_mem>> -> memref<1x!tpu.dma_semaphore, #tpu.memory_space<semaphore_mem>>
    %dma_wait3A_686 = tpu.memref_squeeze %dma_wait3A_685 : memref<1x!tpu.dma_semaphore, #tpu.memory_space<semaphore_mem>> -> memref<!tpu.dma_semaphore, #tpu.memory_space<semaphore_mem>>
    %dma_wait3A_687 = arith.constant 0 : i32
    %dma_wait3A_688 = arith.constant 0 : i32
    %dma_wait3A_689 = tpu.memref_slice %arg6[%dma_wait3A_677, %dma_wait3A_687, %dma_wait3A_688] : memref<2x64x768xf32, #tpu.memory_space<vmem>> -> memref<1x64x768xf32, #tpu.memory_space<vmem>>
    %dma_wait3A_690 = tpu.memref_squeeze %dma_wait3A_689 : memref<1x64x768xf32, #tpu.memory_space<vmem>> -> memref<64x768xf32, #tpu.memory_space<vmem>>
    %dma_wait3A_691 = arith.constant 0 : i32
    %dma_wait3A_692 = tpu.memref_slice %arg2[%add3A_596, %dma_wait3A_691] : memref<32768x768xf32, #tpu.memory_space<hbm>> -> memref<64x768xf32, #tpu.memory_space<hbm>>
    tpu.wait_dma2 semaphore(%dma_wait3A_686 : memref<!tpu.dma_semaphore, #tpu.memory_space<semaphore_mem>>) src(%dma_wait3A_692 : memref<64x768xf32, #tpu.memory_space<hbm>>) dst(%dma_wait3A_690 : memref<64x768xf32, #tpu.memory_space<vmem>>)
    %dma_start3A_693 = arith.constant 0 : i32
    %dma_start3A_694 = arith.constant 10 : i32
    %dma_start3A_695 = arith.constant 0 : i32
    %dma_start3A_696 = arith.constant 0 : i32
    %dma_start3A_697 = arith.constant 0 : i32
    %dma_start3A_698 = tpu.memref_slice %arg6[%dma_start3A_693, %dma_start3A_696, %dma_start3A_697] : memref<2x64x768xf32, #tpu.memory_space<vmem>> -> memref<1x64x768xf32, #tpu.memory_space<vmem>>
    %dma_start3A_699 = tpu.memref_squeeze %dma_start3A_698 : memref<1x64x768xf32, #tpu.memory_space<vmem>> -> memref<64x768xf32, #tpu.memory_space<vmem>>
    %dma_start3A_700 = arith.constant 0 : i32
    %dma_start3A_701 = tpu.memref_slice %arg5[%dma_start3A_694, %dma_start3A_700] : memref<16x64xi32, #tpu.memory_space<vmem>> -> memref<1x64xi32, #tpu.memory_space<vmem>>
    %dma_start3A_702 = tpu.memref_squeeze %dma_start3A_701 : memref<1x64xi32, #tpu.memory_space<vmem>> -> memref<64xi32, #tpu.memory_space<vmem>>
    %dma_start3A_703 = arith.constant 0 : i32
    %dma_start3A_704 = arith.constant 0 : i32
    %dma_start3A_705 = tpu.memref_slice %arg4[%dma_start3A_703, %dma_start3A_704] : memref<36864x768xf32, #tpu.memory_space<hbm>> -> memref<36864x768xf32, #tpu.memory_space<hbm>>
    %dma_start3A_706 = tpu.memref_slice %arg8[%dma_start3A_695] : memref<2x!tpu.dma_semaphore, #tpu.memory_space<semaphore_mem>> -> memref<1x!tpu.dma_semaphore, #tpu.memory_space<semaphore_mem>>
    %dma_start3A_707 = tpu.memref_squeeze %dma_start3A_706 : memref<1x!tpu.dma_semaphore, #tpu.memory_space<semaphore_mem>> -> memref<!tpu.dma_semaphore, #tpu.memory_space<semaphore_mem>>
    tpu.enqueue_indirect_dma source(%dma_start3A_699 : memref<64x768xf32, #tpu.memory_space<vmem>>) target(%dma_start3A_705 : memref<36864x768xf32, #tpu.memory_space<hbm>>) offsets(%dma_start3A_702 : memref<64xi32, #tpu.memory_space<vmem>>) semaphore(%dma_start3A_707 : memref<!tpu.dma_semaphore, #tpu.memory_space<semaphore_mem>>)
    %dma_wait3A_708 = arith.constant 0 : i32
    %dma_wait3A_709 = arith.constant 10 : i32
    %dma_wait3A_710 = arith.constant 0 : i32
    %dma_wait3A_711 = arith.constant 0 : i32
    %dma_wait3A_712 = arith.constant 0 : i32
    %dma_wait3A_713 = tpu.memref_slice %arg6[%dma_wait3A_708, %dma_wait3A_711, %dma_wait3A_712] : memref<2x64x768xf32, #tpu.memory_space<vmem>> -> memref<1x64x768xf32, #tpu.memory_space<vmem>>
    %dma_wait3A_714 = tpu.memref_squeeze %dma_wait3A_713 : memref<1x64x768xf32, #tpu.memory_space<vmem>> -> memref<64x768xf32, #tpu.memory_space<vmem>>
    %dma_wait3A_715 = arith.constant 0 : i32
    %dma_wait3A_716 = tpu.memref_slice %arg5[%dma_wait3A_709, %dma_wait3A_715] : memref<16x64xi32, #tpu.memory_space<vmem>> -> memref<1x64xi32, #tpu.memory_space<vmem>>
    %dma_wait3A_717 = tpu.memref_squeeze %dma_wait3A_716 : memref<1x64xi32, #tpu.memory_space<vmem>> -> memref<64xi32, #tpu.memory_space<vmem>>
    %dma_wait3A_718 = arith.constant 0 : i32
    %dma_wait3A_719 = arith.constant 0 : i32
    %dma_wait3A_720 = tpu.memref_slice %arg4[%dma_wait3A_718, %dma_wait3A_719] : memref<36864x768xf32, #tpu.memory_space<hbm>> -> memref<36864x768xf32, #tpu.memory_space<hbm>>
    %dma_wait3A_721 = tpu.memref_slice %arg8[%dma_wait3A_710] : memref<2x!tpu.dma_semaphore, #tpu.memory_space<semaphore_mem>> -> memref<1x!tpu.dma_semaphore, #tpu.memory_space<semaphore_mem>>
    %dma_wait3A_722 = tpu.memref_squeeze %dma_wait3A_721 : memref<1x!tpu.dma_semaphore, #tpu.memory_space<semaphore_mem>> -> memref<!tpu.dma_semaphore, #tpu.memory_space<semaphore_mem>>
    tpu.wait_indirect_dma semaphore(%dma_wait3A_722 : memref<!tpu.dma_semaphore, #tpu.memory_space<semaphore_mem>>) src(%dma_wait3A_714 : memref<64x768xf32, #tpu.memory_space<vmem>>) dst(%dma_wait3A_720 : memref<36864x768xf32, #tpu.memory_space<hbm>>)
    %add3A_723 = arith.constant 768 : i32
    %add3A_724 = arith.addi %multiple_of3A, %add3A_723 : i32
    %dma_start3A_725 = arith.constant 0 : i32
    %dma_start3A_726 = arith.constant 0 : i32
    %dma_start3A_727 = arith.constant 0 : i32
    %dma_start3A_728 = arith.constant 0 : i32
    %dma_start3A_729 = tpu.memref_slice %arg6[%dma_start3A_725, %dma_start3A_727, %dma_start3A_728] : memref<2x64x768xf32, #tpu.memory_space<vmem>> -> memref<1x64x768xf32, #tpu.memory_space<vmem>>
    %dma_start3A_730 = tpu.memref_squeeze %dma_start3A_729 : memref<1x64x768xf32, #tpu.memory_space<vmem>> -> memref<64x768xf32, #tpu.memory_space<vmem>>
    %dma_start3A_731 = arith.constant 0 : i32
    %dma_start3A_732 = tpu.memref_slice %arg2[%add3A_724, %dma_start3A_731] : memref<32768x768xf32, #tpu.memory_space<hbm>> -> memref<64x768xf32, #tpu.memory_space<hbm>>
    %dma_start3A_733 = tpu.memref_slice %arg7[%dma_start3A_726] : memref<2x!tpu.dma_semaphore, #tpu.memory_space<semaphore_mem>> -> memref<1x!tpu.dma_semaphore, #tpu.memory_space<semaphore_mem>>
    %dma_start3A_734 = tpu.memref_squeeze %dma_start3A_733 : memref<1x!tpu.dma_semaphore, #tpu.memory_space<semaphore_mem>> -> memref<!tpu.dma_semaphore, #tpu.memory_space<semaphore_mem>>
    %dma_start3A_735 = arith.constant 0 : i32
    %dma_start3A_736 = arith.constant 0 : i32
    %dma_start3A_737 = tpu.memref_slice %arg6[%dma_start3A_725, %dma_start3A_735, %dma_start3A_736] : memref<2x64x768xf32, #tpu.memory_space<vmem>> -> memref<1x64x768xf32, #tpu.memory_space<vmem>>
    %dma_start3A_738 = tpu.memref_squeeze %dma_start3A_737 : memref<1x64x768xf32, #tpu.memory_space<vmem>> -> memref<64x768xf32, #tpu.memory_space<vmem>>
    %dma_start3A_739 = arith.constant 0 : i32
    %dma_start3A_740 = tpu.memref_slice %arg2[%add3A_724, %dma_start3A_739] : memref<32768x768xf32, #tpu.memory_space<hbm>> -> memref<64x768xf32, #tpu.memory_space<hbm>>
    tpu.enqueue_dma source(%dma_start3A_740 : memref<64x768xf32, #tpu.memory_space<hbm>>) target(%dma_start3A_738 : memref<64x768xf32, #tpu.memory_space<vmem>>) target_semaphore(%dma_start3A_734 : memref<!tpu.dma_semaphore, #tpu.memory_space<semaphore_mem>>)
    %dma_wait3A_741 = arith.constant 1 : i32
    %dma_wait3A_742 = arith.constant 1 : i32
    %dma_wait3A_743 = arith.constant 0 : i32
    %dma_wait3A_744 = arith.constant 0 : i32
    %dma_wait3A_745 = tpu.memref_slice %arg6[%dma_wait3A_741, %dma_wait3A_743, %dma_wait3A_744] : memref<2x64x768xf32, #tpu.memory_space<vmem>> -> memref<1x64x768xf32, #tpu.memory_space<vmem>>
    %dma_wait3A_746 = tpu.memref_squeeze %dma_wait3A_745 : memref<1x64x768xf32, #tpu.memory_space<vmem>> -> memref<64x768xf32, #tpu.memory_space<vmem>>
    %dma_wait3A_747 = arith.constant 0 : i32
    %dma_wait3A_748 = tpu.memref_slice %arg2[%add3A_660, %dma_wait3A_747] : memref<32768x768xf32, #tpu.memory_space<hbm>> -> memref<64x768xf32, #tpu.memory_space<hbm>>
    %dma_wait3A_749 = tpu.memref_slice %arg7[%dma_wait3A_742] : memref<2x!tpu.dma_semaphore, #tpu.memory_space<semaphore_mem>> -> memref<1x!tpu.dma_semaphore, #tpu.memory_space<semaphore_mem>>
    %dma_wait3A_750 = tpu.memref_squeeze %dma_wait3A_749 : memref<1x!tpu.dma_semaphore, #tpu.memory_space<semaphore_mem>> -> memref<!tpu.dma_semaphore, #tpu.memory_space<semaphore_mem>>
    %dma_wait3A_751 = arith.constant 0 : i32
    %dma_wait3A_752 = arith.constant 0 : i32
    %dma_wait3A_753 = tpu.memref_slice %arg6[%dma_wait3A_741, %dma_wait3A_751, %dma_wait3A_752] : memref<2x64x768xf32, #tpu.memory_space<vmem>> -> memref<1x64x768xf32, #tpu.memory_space<vmem>>
    %dma_wait3A_754 = tpu.memref_squeeze %dma_wait3A_753 : memref<1x64x768xf32, #tpu.memory_space<vmem>> -> memref<64x768xf32, #tpu.memory_space<vmem>>
    %dma_wait3A_755 = arith.constant 0 : i32
    %dma_wait3A_756 = tpu.memref_slice %arg2[%add3A_660, %dma_wait3A_755] : memref<32768x768xf32, #tpu.memory_space<hbm>> -> memref<64x768xf32, #tpu.memory_space<hbm>>
    tpu.wait_dma2 semaphore(%dma_wait3A_750 : memref<!tpu.dma_semaphore, #tpu.memory_space<semaphore_mem>>) src(%dma_wait3A_756 : memref<64x768xf32, #tpu.memory_space<hbm>>) dst(%dma_wait3A_754 : memref<64x768xf32, #tpu.memory_space<vmem>>)
    %dma_start3A_757 = arith.constant 1 : i32
    %dma_start3A_758 = arith.constant 11 : i32
    %dma_start3A_759 = arith.constant 1 : i32
    %dma_start3A_760 = arith.constant 0 : i32
    %dma_start3A_761 = arith.constant 0 : i32
    %dma_start3A_762 = tpu.memref_slice %arg6[%dma_start3A_757, %dma_start3A_760, %dma_start3A_761] : memref<2x64x768xf32, #tpu.memory_space<vmem>> -> memref<1x64x768xf32, #tpu.memory_space<vmem>>
    %dma_start3A_763 = tpu.memref_squeeze %dma_start3A_762 : memref<1x64x768xf32, #tpu.memory_space<vmem>> -> memref<64x768xf32, #tpu.memory_space<vmem>>
    %dma_start3A_764 = arith.constant 0 : i32
    %dma_start3A_765 = tpu.memref_slice %arg5[%dma_start3A_758, %dma_start3A_764] : memref<16x64xi32, #tpu.memory_space<vmem>> -> memref<1x64xi32, #tpu.memory_space<vmem>>
    %dma_start3A_766 = tpu.memref_squeeze %dma_start3A_765 : memref<1x64xi32, #tpu.memory_space<vmem>> -> memref<64xi32, #tpu.memory_space<vmem>>
    %dma_start3A_767 = arith.constant 0 : i32
    %dma_start3A_768 = arith.constant 0 : i32
    %dma_start3A_769 = tpu.memref_slice %arg4[%dma_start3A_767, %dma_start3A_768] : memref<36864x768xf32, #tpu.memory_space<hbm>> -> memref<36864x768xf32, #tpu.memory_space<hbm>>
    %dma_start3A_770 = tpu.memref_slice %arg8[%dma_start3A_759] : memref<2x!tpu.dma_semaphore, #tpu.memory_space<semaphore_mem>> -> memref<1x!tpu.dma_semaphore, #tpu.memory_space<semaphore_mem>>
    %dma_start3A_771 = tpu.memref_squeeze %dma_start3A_770 : memref<1x!tpu.dma_semaphore, #tpu.memory_space<semaphore_mem>> -> memref<!tpu.dma_semaphore, #tpu.memory_space<semaphore_mem>>
    tpu.enqueue_indirect_dma source(%dma_start3A_763 : memref<64x768xf32, #tpu.memory_space<vmem>>) target(%dma_start3A_769 : memref<36864x768xf32, #tpu.memory_space<hbm>>) offsets(%dma_start3A_766 : memref<64xi32, #tpu.memory_space<vmem>>) semaphore(%dma_start3A_771 : memref<!tpu.dma_semaphore, #tpu.memory_space<semaphore_mem>>)
    %dma_wait3A_772 = arith.constant 1 : i32
    %dma_wait3A_773 = arith.constant 11 : i32
    %dma_wait3A_774 = arith.constant 1 : i32
    %dma_wait3A_775 = arith.constant 0 : i32
    %dma_wait3A_776 = arith.constant 0 : i32
    %dma_wait3A_777 = tpu.memref_slice %arg6[%dma_wait3A_772, %dma_wait3A_775, %dma_wait3A_776] : memref<2x64x768xf32, #tpu.memory_space<vmem>> -> memref<1x64x768xf32, #tpu.memory_space<vmem>>
    %dma_wait3A_778 = tpu.memref_squeeze %dma_wait3A_777 : memref<1x64x768xf32, #tpu.memory_space<vmem>> -> memref<64x768xf32, #tpu.memory_space<vmem>>
    %dma_wait3A_779 = arith.constant 0 : i32
    %dma_wait3A_780 = tpu.memref_slice %arg5[%dma_wait3A_773, %dma_wait3A_779] : memref<16x64xi32, #tpu.memory_space<vmem>> -> memref<1x64xi32, #tpu.memory_space<vmem>>
    %dma_wait3A_781 = tpu.memref_squeeze %dma_wait3A_780 : memref<1x64xi32, #tpu.memory_space<vmem>> -> memref<64xi32, #tpu.memory_space<vmem>>
    %dma_wait3A_782 = arith.constant 0 : i32
    %dma_wait3A_783 = arith.constant 0 : i32
    %dma_wait3A_784 = tpu.memref_slice %arg4[%dma_wait3A_782, %dma_wait3A_783] : memref<36864x768xf32, #tpu.memory_space<hbm>> -> memref<36864x768xf32, #tpu.memory_space<hbm>>
    %dma_wait3A_785 = tpu.memref_slice %arg8[%dma_wait3A_774] : memref<2x!tpu.dma_semaphore, #tpu.memory_space<semaphore_mem>> -> memref<1x!tpu.dma_semaphore, #tpu.memory_space<semaphore_mem>>
    %dma_wait3A_786 = tpu.memref_squeeze %dma_wait3A_785 : memref<1x!tpu.dma_semaphore, #tpu.memory_space<semaphore_mem>> -> memref<!tpu.dma_semaphore, #tpu.memory_space<semaphore_mem>>
    tpu.wait_indirect_dma semaphore(%dma_wait3A_786 : memref<!tpu.dma_semaphore, #tpu.memory_space<semaphore_mem>>) src(%dma_wait3A_778 : memref<64x768xf32, #tpu.memory_space<vmem>>) dst(%dma_wait3A_784 : memref<36864x768xf32, #tpu.memory_space<hbm>>)
    %add3A_787 = arith.constant 832 : i32
    %add3A_788 = arith.addi %multiple_of3A, %add3A_787 : i32
    %dma_start3A_789 = arith.constant 1 : i32
    %dma_start3A_790 = arith.constant 1 : i32
    %dma_start3A_791 = arith.constant 0 : i32
    %dma_start3A_792 = arith.constant 0 : i32
    %dma_start3A_793 = tpu.memref_slice %arg6[%dma_start3A_789, %dma_start3A_791, %dma_start3A_792] : memref<2x64x768xf32, #tpu.memory_space<vmem>> -> memref<1x64x768xf32, #tpu.memory_space<vmem>>
    %dma_start3A_794 = tpu.memref_squeeze %dma_start3A_793 : memref<1x64x768xf32, #tpu.memory_space<vmem>> -> memref<64x768xf32, #tpu.memory_space<vmem>>
    %dma_start3A_795 = arith.constant 0 : i32
    %dma_start3A_796 = tpu.memref_slice %arg2[%add3A_788, %dma_start3A_795] : memref<32768x768xf32, #tpu.memory_space<hbm>> -> memref<64x768xf32, #tpu.memory_space<hbm>>
    %dma_start3A_797 = tpu.memref_slice %arg7[%dma_start3A_790] : memref<2x!tpu.dma_semaphore, #tpu.memory_space<semaphore_mem>> -> memref<1x!tpu.dma_semaphore, #tpu.memory_space<semaphore_mem>>
    %dma_start3A_798 = tpu.memref_squeeze %dma_start3A_797 : memref<1x!tpu.dma_semaphore, #tpu.memory_space<semaphore_mem>> -> memref<!tpu.dma_semaphore, #tpu.memory_space<semaphore_mem>>
    %dma_start3A_799 = arith.constant 0 : i32
    %dma_start3A_800 = arith.constant 0 : i32
    %dma_start3A_801 = tpu.memref_slice %arg6[%dma_start3A_789, %dma_start3A_799, %dma_start3A_800] : memref<2x64x768xf32, #tpu.memory_space<vmem>> -> memref<1x64x768xf32, #tpu.memory_space<vmem>>
    %dma_start3A_802 = tpu.memref_squeeze %dma_start3A_801 : memref<1x64x768xf32, #tpu.memory_space<vmem>> -> memref<64x768xf32, #tpu.memory_space<vmem>>
    %dma_start3A_803 = arith.constant 0 : i32
    %dma_start3A_804 = tpu.memref_slice %arg2[%add3A_788, %dma_start3A_803] : memref<32768x768xf32, #tpu.memory_space<hbm>> -> memref<64x768xf32, #tpu.memory_space<hbm>>
    tpu.enqueue_dma source(%dma_start3A_804 : memref<64x768xf32, #tpu.memory_space<hbm>>) target(%dma_start3A_802 : memref<64x768xf32, #tpu.memory_space<vmem>>) target_semaphore(%dma_start3A_798 : memref<!tpu.dma_semaphore, #tpu.memory_space<semaphore_mem>>)
    %dma_wait3A_805 = arith.constant 0 : i32
    %dma_wait3A_806 = arith.constant 0 : i32
    %dma_wait3A_807 = arith.constant 0 : i32
    %dma_wait3A_808 = arith.constant 0 : i32
    %dma_wait3A_809 = tpu.memref_slice %arg6[%dma_wait3A_805, %dma_wait3A_807, %dma_wait3A_808] : memref<2x64x768xf32, #tpu.memory_space<vmem>> -> memref<1x64x768xf32, #tpu.memory_space<vmem>>
    %dma_wait3A_810 = tpu.memref_squeeze %dma_wait3A_809 : memref<1x64x768xf32, #tpu.memory_space<vmem>> -> memref<64x768xf32, #tpu.memory_space<vmem>>
    %dma_wait3A_811 = arith.constant 0 : i32
    %dma_wait3A_812 = tpu.memref_slice %arg2[%add3A_724, %dma_wait3A_811] : memref<32768x768xf32, #tpu.memory_space<hbm>> -> memref<64x768xf32, #tpu.memory_space<hbm>>
    %dma_wait3A_813 = tpu.memref_slice %arg7[%dma_wait3A_806] : memref<2x!tpu.dma_semaphore, #tpu.memory_space<semaphore_mem>> -> memref<1x!tpu.dma_semaphore, #tpu.memory_space<semaphore_mem>>
    %dma_wait3A_814 = tpu.memref_squeeze %dma_wait3A_813 : memref<1x!tpu.dma_semaphore, #tpu.memory_space<semaphore_mem>> -> memref<!tpu.dma_semaphore, #tpu.memory_space<semaphore_mem>>
    %dma_wait3A_815 = arith.constant 0 : i32
    %dma_wait3A_816 = arith.constant 0 : i32
    %dma_wait3A_817 = tpu.memref_slice %arg6[%dma_wait3A_805, %dma_wait3A_815, %dma_wait3A_816] : memref<2x64x768xf32, #tpu.memory_space<vmem>> -> memref<1x64x768xf32, #tpu.memory_space<vmem>>
    %dma_wait3A_818 = tpu.memref_squeeze %dma_wait3A_817 : memref<1x64x768xf32, #tpu.memory_space<vmem>> -> memref<64x768xf32, #tpu.memory_space<vmem>>
    %dma_wait3A_819 = arith.constant 0 : i32
    %dma_wait3A_820 = tpu.memref_slice %arg2[%add3A_724, %dma_wait3A_819] : memref<32768x768xf32, #tpu.memory_space<hbm>> -> memref<64x768xf32, #tpu.memory_space<hbm>>
    tpu.wait_dma2 semaphore(%dma_wait3A_814 : memref<!tpu.dma_semaphore, #tpu.memory_space<semaphore_mem>>) src(%dma_wait3A_820 : memref<64x768xf32, #tpu.memory_space<hbm>>) dst(%dma_wait3A_818 : memref<64x768xf32, #tpu.memory_space<vmem>>)
    %dma_start3A_821 = arith.constant 0 : i32
    %dma_start3A_822 = arith.constant 12 : i32
    %dma_start3A_823 = arith.constant 0 : i32
    %dma_start3A_824 = arith.constant 0 : i32
    %dma_start3A_825 = arith.constant 0 : i32
    %dma_start3A_826 = tpu.memref_slice %arg6[%dma_start3A_821, %dma_start3A_824, %dma_start3A_825] : memref<2x64x768xf32, #tpu.memory_space<vmem>> -> memref<1x64x768xf32, #tpu.memory_space<vmem>>
    %dma_start3A_827 = tpu.memref_squeeze %dma_start3A_826 : memref<1x64x768xf32, #tpu.memory_space<vmem>> -> memref<64x768xf32, #tpu.memory_space<vmem>>
    %dma_start3A_828 = arith.constant 0 : i32
    %dma_start3A_829 = tpu.memref_slice %arg5[%dma_start3A_822, %dma_start3A_828] : memref<16x64xi32, #tpu.memory_space<vmem>> -> memref<1x64xi32, #tpu.memory_space<vmem>>
    %dma_start3A_830 = tpu.memref_squeeze %dma_start3A_829 : memref<1x64xi32, #tpu.memory_space<vmem>> -> memref<64xi32, #tpu.memory_space<vmem>>
    %dma_start3A_831 = arith.constant 0 : i32
    %dma_start3A_832 = arith.constant 0 : i32
    %dma_start3A_833 = tpu.memref_slice %arg4[%dma_start3A_831, %dma_start3A_832] : memref<36864x768xf32, #tpu.memory_space<hbm>> -> memref<36864x768xf32, #tpu.memory_space<hbm>>
    %dma_start3A_834 = tpu.memref_slice %arg8[%dma_start3A_823] : memref<2x!tpu.dma_semaphore, #tpu.memory_space<semaphore_mem>> -> memref<1x!tpu.dma_semaphore, #tpu.memory_space<semaphore_mem>>
    %dma_start3A_835 = tpu.memref_squeeze %dma_start3A_834 : memref<1x!tpu.dma_semaphore, #tpu.memory_space<semaphore_mem>> -> memref<!tpu.dma_semaphore, #tpu.memory_space<semaphore_mem>>
    tpu.enqueue_indirect_dma source(%dma_start3A_827 : memref<64x768xf32, #tpu.memory_space<vmem>>) target(%dma_start3A_833 : memref<36864x768xf32, #tpu.memory_space<hbm>>) offsets(%dma_start3A_830 : memref<64xi32, #tpu.memory_space<vmem>>) semaphore(%dma_start3A_835 : memref<!tpu.dma_semaphore, #tpu.memory_space<semaphore_mem>>)
    %dma_wait3A_836 = arith.constant 0 : i32
    %dma_wait3A_837 = arith.constant 12 : i32
    %dma_wait3A_838 = arith.constant 0 : i32
    %dma_wait3A_839 = arith.constant 0 : i32
    %dma_wait3A_840 = arith.constant 0 : i32
    %dma_wait3A_841 = tpu.memref_slice %arg6[%dma_wait3A_836, %dma_wait3A_839, %dma_wait3A_840] : memref<2x64x768xf32, #tpu.memory_space<vmem>> -> memref<1x64x768xf32, #tpu.memory_space<vmem>>
    %dma_wait3A_842 = tpu.memref_squeeze %dma_wait3A_841 : memref<1x64x768xf32, #tpu.memory_space<vmem>> -> memref<64x768xf32, #tpu.memory_space<vmem>>
    %dma_wait3A_843 = arith.constant 0 : i32
    %dma_wait3A_844 = tpu.memref_slice %arg5[%dma_wait3A_837, %dma_wait3A_843] : memref<16x64xi32, #tpu.memory_space<vmem>> -> memref<1x64xi32, #tpu.memory_space<vmem>>
    %dma_wait3A_845 = tpu.memref_squeeze %dma_wait3A_844 : memref<1x64xi32, #tpu.memory_space<vmem>> -> memref<64xi32, #tpu.memory_space<vmem>>
    %dma_wait3A_846 = arith.constant 0 : i32
    %dma_wait3A_847 = arith.constant 0 : i32
    %dma_wait3A_848 = tpu.memref_slice %arg4[%dma_wait3A_846, %dma_wait3A_847] : memref<36864x768xf32, #tpu.memory_space<hbm>> -> memref<36864x768xf32, #tpu.memory_space<hbm>>
    %dma_wait3A_849 = tpu.memref_slice %arg8[%dma_wait3A_838] : memref<2x!tpu.dma_semaphore, #tpu.memory_space<semaphore_mem>> -> memref<1x!tpu.dma_semaphore, #tpu.memory_space<semaphore_mem>>
    %dma_wait3A_850 = tpu.memref_squeeze %dma_wait3A_849 : memref<1x!tpu.dma_semaphore, #tpu.memory_space<semaphore_mem>> -> memref<!tpu.dma_semaphore, #tpu.memory_space<semaphore_mem>>
    tpu.wait_indirect_dma semaphore(%dma_wait3A_850 : memref<!tpu.dma_semaphore, #tpu.memory_space<semaphore_mem>>) src(%dma_wait3A_842 : memref<64x768xf32, #tpu.memory_space<vmem>>) dst(%dma_wait3A_848 : memref<36864x768xf32, #tpu.memory_space<hbm>>)
    %add3A_851 = arith.constant 896 : i32
    %add3A_852 = arith.addi %multiple_of3A, %add3A_851 : i32
    %dma_start3A_853 = arith.constant 0 : i32
    %dma_start3A_854 = arith.constant 0 : i32
    %dma_start3A_855 = arith.constant 0 : i32
    %dma_start3A_856 = arith.constant 0 : i32
    %dma_start3A_857 = tpu.memref_slice %arg6[%dma_start3A_853, %dma_start3A_855, %dma_start3A_856] : memref<2x64x768xf32, #tpu.memory_space<vmem>> -> memref<1x64x768xf32, #tpu.memory_space<vmem>>
    %dma_start3A_858 = tpu.memref_squeeze %dma_start3A_857 : memref<1x64x768xf32, #tpu.memory_space<vmem>> -> memref<64x768xf32, #tpu.memory_space<vmem>>
    %dma_start3A_859 = arith.constant 0 : i32
    %dma_start3A_860 = tpu.memref_slice %arg2[%add3A_852, %dma_start3A_859] : memref<32768x768xf32, #tpu.memory_space<hbm>> -> memref<64x768xf32, #tpu.memory_space<hbm>>
    %dma_start3A_861 = tpu.memref_slice %arg7[%dma_start3A_854] : memref<2x!tpu.dma_semaphore, #tpu.memory_space<semaphore_mem>> -> memref<1x!tpu.dma_semaphore, #tpu.memory_space<semaphore_mem>>
    %dma_start3A_862 = tpu.memref_squeeze %dma_start3A_861 : memref<1x!tpu.dma_semaphore, #tpu.memory_space<semaphore_mem>> -> memref<!tpu.dma_semaphore, #tpu.memory_space<semaphore_mem>>
    %dma_start3A_863 = arith.constant 0 : i32
    %dma_start3A_864 = arith.constant 0 : i32
    %dma_start3A_865 = tpu.memref_slice %arg6[%dma_start3A_853, %dma_start3A_863, %dma_start3A_864] : memref<2x64x768xf32, #tpu.memory_space<vmem>> -> memref<1x64x768xf32, #tpu.memory_space<vmem>>
    %dma_start3A_866 = tpu.memref_squeeze %dma_start3A_865 : memref<1x64x768xf32, #tpu.memory_space<vmem>> -> memref<64x768xf32, #tpu.memory_space<vmem>>
    %dma_start3A_867 = arith.constant 0 : i32
    %dma_start3A_868 = tpu.memref_slice %arg2[%add3A_852, %dma_start3A_867] : memref<32768x768xf32, #tpu.memory_space<hbm>> -> memref<64x768xf32, #tpu.memory_space<hbm>>
    tpu.enqueue_dma source(%dma_start3A_868 : memref<64x768xf32, #tpu.memory_space<hbm>>) target(%dma_start3A_866 : memref<64x768xf32, #tpu.memory_space<vmem>>) target_semaphore(%dma_start3A_862 : memref<!tpu.dma_semaphore, #tpu.memory_space<semaphore_mem>>)
    %dma_wait3A_869 = arith.constant 1 : i32
    %dma_wait3A_870 = arith.constant 1 : i32
    %dma_wait3A_871 = arith.constant 0 : i32
    %dma_wait3A_872 = arith.constant 0 : i32
    %dma_wait3A_873 = tpu.memref_slice %arg6[%dma_wait3A_869, %dma_wait3A_871, %dma_wait3A_872] : memref<2x64x768xf32, #tpu.memory_space<vmem>> -> memref<1x64x768xf32, #tpu.memory_space<vmem>>
    %dma_wait3A_874 = tpu.memref_squeeze %dma_wait3A_873 : memref<1x64x768xf32, #tpu.memory_space<vmem>> -> memref<64x768xf32, #tpu.memory_space<vmem>>
    %dma_wait3A_875 = arith.constant 0 : i32
    %dma_wait3A_876 = tpu.memref_slice %arg2[%add3A_788, %dma_wait3A_875] : memref<32768x768xf32, #tpu.memory_space<hbm>> -> memref<64x768xf32, #tpu.memory_space<hbm>>
    %dma_wait3A_877 = tpu.memref_slice %arg7[%dma_wait3A_870] : memref<2x!tpu.dma_semaphore, #tpu.memory_space<semaphore_mem>> -> memref<1x!tpu.dma_semaphore, #tpu.memory_space<semaphore_mem>>
    %dma_wait3A_878 = tpu.memref_squeeze %dma_wait3A_877 : memref<1x!tpu.dma_semaphore, #tpu.memory_space<semaphore_mem>> -> memref<!tpu.dma_semaphore, #tpu.memory_space<semaphore_mem>>
    %dma_wait3A_879 = arith.constant 0 : i32
    %dma_wait3A_880 = arith.constant 0 : i32
    %dma_wait3A_881 = tpu.memref_slice %arg6[%dma_wait3A_869, %dma_wait3A_879, %dma_wait3A_880] : memref<2x64x768xf32, #tpu.memory_space<vmem>> -> memref<1x64x768xf32, #tpu.memory_space<vmem>>
    %dma_wait3A_882 = tpu.memref_squeeze %dma_wait3A_881 : memref<1x64x768xf32, #tpu.memory_space<vmem>> -> memref<64x768xf32, #tpu.memory_space<vmem>>
    %dma_wait3A_883 = arith.constant 0 : i32
    %dma_wait3A_884 = tpu.memref_slice %arg2[%add3A_788, %dma_wait3A_883] : memref<32768x768xf32, #tpu.memory_space<hbm>> -> memref<64x768xf32, #tpu.memory_space<hbm>>
    tpu.wait_dma2 semaphore(%dma_wait3A_878 : memref<!tpu.dma_semaphore, #tpu.memory_space<semaphore_mem>>) src(%dma_wait3A_884 : memref<64x768xf32, #tpu.memory_space<hbm>>) dst(%dma_wait3A_882 : memref<64x768xf32, #tpu.memory_space<vmem>>)
    %dma_start3A_885 = arith.constant 1 : i32
    %dma_start3A_886 = arith.constant 13 : i32
    %dma_start3A_887 = arith.constant 1 : i32
    %dma_start3A_888 = arith.constant 0 : i32
    %dma_start3A_889 = arith.constant 0 : i32
    %dma_start3A_890 = tpu.memref_slice %arg6[%dma_start3A_885, %dma_start3A_888, %dma_start3A_889] : memref<2x64x768xf32, #tpu.memory_space<vmem>> -> memref<1x64x768xf32, #tpu.memory_space<vmem>>
    %dma_start3A_891 = tpu.memref_squeeze %dma_start3A_890 : memref<1x64x768xf32, #tpu.memory_space<vmem>> -> memref<64x768xf32, #tpu.memory_space<vmem>>
    %dma_start3A_892 = arith.constant 0 : i32
    %dma_start3A_893 = tpu.memref_slice %arg5[%dma_start3A_886, %dma_start3A_892] : memref<16x64xi32, #tpu.memory_space<vmem>> -> memref<1x64xi32, #tpu.memory_space<vmem>>
    %dma_start3A_894 = tpu.memref_squeeze %dma_start3A_893 : memref<1x64xi32, #tpu.memory_space<vmem>> -> memref<64xi32, #tpu.memory_space<vmem>>
    %dma_start3A_895 = arith.constant 0 : i32
    %dma_start3A_896 = arith.constant 0 : i32
    %dma_start3A_897 = tpu.memref_slice %arg4[%dma_start3A_895, %dma_start3A_896] : memref<36864x768xf32, #tpu.memory_space<hbm>> -> memref<36864x768xf32, #tpu.memory_space<hbm>>
    %dma_start3A_898 = tpu.memref_slice %arg8[%dma_start3A_887] : memref<2x!tpu.dma_semaphore, #tpu.memory_space<semaphore_mem>> -> memref<1x!tpu.dma_semaphore, #tpu.memory_space<semaphore_mem>>
    %dma_start3A_899 = tpu.memref_squeeze %dma_start3A_898 : memref<1x!tpu.dma_semaphore, #tpu.memory_space<semaphore_mem>> -> memref<!tpu.dma_semaphore, #tpu.memory_space<semaphore_mem>>
    tpu.enqueue_indirect_dma source(%dma_start3A_891 : memref<64x768xf32, #tpu.memory_space<vmem>>) target(%dma_start3A_897 : memref<36864x768xf32, #tpu.memory_space<hbm>>) offsets(%dma_start3A_894 : memref<64xi32, #tpu.memory_space<vmem>>) semaphore(%dma_start3A_899 : memref<!tpu.dma_semaphore, #tpu.memory_space<semaphore_mem>>)
    %dma_wait3A_900 = arith.constant 1 : i32
    %dma_wait3A_901 = arith.constant 13 : i32
    %dma_wait3A_902 = arith.constant 1 : i32
    %dma_wait3A_903 = arith.constant 0 : i32
    %dma_wait3A_904 = arith.constant 0 : i32
    %dma_wait3A_905 = tpu.memref_slice %arg6[%dma_wait3A_900, %dma_wait3A_903, %dma_wait3A_904] : memref<2x64x768xf32, #tpu.memory_space<vmem>> -> memref<1x64x768xf32, #tpu.memory_space<vmem>>
    %dma_wait3A_906 = tpu.memref_squeeze %dma_wait3A_905 : memref<1x64x768xf32, #tpu.memory_space<vmem>> -> memref<64x768xf32, #tpu.memory_space<vmem>>
    %dma_wait3A_907 = arith.constant 0 : i32
    %dma_wait3A_908 = tpu.memref_slice %arg5[%dma_wait3A_901, %dma_wait3A_907] : memref<16x64xi32, #tpu.memory_space<vmem>> -> memref<1x64xi32, #tpu.memory_space<vmem>>
    %dma_wait3A_909 = tpu.memref_squeeze %dma_wait3A_908 : memref<1x64xi32, #tpu.memory_space<vmem>> -> memref<64xi32, #tpu.memory_space<vmem>>
    %dma_wait3A_910 = arith.constant 0 : i32
    %dma_wait3A_911 = arith.constant 0 : i32
    %dma_wait3A_912 = tpu.memref_slice %arg4[%dma_wait3A_910, %dma_wait3A_911] : memref<36864x768xf32, #tpu.memory_space<hbm>> -> memref<36864x768xf32, #tpu.memory_space<hbm>>
    %dma_wait3A_913 = tpu.memref_slice %arg8[%dma_wait3A_902] : memref<2x!tpu.dma_semaphore, #tpu.memory_space<semaphore_mem>> -> memref<1x!tpu.dma_semaphore, #tpu.memory_space<semaphore_mem>>
    %dma_wait3A_914 = tpu.memref_squeeze %dma_wait3A_913 : memref<1x!tpu.dma_semaphore, #tpu.memory_space<semaphore_mem>> -> memref<!tpu.dma_semaphore, #tpu.memory_space<semaphore_mem>>
    tpu.wait_indirect_dma semaphore(%dma_wait3A_914 : memref<!tpu.dma_semaphore, #tpu.memory_space<semaphore_mem>>) src(%dma_wait3A_906 : memref<64x768xf32, #tpu.memory_space<vmem>>) dst(%dma_wait3A_912 : memref<36864x768xf32, #tpu.memory_space<hbm>>)
    %add3A_915 = arith.constant 960 : i32
    %add3A_916 = arith.addi %multiple_of3A, %add3A_915 : i32
    %dma_start3A_917 = arith.constant 1 : i32
    %dma_start3A_918 = arith.constant 1 : i32
    %dma_start3A_919 = arith.constant 0 : i32
    %dma_start3A_920 = arith.constant 0 : i32
    %dma_start3A_921 = tpu.memref_slice %arg6[%dma_start3A_917, %dma_start3A_919, %dma_start3A_920] : memref<2x64x768xf32, #tpu.memory_space<vmem>> -> memref<1x64x768xf32, #tpu.memory_space<vmem>>
    %dma_start3A_922 = tpu.memref_squeeze %dma_start3A_921 : memref<1x64x768xf32, #tpu.memory_space<vmem>> -> memref<64x768xf32, #tpu.memory_space<vmem>>
    %dma_start3A_923 = arith.constant 0 : i32
    %dma_start3A_924 = tpu.memref_slice %arg2[%add3A_916, %dma_start3A_923] : memref<32768x768xf32, #tpu.memory_space<hbm>> -> memref<64x768xf32, #tpu.memory_space<hbm>>
    %dma_start3A_925 = tpu.memref_slice %arg7[%dma_start3A_918] : memref<2x!tpu.dma_semaphore, #tpu.memory_space<semaphore_mem>> -> memref<1x!tpu.dma_semaphore, #tpu.memory_space<semaphore_mem>>
    %dma_start3A_926 = tpu.memref_squeeze %dma_start3A_925 : memref<1x!tpu.dma_semaphore, #tpu.memory_space<semaphore_mem>> -> memref<!tpu.dma_semaphore, #tpu.memory_space<semaphore_mem>>
    %dma_start3A_927 = arith.constant 0 : i32
    %dma_start3A_928 = arith.constant 0 : i32
    %dma_start3A_929 = tpu.memref_slice %arg6[%dma_start3A_917, %dma_start3A_927, %dma_start3A_928] : memref<2x64x768xf32, #tpu.memory_space<vmem>> -> memref<1x64x768xf32, #tpu.memory_space<vmem>>
    %dma_start3A_930 = tpu.memref_squeeze %dma_start3A_929 : memref<1x64x768xf32, #tpu.memory_space<vmem>> -> memref<64x768xf32, #tpu.memory_space<vmem>>
    %dma_start3A_931 = arith.constant 0 : i32
    %dma_start3A_932 = tpu.memref_slice %arg2[%add3A_916, %dma_start3A_931] : memref<32768x768xf32, #tpu.memory_space<hbm>> -> memref<64x768xf32, #tpu.memory_space<hbm>>
    tpu.enqueue_dma source(%dma_start3A_932 : memref<64x768xf32, #tpu.memory_space<hbm>>) target(%dma_start3A_930 : memref<64x768xf32, #tpu.memory_space<vmem>>) target_semaphore(%dma_start3A_926 : memref<!tpu.dma_semaphore, #tpu.memory_space<semaphore_mem>>)
    %dma_wait3A_933 = arith.constant 0 : i32
    %dma_wait3A_934 = arith.constant 0 : i32
    %dma_wait3A_935 = arith.constant 0 : i32
    %dma_wait3A_936 = arith.constant 0 : i32
    %dma_wait3A_937 = tpu.memref_slice %arg6[%dma_wait3A_933, %dma_wait3A_935, %dma_wait3A_936] : memref<2x64x768xf32, #tpu.memory_space<vmem>> -> memref<1x64x768xf32, #tpu.memory_space<vmem>>
    %dma_wait3A_938 = tpu.memref_squeeze %dma_wait3A_937 : memref<1x64x768xf32, #tpu.memory_space<vmem>> -> memref<64x768xf32, #tpu.memory_space<vmem>>
    %dma_wait3A_939 = arith.constant 0 : i32
    %dma_wait3A_940 = tpu.memref_slice %arg2[%add3A_852, %dma_wait3A_939] : memref<32768x768xf32, #tpu.memory_space<hbm>> -> memref<64x768xf32, #tpu.memory_space<hbm>>
    %dma_wait3A_941 = tpu.memref_slice %arg7[%dma_wait3A_934] : memref<2x!tpu.dma_semaphore, #tpu.memory_space<semaphore_mem>> -> memref<1x!tpu.dma_semaphore, #tpu.memory_space<semaphore_mem>>
    %dma_wait3A_942 = tpu.memref_squeeze %dma_wait3A_941 : memref<1x!tpu.dma_semaphore, #tpu.memory_space<semaphore_mem>> -> memref<!tpu.dma_semaphore, #tpu.memory_space<semaphore_mem>>
    %dma_wait3A_943 = arith.constant 0 : i32
    %dma_wait3A_944 = arith.constant 0 : i32
    %dma_wait3A_945 = tpu.memref_slice %arg6[%dma_wait3A_933, %dma_wait3A_943, %dma_wait3A_944] : memref<2x64x768xf32, #tpu.memory_space<vmem>> -> memref<1x64x768xf32, #tpu.memory_space<vmem>>
    %dma_wait3A_946 = tpu.memref_squeeze %dma_wait3A_945 : memref<1x64x768xf32, #tpu.memory_space<vmem>> -> memref<64x768xf32, #tpu.memory_space<vmem>>
    %dma_wait3A_947 = arith.constant 0 : i32
    %dma_wait3A_948 = tpu.memref_slice %arg2[%add3A_852, %dma_wait3A_947] : memref<32768x768xf32, #tpu.memory_space<hbm>> -> memref<64x768xf32, #tpu.memory_space<hbm>>
    tpu.wait_dma2 semaphore(%dma_wait3A_942 : memref<!tpu.dma_semaphore, #tpu.memory_space<semaphore_mem>>) src(%dma_wait3A_948 : memref<64x768xf32, #tpu.memory_space<hbm>>) dst(%dma_wait3A_946 : memref<64x768xf32, #tpu.memory_space<vmem>>)
    %dma_start3A_949 = arith.constant 0 : i32
    %dma_start3A_950 = arith.constant 14 : i32
    %dma_start3A_951 = arith.constant 0 : i32
    %dma_start3A_952 = arith.constant 0 : i32
    %dma_start3A_953 = arith.constant 0 : i32
    %dma_start3A_954 = tpu.memref_slice %arg6[%dma_start3A_949, %dma_start3A_952, %dma_start3A_953] : memref<2x64x768xf32, #tpu.memory_space<vmem>> -> memref<1x64x768xf32, #tpu.memory_space<vmem>>
    %dma_start3A_955 = tpu.memref_squeeze %dma_start3A_954 : memref<1x64x768xf32, #tpu.memory_space<vmem>> -> memref<64x768xf32, #tpu.memory_space<vmem>>
    %dma_start3A_956 = arith.constant 0 : i32
    %dma_start3A_957 = tpu.memref_slice %arg5[%dma_start3A_950, %dma_start3A_956] : memref<16x64xi32, #tpu.memory_space<vmem>> -> memref<1x64xi32, #tpu.memory_space<vmem>>
    %dma_start3A_958 = tpu.memref_squeeze %dma_start3A_957 : memref<1x64xi32, #tpu.memory_space<vmem>> -> memref<64xi32, #tpu.memory_space<vmem>>
    %dma_start3A_959 = arith.constant 0 : i32
    %dma_start3A_960 = arith.constant 0 : i32
    %dma_start3A_961 = tpu.memref_slice %arg4[%dma_start3A_959, %dma_start3A_960] : memref<36864x768xf32, #tpu.memory_space<hbm>> -> memref<36864x768xf32, #tpu.memory_space<hbm>>
    %dma_start3A_962 = tpu.memref_slice %arg8[%dma_start3A_951] : memref<2x!tpu.dma_semaphore, #tpu.memory_space<semaphore_mem>> -> memref<1x!tpu.dma_semaphore, #tpu.memory_space<semaphore_mem>>
    %dma_start3A_963 = tpu.memref_squeeze %dma_start3A_962 : memref<1x!tpu.dma_semaphore, #tpu.memory_space<semaphore_mem>> -> memref<!tpu.dma_semaphore, #tpu.memory_space<semaphore_mem>>
    tpu.enqueue_indirect_dma source(%dma_start3A_955 : memref<64x768xf32, #tpu.memory_space<vmem>>) target(%dma_start3A_961 : memref<36864x768xf32, #tpu.memory_space<hbm>>) offsets(%dma_start3A_958 : memref<64xi32, #tpu.memory_space<vmem>>) semaphore(%dma_start3A_963 : memref<!tpu.dma_semaphore, #tpu.memory_space<semaphore_mem>>)
    %dma_wait3A_964 = arith.constant 1 : i32
    %dma_wait3A_965 = arith.constant 1 : i32
    %dma_wait3A_966 = arith.constant 0 : i32
    %dma_wait3A_967 = arith.constant 0 : i32
    %dma_wait3A_968 = tpu.memref_slice %arg6[%dma_wait3A_964, %dma_wait3A_966, %dma_wait3A_967] : memref<2x64x768xf32, #tpu.memory_space<vmem>> -> memref<1x64x768xf32, #tpu.memory_space<vmem>>
    %dma_wait3A_969 = tpu.memref_squeeze %dma_wait3A_968 : memref<1x64x768xf32, #tpu.memory_space<vmem>> -> memref<64x768xf32, #tpu.memory_space<vmem>>
    %dma_wait3A_970 = arith.constant 0 : i32
    %dma_wait3A_971 = tpu.memref_slice %arg2[%add3A_916, %dma_wait3A_970] : memref<32768x768xf32, #tpu.memory_space<hbm>> -> memref<64x768xf32, #tpu.memory_space<hbm>>
    %dma_wait3A_972 = tpu.memref_slice %arg7[%dma_wait3A_965] : memref<2x!tpu.dma_semaphore, #tpu.memory_space<semaphore_mem>> -> memref<1x!tpu.dma_semaphore, #tpu.memory_space<semaphore_mem>>
    %dma_wait3A_973 = tpu.memref_squeeze %dma_wait3A_972 : memref<1x!tpu.dma_semaphore, #tpu.memory_space<semaphore_mem>> -> memref<!tpu.dma_semaphore, #tpu.memory_space<semaphore_mem>>
    %dma_wait3A_974 = arith.constant 0 : i32
    %dma_wait3A_975 = arith.constant 0 : i32
    %dma_wait3A_976 = tpu.memref_slice %arg6[%dma_wait3A_964, %dma_wait3A_974, %dma_wait3A_975] : memref<2x64x768xf32, #tpu.memory_space<vmem>> -> memref<1x64x768xf32, #tpu.memory_space<vmem>>
    %dma_wait3A_977 = tpu.memref_squeeze %dma_wait3A_976 : memref<1x64x768xf32, #tpu.memory_space<vmem>> -> memref<64x768xf32, #tpu.memory_space<vmem>>
    %dma_wait3A_978 = arith.constant 0 : i32
    %dma_wait3A_979 = tpu.memref_slice %arg2[%add3A_916, %dma_wait3A_978] : memref<32768x768xf32, #tpu.memory_space<hbm>> -> memref<64x768xf32, #tpu.memory_space<hbm>>
    tpu.wait_dma2 semaphore(%dma_wait3A_973 : memref<!tpu.dma_semaphore, #tpu.memory_space<semaphore_mem>>) src(%dma_wait3A_979 : memref<64x768xf32, #tpu.memory_space<hbm>>) dst(%dma_wait3A_977 : memref<64x768xf32, #tpu.memory_space<vmem>>)
    %dma_start3A_980 = arith.constant 1 : i32
    %dma_start3A_981 = arith.constant 15 : i32
    %dma_start3A_982 = arith.constant 1 : i32
    %dma_start3A_983 = arith.constant 0 : i32
    %dma_start3A_984 = arith.constant 0 : i32
    %dma_start3A_985 = tpu.memref_slice %arg6[%dma_start3A_980, %dma_start3A_983, %dma_start3A_984] : memref<2x64x768xf32, #tpu.memory_space<vmem>> -> memref<1x64x768xf32, #tpu.memory_space<vmem>>
    %dma_start3A_986 = tpu.memref_squeeze %dma_start3A_985 : memref<1x64x768xf32, #tpu.memory_space<vmem>> -> memref<64x768xf32, #tpu.memory_space<vmem>>
    %dma_start3A_987 = arith.constant 0 : i32
    %dma_start3A_988 = tpu.memref_slice %arg5[%dma_start3A_981, %dma_start3A_987] : memref<16x64xi32, #tpu.memory_space<vmem>> -> memref<1x64xi32, #tpu.memory_space<vmem>>
    %dma_start3A_989 = tpu.memref_squeeze %dma_start3A_988 : memref<1x64xi32, #tpu.memory_space<vmem>> -> memref<64xi32, #tpu.memory_space<vmem>>
    %dma_start3A_990 = arith.constant 0 : i32
    %dma_start3A_991 = arith.constant 0 : i32
    %dma_start3A_992 = tpu.memref_slice %arg4[%dma_start3A_990, %dma_start3A_991] : memref<36864x768xf32, #tpu.memory_space<hbm>> -> memref<36864x768xf32, #tpu.memory_space<hbm>>
    %dma_start3A_993 = tpu.memref_slice %arg8[%dma_start3A_982] : memref<2x!tpu.dma_semaphore, #tpu.memory_space<semaphore_mem>> -> memref<1x!tpu.dma_semaphore, #tpu.memory_space<semaphore_mem>>
    %dma_start3A_994 = tpu.memref_squeeze %dma_start3A_993 : memref<1x!tpu.dma_semaphore, #tpu.memory_space<semaphore_mem>> -> memref<!tpu.dma_semaphore, #tpu.memory_space<semaphore_mem>>
    tpu.enqueue_indirect_dma source(%dma_start3A_986 : memref<64x768xf32, #tpu.memory_space<vmem>>) target(%dma_start3A_992 : memref<36864x768xf32, #tpu.memory_space<hbm>>) offsets(%dma_start3A_989 : memref<64xi32, #tpu.memory_space<vmem>>) semaphore(%dma_start3A_994 : memref<!tpu.dma_semaphore, #tpu.memory_space<semaphore_mem>>)
    %dma_wait3A_995 = arith.constant 1 : i32
    %dma_wait3A_996 = arith.constant 15 : i32
    %dma_wait3A_997 = arith.constant 1 : i32
    %dma_wait3A_998 = arith.constant 0 : i32
    %dma_wait3A_999 = arith.constant 0 : i32
    %dma_wait3A_1000 = tpu.memref_slice %arg6[%dma_wait3A_995, %dma_wait3A_998, %dma_wait3A_999] : memref<2x64x768xf32, #tpu.memory_space<vmem>> -> memref<1x64x768xf32, #tpu.memory_space<vmem>>
    %dma_wait3A_1001 = tpu.memref_squeeze %dma_wait3A_1000 : memref<1x64x768xf32, #tpu.memory_space<vmem>> -> memref<64x768xf32, #tpu.memory_space<vmem>>
    %dma_wait3A_1002 = arith.constant 0 : i32
    %dma_wait3A_1003 = tpu.memref_slice %arg5[%dma_wait3A_996, %dma_wait3A_1002] : memref<16x64xi32, #tpu.memory_space<vmem>> -> memref<1x64xi32, #tpu.memory_space<vmem>>
    %dma_wait3A_1004 = tpu.memref_squeeze %dma_wait3A_1003 : memref<1x64xi32, #tpu.memory_space<vmem>> -> memref<64xi32, #tpu.memory_space<vmem>>
    %dma_wait3A_1005 = arith.constant 0 : i32
    %dma_wait3A_1006 = arith.constant 0 : i32
    %dma_wait3A_1007 = tpu.memref_slice %arg4[%dma_wait3A_1005, %dma_wait3A_1006] : memref<36864x768xf32, #tpu.memory_space<hbm>> -> memref<36864x768xf32, #tpu.memory_space<hbm>>
    %dma_wait3A_1008 = tpu.memref_slice %arg8[%dma_wait3A_997] : memref<2x!tpu.dma_semaphore, #tpu.memory_space<semaphore_mem>> -> memref<1x!tpu.dma_semaphore, #tpu.memory_space<semaphore_mem>>
    %dma_wait3A_1009 = tpu.memref_squeeze %dma_wait3A_1008 : memref<1x!tpu.dma_semaphore, #tpu.memory_space<semaphore_mem>> -> memref<!tpu.dma_semaphore, #tpu.memory_space<semaphore_mem>>
    tpu.wait_indirect_dma semaphore(%dma_wait3A_1009 : memref<!tpu.dma_semaphore, #tpu.memory_space<semaphore_mem>>) src(%dma_wait3A_1001 : memref<64x768xf32, #tpu.memory_space<vmem>>) dst(%dma_wait3A_1007 : memref<36864x768xf32, #tpu.memory_space<hbm>>)
    %dma_wait3A_1010 = arith.constant 0 : i32
    %dma_wait3A_1011 = arith.constant 14 : i32
    %dma_wait3A_1012 = arith.constant 0 : i32
    %dma_wait3A_1013 = arith.constant 0 : i32
    %dma_wait3A_1014 = arith.constant 0 : i32
    %dma_wait3A_1015 = tpu.memref_slice %arg6[%dma_wait3A_1010, %dma_wait3A_1013, %dma_wait3A_1014] : memref<2x64x768xf32, #tpu.memory_space<vmem>> -> memref<1x64x768xf32, #tpu.memory_space<vmem>>
    %dma_wait3A_1016 = tpu.memref_squeeze %dma_wait3A_1015 : memref<1x64x768xf32, #tpu.memory_space<vmem>> -> memref<64x768xf32, #tpu.memory_space<vmem>>
    %dma_wait3A_1017 = arith.constant 0 : i32
    %dma_wait3A_1018 = tpu.memref_slice %arg5[%dma_wait3A_1011, %dma_wait3A_1017] : memref<16x64xi32, #tpu.memory_space<vmem>> -> memref<1x64xi32, #tpu.memory_space<vmem>>
    %dma_wait3A_1019 = tpu.memref_squeeze %dma_wait3A_1018 : memref<1x64xi32, #tpu.memory_space<vmem>> -> memref<64xi32, #tpu.memory_space<vmem>>
    %dma_wait3A_1020 = arith.constant 0 : i32
    %dma_wait3A_1021 = arith.constant 0 : i32
    %dma_wait3A_1022 = tpu.memref_slice %arg4[%dma_wait3A_1020, %dma_wait3A_1021] : memref<36864x768xf32, #tpu.memory_space<hbm>> -> memref<36864x768xf32, #tpu.memory_space<hbm>>
    %dma_wait3A_1023 = tpu.memref_slice %arg8[%dma_wait3A_1012] : memref<2x!tpu.dma_semaphore, #tpu.memory_space<semaphore_mem>> -> memref<1x!tpu.dma_semaphore, #tpu.memory_space<semaphore_mem>>
    %dma_wait3A_1024 = tpu.memref_squeeze %dma_wait3A_1023 : memref<1x!tpu.dma_semaphore, #tpu.memory_space<semaphore_mem>> -> memref<!tpu.dma_semaphore, #tpu.memory_space<semaphore_mem>>
    tpu.wait_indirect_dma semaphore(%dma_wait3A_1024 : memref<!tpu.dma_semaphore, #tpu.memory_space<semaphore_mem>>) src(%dma_wait3A_1016 : memref<64x768xf32, #tpu.memory_space<vmem>>) dst(%dma_wait3A_1022 : memref<36864x768xf32, #tpu.memory_space<hbm>>)
    return
  }
}

#map = affine_map<(d0, d1) -> (0, 0)>
#map1 = affine_map<(d0, d1) -> (0)>
module attributes {stable_mosaic.version = 14 : i64} {
  func.func @gather_kernel(%arg0: i32, %arg1: i32, %arg2: memref<36864x256xf32, #tpu.memory_space<hbm>>, %arg3: memref<32768xi32, #tpu.memory_space<hbm>>, %arg4: memref<32768x256xf32, #tpu.memory_space<hbm>>, %arg5: memref<1024xi32, #tpu.memory_space<vmem>>, %arg6: memref<2x128x256xf32, #tpu.memory_space<vmem>>, %arg7: memref<2x!tpu.dma_semaphore, #tpu.memory_space<semaphore_mem>>, %arg8: memref<2x!tpu.dma_semaphore, #tpu.memory_space<semaphore_mem>>) attributes {dimension_semantics = [#tpu.dimension_semantics<core_parallel>, #tpu.dimension_semantics<subcore_parallel>], iteration_bounds = array<i64: 2, 16>, scalar_prefetch = 0 : i64, scratch_operands = 4 : i64, tpu.core_type = #tpu.core_type<sc_vector_subcore>, window_params = [{transform_indices = #map}, {transform_indices = #map1}, {transform_indices = #map}]} {
    %mul3A = arith.constant 2 : i32
    %mul3A_0 = arith.muli %arg1, %mul3A : i32
    %add3A = arith.addi %mul3A_0, %arg0 : i32
    %mul3A_1 = arith.constant 1024 : i32
    %mul3A_2 = arith.muli %add3A, %mul3A_1 : i32
    %multiple_of3A = tpu.assume_multiple %mul3A_2, 8 : i32
    "tpu.region"() ({
      %run_scoped3A = tpu.sem_alloc : memref<!tpu.dma_semaphore, #tpu.memory_space<semaphore_mem>>
      %dma_start3A_481 = tpu.memref_slice %arg3[%multiple_of3A] : memref<32768xi32, #tpu.memory_space<hbm>> -> memref<1024xi32, #tpu.memory_space<hbm>>
      %dma_start3A_482 = tpu.memref_slice %arg3[%multiple_of3A] : memref<32768xi32, #tpu.memory_space<hbm>> -> memref<1024xi32, #tpu.memory_space<hbm>>
      tpu.enqueue_dma source(%dma_start3A_482 : memref<1024xi32, #tpu.memory_space<hbm>>) target(%arg5 : memref<1024xi32, #tpu.memory_space<vmem>>) target_semaphore(%run_scoped3A : memref<!tpu.dma_semaphore, #tpu.memory_space<semaphore_mem>>)
      %dma_wait3A_483 = tpu.memref_slice %arg3[%multiple_of3A] : memref<32768xi32, #tpu.memory_space<hbm>> -> memref<1024xi32, #tpu.memory_space<hbm>>
      %dma_wait3A_484 = tpu.memref_slice %arg3[%multiple_of3A] : memref<32768xi32, #tpu.memory_space<hbm>> -> memref<1024xi32, #tpu.memory_space<hbm>>
      tpu.wait_dma2 semaphore(%run_scoped3A : memref<!tpu.dma_semaphore, #tpu.memory_space<semaphore_mem>>) src(%dma_wait3A_484 : memref<1024xi32, #tpu.memory_space<hbm>>) dst(%arg5 : memref<1024xi32, #tpu.memory_space<vmem>>)
      tpu.yield
    }) : () -> ()
    %dma_start3A = arith.constant 0 : i32
    %dma_start3A_3 = arith.constant 0 : i32
    %dma_start3A_4 = arith.constant 0 : i32
    %dma_start3A_5 = arith.constant 0 : i32
    %dma_start3A_6 = tpu.memref_slice %arg6[%dma_start3A, %dma_start3A_4, %dma_start3A_5] : memref<2x128x256xf32, #tpu.memory_space<vmem>> -> memref<1x128x256xf32, #tpu.memory_space<vmem>>
    %dma_start3A_7 = tpu.memref_squeeze %dma_start3A_6 : memref<1x128x256xf32, #tpu.memory_space<vmem>> -> memref<128x256xf32, #tpu.memory_space<vmem>>
    %dma_start3A_8 = arith.constant 0 : i32
    %dma_start3A_9 = tpu.memref_slice %arg5[%dma_start3A_8] : memref<1024xi32, #tpu.memory_space<vmem>> -> memref<128xi32, #tpu.memory_space<vmem>>
    %dma_start3A_10 = arith.constant 0 : i32
    %dma_start3A_11 = arith.constant 0 : i32
    %dma_start3A_12 = tpu.memref_slice %arg2[%dma_start3A_10, %dma_start3A_11] : memref<36864x256xf32, #tpu.memory_space<hbm>> -> memref<36864x256xf32, #tpu.memory_space<hbm>>
    %dma_start3A_13 = tpu.memref_slice %arg7[%dma_start3A_3] : memref<2x!tpu.dma_semaphore, #tpu.memory_space<semaphore_mem>> -> memref<1x!tpu.dma_semaphore, #tpu.memory_space<semaphore_mem>>
    %dma_start3A_14 = tpu.memref_squeeze %dma_start3A_13 : memref<1x!tpu.dma_semaphore, #tpu.memory_space<semaphore_mem>> -> memref<!tpu.dma_semaphore, #tpu.memory_space<semaphore_mem>>
    tpu.enqueue_indirect_dma source(%dma_start3A_12 : memref<36864x256xf32, #tpu.memory_space<hbm>>) target(%dma_start3A_7 : memref<128x256xf32, #tpu.memory_space<vmem>>) offsets(%dma_start3A_9 : memref<128xi32, #tpu.memory_space<vmem>>) semaphore(%dma_start3A_14 : memref<!tpu.dma_semaphore, #tpu.memory_space<semaphore_mem>>)
    %dma_start3A_15 = arith.constant 1 : i32
    %dma_start3A_16 = arith.constant 1 : i32
    %dma_start3A_17 = arith.constant 0 : i32
    %dma_start3A_18 = arith.constant 0 : i32
    %dma_start3A_19 = tpu.memref_slice %arg6[%dma_start3A_15, %dma_start3A_17, %dma_start3A_18] : memref<2x128x256xf32, #tpu.memory_space<vmem>> -> memref<1x128x256xf32, #tpu.memory_space<vmem>>
    %dma_start3A_20 = tpu.memref_squeeze %dma_start3A_19 : memref<1x128x256xf32, #tpu.memory_space<vmem>> -> memref<128x256xf32, #tpu.memory_space<vmem>>
    %dma_start3A_21 = arith.constant 128 : i32
    %dma_start3A_22 = tpu.memref_slice %arg5[%dma_start3A_21] : memref<1024xi32, #tpu.memory_space<vmem>> -> memref<128xi32, #tpu.memory_space<vmem>>
    %dma_start3A_23 = arith.constant 0 : i32
    %dma_start3A_24 = arith.constant 0 : i32
    %dma_start3A_25 = tpu.memref_slice %arg2[%dma_start3A_23, %dma_start3A_24] : memref<36864x256xf32, #tpu.memory_space<hbm>> -> memref<36864x256xf32, #tpu.memory_space<hbm>>
    %dma_start3A_26 = tpu.memref_slice %arg7[%dma_start3A_16] : memref<2x!tpu.dma_semaphore, #tpu.memory_space<semaphore_mem>> -> memref<1x!tpu.dma_semaphore, #tpu.memory_space<semaphore_mem>>
    %dma_start3A_27 = tpu.memref_squeeze %dma_start3A_26 : memref<1x!tpu.dma_semaphore, #tpu.memory_space<semaphore_mem>> -> memref<!tpu.dma_semaphore, #tpu.memory_space<semaphore_mem>>
    tpu.enqueue_indirect_dma source(%dma_start3A_25 : memref<36864x256xf32, #tpu.memory_space<hbm>>) target(%dma_start3A_20 : memref<128x256xf32, #tpu.memory_space<vmem>>) offsets(%dma_start3A_22 : memref<128xi32, #tpu.memory_space<vmem>>) semaphore(%dma_start3A_27 : memref<!tpu.dma_semaphore, #tpu.memory_space<semaphore_mem>>)
    %dma_wait3A = arith.constant 0 : i32
    %dma_wait3A_28 = arith.constant 0 : i32
    %dma_wait3A_29 = arith.constant 0 : i32
    %dma_wait3A_30 = arith.constant 0 : i32
    %dma_wait3A_31 = tpu.memref_slice %arg6[%dma_wait3A, %dma_wait3A_29, %dma_wait3A_30] : memref<2x128x256xf32, #tpu.memory_space<vmem>> -> memref<1x128x256xf32, #tpu.memory_space<vmem>>
    %dma_wait3A_32 = tpu.memref_squeeze %dma_wait3A_31 : memref<1x128x256xf32, #tpu.memory_space<vmem>> -> memref<128x256xf32, #tpu.memory_space<vmem>>
    %dma_wait3A_33 = arith.constant 0 : i32
    %dma_wait3A_34 = tpu.memref_slice %arg5[%dma_wait3A_33] : memref<1024xi32, #tpu.memory_space<vmem>> -> memref<128xi32, #tpu.memory_space<vmem>>
    %dma_wait3A_35 = arith.constant 0 : i32
    %dma_wait3A_36 = arith.constant 0 : i32
    %dma_wait3A_37 = tpu.memref_slice %arg2[%dma_wait3A_35, %dma_wait3A_36] : memref<36864x256xf32, #tpu.memory_space<hbm>> -> memref<36864x256xf32, #tpu.memory_space<hbm>>
    %dma_wait3A_38 = tpu.memref_slice %arg7[%dma_wait3A_28] : memref<2x!tpu.dma_semaphore, #tpu.memory_space<semaphore_mem>> -> memref<1x!tpu.dma_semaphore, #tpu.memory_space<semaphore_mem>>
    %dma_wait3A_39 = tpu.memref_squeeze %dma_wait3A_38 : memref<1x!tpu.dma_semaphore, #tpu.memory_space<semaphore_mem>> -> memref<!tpu.dma_semaphore, #tpu.memory_space<semaphore_mem>>
    tpu.wait_indirect_dma semaphore(%dma_wait3A_39 : memref<!tpu.dma_semaphore, #tpu.memory_space<semaphore_mem>>) src(%dma_wait3A_37 : memref<36864x256xf32, #tpu.memory_space<hbm>>) dst(%dma_wait3A_32 : memref<128x256xf32, #tpu.memory_space<vmem>>)
    %add3A_40 = arith.constant 0 : i32
    %add3A_41 = arith.addi %multiple_of3A, %add3A_40 : i32
    %dma_start3A_42 = arith.constant 0 : i32
    %dma_start3A_43 = arith.constant 0 : i32
    %dma_start3A_44 = arith.constant 0 : i32
    %dma_start3A_45 = arith.constant 0 : i32
    %dma_start3A_46 = tpu.memref_slice %arg6[%dma_start3A_42, %dma_start3A_44, %dma_start3A_45] : memref<2x128x256xf32, #tpu.memory_space<vmem>> -> memref<1x128x256xf32, #tpu.memory_space<vmem>>
    %dma_start3A_47 = tpu.memref_squeeze %dma_start3A_46 : memref<1x128x256xf32, #tpu.memory_space<vmem>> -> memref<128x256xf32, #tpu.memory_space<vmem>>
    %dma_start3A_48 = arith.constant 0 : i32
    %dma_start3A_49 = tpu.memref_slice %arg4[%add3A_41, %dma_start3A_48] : memref<32768x256xf32, #tpu.memory_space<hbm>> -> memref<128x256xf32, #tpu.memory_space<hbm>>
    %dma_start3A_50 = tpu.memref_slice %arg8[%dma_start3A_43] : memref<2x!tpu.dma_semaphore, #tpu.memory_space<semaphore_mem>> -> memref<1x!tpu.dma_semaphore, #tpu.memory_space<semaphore_mem>>
    %dma_start3A_51 = tpu.memref_squeeze %dma_start3A_50 : memref<1x!tpu.dma_semaphore, #tpu.memory_space<semaphore_mem>> -> memref<!tpu.dma_semaphore, #tpu.memory_space<semaphore_mem>>
    %dma_start3A_52 = arith.constant 0 : i32
    %dma_start3A_53 = tpu.memref_slice %arg4[%add3A_41, %dma_start3A_52] : memref<32768x256xf32, #tpu.memory_space<hbm>> -> memref<128x256xf32, #tpu.memory_space<hbm>>
    %dma_start3A_54 = arith.constant 0 : i32
    %dma_start3A_55 = arith.constant 0 : i32
    %dma_start3A_56 = tpu.memref_slice %arg6[%dma_start3A_42, %dma_start3A_54, %dma_start3A_55] : memref<2x128x256xf32, #tpu.memory_space<vmem>> -> memref<1x128x256xf32, #tpu.memory_space<vmem>>
    %dma_start3A_57 = tpu.memref_squeeze %dma_start3A_56 : memref<1x128x256xf32, #tpu.memory_space<vmem>> -> memref<128x256xf32, #tpu.memory_space<vmem>>
    tpu.enqueue_dma source(%dma_start3A_57 : memref<128x256xf32, #tpu.memory_space<vmem>>) target(%dma_start3A_53 : memref<128x256xf32, #tpu.memory_space<hbm>>) target_semaphore(%dma_start3A_51 : memref<!tpu.dma_semaphore, #tpu.memory_space<semaphore_mem>>)
    %dma_wait3A_58 = arith.constant 0 : i32
    %dma_wait3A_59 = arith.constant 0 : i32
    %dma_wait3A_60 = arith.constant 0 : i32
    %dma_wait3A_61 = arith.constant 0 : i32
    %dma_wait3A_62 = tpu.memref_slice %arg6[%dma_wait3A_58, %dma_wait3A_60, %dma_wait3A_61] : memref<2x128x256xf32, #tpu.memory_space<vmem>> -> memref<1x128x256xf32, #tpu.memory_space<vmem>>
    %dma_wait3A_63 = tpu.memref_squeeze %dma_wait3A_62 : memref<1x128x256xf32, #tpu.memory_space<vmem>> -> memref<128x256xf32, #tpu.memory_space<vmem>>
    %dma_wait3A_64 = arith.constant 0 : i32
    %dma_wait3A_65 = tpu.memref_slice %arg4[%add3A_41, %dma_wait3A_64] : memref<32768x256xf32, #tpu.memory_space<hbm>> -> memref<128x256xf32, #tpu.memory_space<hbm>>
    %dma_wait3A_66 = tpu.memref_slice %arg8[%dma_wait3A_59] : memref<2x!tpu.dma_semaphore, #tpu.memory_space<semaphore_mem>> -> memref<1x!tpu.dma_semaphore, #tpu.memory_space<semaphore_mem>>
    %dma_wait3A_67 = tpu.memref_squeeze %dma_wait3A_66 : memref<1x!tpu.dma_semaphore, #tpu.memory_space<semaphore_mem>> -> memref<!tpu.dma_semaphore, #tpu.memory_space<semaphore_mem>>
    %dma_wait3A_68 = arith.constant 0 : i32
    %dma_wait3A_69 = tpu.memref_slice %arg4[%add3A_41, %dma_wait3A_68] : memref<32768x256xf32, #tpu.memory_space<hbm>> -> memref<128x256xf32, #tpu.memory_space<hbm>>
    %dma_wait3A_70 = arith.constant 0 : i32
    %dma_wait3A_71 = arith.constant 0 : i32
    %dma_wait3A_72 = tpu.memref_slice %arg6[%dma_wait3A_58, %dma_wait3A_70, %dma_wait3A_71] : memref<2x128x256xf32, #tpu.memory_space<vmem>> -> memref<1x128x256xf32, #tpu.memory_space<vmem>>
    %dma_wait3A_73 = tpu.memref_squeeze %dma_wait3A_72 : memref<1x128x256xf32, #tpu.memory_space<vmem>> -> memref<128x256xf32, #tpu.memory_space<vmem>>
    tpu.wait_dma2 semaphore(%dma_wait3A_67 : memref<!tpu.dma_semaphore, #tpu.memory_space<semaphore_mem>>) src(%dma_wait3A_73 : memref<128x256xf32, #tpu.memory_space<vmem>>) dst(%dma_wait3A_69 : memref<128x256xf32, #tpu.memory_space<hbm>>)
    %dma_start3A_74 = arith.constant 0 : i32
    %dma_start3A_75 = arith.constant 0 : i32
    %dma_start3A_76 = arith.constant 0 : i32
    %dma_start3A_77 = arith.constant 0 : i32
    %dma_start3A_78 = tpu.memref_slice %arg6[%dma_start3A_74, %dma_start3A_76, %dma_start3A_77] : memref<2x128x256xf32, #tpu.memory_space<vmem>> -> memref<1x128x256xf32, #tpu.memory_space<vmem>>
    %dma_start3A_79 = tpu.memref_squeeze %dma_start3A_78 : memref<1x128x256xf32, #tpu.memory_space<vmem>> -> memref<128x256xf32, #tpu.memory_space<vmem>>
    %dma_start3A_80 = arith.constant 256 : i32
    %dma_start3A_81 = tpu.memref_slice %arg5[%dma_start3A_80] : memref<1024xi32, #tpu.memory_space<vmem>> -> memref<128xi32, #tpu.memory_space<vmem>>
    %dma_start3A_82 = arith.constant 0 : i32
    %dma_start3A_83 = arith.constant 0 : i32
    %dma_start3A_84 = tpu.memref_slice %arg2[%dma_start3A_82, %dma_start3A_83] : memref<36864x256xf32, #tpu.memory_space<hbm>> -> memref<36864x256xf32, #tpu.memory_space<hbm>>
    %dma_start3A_85 = tpu.memref_slice %arg7[%dma_start3A_75] : memref<2x!tpu.dma_semaphore, #tpu.memory_space<semaphore_mem>> -> memref<1x!tpu.dma_semaphore, #tpu.memory_space<semaphore_mem>>
    %dma_start3A_86 = tpu.memref_squeeze %dma_start3A_85 : memref<1x!tpu.dma_semaphore, #tpu.memory_space<semaphore_mem>> -> memref<!tpu.dma_semaphore, #tpu.memory_space<semaphore_mem>>
    tpu.enqueue_indirect_dma source(%dma_start3A_84 : memref<36864x256xf32, #tpu.memory_space<hbm>>) target(%dma_start3A_79 : memref<128x256xf32, #tpu.memory_space<vmem>>) offsets(%dma_start3A_81 : memref<128xi32, #tpu.memory_space<vmem>>) semaphore(%dma_start3A_86 : memref<!tpu.dma_semaphore, #tpu.memory_space<semaphore_mem>>)
    %dma_wait3A_87 = arith.constant 1 : i32
    %dma_wait3A_88 = arith.constant 1 : i32
    %dma_wait3A_89 = arith.constant 0 : i32
    %dma_wait3A_90 = arith.constant 0 : i32
    %dma_wait3A_91 = tpu.memref_slice %arg6[%dma_wait3A_87, %dma_wait3A_89, %dma_wait3A_90] : memref<2x128x256xf32, #tpu.memory_space<vmem>> -> memref<1x128x256xf32, #tpu.memory_space<vmem>>
    %dma_wait3A_92 = tpu.memref_squeeze %dma_wait3A_91 : memref<1x128x256xf32, #tpu.memory_space<vmem>> -> memref<128x256xf32, #tpu.memory_space<vmem>>
    %dma_wait3A_93 = arith.constant 128 : i32
    %dma_wait3A_94 = tpu.memref_slice %arg5[%dma_wait3A_93] : memref<1024xi32, #tpu.memory_space<vmem>> -> memref<128xi32, #tpu.memory_space<vmem>>
    %dma_wait3A_95 = arith.constant 0 : i32
    %dma_wait3A_96 = arith.constant 0 : i32
    %dma_wait3A_97 = tpu.memref_slice %arg2[%dma_wait3A_95, %dma_wait3A_96] : memref<36864x256xf32, #tpu.memory_space<hbm>> -> memref<36864x256xf32, #tpu.memory_space<hbm>>
    %dma_wait3A_98 = tpu.memref_slice %arg7[%dma_wait3A_88] : memref<2x!tpu.dma_semaphore, #tpu.memory_space<semaphore_mem>> -> memref<1x!tpu.dma_semaphore, #tpu.memory_space<semaphore_mem>>
    %dma_wait3A_99 = tpu.memref_squeeze %dma_wait3A_98 : memref<1x!tpu.dma_semaphore, #tpu.memory_space<semaphore_mem>> -> memref<!tpu.dma_semaphore, #tpu.memory_space<semaphore_mem>>
    tpu.wait_indirect_dma semaphore(%dma_wait3A_99 : memref<!tpu.dma_semaphore, #tpu.memory_space<semaphore_mem>>) src(%dma_wait3A_97 : memref<36864x256xf32, #tpu.memory_space<hbm>>) dst(%dma_wait3A_92 : memref<128x256xf32, #tpu.memory_space<vmem>>)
    %add3A_100 = arith.constant 128 : i32
    %add3A_101 = arith.addi %multiple_of3A, %add3A_100 : i32
    %dma_start3A_102 = arith.constant 1 : i32
    %dma_start3A_103 = arith.constant 1 : i32
    %dma_start3A_104 = arith.constant 0 : i32
    %dma_start3A_105 = arith.constant 0 : i32
    %dma_start3A_106 = tpu.memref_slice %arg6[%dma_start3A_102, %dma_start3A_104, %dma_start3A_105] : memref<2x128x256xf32, #tpu.memory_space<vmem>> -> memref<1x128x256xf32, #tpu.memory_space<vmem>>
    %dma_start3A_107 = tpu.memref_squeeze %dma_start3A_106 : memref<1x128x256xf32, #tpu.memory_space<vmem>> -> memref<128x256xf32, #tpu.memory_space<vmem>>
    %dma_start3A_108 = arith.constant 0 : i32
    %dma_start3A_109 = tpu.memref_slice %arg4[%add3A_101, %dma_start3A_108] : memref<32768x256xf32, #tpu.memory_space<hbm>> -> memref<128x256xf32, #tpu.memory_space<hbm>>
    %dma_start3A_110 = tpu.memref_slice %arg8[%dma_start3A_103] : memref<2x!tpu.dma_semaphore, #tpu.memory_space<semaphore_mem>> -> memref<1x!tpu.dma_semaphore, #tpu.memory_space<semaphore_mem>>
    %dma_start3A_111 = tpu.memref_squeeze %dma_start3A_110 : memref<1x!tpu.dma_semaphore, #tpu.memory_space<semaphore_mem>> -> memref<!tpu.dma_semaphore, #tpu.memory_space<semaphore_mem>>
    %dma_start3A_112 = arith.constant 0 : i32
    %dma_start3A_113 = tpu.memref_slice %arg4[%add3A_101, %dma_start3A_112] : memref<32768x256xf32, #tpu.memory_space<hbm>> -> memref<128x256xf32, #tpu.memory_space<hbm>>
    %dma_start3A_114 = arith.constant 0 : i32
    %dma_start3A_115 = arith.constant 0 : i32
    %dma_start3A_116 = tpu.memref_slice %arg6[%dma_start3A_102, %dma_start3A_114, %dma_start3A_115] : memref<2x128x256xf32, #tpu.memory_space<vmem>> -> memref<1x128x256xf32, #tpu.memory_space<vmem>>
    %dma_start3A_117 = tpu.memref_squeeze %dma_start3A_116 : memref<1x128x256xf32, #tpu.memory_space<vmem>> -> memref<128x256xf32, #tpu.memory_space<vmem>>
    tpu.enqueue_dma source(%dma_start3A_117 : memref<128x256xf32, #tpu.memory_space<vmem>>) target(%dma_start3A_113 : memref<128x256xf32, #tpu.memory_space<hbm>>) target_semaphore(%dma_start3A_111 : memref<!tpu.dma_semaphore, #tpu.memory_space<semaphore_mem>>)
    %dma_wait3A_118 = arith.constant 1 : i32
    %dma_wait3A_119 = arith.constant 1 : i32
    %dma_wait3A_120 = arith.constant 0 : i32
    %dma_wait3A_121 = arith.constant 0 : i32
    %dma_wait3A_122 = tpu.memref_slice %arg6[%dma_wait3A_118, %dma_wait3A_120, %dma_wait3A_121] : memref<2x128x256xf32, #tpu.memory_space<vmem>> -> memref<1x128x256xf32, #tpu.memory_space<vmem>>
    %dma_wait3A_123 = tpu.memref_squeeze %dma_wait3A_122 : memref<1x128x256xf32, #tpu.memory_space<vmem>> -> memref<128x256xf32, #tpu.memory_space<vmem>>
    %dma_wait3A_124 = arith.constant 0 : i32
    %dma_wait3A_125 = tpu.memref_slice %arg4[%add3A_101, %dma_wait3A_124] : memref<32768x256xf32, #tpu.memory_space<hbm>> -> memref<128x256xf32, #tpu.memory_space<hbm>>
    %dma_wait3A_126 = tpu.memref_slice %arg8[%dma_wait3A_119] : memref<2x!tpu.dma_semaphore, #tpu.memory_space<semaphore_mem>> -> memref<1x!tpu.dma_semaphore, #tpu.memory_space<semaphore_mem>>
    %dma_wait3A_127 = tpu.memref_squeeze %dma_wait3A_126 : memref<1x!tpu.dma_semaphore, #tpu.memory_space<semaphore_mem>> -> memref<!tpu.dma_semaphore, #tpu.memory_space<semaphore_mem>>
    %dma_wait3A_128 = arith.constant 0 : i32
    %dma_wait3A_129 = tpu.memref_slice %arg4[%add3A_101, %dma_wait3A_128] : memref<32768x256xf32, #tpu.memory_space<hbm>> -> memref<128x256xf32, #tpu.memory_space<hbm>>
    %dma_wait3A_130 = arith.constant 0 : i32
    %dma_wait3A_131 = arith.constant 0 : i32
    %dma_wait3A_132 = tpu.memref_slice %arg6[%dma_wait3A_118, %dma_wait3A_130, %dma_wait3A_131] : memref<2x128x256xf32, #tpu.memory_space<vmem>> -> memref<1x128x256xf32, #tpu.memory_space<vmem>>
    %dma_wait3A_133 = tpu.memref_squeeze %dma_wait3A_132 : memref<1x128x256xf32, #tpu.memory_space<vmem>> -> memref<128x256xf32, #tpu.memory_space<vmem>>
    tpu.wait_dma2 semaphore(%dma_wait3A_127 : memref<!tpu.dma_semaphore, #tpu.memory_space<semaphore_mem>>) src(%dma_wait3A_133 : memref<128x256xf32, #tpu.memory_space<vmem>>) dst(%dma_wait3A_129 : memref<128x256xf32, #tpu.memory_space<hbm>>)
    %dma_start3A_134 = arith.constant 1 : i32
    %dma_start3A_135 = arith.constant 1 : i32
    %dma_start3A_136 = arith.constant 0 : i32
    %dma_start3A_137 = arith.constant 0 : i32
    %dma_start3A_138 = tpu.memref_slice %arg6[%dma_start3A_134, %dma_start3A_136, %dma_start3A_137] : memref<2x128x256xf32, #tpu.memory_space<vmem>> -> memref<1x128x256xf32, #tpu.memory_space<vmem>>
    %dma_start3A_139 = tpu.memref_squeeze %dma_start3A_138 : memref<1x128x256xf32, #tpu.memory_space<vmem>> -> memref<128x256xf32, #tpu.memory_space<vmem>>
    %dma_start3A_140 = arith.constant 384 : i32
    %dma_start3A_141 = tpu.memref_slice %arg5[%dma_start3A_140] : memref<1024xi32, #tpu.memory_space<vmem>> -> memref<128xi32, #tpu.memory_space<vmem>>
    %dma_start3A_142 = arith.constant 0 : i32
    %dma_start3A_143 = arith.constant 0 : i32
    %dma_start3A_144 = tpu.memref_slice %arg2[%dma_start3A_142, %dma_start3A_143] : memref<36864x256xf32, #tpu.memory_space<hbm>> -> memref<36864x256xf32, #tpu.memory_space<hbm>>
    %dma_start3A_145 = tpu.memref_slice %arg7[%dma_start3A_135] : memref<2x!tpu.dma_semaphore, #tpu.memory_space<semaphore_mem>> -> memref<1x!tpu.dma_semaphore, #tpu.memory_space<semaphore_mem>>
    %dma_start3A_146 = tpu.memref_squeeze %dma_start3A_145 : memref<1x!tpu.dma_semaphore, #tpu.memory_space<semaphore_mem>> -> memref<!tpu.dma_semaphore, #tpu.memory_space<semaphore_mem>>
    tpu.enqueue_indirect_dma source(%dma_start3A_144 : memref<36864x256xf32, #tpu.memory_space<hbm>>) target(%dma_start3A_139 : memref<128x256xf32, #tpu.memory_space<vmem>>) offsets(%dma_start3A_141 : memref<128xi32, #tpu.memory_space<vmem>>) semaphore(%dma_start3A_146 : memref<!tpu.dma_semaphore, #tpu.memory_space<semaphore_mem>>)
    %dma_wait3A_147 = arith.constant 0 : i32
    %dma_wait3A_148 = arith.constant 0 : i32
    %dma_wait3A_149 = arith.constant 0 : i32
    %dma_wait3A_150 = arith.constant 0 : i32
    %dma_wait3A_151 = tpu.memref_slice %arg6[%dma_wait3A_147, %dma_wait3A_149, %dma_wait3A_150] : memref<2x128x256xf32, #tpu.memory_space<vmem>> -> memref<1x128x256xf32, #tpu.memory_space<vmem>>
    %dma_wait3A_152 = tpu.memref_squeeze %dma_wait3A_151 : memref<1x128x256xf32, #tpu.memory_space<vmem>> -> memref<128x256xf32, #tpu.memory_space<vmem>>
    %dma_wait3A_153 = arith.constant 256 : i32
    %dma_wait3A_154 = tpu.memref_slice %arg5[%dma_wait3A_153] : memref<1024xi32, #tpu.memory_space<vmem>> -> memref<128xi32, #tpu.memory_space<vmem>>
    %dma_wait3A_155 = arith.constant 0 : i32
    %dma_wait3A_156 = arith.constant 0 : i32
    %dma_wait3A_157 = tpu.memref_slice %arg2[%dma_wait3A_155, %dma_wait3A_156] : memref<36864x256xf32, #tpu.memory_space<hbm>> -> memref<36864x256xf32, #tpu.memory_space<hbm>>
    %dma_wait3A_158 = tpu.memref_slice %arg7[%dma_wait3A_148] : memref<2x!tpu.dma_semaphore, #tpu.memory_space<semaphore_mem>> -> memref<1x!tpu.dma_semaphore, #tpu.memory_space<semaphore_mem>>
    %dma_wait3A_159 = tpu.memref_squeeze %dma_wait3A_158 : memref<1x!tpu.dma_semaphore, #tpu.memory_space<semaphore_mem>> -> memref<!tpu.dma_semaphore, #tpu.memory_space<semaphore_mem>>
    tpu.wait_indirect_dma semaphore(%dma_wait3A_159 : memref<!tpu.dma_semaphore, #tpu.memory_space<semaphore_mem>>) src(%dma_wait3A_157 : memref<36864x256xf32, #tpu.memory_space<hbm>>) dst(%dma_wait3A_152 : memref<128x256xf32, #tpu.memory_space<vmem>>)
    %add3A_160 = arith.constant 256 : i32
    %add3A_161 = arith.addi %multiple_of3A, %add3A_160 : i32
    %dma_start3A_162 = arith.constant 0 : i32
    %dma_start3A_163 = arith.constant 0 : i32
    %dma_start3A_164 = arith.constant 0 : i32
    %dma_start3A_165 = arith.constant 0 : i32
    %dma_start3A_166 = tpu.memref_slice %arg6[%dma_start3A_162, %dma_start3A_164, %dma_start3A_165] : memref<2x128x256xf32, #tpu.memory_space<vmem>> -> memref<1x128x256xf32, #tpu.memory_space<vmem>>
    %dma_start3A_167 = tpu.memref_squeeze %dma_start3A_166 : memref<1x128x256xf32, #tpu.memory_space<vmem>> -> memref<128x256xf32, #tpu.memory_space<vmem>>
    %dma_start3A_168 = arith.constant 0 : i32
    %dma_start3A_169 = tpu.memref_slice %arg4[%add3A_161, %dma_start3A_168] : memref<32768x256xf32, #tpu.memory_space<hbm>> -> memref<128x256xf32, #tpu.memory_space<hbm>>
    %dma_start3A_170 = tpu.memref_slice %arg8[%dma_start3A_163] : memref<2x!tpu.dma_semaphore, #tpu.memory_space<semaphore_mem>> -> memref<1x!tpu.dma_semaphore, #tpu.memory_space<semaphore_mem>>
    %dma_start3A_171 = tpu.memref_squeeze %dma_start3A_170 : memref<1x!tpu.dma_semaphore, #tpu.memory_space<semaphore_mem>> -> memref<!tpu.dma_semaphore, #tpu.memory_space<semaphore_mem>>
    %dma_start3A_172 = arith.constant 0 : i32
    %dma_start3A_173 = tpu.memref_slice %arg4[%add3A_161, %dma_start3A_172] : memref<32768x256xf32, #tpu.memory_space<hbm>> -> memref<128x256xf32, #tpu.memory_space<hbm>>
    %dma_start3A_174 = arith.constant 0 : i32
    %dma_start3A_175 = arith.constant 0 : i32
    %dma_start3A_176 = tpu.memref_slice %arg6[%dma_start3A_162, %dma_start3A_174, %dma_start3A_175] : memref<2x128x256xf32, #tpu.memory_space<vmem>> -> memref<1x128x256xf32, #tpu.memory_space<vmem>>
    %dma_start3A_177 = tpu.memref_squeeze %dma_start3A_176 : memref<1x128x256xf32, #tpu.memory_space<vmem>> -> memref<128x256xf32, #tpu.memory_space<vmem>>
    tpu.enqueue_dma source(%dma_start3A_177 : memref<128x256xf32, #tpu.memory_space<vmem>>) target(%dma_start3A_173 : memref<128x256xf32, #tpu.memory_space<hbm>>) target_semaphore(%dma_start3A_171 : memref<!tpu.dma_semaphore, #tpu.memory_space<semaphore_mem>>)
    %dma_wait3A_178 = arith.constant 0 : i32
    %dma_wait3A_179 = arith.constant 0 : i32
    %dma_wait3A_180 = arith.constant 0 : i32
    %dma_wait3A_181 = arith.constant 0 : i32
    %dma_wait3A_182 = tpu.memref_slice %arg6[%dma_wait3A_178, %dma_wait3A_180, %dma_wait3A_181] : memref<2x128x256xf32, #tpu.memory_space<vmem>> -> memref<1x128x256xf32, #tpu.memory_space<vmem>>
    %dma_wait3A_183 = tpu.memref_squeeze %dma_wait3A_182 : memref<1x128x256xf32, #tpu.memory_space<vmem>> -> memref<128x256xf32, #tpu.memory_space<vmem>>
    %dma_wait3A_184 = arith.constant 0 : i32
    %dma_wait3A_185 = tpu.memref_slice %arg4[%add3A_161, %dma_wait3A_184] : memref<32768x256xf32, #tpu.memory_space<hbm>> -> memref<128x256xf32, #tpu.memory_space<hbm>>
    %dma_wait3A_186 = tpu.memref_slice %arg8[%dma_wait3A_179] : memref<2x!tpu.dma_semaphore, #tpu.memory_space<semaphore_mem>> -> memref<1x!tpu.dma_semaphore, #tpu.memory_space<semaphore_mem>>
    %dma_wait3A_187 = tpu.memref_squeeze %dma_wait3A_186 : memref<1x!tpu.dma_semaphore, #tpu.memory_space<semaphore_mem>> -> memref<!tpu.dma_semaphore, #tpu.memory_space<semaphore_mem>>
    %dma_wait3A_188 = arith.constant 0 : i32
    %dma_wait3A_189 = tpu.memref_slice %arg4[%add3A_161, %dma_wait3A_188] : memref<32768x256xf32, #tpu.memory_space<hbm>> -> memref<128x256xf32, #tpu.memory_space<hbm>>
    %dma_wait3A_190 = arith.constant 0 : i32
    %dma_wait3A_191 = arith.constant 0 : i32
    %dma_wait3A_192 = tpu.memref_slice %arg6[%dma_wait3A_178, %dma_wait3A_190, %dma_wait3A_191] : memref<2x128x256xf32, #tpu.memory_space<vmem>> -> memref<1x128x256xf32, #tpu.memory_space<vmem>>
    %dma_wait3A_193 = tpu.memref_squeeze %dma_wait3A_192 : memref<1x128x256xf32, #tpu.memory_space<vmem>> -> memref<128x256xf32, #tpu.memory_space<vmem>>
    tpu.wait_dma2 semaphore(%dma_wait3A_187 : memref<!tpu.dma_semaphore, #tpu.memory_space<semaphore_mem>>) src(%dma_wait3A_193 : memref<128x256xf32, #tpu.memory_space<vmem>>) dst(%dma_wait3A_189 : memref<128x256xf32, #tpu.memory_space<hbm>>)
    %dma_start3A_194 = arith.constant 0 : i32
    %dma_start3A_195 = arith.constant 0 : i32
    %dma_start3A_196 = arith.constant 0 : i32
    %dma_start3A_197 = arith.constant 0 : i32
    %dma_start3A_198 = tpu.memref_slice %arg6[%dma_start3A_194, %dma_start3A_196, %dma_start3A_197] : memref<2x128x256xf32, #tpu.memory_space<vmem>> -> memref<1x128x256xf32, #tpu.memory_space<vmem>>
    %dma_start3A_199 = tpu.memref_squeeze %dma_start3A_198 : memref<1x128x256xf32, #tpu.memory_space<vmem>> -> memref<128x256xf32, #tpu.memory_space<vmem>>
    %dma_start3A_200 = arith.constant 512 : i32
    %dma_start3A_201 = tpu.memref_slice %arg5[%dma_start3A_200] : memref<1024xi32, #tpu.memory_space<vmem>> -> memref<128xi32, #tpu.memory_space<vmem>>
    %dma_start3A_202 = arith.constant 0 : i32
    %dma_start3A_203 = arith.constant 0 : i32
    %dma_start3A_204 = tpu.memref_slice %arg2[%dma_start3A_202, %dma_start3A_203] : memref<36864x256xf32, #tpu.memory_space<hbm>> -> memref<36864x256xf32, #tpu.memory_space<hbm>>
    %dma_start3A_205 = tpu.memref_slice %arg7[%dma_start3A_195] : memref<2x!tpu.dma_semaphore, #tpu.memory_space<semaphore_mem>> -> memref<1x!tpu.dma_semaphore, #tpu.memory_space<semaphore_mem>>
    %dma_start3A_206 = tpu.memref_squeeze %dma_start3A_205 : memref<1x!tpu.dma_semaphore, #tpu.memory_space<semaphore_mem>> -> memref<!tpu.dma_semaphore, #tpu.memory_space<semaphore_mem>>
    tpu.enqueue_indirect_dma source(%dma_start3A_204 : memref<36864x256xf32, #tpu.memory_space<hbm>>) target(%dma_start3A_199 : memref<128x256xf32, #tpu.memory_space<vmem>>) offsets(%dma_start3A_201 : memref<128xi32, #tpu.memory_space<vmem>>) semaphore(%dma_start3A_206 : memref<!tpu.dma_semaphore, #tpu.memory_space<semaphore_mem>>)
    %dma_wait3A_207 = arith.constant 1 : i32
    %dma_wait3A_208 = arith.constant 1 : i32
    %dma_wait3A_209 = arith.constant 0 : i32
    %dma_wait3A_210 = arith.constant 0 : i32
    %dma_wait3A_211 = tpu.memref_slice %arg6[%dma_wait3A_207, %dma_wait3A_209, %dma_wait3A_210] : memref<2x128x256xf32, #tpu.memory_space<vmem>> -> memref<1x128x256xf32, #tpu.memory_space<vmem>>
    %dma_wait3A_212 = tpu.memref_squeeze %dma_wait3A_211 : memref<1x128x256xf32, #tpu.memory_space<vmem>> -> memref<128x256xf32, #tpu.memory_space<vmem>>
    %dma_wait3A_213 = arith.constant 384 : i32
    %dma_wait3A_214 = tpu.memref_slice %arg5[%dma_wait3A_213] : memref<1024xi32, #tpu.memory_space<vmem>> -> memref<128xi32, #tpu.memory_space<vmem>>
    %dma_wait3A_215 = arith.constant 0 : i32
    %dma_wait3A_216 = arith.constant 0 : i32
    %dma_wait3A_217 = tpu.memref_slice %arg2[%dma_wait3A_215, %dma_wait3A_216] : memref<36864x256xf32, #tpu.memory_space<hbm>> -> memref<36864x256xf32, #tpu.memory_space<hbm>>
    %dma_wait3A_218 = tpu.memref_slice %arg7[%dma_wait3A_208] : memref<2x!tpu.dma_semaphore, #tpu.memory_space<semaphore_mem>> -> memref<1x!tpu.dma_semaphore, #tpu.memory_space<semaphore_mem>>
    %dma_wait3A_219 = tpu.memref_squeeze %dma_wait3A_218 : memref<1x!tpu.dma_semaphore, #tpu.memory_space<semaphore_mem>> -> memref<!tpu.dma_semaphore, #tpu.memory_space<semaphore_mem>>
    tpu.wait_indirect_dma semaphore(%dma_wait3A_219 : memref<!tpu.dma_semaphore, #tpu.memory_space<semaphore_mem>>) src(%dma_wait3A_217 : memref<36864x256xf32, #tpu.memory_space<hbm>>) dst(%dma_wait3A_212 : memref<128x256xf32, #tpu.memory_space<vmem>>)
    %add3A_220 = arith.constant 384 : i32
    %add3A_221 = arith.addi %multiple_of3A, %add3A_220 : i32
    %dma_start3A_222 = arith.constant 1 : i32
    %dma_start3A_223 = arith.constant 1 : i32
    %dma_start3A_224 = arith.constant 0 : i32
    %dma_start3A_225 = arith.constant 0 : i32
    %dma_start3A_226 = tpu.memref_slice %arg6[%dma_start3A_222, %dma_start3A_224, %dma_start3A_225] : memref<2x128x256xf32, #tpu.memory_space<vmem>> -> memref<1x128x256xf32, #tpu.memory_space<vmem>>
    %dma_start3A_227 = tpu.memref_squeeze %dma_start3A_226 : memref<1x128x256xf32, #tpu.memory_space<vmem>> -> memref<128x256xf32, #tpu.memory_space<vmem>>
    %dma_start3A_228 = arith.constant 0 : i32
    %dma_start3A_229 = tpu.memref_slice %arg4[%add3A_221, %dma_start3A_228] : memref<32768x256xf32, #tpu.memory_space<hbm>> -> memref<128x256xf32, #tpu.memory_space<hbm>>
    %dma_start3A_230 = tpu.memref_slice %arg8[%dma_start3A_223] : memref<2x!tpu.dma_semaphore, #tpu.memory_space<semaphore_mem>> -> memref<1x!tpu.dma_semaphore, #tpu.memory_space<semaphore_mem>>
    %dma_start3A_231 = tpu.memref_squeeze %dma_start3A_230 : memref<1x!tpu.dma_semaphore, #tpu.memory_space<semaphore_mem>> -> memref<!tpu.dma_semaphore, #tpu.memory_space<semaphore_mem>>
    %dma_start3A_232 = arith.constant 0 : i32
    %dma_start3A_233 = tpu.memref_slice %arg4[%add3A_221, %dma_start3A_232] : memref<32768x256xf32, #tpu.memory_space<hbm>> -> memref<128x256xf32, #tpu.memory_space<hbm>>
    %dma_start3A_234 = arith.constant 0 : i32
    %dma_start3A_235 = arith.constant 0 : i32
    %dma_start3A_236 = tpu.memref_slice %arg6[%dma_start3A_222, %dma_start3A_234, %dma_start3A_235] : memref<2x128x256xf32, #tpu.memory_space<vmem>> -> memref<1x128x256xf32, #tpu.memory_space<vmem>>
    %dma_start3A_237 = tpu.memref_squeeze %dma_start3A_236 : memref<1x128x256xf32, #tpu.memory_space<vmem>> -> memref<128x256xf32, #tpu.memory_space<vmem>>
    tpu.enqueue_dma source(%dma_start3A_237 : memref<128x256xf32, #tpu.memory_space<vmem>>) target(%dma_start3A_233 : memref<128x256xf32, #tpu.memory_space<hbm>>) target_semaphore(%dma_start3A_231 : memref<!tpu.dma_semaphore, #tpu.memory_space<semaphore_mem>>)
    %dma_wait3A_238 = arith.constant 1 : i32
    %dma_wait3A_239 = arith.constant 1 : i32
    %dma_wait3A_240 = arith.constant 0 : i32
    %dma_wait3A_241 = arith.constant 0 : i32
    %dma_wait3A_242 = tpu.memref_slice %arg6[%dma_wait3A_238, %dma_wait3A_240, %dma_wait3A_241] : memref<2x128x256xf32, #tpu.memory_space<vmem>> -> memref<1x128x256xf32, #tpu.memory_space<vmem>>
    %dma_wait3A_243 = tpu.memref_squeeze %dma_wait3A_242 : memref<1x128x256xf32, #tpu.memory_space<vmem>> -> memref<128x256xf32, #tpu.memory_space<vmem>>
    %dma_wait3A_244 = arith.constant 0 : i32
    %dma_wait3A_245 = tpu.memref_slice %arg4[%add3A_221, %dma_wait3A_244] : memref<32768x256xf32, #tpu.memory_space<hbm>> -> memref<128x256xf32, #tpu.memory_space<hbm>>
    %dma_wait3A_246 = tpu.memref_slice %arg8[%dma_wait3A_239] : memref<2x!tpu.dma_semaphore, #tpu.memory_space<semaphore_mem>> -> memref<1x!tpu.dma_semaphore, #tpu.memory_space<semaphore_mem>>
    %dma_wait3A_247 = tpu.memref_squeeze %dma_wait3A_246 : memref<1x!tpu.dma_semaphore, #tpu.memory_space<semaphore_mem>> -> memref<!tpu.dma_semaphore, #tpu.memory_space<semaphore_mem>>
    %dma_wait3A_248 = arith.constant 0 : i32
    %dma_wait3A_249 = tpu.memref_slice %arg4[%add3A_221, %dma_wait3A_248] : memref<32768x256xf32, #tpu.memory_space<hbm>> -> memref<128x256xf32, #tpu.memory_space<hbm>>
    %dma_wait3A_250 = arith.constant 0 : i32
    %dma_wait3A_251 = arith.constant 0 : i32
    %dma_wait3A_252 = tpu.memref_slice %arg6[%dma_wait3A_238, %dma_wait3A_250, %dma_wait3A_251] : memref<2x128x256xf32, #tpu.memory_space<vmem>> -> memref<1x128x256xf32, #tpu.memory_space<vmem>>
    %dma_wait3A_253 = tpu.memref_squeeze %dma_wait3A_252 : memref<1x128x256xf32, #tpu.memory_space<vmem>> -> memref<128x256xf32, #tpu.memory_space<vmem>>
    tpu.wait_dma2 semaphore(%dma_wait3A_247 : memref<!tpu.dma_semaphore, #tpu.memory_space<semaphore_mem>>) src(%dma_wait3A_253 : memref<128x256xf32, #tpu.memory_space<vmem>>) dst(%dma_wait3A_249 : memref<128x256xf32, #tpu.memory_space<hbm>>)
    %dma_start3A_254 = arith.constant 1 : i32
    %dma_start3A_255 = arith.constant 1 : i32
    %dma_start3A_256 = arith.constant 0 : i32
    %dma_start3A_257 = arith.constant 0 : i32
    %dma_start3A_258 = tpu.memref_slice %arg6[%dma_start3A_254, %dma_start3A_256, %dma_start3A_257] : memref<2x128x256xf32, #tpu.memory_space<vmem>> -> memref<1x128x256xf32, #tpu.memory_space<vmem>>
    %dma_start3A_259 = tpu.memref_squeeze %dma_start3A_258 : memref<1x128x256xf32, #tpu.memory_space<vmem>> -> memref<128x256xf32, #tpu.memory_space<vmem>>
    %dma_start3A_260 = arith.constant 640 : i32
    %dma_start3A_261 = tpu.memref_slice %arg5[%dma_start3A_260] : memref<1024xi32, #tpu.memory_space<vmem>> -> memref<128xi32, #tpu.memory_space<vmem>>
    %dma_start3A_262 = arith.constant 0 : i32
    %dma_start3A_263 = arith.constant 0 : i32
    %dma_start3A_264 = tpu.memref_slice %arg2[%dma_start3A_262, %dma_start3A_263] : memref<36864x256xf32, #tpu.memory_space<hbm>> -> memref<36864x256xf32, #tpu.memory_space<hbm>>
    %dma_start3A_265 = tpu.memref_slice %arg7[%dma_start3A_255] : memref<2x!tpu.dma_semaphore, #tpu.memory_space<semaphore_mem>> -> memref<1x!tpu.dma_semaphore, #tpu.memory_space<semaphore_mem>>
    %dma_start3A_266 = tpu.memref_squeeze %dma_start3A_265 : memref<1x!tpu.dma_semaphore, #tpu.memory_space<semaphore_mem>> -> memref<!tpu.dma_semaphore, #tpu.memory_space<semaphore_mem>>
    tpu.enqueue_indirect_dma source(%dma_start3A_264 : memref<36864x256xf32, #tpu.memory_space<hbm>>) target(%dma_start3A_259 : memref<128x256xf32, #tpu.memory_space<vmem>>) offsets(%dma_start3A_261 : memref<128xi32, #tpu.memory_space<vmem>>) semaphore(%dma_start3A_266 : memref<!tpu.dma_semaphore, #tpu.memory_space<semaphore_mem>>)
    %dma_wait3A_267 = arith.constant 0 : i32
    %dma_wait3A_268 = arith.constant 0 : i32
    %dma_wait3A_269 = arith.constant 0 : i32
    %dma_wait3A_270 = arith.constant 0 : i32
    %dma_wait3A_271 = tpu.memref_slice %arg6[%dma_wait3A_267, %dma_wait3A_269, %dma_wait3A_270] : memref<2x128x256xf32, #tpu.memory_space<vmem>> -> memref<1x128x256xf32, #tpu.memory_space<vmem>>
    %dma_wait3A_272 = tpu.memref_squeeze %dma_wait3A_271 : memref<1x128x256xf32, #tpu.memory_space<vmem>> -> memref<128x256xf32, #tpu.memory_space<vmem>>
    %dma_wait3A_273 = arith.constant 512 : i32
    %dma_wait3A_274 = tpu.memref_slice %arg5[%dma_wait3A_273] : memref<1024xi32, #tpu.memory_space<vmem>> -> memref<128xi32, #tpu.memory_space<vmem>>
    %dma_wait3A_275 = arith.constant 0 : i32
    %dma_wait3A_276 = arith.constant 0 : i32
    %dma_wait3A_277 = tpu.memref_slice %arg2[%dma_wait3A_275, %dma_wait3A_276] : memref<36864x256xf32, #tpu.memory_space<hbm>> -> memref<36864x256xf32, #tpu.memory_space<hbm>>
    %dma_wait3A_278 = tpu.memref_slice %arg7[%dma_wait3A_268] : memref<2x!tpu.dma_semaphore, #tpu.memory_space<semaphore_mem>> -> memref<1x!tpu.dma_semaphore, #tpu.memory_space<semaphore_mem>>
    %dma_wait3A_279 = tpu.memref_squeeze %dma_wait3A_278 : memref<1x!tpu.dma_semaphore, #tpu.memory_space<semaphore_mem>> -> memref<!tpu.dma_semaphore, #tpu.memory_space<semaphore_mem>>
    tpu.wait_indirect_dma semaphore(%dma_wait3A_279 : memref<!tpu.dma_semaphore, #tpu.memory_space<semaphore_mem>>) src(%dma_wait3A_277 : memref<36864x256xf32, #tpu.memory_space<hbm>>) dst(%dma_wait3A_272 : memref<128x256xf32, #tpu.memory_space<vmem>>)
    %add3A_280 = arith.constant 512 : i32
    %add3A_281 = arith.addi %multiple_of3A, %add3A_280 : i32
    %dma_start3A_282 = arith.constant 0 : i32
    %dma_start3A_283 = arith.constant 0 : i32
    %dma_start3A_284 = arith.constant 0 : i32
    %dma_start3A_285 = arith.constant 0 : i32
    %dma_start3A_286 = tpu.memref_slice %arg6[%dma_start3A_282, %dma_start3A_284, %dma_start3A_285] : memref<2x128x256xf32, #tpu.memory_space<vmem>> -> memref<1x128x256xf32, #tpu.memory_space<vmem>>
    %dma_start3A_287 = tpu.memref_squeeze %dma_start3A_286 : memref<1x128x256xf32, #tpu.memory_space<vmem>> -> memref<128x256xf32, #tpu.memory_space<vmem>>
    %dma_start3A_288 = arith.constant 0 : i32
    %dma_start3A_289 = tpu.memref_slice %arg4[%add3A_281, %dma_start3A_288] : memref<32768x256xf32, #tpu.memory_space<hbm>> -> memref<128x256xf32, #tpu.memory_space<hbm>>
    %dma_start3A_290 = tpu.memref_slice %arg8[%dma_start3A_283] : memref<2x!tpu.dma_semaphore, #tpu.memory_space<semaphore_mem>> -> memref<1x!tpu.dma_semaphore, #tpu.memory_space<semaphore_mem>>
    %dma_start3A_291 = tpu.memref_squeeze %dma_start3A_290 : memref<1x!tpu.dma_semaphore, #tpu.memory_space<semaphore_mem>> -> memref<!tpu.dma_semaphore, #tpu.memory_space<semaphore_mem>>
    %dma_start3A_292 = arith.constant 0 : i32
    %dma_start3A_293 = tpu.memref_slice %arg4[%add3A_281, %dma_start3A_292] : memref<32768x256xf32, #tpu.memory_space<hbm>> -> memref<128x256xf32, #tpu.memory_space<hbm>>
    %dma_start3A_294 = arith.constant 0 : i32
    %dma_start3A_295 = arith.constant 0 : i32
    %dma_start3A_296 = tpu.memref_slice %arg6[%dma_start3A_282, %dma_start3A_294, %dma_start3A_295] : memref<2x128x256xf32, #tpu.memory_space<vmem>> -> memref<1x128x256xf32, #tpu.memory_space<vmem>>
    %dma_start3A_297 = tpu.memref_squeeze %dma_start3A_296 : memref<1x128x256xf32, #tpu.memory_space<vmem>> -> memref<128x256xf32, #tpu.memory_space<vmem>>
    tpu.enqueue_dma source(%dma_start3A_297 : memref<128x256xf32, #tpu.memory_space<vmem>>) target(%dma_start3A_293 : memref<128x256xf32, #tpu.memory_space<hbm>>) target_semaphore(%dma_start3A_291 : memref<!tpu.dma_semaphore, #tpu.memory_space<semaphore_mem>>)
    %dma_wait3A_298 = arith.constant 0 : i32
    %dma_wait3A_299 = arith.constant 0 : i32
    %dma_wait3A_300 = arith.constant 0 : i32
    %dma_wait3A_301 = arith.constant 0 : i32
    %dma_wait3A_302 = tpu.memref_slice %arg6[%dma_wait3A_298, %dma_wait3A_300, %dma_wait3A_301] : memref<2x128x256xf32, #tpu.memory_space<vmem>> -> memref<1x128x256xf32, #tpu.memory_space<vmem>>
    %dma_wait3A_303 = tpu.memref_squeeze %dma_wait3A_302 : memref<1x128x256xf32, #tpu.memory_space<vmem>> -> memref<128x256xf32, #tpu.memory_space<vmem>>
    %dma_wait3A_304 = arith.constant 0 : i32
    %dma_wait3A_305 = tpu.memref_slice %arg4[%add3A_281, %dma_wait3A_304] : memref<32768x256xf32, #tpu.memory_space<hbm>> -> memref<128x256xf32, #tpu.memory_space<hbm>>
    %dma_wait3A_306 = tpu.memref_slice %arg8[%dma_wait3A_299] : memref<2x!tpu.dma_semaphore, #tpu.memory_space<semaphore_mem>> -> memref<1x!tpu.dma_semaphore, #tpu.memory_space<semaphore_mem>>
    %dma_wait3A_307 = tpu.memref_squeeze %dma_wait3A_306 : memref<1x!tpu.dma_semaphore, #tpu.memory_space<semaphore_mem>> -> memref<!tpu.dma_semaphore, #tpu.memory_space<semaphore_mem>>
    %dma_wait3A_308 = arith.constant 0 : i32
    %dma_wait3A_309 = tpu.memref_slice %arg4[%add3A_281, %dma_wait3A_308] : memref<32768x256xf32, #tpu.memory_space<hbm>> -> memref<128x256xf32, #tpu.memory_space<hbm>>
    %dma_wait3A_310 = arith.constant 0 : i32
    %dma_wait3A_311 = arith.constant 0 : i32
    %dma_wait3A_312 = tpu.memref_slice %arg6[%dma_wait3A_298, %dma_wait3A_310, %dma_wait3A_311] : memref<2x128x256xf32, #tpu.memory_space<vmem>> -> memref<1x128x256xf32, #tpu.memory_space<vmem>>
    %dma_wait3A_313 = tpu.memref_squeeze %dma_wait3A_312 : memref<1x128x256xf32, #tpu.memory_space<vmem>> -> memref<128x256xf32, #tpu.memory_space<vmem>>
    tpu.wait_dma2 semaphore(%dma_wait3A_307 : memref<!tpu.dma_semaphore, #tpu.memory_space<semaphore_mem>>) src(%dma_wait3A_313 : memref<128x256xf32, #tpu.memory_space<vmem>>) dst(%dma_wait3A_309 : memref<128x256xf32, #tpu.memory_space<hbm>>)
    %dma_start3A_314 = arith.constant 0 : i32
    %dma_start3A_315 = arith.constant 0 : i32
    %dma_start3A_316 = arith.constant 0 : i32
    %dma_start3A_317 = arith.constant 0 : i32
    %dma_start3A_318 = tpu.memref_slice %arg6[%dma_start3A_314, %dma_start3A_316, %dma_start3A_317] : memref<2x128x256xf32, #tpu.memory_space<vmem>> -> memref<1x128x256xf32, #tpu.memory_space<vmem>>
    %dma_start3A_319 = tpu.memref_squeeze %dma_start3A_318 : memref<1x128x256xf32, #tpu.memory_space<vmem>> -> memref<128x256xf32, #tpu.memory_space<vmem>>
    %dma_start3A_320 = arith.constant 768 : i32
    %dma_start3A_321 = tpu.memref_slice %arg5[%dma_start3A_320] : memref<1024xi32, #tpu.memory_space<vmem>> -> memref<128xi32, #tpu.memory_space<vmem>>
    %dma_start3A_322 = arith.constant 0 : i32
    %dma_start3A_323 = arith.constant 0 : i32
    %dma_start3A_324 = tpu.memref_slice %arg2[%dma_start3A_322, %dma_start3A_323] : memref<36864x256xf32, #tpu.memory_space<hbm>> -> memref<36864x256xf32, #tpu.memory_space<hbm>>
    %dma_start3A_325 = tpu.memref_slice %arg7[%dma_start3A_315] : memref<2x!tpu.dma_semaphore, #tpu.memory_space<semaphore_mem>> -> memref<1x!tpu.dma_semaphore, #tpu.memory_space<semaphore_mem>>
    %dma_start3A_326 = tpu.memref_squeeze %dma_start3A_325 : memref<1x!tpu.dma_semaphore, #tpu.memory_space<semaphore_mem>> -> memref<!tpu.dma_semaphore, #tpu.memory_space<semaphore_mem>>
    tpu.enqueue_indirect_dma source(%dma_start3A_324 : memref<36864x256xf32, #tpu.memory_space<hbm>>) target(%dma_start3A_319 : memref<128x256xf32, #tpu.memory_space<vmem>>) offsets(%dma_start3A_321 : memref<128xi32, #tpu.memory_space<vmem>>) semaphore(%dma_start3A_326 : memref<!tpu.dma_semaphore, #tpu.memory_space<semaphore_mem>>)
    %dma_wait3A_327 = arith.constant 1 : i32
    %dma_wait3A_328 = arith.constant 1 : i32
    %dma_wait3A_329 = arith.constant 0 : i32
    %dma_wait3A_330 = arith.constant 0 : i32
    %dma_wait3A_331 = tpu.memref_slice %arg6[%dma_wait3A_327, %dma_wait3A_329, %dma_wait3A_330] : memref<2x128x256xf32, #tpu.memory_space<vmem>> -> memref<1x128x256xf32, #tpu.memory_space<vmem>>
    %dma_wait3A_332 = tpu.memref_squeeze %dma_wait3A_331 : memref<1x128x256xf32, #tpu.memory_space<vmem>> -> memref<128x256xf32, #tpu.memory_space<vmem>>
    %dma_wait3A_333 = arith.constant 640 : i32
    %dma_wait3A_334 = tpu.memref_slice %arg5[%dma_wait3A_333] : memref<1024xi32, #tpu.memory_space<vmem>> -> memref<128xi32, #tpu.memory_space<vmem>>
    %dma_wait3A_335 = arith.constant 0 : i32
    %dma_wait3A_336 = arith.constant 0 : i32
    %dma_wait3A_337 = tpu.memref_slice %arg2[%dma_wait3A_335, %dma_wait3A_336] : memref<36864x256xf32, #tpu.memory_space<hbm>> -> memref<36864x256xf32, #tpu.memory_space<hbm>>
    %dma_wait3A_338 = tpu.memref_slice %arg7[%dma_wait3A_328] : memref<2x!tpu.dma_semaphore, #tpu.memory_space<semaphore_mem>> -> memref<1x!tpu.dma_semaphore, #tpu.memory_space<semaphore_mem>>
    %dma_wait3A_339 = tpu.memref_squeeze %dma_wait3A_338 : memref<1x!tpu.dma_semaphore, #tpu.memory_space<semaphore_mem>> -> memref<!tpu.dma_semaphore, #tpu.memory_space<semaphore_mem>>
    tpu.wait_indirect_dma semaphore(%dma_wait3A_339 : memref<!tpu.dma_semaphore, #tpu.memory_space<semaphore_mem>>) src(%dma_wait3A_337 : memref<36864x256xf32, #tpu.memory_space<hbm>>) dst(%dma_wait3A_332 : memref<128x256xf32, #tpu.memory_space<vmem>>)
    %add3A_340 = arith.constant 640 : i32
    %add3A_341 = arith.addi %multiple_of3A, %add3A_340 : i32
    %dma_start3A_342 = arith.constant 1 : i32
    %dma_start3A_343 = arith.constant 1 : i32
    %dma_start3A_344 = arith.constant 0 : i32
    %dma_start3A_345 = arith.constant 0 : i32
    %dma_start3A_346 = tpu.memref_slice %arg6[%dma_start3A_342, %dma_start3A_344, %dma_start3A_345] : memref<2x128x256xf32, #tpu.memory_space<vmem>> -> memref<1x128x256xf32, #tpu.memory_space<vmem>>
    %dma_start3A_347 = tpu.memref_squeeze %dma_start3A_346 : memref<1x128x256xf32, #tpu.memory_space<vmem>> -> memref<128x256xf32, #tpu.memory_space<vmem>>
    %dma_start3A_348 = arith.constant 0 : i32
    %dma_start3A_349 = tpu.memref_slice %arg4[%add3A_341, %dma_start3A_348] : memref<32768x256xf32, #tpu.memory_space<hbm>> -> memref<128x256xf32, #tpu.memory_space<hbm>>
    %dma_start3A_350 = tpu.memref_slice %arg8[%dma_start3A_343] : memref<2x!tpu.dma_semaphore, #tpu.memory_space<semaphore_mem>> -> memref<1x!tpu.dma_semaphore, #tpu.memory_space<semaphore_mem>>
    %dma_start3A_351 = tpu.memref_squeeze %dma_start3A_350 : memref<1x!tpu.dma_semaphore, #tpu.memory_space<semaphore_mem>> -> memref<!tpu.dma_semaphore, #tpu.memory_space<semaphore_mem>>
    %dma_start3A_352 = arith.constant 0 : i32
    %dma_start3A_353 = tpu.memref_slice %arg4[%add3A_341, %dma_start3A_352] : memref<32768x256xf32, #tpu.memory_space<hbm>> -> memref<128x256xf32, #tpu.memory_space<hbm>>
    %dma_start3A_354 = arith.constant 0 : i32
    %dma_start3A_355 = arith.constant 0 : i32
    %dma_start3A_356 = tpu.memref_slice %arg6[%dma_start3A_342, %dma_start3A_354, %dma_start3A_355] : memref<2x128x256xf32, #tpu.memory_space<vmem>> -> memref<1x128x256xf32, #tpu.memory_space<vmem>>
    %dma_start3A_357 = tpu.memref_squeeze %dma_start3A_356 : memref<1x128x256xf32, #tpu.memory_space<vmem>> -> memref<128x256xf32, #tpu.memory_space<vmem>>
    tpu.enqueue_dma source(%dma_start3A_357 : memref<128x256xf32, #tpu.memory_space<vmem>>) target(%dma_start3A_353 : memref<128x256xf32, #tpu.memory_space<hbm>>) target_semaphore(%dma_start3A_351 : memref<!tpu.dma_semaphore, #tpu.memory_space<semaphore_mem>>)
    %dma_wait3A_358 = arith.constant 1 : i32
    %dma_wait3A_359 = arith.constant 1 : i32
    %dma_wait3A_360 = arith.constant 0 : i32
    %dma_wait3A_361 = arith.constant 0 : i32
    %dma_wait3A_362 = tpu.memref_slice %arg6[%dma_wait3A_358, %dma_wait3A_360, %dma_wait3A_361] : memref<2x128x256xf32, #tpu.memory_space<vmem>> -> memref<1x128x256xf32, #tpu.memory_space<vmem>>
    %dma_wait3A_363 = tpu.memref_squeeze %dma_wait3A_362 : memref<1x128x256xf32, #tpu.memory_space<vmem>> -> memref<128x256xf32, #tpu.memory_space<vmem>>
    %dma_wait3A_364 = arith.constant 0 : i32
    %dma_wait3A_365 = tpu.memref_slice %arg4[%add3A_341, %dma_wait3A_364] : memref<32768x256xf32, #tpu.memory_space<hbm>> -> memref<128x256xf32, #tpu.memory_space<hbm>>
    %dma_wait3A_366 = tpu.memref_slice %arg8[%dma_wait3A_359] : memref<2x!tpu.dma_semaphore, #tpu.memory_space<semaphore_mem>> -> memref<1x!tpu.dma_semaphore, #tpu.memory_space<semaphore_mem>>
    %dma_wait3A_367 = tpu.memref_squeeze %dma_wait3A_366 : memref<1x!tpu.dma_semaphore, #tpu.memory_space<semaphore_mem>> -> memref<!tpu.dma_semaphore, #tpu.memory_space<semaphore_mem>>
    %dma_wait3A_368 = arith.constant 0 : i32
    %dma_wait3A_369 = tpu.memref_slice %arg4[%add3A_341, %dma_wait3A_368] : memref<32768x256xf32, #tpu.memory_space<hbm>> -> memref<128x256xf32, #tpu.memory_space<hbm>>
    %dma_wait3A_370 = arith.constant 0 : i32
    %dma_wait3A_371 = arith.constant 0 : i32
    %dma_wait3A_372 = tpu.memref_slice %arg6[%dma_wait3A_358, %dma_wait3A_370, %dma_wait3A_371] : memref<2x128x256xf32, #tpu.memory_space<vmem>> -> memref<1x128x256xf32, #tpu.memory_space<vmem>>
    %dma_wait3A_373 = tpu.memref_squeeze %dma_wait3A_372 : memref<1x128x256xf32, #tpu.memory_space<vmem>> -> memref<128x256xf32, #tpu.memory_space<vmem>>
    tpu.wait_dma2 semaphore(%dma_wait3A_367 : memref<!tpu.dma_semaphore, #tpu.memory_space<semaphore_mem>>) src(%dma_wait3A_373 : memref<128x256xf32, #tpu.memory_space<vmem>>) dst(%dma_wait3A_369 : memref<128x256xf32, #tpu.memory_space<hbm>>)
    %dma_start3A_374 = arith.constant 1 : i32
    %dma_start3A_375 = arith.constant 1 : i32
    %dma_start3A_376 = arith.constant 0 : i32
    %dma_start3A_377 = arith.constant 0 : i32
    %dma_start3A_378 = tpu.memref_slice %arg6[%dma_start3A_374, %dma_start3A_376, %dma_start3A_377] : memref<2x128x256xf32, #tpu.memory_space<vmem>> -> memref<1x128x256xf32, #tpu.memory_space<vmem>>
    %dma_start3A_379 = tpu.memref_squeeze %dma_start3A_378 : memref<1x128x256xf32, #tpu.memory_space<vmem>> -> memref<128x256xf32, #tpu.memory_space<vmem>>
    %dma_start3A_380 = arith.constant 896 : i32
    %dma_start3A_381 = tpu.memref_slice %arg5[%dma_start3A_380] : memref<1024xi32, #tpu.memory_space<vmem>> -> memref<128xi32, #tpu.memory_space<vmem>>
    %dma_start3A_382 = arith.constant 0 : i32
    %dma_start3A_383 = arith.constant 0 : i32
    %dma_start3A_384 = tpu.memref_slice %arg2[%dma_start3A_382, %dma_start3A_383] : memref<36864x256xf32, #tpu.memory_space<hbm>> -> memref<36864x256xf32, #tpu.memory_space<hbm>>
    %dma_start3A_385 = tpu.memref_slice %arg7[%dma_start3A_375] : memref<2x!tpu.dma_semaphore, #tpu.memory_space<semaphore_mem>> -> memref<1x!tpu.dma_semaphore, #tpu.memory_space<semaphore_mem>>
    %dma_start3A_386 = tpu.memref_squeeze %dma_start3A_385 : memref<1x!tpu.dma_semaphore, #tpu.memory_space<semaphore_mem>> -> memref<!tpu.dma_semaphore, #tpu.memory_space<semaphore_mem>>
    tpu.enqueue_indirect_dma source(%dma_start3A_384 : memref<36864x256xf32, #tpu.memory_space<hbm>>) target(%dma_start3A_379 : memref<128x256xf32, #tpu.memory_space<vmem>>) offsets(%dma_start3A_381 : memref<128xi32, #tpu.memory_space<vmem>>) semaphore(%dma_start3A_386 : memref<!tpu.dma_semaphore, #tpu.memory_space<semaphore_mem>>)
    %dma_wait3A_387 = arith.constant 0 : i32
    %dma_wait3A_388 = arith.constant 0 : i32
    %dma_wait3A_389 = arith.constant 0 : i32
    %dma_wait3A_390 = arith.constant 0 : i32
    %dma_wait3A_391 = tpu.memref_slice %arg6[%dma_wait3A_387, %dma_wait3A_389, %dma_wait3A_390] : memref<2x128x256xf32, #tpu.memory_space<vmem>> -> memref<1x128x256xf32, #tpu.memory_space<vmem>>
    %dma_wait3A_392 = tpu.memref_squeeze %dma_wait3A_391 : memref<1x128x256xf32, #tpu.memory_space<vmem>> -> memref<128x256xf32, #tpu.memory_space<vmem>>
    %dma_wait3A_393 = arith.constant 768 : i32
    %dma_wait3A_394 = tpu.memref_slice %arg5[%dma_wait3A_393] : memref<1024xi32, #tpu.memory_space<vmem>> -> memref<128xi32, #tpu.memory_space<vmem>>
    %dma_wait3A_395 = arith.constant 0 : i32
    %dma_wait3A_396 = arith.constant 0 : i32
    %dma_wait3A_397 = tpu.memref_slice %arg2[%dma_wait3A_395, %dma_wait3A_396] : memref<36864x256xf32, #tpu.memory_space<hbm>> -> memref<36864x256xf32, #tpu.memory_space<hbm>>
    %dma_wait3A_398 = tpu.memref_slice %arg7[%dma_wait3A_388] : memref<2x!tpu.dma_semaphore, #tpu.memory_space<semaphore_mem>> -> memref<1x!tpu.dma_semaphore, #tpu.memory_space<semaphore_mem>>
    %dma_wait3A_399 = tpu.memref_squeeze %dma_wait3A_398 : memref<1x!tpu.dma_semaphore, #tpu.memory_space<semaphore_mem>> -> memref<!tpu.dma_semaphore, #tpu.memory_space<semaphore_mem>>
    tpu.wait_indirect_dma semaphore(%dma_wait3A_399 : memref<!tpu.dma_semaphore, #tpu.memory_space<semaphore_mem>>) src(%dma_wait3A_397 : memref<36864x256xf32, #tpu.memory_space<hbm>>) dst(%dma_wait3A_392 : memref<128x256xf32, #tpu.memory_space<vmem>>)
    %add3A_400 = arith.constant 768 : i32
    %add3A_401 = arith.addi %multiple_of3A, %add3A_400 : i32
    %dma_start3A_402 = arith.constant 0 : i32
    %dma_start3A_403 = arith.constant 0 : i32
    %dma_start3A_404 = arith.constant 0 : i32
    %dma_start3A_405 = arith.constant 0 : i32
    %dma_start3A_406 = tpu.memref_slice %arg6[%dma_start3A_402, %dma_start3A_404, %dma_start3A_405] : memref<2x128x256xf32, #tpu.memory_space<vmem>> -> memref<1x128x256xf32, #tpu.memory_space<vmem>>
    %dma_start3A_407 = tpu.memref_squeeze %dma_start3A_406 : memref<1x128x256xf32, #tpu.memory_space<vmem>> -> memref<128x256xf32, #tpu.memory_space<vmem>>
    %dma_start3A_408 = arith.constant 0 : i32
    %dma_start3A_409 = tpu.memref_slice %arg4[%add3A_401, %dma_start3A_408] : memref<32768x256xf32, #tpu.memory_space<hbm>> -> memref<128x256xf32, #tpu.memory_space<hbm>>
    %dma_start3A_410 = tpu.memref_slice %arg8[%dma_start3A_403] : memref<2x!tpu.dma_semaphore, #tpu.memory_space<semaphore_mem>> -> memref<1x!tpu.dma_semaphore, #tpu.memory_space<semaphore_mem>>
    %dma_start3A_411 = tpu.memref_squeeze %dma_start3A_410 : memref<1x!tpu.dma_semaphore, #tpu.memory_space<semaphore_mem>> -> memref<!tpu.dma_semaphore, #tpu.memory_space<semaphore_mem>>
    %dma_start3A_412 = arith.constant 0 : i32
    %dma_start3A_413 = tpu.memref_slice %arg4[%add3A_401, %dma_start3A_412] : memref<32768x256xf32, #tpu.memory_space<hbm>> -> memref<128x256xf32, #tpu.memory_space<hbm>>
    %dma_start3A_414 = arith.constant 0 : i32
    %dma_start3A_415 = arith.constant 0 : i32
    %dma_start3A_416 = tpu.memref_slice %arg6[%dma_start3A_402, %dma_start3A_414, %dma_start3A_415] : memref<2x128x256xf32, #tpu.memory_space<vmem>> -> memref<1x128x256xf32, #tpu.memory_space<vmem>>
    %dma_start3A_417 = tpu.memref_squeeze %dma_start3A_416 : memref<1x128x256xf32, #tpu.memory_space<vmem>> -> memref<128x256xf32, #tpu.memory_space<vmem>>
    tpu.enqueue_dma source(%dma_start3A_417 : memref<128x256xf32, #tpu.memory_space<vmem>>) target(%dma_start3A_413 : memref<128x256xf32, #tpu.memory_space<hbm>>) target_semaphore(%dma_start3A_411 : memref<!tpu.dma_semaphore, #tpu.memory_space<semaphore_mem>>)
    %dma_wait3A_418 = arith.constant 1 : i32
    %dma_wait3A_419 = arith.constant 1 : i32
    %dma_wait3A_420 = arith.constant 0 : i32
    %dma_wait3A_421 = arith.constant 0 : i32
    %dma_wait3A_422 = tpu.memref_slice %arg6[%dma_wait3A_418, %dma_wait3A_420, %dma_wait3A_421] : memref<2x128x256xf32, #tpu.memory_space<vmem>> -> memref<1x128x256xf32, #tpu.memory_space<vmem>>
    %dma_wait3A_423 = tpu.memref_squeeze %dma_wait3A_422 : memref<1x128x256xf32, #tpu.memory_space<vmem>> -> memref<128x256xf32, #tpu.memory_space<vmem>>
    %dma_wait3A_424 = arith.constant 896 : i32
    %dma_wait3A_425 = tpu.memref_slice %arg5[%dma_wait3A_424] : memref<1024xi32, #tpu.memory_space<vmem>> -> memref<128xi32, #tpu.memory_space<vmem>>
    %dma_wait3A_426 = arith.constant 0 : i32
    %dma_wait3A_427 = arith.constant 0 : i32
    %dma_wait3A_428 = tpu.memref_slice %arg2[%dma_wait3A_426, %dma_wait3A_427] : memref<36864x256xf32, #tpu.memory_space<hbm>> -> memref<36864x256xf32, #tpu.memory_space<hbm>>
    %dma_wait3A_429 = tpu.memref_slice %arg7[%dma_wait3A_419] : memref<2x!tpu.dma_semaphore, #tpu.memory_space<semaphore_mem>> -> memref<1x!tpu.dma_semaphore, #tpu.memory_space<semaphore_mem>>
    %dma_wait3A_430 = tpu.memref_squeeze %dma_wait3A_429 : memref<1x!tpu.dma_semaphore, #tpu.memory_space<semaphore_mem>> -> memref<!tpu.dma_semaphore, #tpu.memory_space<semaphore_mem>>
    tpu.wait_indirect_dma semaphore(%dma_wait3A_430 : memref<!tpu.dma_semaphore, #tpu.memory_space<semaphore_mem>>) src(%dma_wait3A_428 : memref<36864x256xf32, #tpu.memory_space<hbm>>) dst(%dma_wait3A_423 : memref<128x256xf32, #tpu.memory_space<vmem>>)
    %add3A_431 = arith.constant 896 : i32
    %add3A_432 = arith.addi %multiple_of3A, %add3A_431 : i32
    %dma_start3A_433 = arith.constant 1 : i32
    %dma_start3A_434 = arith.constant 1 : i32
    %dma_start3A_435 = arith.constant 0 : i32
    %dma_start3A_436 = arith.constant 0 : i32
    %dma_start3A_437 = tpu.memref_slice %arg6[%dma_start3A_433, %dma_start3A_435, %dma_start3A_436] : memref<2x128x256xf32, #tpu.memory_space<vmem>> -> memref<1x128x256xf32, #tpu.memory_space<vmem>>
    %dma_start3A_438 = tpu.memref_squeeze %dma_start3A_437 : memref<1x128x256xf32, #tpu.memory_space<vmem>> -> memref<128x256xf32, #tpu.memory_space<vmem>>
    %dma_start3A_439 = arith.constant 0 : i32
    %dma_start3A_440 = tpu.memref_slice %arg4[%add3A_432, %dma_start3A_439] : memref<32768x256xf32, #tpu.memory_space<hbm>> -> memref<128x256xf32, #tpu.memory_space<hbm>>
    %dma_start3A_441 = tpu.memref_slice %arg8[%dma_start3A_434] : memref<2x!tpu.dma_semaphore, #tpu.memory_space<semaphore_mem>> -> memref<1x!tpu.dma_semaphore, #tpu.memory_space<semaphore_mem>>
    %dma_start3A_442 = tpu.memref_squeeze %dma_start3A_441 : memref<1x!tpu.dma_semaphore, #tpu.memory_space<semaphore_mem>> -> memref<!tpu.dma_semaphore, #tpu.memory_space<semaphore_mem>>
    %dma_start3A_443 = arith.constant 0 : i32
    %dma_start3A_444 = tpu.memref_slice %arg4[%add3A_432, %dma_start3A_443] : memref<32768x256xf32, #tpu.memory_space<hbm>> -> memref<128x256xf32, #tpu.memory_space<hbm>>
    %dma_start3A_445 = arith.constant 0 : i32
    %dma_start3A_446 = arith.constant 0 : i32
    %dma_start3A_447 = tpu.memref_slice %arg6[%dma_start3A_433, %dma_start3A_445, %dma_start3A_446] : memref<2x128x256xf32, #tpu.memory_space<vmem>> -> memref<1x128x256xf32, #tpu.memory_space<vmem>>
    %dma_start3A_448 = tpu.memref_squeeze %dma_start3A_447 : memref<1x128x256xf32, #tpu.memory_space<vmem>> -> memref<128x256xf32, #tpu.memory_space<vmem>>
    tpu.enqueue_dma source(%dma_start3A_448 : memref<128x256xf32, #tpu.memory_space<vmem>>) target(%dma_start3A_444 : memref<128x256xf32, #tpu.memory_space<hbm>>) target_semaphore(%dma_start3A_442 : memref<!tpu.dma_semaphore, #tpu.memory_space<semaphore_mem>>)
    %dma_wait3A_449 = arith.constant 1 : i32
    %dma_wait3A_450 = arith.constant 1 : i32
    %dma_wait3A_451 = arith.constant 0 : i32
    %dma_wait3A_452 = arith.constant 0 : i32
    %dma_wait3A_453 = tpu.memref_slice %arg6[%dma_wait3A_449, %dma_wait3A_451, %dma_wait3A_452] : memref<2x128x256xf32, #tpu.memory_space<vmem>> -> memref<1x128x256xf32, #tpu.memory_space<vmem>>
    %dma_wait3A_454 = tpu.memref_squeeze %dma_wait3A_453 : memref<1x128x256xf32, #tpu.memory_space<vmem>> -> memref<128x256xf32, #tpu.memory_space<vmem>>
    %dma_wait3A_455 = arith.constant 0 : i32
    %dma_wait3A_456 = tpu.memref_slice %arg4[%add3A_432, %dma_wait3A_455] : memref<32768x256xf32, #tpu.memory_space<hbm>> -> memref<128x256xf32, #tpu.memory_space<hbm>>
    %dma_wait3A_457 = tpu.memref_slice %arg8[%dma_wait3A_450] : memref<2x!tpu.dma_semaphore, #tpu.memory_space<semaphore_mem>> -> memref<1x!tpu.dma_semaphore, #tpu.memory_space<semaphore_mem>>
    %dma_wait3A_458 = tpu.memref_squeeze %dma_wait3A_457 : memref<1x!tpu.dma_semaphore, #tpu.memory_space<semaphore_mem>> -> memref<!tpu.dma_semaphore, #tpu.memory_space<semaphore_mem>>
    %dma_wait3A_459 = arith.constant 0 : i32
    %dma_wait3A_460 = tpu.memref_slice %arg4[%add3A_432, %dma_wait3A_459] : memref<32768x256xf32, #tpu.memory_space<hbm>> -> memref<128x256xf32, #tpu.memory_space<hbm>>
    %dma_wait3A_461 = arith.constant 0 : i32
    %dma_wait3A_462 = arith.constant 0 : i32
    %dma_wait3A_463 = tpu.memref_slice %arg6[%dma_wait3A_449, %dma_wait3A_461, %dma_wait3A_462] : memref<2x128x256xf32, #tpu.memory_space<vmem>> -> memref<1x128x256xf32, #tpu.memory_space<vmem>>
    %dma_wait3A_464 = tpu.memref_squeeze %dma_wait3A_463 : memref<1x128x256xf32, #tpu.memory_space<vmem>> -> memref<128x256xf32, #tpu.memory_space<vmem>>
    tpu.wait_dma2 semaphore(%dma_wait3A_458 : memref<!tpu.dma_semaphore, #tpu.memory_space<semaphore_mem>>) src(%dma_wait3A_464 : memref<128x256xf32, #tpu.memory_space<vmem>>) dst(%dma_wait3A_460 : memref<128x256xf32, #tpu.memory_space<hbm>>)
    %dma_wait3A_465 = arith.constant 0 : i32
    %dma_wait3A_466 = arith.constant 0 : i32
    %dma_wait3A_467 = arith.constant 0 : i32
    %dma_wait3A_468 = arith.constant 0 : i32
    %dma_wait3A_469 = tpu.memref_slice %arg6[%dma_wait3A_465, %dma_wait3A_467, %dma_wait3A_468] : memref<2x128x256xf32, #tpu.memory_space<vmem>> -> memref<1x128x256xf32, #tpu.memory_space<vmem>>
    %dma_wait3A_470 = tpu.memref_squeeze %dma_wait3A_469 : memref<1x128x256xf32, #tpu.memory_space<vmem>> -> memref<128x256xf32, #tpu.memory_space<vmem>>
    %dma_wait3A_471 = arith.constant 0 : i32
    %dma_wait3A_472 = tpu.memref_slice %arg4[%add3A_401, %dma_wait3A_471] : memref<32768x256xf32, #tpu.memory_space<hbm>> -> memref<128x256xf32, #tpu.memory_space<hbm>>
    %dma_wait3A_473 = tpu.memref_slice %arg8[%dma_wait3A_466] : memref<2x!tpu.dma_semaphore, #tpu.memory_space<semaphore_mem>> -> memref<1x!tpu.dma_semaphore, #tpu.memory_space<semaphore_mem>>
    %dma_wait3A_474 = tpu.memref_squeeze %dma_wait3A_473 : memref<1x!tpu.dma_semaphore, #tpu.memory_space<semaphore_mem>> -> memref<!tpu.dma_semaphore, #tpu.memory_space<semaphore_mem>>
    %dma_wait3A_475 = arith.constant 0 : i32
    %dma_wait3A_476 = tpu.memref_slice %arg4[%add3A_401, %dma_wait3A_475] : memref<32768x256xf32, #tpu.memory_space<hbm>> -> memref<128x256xf32, #tpu.memory_space<hbm>>
    %dma_wait3A_477 = arith.constant 0 : i32
    %dma_wait3A_478 = arith.constant 0 : i32
    %dma_wait3A_479 = tpu.memref_slice %arg6[%dma_wait3A_465, %dma_wait3A_477, %dma_wait3A_478] : memref<2x128x256xf32, #tpu.memory_space<vmem>> -> memref<1x128x256xf32, #tpu.memory_space<vmem>>
    %dma_wait3A_480 = tpu.memref_squeeze %dma_wait3A_479 : memref<1x128x256xf32, #tpu.memory_space<vmem>> -> memref<128x256xf32, #tpu.memory_space<vmem>>
    tpu.wait_dma2 semaphore(%dma_wait3A_474 : memref<!tpu.dma_semaphore, #tpu.memory_space<semaphore_mem>>) src(%dma_wait3A_480 : memref<128x256xf32, #tpu.memory_space<vmem>>) dst(%dma_wait3A_476 : memref<128x256xf32, #tpu.memory_space<hbm>>)
    return
  }
}

module attributes {stable_mosaic.version = 14 : i64} {
  func.func @_tc_mlp_body(%arg0: i32, %arg1: memref<72xi32, #tpu.memory_space<smem>>, %arg2: memref<512x768xf32, #tpu.memory_space<vmem>>, %arg3: memref<1x768x384xf32, #tpu.memory_space<vmem>>, %arg4: memref<1x384x384xf32, #tpu.memory_space<vmem>>, %arg5: memref<1x384x384xf32, #tpu.memory_space<vmem>>, %arg6: memref<1x384x384xf32, #tpu.memory_space<vmem>>, %arg7: memref<1x384x256xf32, #tpu.memory_space<vmem>>, %arg8: memref<1x1x384xf32, #tpu.memory_space<vmem>>, %arg9: memref<1x1x384xf32, #tpu.memory_space<vmem>>, %arg10: memref<1x1x384xf32, #tpu.memory_space<vmem>>, %arg11: memref<1x1x384xf32, #tpu.memory_space<vmem>>, %arg12: memref<1x1x256xf32, #tpu.memory_space<vmem>>, %arg13: memref<512x256xf32, #tpu.memory_space<vmem>>) attributes {dimension_semantics = [#tpu.dimension_semantics<arbitrary>], iteration_bounds = array<i64: 72>, scalar_prefetch = 1 : i64, scratch_operands = 0 : i64, tpu.core_type = #tpu.core_type<tc>, window_params = [{transform_indices = @transform_0, window_bounds = array<i64: 512, 768>}, {transform_indices = @transform_1, window_bounds = array<i64: 1, 768, 384>}, {transform_indices = @transform_2, window_bounds = array<i64: 1, 384, 384>}, {transform_indices = @transform_3, window_bounds = array<i64: 1, 384, 384>}, {transform_indices = @transform_4, window_bounds = array<i64: 1, 384, 384>}, {transform_indices = @transform_5, window_bounds = array<i64: 1, 384, 256>}, {transform_indices = @transform_6, window_bounds = array<i64: 1, 1, 384>}, {transform_indices = @transform_7, window_bounds = array<i64: 1, 1, 384>}, {transform_indices = @transform_8, window_bounds = array<i64: 1, 1, 384>}, {transform_indices = @transform_9, window_bounds = array<i64: 1, 1, 384>}, {transform_indices = @transform_10, window_bounds = array<i64: 1, 1, 256>}, {transform_indices = @transform_11, window_bounds = array<i64: 512, 256>}]} {
    %get3A = arith.index_cast %arg0 : i32 to index
    %get3A_0 = memref.load %arg1[%get3A] : memref<72xi32, #tpu.memory_space<smem>>
    %get3A_1 = arith.constant 0 : index
    %get3A_2 = arith.constant 0 : index
    %get3A_3 = vector.load %arg2[%get3A_1, %get3A_2] : memref<512x768xf32, #tpu.memory_space<vmem>>, vector<512x768xf32>
    %convert_element_type3A = arith.truncf %get3A_3 : vector<512x768xf32> to vector<512x768xbf16>
    %lt3A = arith.constant 2 : i32
    %lt3A_4 = arith.cmpi slt, %get3A_0, %lt3A : i32
    %convert_element_type3A_5 = arith.extui %lt3A_4 : i1 to i32
    %cond3A = arith.constant 0 : i32
    %cond3A_6 = arith.cmpi ne, %convert_element_type3A_5, %cond3A : i32
    scf.if %cond3A_6 {
      %get3A_21 = arith.constant 0 : index
      %get3A_22 = arith.constant 0 : index
      %get3A_23 = arith.constant 0 : index
      %get3A_24 = vector.load %arg3[%get3A_21, %get3A_22, %get3A_23] : memref<1x768x384xf32, #tpu.memory_space<vmem>>, vector<1x768x384xf32>
      %get3A_25 = vector.shape_cast %get3A_24 : vector<1x768x384xf32> to vector<768x384xf32>
      %convert_element_type3A_26 = arith.truncf %get3A_25 : vector<768x384xf32> to vector<768x384xbf16>
      %dot_general3A = arith.constant dense<0.000000e+00> : vector<512x384xf32>
      %dot_general3A_27 = tpu.matmul %convert_element_type3A, %convert_element_type3A_26, %dot_general3A {dimension_numbers = #tpu.dot_dimension_numbers<[1], [0], [0], [1], [0, 0, 1, 1], [], []>, transpose_lhs_hint = false} : vector<512x768xbf16>, vector<768x384xbf16>, vector<512x384xf32> -> vector<512x384xf32>
      %get3A_28 = arith.constant 0 : index
      %get3A_29 = arith.constant 0 : index
      %get3A_30 = arith.constant 0 : index
      %get3A_31 = vector.load %arg8[%get3A_28, %get3A_29, %get3A_30] : memref<1x1x384xf32, #tpu.memory_space<vmem>>, vector<1x1x384xf32>
      %get3A_32 = vector.shape_cast %get3A_31 : vector<1x1x384xf32> to vector<1x384xf32>
      %add3A = vector.broadcast %get3A_32 : vector<1x384xf32> to vector<512x384xf32>
      %add3A_33 = arith.addf %dot_general3A_27, %add3A : vector<512x384xf32>
      %max3A = arith.constant 0.000000e+00 : f32
      %max3A_34 = vector.broadcast %max3A : f32 to vector<512x384xf32>
      %max3A_35 = arith.maximumf %add3A_33, %max3A_34 : vector<512x384xf32>
      %convert_element_type3A_36 = arith.truncf %max3A_35 : vector<512x384xf32> to vector<512x384xbf16>
      %get3A_37 = arith.constant 0 : index
      %get3A_38 = arith.constant 0 : index
      %get3A_39 = arith.constant 0 : index
      %get3A_40 = vector.load %arg4[%get3A_37, %get3A_38, %get3A_39] : memref<1x384x384xf32, #tpu.memory_space<vmem>>, vector<1x384x384xf32>
      %get3A_41 = vector.shape_cast %get3A_40 : vector<1x384x384xf32> to vector<384x384xf32>
      %convert_element_type3A_42 = arith.truncf %get3A_41 : vector<384x384xf32> to vector<384x384xbf16>
      %dot_general3A_43 = arith.constant dense<0.000000e+00> : vector<512x384xf32>
      %dot_general3A_44 = tpu.matmul %convert_element_type3A_36, %convert_element_type3A_42, %dot_general3A_43 {dimension_numbers = #tpu.dot_dimension_numbers<[1], [0], [0], [1], [0, 0, 1, 1], [], []>, transpose_lhs_hint = false} : vector<512x384xbf16>, vector<384x384xbf16>, vector<512x384xf32> -> vector<512x384xf32>
      %get3A_45 = arith.constant 0 : index
      %get3A_46 = arith.constant 0 : index
      %get3A_47 = arith.constant 0 : index
      %get3A_48 = vector.load %arg9[%get3A_45, %get3A_46, %get3A_47] : memref<1x1x384xf32, #tpu.memory_space<vmem>>, vector<1x1x384xf32>
      %get3A_49 = vector.shape_cast %get3A_48 : vector<1x1x384xf32> to vector<1x384xf32>
      %add3A_50 = vector.broadcast %get3A_49 : vector<1x384xf32> to vector<512x384xf32>
      %add3A_51 = arith.addf %dot_general3A_44, %add3A_50 : vector<512x384xf32>
      %max3A_52 = arith.constant 0.000000e+00 : f32
      %max3A_53 = vector.broadcast %max3A_52 : f32 to vector<512x384xf32>
      %max3A_54 = arith.maximumf %add3A_51, %max3A_53 : vector<512x384xf32>
      %convert_element_type3A_55 = arith.truncf %max3A_54 : vector<512x384xf32> to vector<512x384xbf16>
      %get3A_56 = arith.constant 0 : index
      %get3A_57 = arith.constant 0 : index
      %get3A_58 = arith.constant 0 : index
      %get3A_59 = vector.load %arg7[%get3A_56, %get3A_57, %get3A_58] : memref<1x384x256xf32, #tpu.memory_space<vmem>>, vector<1x384x256xf32>
      %get3A_60 = vector.shape_cast %get3A_59 : vector<1x384x256xf32> to vector<384x256xf32>
      %convert_element_type3A_61 = arith.truncf %get3A_60 : vector<384x256xf32> to vector<384x256xbf16>
      %dot_general3A_62 = arith.constant dense<0.000000e+00> : vector<512x256xf32>
      %dot_general3A_63 = tpu.matmul %convert_element_type3A_55, %convert_element_type3A_61, %dot_general3A_62 {dimension_numbers = #tpu.dot_dimension_numbers<[1], [0], [0], [1], [0, 0, 1, 1], [], []>, transpose_lhs_hint = false} : vector<512x384xbf16>, vector<384x256xbf16>, vector<512x256xf32> -> vector<512x256xf32>
      %get3A_64 = arith.constant 0 : index
      %get3A_65 = arith.constant 0 : index
      %get3A_66 = arith.constant 0 : index
      %get3A_67 = vector.load %arg12[%get3A_64, %get3A_65, %get3A_66] : memref<1x1x256xf32, #tpu.memory_space<vmem>>, vector<1x1x256xf32>
      %get3A_68 = vector.shape_cast %get3A_67 : vector<1x1x256xf32> to vector<1x256xf32>
      %add3A_69 = vector.broadcast %get3A_68 : vector<1x256xf32> to vector<512x256xf32>
      %add3A_70 = arith.addf %dot_general3A_63, %add3A_69 : vector<512x256xf32>
      %swap3A = arith.constant 0 : index
      %swap3A_71 = arith.constant 0 : index
      %swap3A_72 = vector.load %arg13[%swap3A, %swap3A_71] : memref<512x256xf32, #tpu.memory_space<vmem>>, vector<512x256xf32>
      tpu.vector_store %arg13[%swap3A, %swap3A_71], %add3A_70 {strides = array<i32>} : memref<512x256xf32, #tpu.memory_space<vmem>>, vector<512x256xf32>,
    } else {
    }
    %ge3A = arith.constant 2 : i32
    %ge3A_7 = arith.cmpi sge, %get3A_0, %ge3A : i32
    %lt3A_8 = arith.constant 4 : i32
    %lt3A_9 = arith.cmpi slt, %get3A_0, %lt3A_8 : i32
    %and3A = arith.andi %ge3A_7, %lt3A_9 : i1
    %convert_element_type3A_10 = arith.extui %and3A : i1 to i32
    %cond3A_11 = arith.constant 0 : i32
    %cond3A_12 = arith.cmpi ne, %convert_element_type3A_10, %cond3A_11 : i32
    scf.if %cond3A_12 {
      %get3A_21 = arith.constant 0 : index
      %get3A_22 = arith.constant 0 : index
      %get3A_23 = arith.constant 0 : index
      %get3A_24 = vector.load %arg3[%get3A_21, %get3A_22, %get3A_23] : memref<1x768x384xf32, #tpu.memory_space<vmem>>, vector<1x768x256xf32>
      %get3A_25 = vector.shape_cast %get3A_24 : vector<1x768x256xf32> to vector<768x256xf32>
      %convert_element_type3A_26 = arith.truncf %get3A_25 : vector<768x256xf32> to vector<768x256xbf16>
      %dot_general3A = arith.constant dense<0.000000e+00> : vector<512x256xf32>
      %dot_general3A_27 = tpu.matmul %convert_element_type3A, %convert_element_type3A_26, %dot_general3A {dimension_numbers = #tpu.dot_dimension_numbers<[1], [0], [0], [1], [0, 0, 1, 1], [], []>, transpose_lhs_hint = false} : vector<512x768xbf16>, vector<768x256xbf16>, vector<512x256xf32> -> vector<512x256xf32>
      %get3A_28 = arith.constant 0 : index
      %get3A_29 = arith.constant 0 : index
      %get3A_30 = arith.constant 0 : index
      %get3A_31 = vector.load %arg8[%get3A_28, %get3A_29, %get3A_30] : memref<1x1x384xf32, #tpu.memory_space<vmem>>, vector<1x1x256xf32>
      %get3A_32 = vector.shape_cast %get3A_31 : vector<1x1x256xf32> to vector<1x256xf32>
      %add3A = vector.broadcast %get3A_32 : vector<1x256xf32> to vector<512x256xf32>
      %add3A_33 = arith.addf %dot_general3A_27, %add3A : vector<512x256xf32>
      %max3A = arith.constant 0.000000e+00 : f32
      %max3A_34 = vector.broadcast %max3A : f32 to vector<512x256xf32>
      %max3A_35 = arith.maximumf %add3A_33, %max3A_34 : vector<512x256xf32>
      %convert_element_type3A_36 = arith.truncf %max3A_35 : vector<512x256xf32> to vector<512x256xbf16>
      %get3A_37 = arith.constant 0 : index
      %get3A_38 = arith.constant 0 : index
      %get3A_39 = arith.constant 0 : index
      %get3A_40 = vector.load %arg4[%get3A_37, %get3A_38, %get3A_39] : memref<1x384x384xf32, #tpu.memory_space<vmem>>, vector<1x256x256xf32>
      %get3A_41 = vector.shape_cast %get3A_40 : vector<1x256x256xf32> to vector<256x256xf32>
      %convert_element_type3A_42 = arith.truncf %get3A_41 : vector<256x256xf32> to vector<256x256xbf16>
      %dot_general3A_43 = arith.constant dense<0.000000e+00> : vector<512x256xf32>
      %dot_general3A_44 = tpu.matmul %convert_element_type3A_36, %convert_element_type3A_42, %dot_general3A_43 {dimension_numbers = #tpu.dot_dimension_numbers<[1], [0], [0], [1], [0, 0, 1, 1], [], []>, transpose_lhs_hint = false} : vector<512x256xbf16>, vector<256x256xbf16>, vector<512x256xf32> -> vector<512x256xf32>
      %get3A_45 = arith.constant 0 : index
      %get3A_46 = arith.constant 0 : index
      %get3A_47 = arith.constant 0 : index
      %get3A_48 = vector.load %arg9[%get3A_45, %get3A_46, %get3A_47] : memref<1x1x384xf32, #tpu.memory_space<vmem>>, vector<1x1x256xf32>
      %get3A_49 = vector.shape_cast %get3A_48 : vector<1x1x256xf32> to vector<1x256xf32>
      %add3A_50 = vector.broadcast %get3A_49 : vector<1x256xf32> to vector<512x256xf32>
      %add3A_51 = arith.addf %dot_general3A_44, %add3A_50 : vector<512x256xf32>
      %max3A_52 = arith.constant 0.000000e+00 : f32
      %max3A_53 = vector.broadcast %max3A_52 : f32 to vector<512x256xf32>
      %max3A_54 = arith.maximumf %add3A_51, %max3A_53 : vector<512x256xf32>
      %convert_element_type3A_55 = arith.truncf %max3A_54 : vector<512x256xf32> to vector<512x256xbf16>
      %get3A_56 = arith.constant 0 : index
      %get3A_57 = arith.constant 0 : index
      %get3A_58 = arith.constant 0 : index
      %get3A_59 = vector.load %arg5[%get3A_56, %get3A_57, %get3A_58] : memref<1x384x384xf32, #tpu.memory_space<vmem>>, vector<1x256x256xf32>
      %get3A_60 = vector.shape_cast %get3A_59 : vector<1x256x256xf32> to vector<256x256xf32>
      %convert_element_type3A_61 = arith.truncf %get3A_60 : vector<256x256xf32> to vector<256x256xbf16>
      %dot_general3A_62 = arith.constant dense<0.000000e+00> : vector<512x256xf32>
      %dot_general3A_63 = tpu.matmul %convert_element_type3A_55, %convert_element_type3A_61, %dot_general3A_62 {dimension_numbers = #tpu.dot_dimension_numbers<[1], [0], [0], [1], [0, 0, 1, 1], [], []>, transpose_lhs_hint = false} : vector<512x256xbf16>, vector<256x256xbf16>, vector<512x256xf32> -> vector<512x256xf32>
      %get3A_64 = arith.constant 0 : index
      %get3A_65 = arith.constant 0 : index
      %get3A_66 = arith.constant 0 : index
      %get3A_67 = vector.load %arg10[%get3A_64, %get3A_65, %get3A_66] : memref<1x1x384xf32, #tpu.memory_space<vmem>>, vector<1x1x256xf32>
      %get3A_68 = vector.shape_cast %get3A_67 : vector<1x1x256xf32> to vector<1x256xf32>
      %add3A_69 = vector.broadcast %get3A_68 : vector<1x256xf32> to vector<512x256xf32>
      %add3A_70 = arith.addf %dot_general3A_63, %add3A_69 : vector<512x256xf32>
      %max3A_71 = arith.constant 0.000000e+00 : f32
      %max3A_72 = vector.broadcast %max3A_71 : f32 to vector<512x256xf32>
      %max3A_73 = arith.maximumf %add3A_70, %max3A_72 : vector<512x256xf32>
      %convert_element_type3A_74 = arith.truncf %max3A_73 : vector<512x256xf32> to vector<512x256xbf16>
      %get3A_75 = arith.constant 0 : index
      %get3A_76 = arith.constant 0 : index
      %get3A_77 = arith.constant 0 : index
      %get3A_78 = vector.load %arg7[%get3A_75, %get3A_76, %get3A_77] : memref<1x384x256xf32, #tpu.memory_space<vmem>>, vector<1x256x256xf32>
      %get3A_79 = vector.shape_cast %get3A_78 : vector<1x256x256xf32> to vector<256x256xf32>
      %convert_element_type3A_80 = arith.truncf %get3A_79 : vector<256x256xf32> to vector<256x256xbf16>
      %dot_general3A_81 = arith.constant dense<0.000000e+00> : vector<512x256xf32>
      %dot_general3A_82 = tpu.matmul %convert_element_type3A_74, %convert_element_type3A_80, %dot_general3A_81 {dimension_numbers = #tpu.dot_dimension_numbers<[1], [0], [0], [1], [0, 0, 1, 1], [], []>, transpose_lhs_hint = false} : vector<512x256xbf16>, vector<256x256xbf16>, vector<512x256xf32> -> vector<512x256xf32>
      %get3A_83 = arith.constant 0 : index
      %get3A_84 = arith.constant 0 : index
      %get3A_85 = arith.constant 0 : index
      %get3A_86 = vector.load %arg12[%get3A_83, %get3A_84, %get3A_85] : memref<1x1x256xf32, #tpu.memory_space<vmem>>, vector<1x1x256xf32>
      %get3A_87 = vector.shape_cast %get3A_86 : vector<1x1x256xf32> to vector<1x256xf32>
      %add3A_88 = vector.broadcast %get3A_87 : vector<1x256xf32> to vector<512x256xf32>
      %add3A_89 = arith.addf %dot_general3A_82, %add3A_88 : vector<512x256xf32>
      %swap3A = arith.constant 0 : index
      %swap3A_90 = arith.constant 0 : index
      %swap3A_91 = vector.load %arg13[%swap3A, %swap3A_90] : memref<512x256xf32, #tpu.memory_space<vmem>>, vector<512x256xf32>
      tpu.vector_store %arg13[%swap3A, %swap3A_90], %add3A_89 {strides = array<i32>} : memref<512x256xf32, #tpu.memory_space<vmem>>, vector<512x256xf32>,
    } else {
    }
    %ge3A_13 = arith.constant 4 : i32
    %ge3A_14 = arith.cmpi sge, %get3A_0, %ge3A_13 : i32
    %lt3A_15 = arith.constant 8 : i32
    %lt3A_16 = arith.cmpi slt, %get3A_0, %lt3A_15 : i32
    %and3A_17 = arith.andi %ge3A_14, %lt3A_16 : i1
    %convert_element_type3A_18 = arith.extui %and3A_17 : i1 to i32
    %cond3A_19 = arith.constant 0 : i32
    %cond3A_20 = arith.cmpi ne, %convert_element_type3A_18, %cond3A_19 : i32
    scf.if %cond3A_20 {
      %get3A_21 = arith.constant 0 : index
      %get3A_22 = arith.constant 0 : index
      %get3A_23 = arith.constant 0 : index
      %get3A_24 = vector.load %arg3[%get3A_21, %get3A_22, %get3A_23] : memref<1x768x384xf32, #tpu.memory_space<vmem>>, vector<1x768x256xf32>
      %get3A_25 = vector.shape_cast %get3A_24 : vector<1x768x256xf32> to vector<768x256xf32>
      %convert_element_type3A_26 = arith.truncf %get3A_25 : vector<768x256xf32> to vector<768x256xbf16>
      %dot_general3A = arith.constant dense<0.000000e+00> : vector<512x256xf32>
      %dot_general3A_27 = tpu.matmul %convert_element_type3A, %convert_element_type3A_26, %dot_general3A {dimension_numbers = #tpu.dot_dimension_numbers<[1], [0], [0], [1], [0, 0, 1, 1], [], []>, transpose_lhs_hint = false} : vector<512x768xbf16>, vector<768x256xbf16>, vector<512x256xf32> -> vector<512x256xf32>
      %get3A_28 = arith.constant 0 : index
      %get3A_29 = arith.constant 0 : index
      %get3A_30 = arith.constant 0 : index
      %get3A_31 = vector.load %arg8[%get3A_28, %get3A_29, %get3A_30] : memref<1x1x384xf32, #tpu.memory_space<vmem>>, vector<1x1x256xf32>
      %get3A_32 = vector.shape_cast %get3A_31 : vector<1x1x256xf32> to vector<1x256xf32>
      %add3A = vector.broadcast %get3A_32 : vector<1x256xf32> to vector<512x256xf32>
      %add3A_33 = arith.addf %dot_general3A_27, %add3A : vector<512x256xf32>
      %max3A = arith.constant 0.000000e+00 : f32
      %max3A_34 = vector.broadcast %max3A : f32 to vector<512x256xf32>
      %max3A_35 = arith.maximumf %add3A_33, %max3A_34 : vector<512x256xf32>
      %convert_element_type3A_36 = arith.truncf %max3A_35 : vector<512x256xf32> to vector<512x256xbf16>
      %get3A_37 = arith.constant 0 : index
      %get3A_38 = arith.constant 0 : index
      %get3A_39 = arith.constant 0 : index
      %get3A_40 = vector.load %arg4[%get3A_37, %get3A_38, %get3A_39] : memref<1x384x384xf32, #tpu.memory_space<vmem>>, vector<1x256x256xf32>
      %get3A_41 = vector.shape_cast %get3A_40 : vector<1x256x256xf32> to vector<256x256xf32>
      %convert_element_type3A_42 = arith.truncf %get3A_41 : vector<256x256xf32> to vector<256x256xbf16>
      %dot_general3A_43 = arith.constant dense<0.000000e+00> : vector<512x256xf32>
      %dot_general3A_44 = tpu.matmul %convert_element_type3A_36, %convert_element_type3A_42, %dot_general3A_43 {dimension_numbers = #tpu.dot_dimension_numbers<[1], [0], [0], [1], [0, 0, 1, 1], [], []>, transpose_lhs_hint = false} : vector<512x256xbf16>, vector<256x256xbf16>, vector<512x256xf32> -> vector<512x256xf32>
      %get3A_45 = arith.constant 0 : index
      %get3A_46 = arith.constant 0 : index
      %get3A_47 = arith.constant 0 : index
      %get3A_48 = vector.load %arg9[%get3A_45, %get3A_46, %get3A_47] : memref<1x1x384xf32, #tpu.memory_space<vmem>>, vector<1x1x256xf32>
      %get3A_49 = vector.shape_cast %get3A_48 : vector<1x1x256xf32> to vector<1x256xf32>
      %add3A_50 = vector.broadcast %get3A_49 : vector<1x256xf32> to vector<512x256xf32>
      %add3A_51 = arith.addf %dot_general3A_44, %add3A_50 : vector<512x256xf32>
      %max3A_52 = arith.constant 0.000000e+00 : f32
      %max3A_53 = vector.broadcast %max3A_52 : f32 to vector<512x256xf32>
      %max3A_54 = arith.maximumf %add3A_51, %max3A_53 : vector<512x256xf32>
      %convert_element_type3A_55 = arith.truncf %max3A_54 : vector<512x256xf32> to vector<512x256xbf16>
      %get3A_56 = arith.constant 0 : index
      %get3A_57 = arith.constant 0 : index
      %get3A_58 = arith.constant 0 : index
      %get3A_59 = vector.load %arg5[%get3A_56, %get3A_57, %get3A_58] : memref<1x384x384xf32, #tpu.memory_space<vmem>>, vector<1x256x256xf32>
      %get3A_60 = vector.shape_cast %get3A_59 : vector<1x256x256xf32> to vector<256x256xf32>
      %convert_element_type3A_61 = arith.truncf %get3A_60 : vector<256x256xf32> to vector<256x256xbf16>
      %dot_general3A_62 = arith.constant dense<0.000000e+00> : vector<512x256xf32>
      %dot_general3A_63 = tpu.matmul %convert_element_type3A_55, %convert_element_type3A_61, %dot_general3A_62 {dimension_numbers = #tpu.dot_dimension_numbers<[1], [0], [0], [1], [0, 0, 1, 1], [], []>, transpose_lhs_hint = false} : vector<512x256xbf16>, vector<256x256xbf16>, vector<512x256xf32> -> vector<512x256xf32>
      %get3A_64 = arith.constant 0 : index
      %get3A_65 = arith.constant 0 : index
      %get3A_66 = arith.constant 0 : index
      %get3A_67 = vector.load %arg10[%get3A_64, %get3A_65, %get3A_66] : memref<1x1x384xf32, #tpu.memory_space<vmem>>, vector<1x1x256xf32>
      %get3A_68 = vector.shape_cast %get3A_67 : vector<1x1x256xf32> to vector<1x256xf32>
      %add3A_69 = vector.broadcast %get3A_68 : vector<1x256xf32> to vector<512x256xf32>
      %add3A_70 = arith.addf %dot_general3A_63, %add3A_69 : vector<512x256xf32>
      %max3A_71 = arith.constant 0.000000e+00 : f32
      %max3A_72 = vector.broadcast %max3A_71 : f32 to vector<512x256xf32>
      %max3A_73 = arith.maximumf %add3A_70, %max3A_72 : vector<512x256xf32>
      %convert_element_type3A_74 = arith.truncf %max3A_73 : vector<512x256xf32> to vector<512x256xbf16>
      %get3A_75 = arith.constant 0 : index
      %get3A_76 = arith.constant 0 : index
      %get3A_77 = arith.constant 0 : index
      %get3A_78 = vector.load %arg6[%get3A_75, %get3A_76, %get3A_77] : memref<1x384x384xf32, #tpu.memory_space<vmem>>, vector<1x256x256xf32>
      %get3A_79 = vector.shape_cast %get3A_78 : vector<1x256x256xf32> to vector<256x256xf32>
      %convert_element_type3A_80 = arith.truncf %get3A_79 : vector<256x256xf32> to vector<256x256xbf16>
      %dot_general3A_81 = arith.constant dense<0.000000e+00> : vector<512x256xf32>
      %dot_general3A_82 = tpu.matmul %convert_element_type3A_74, %convert_element_type3A_80, %dot_general3A_81 {dimension_numbers = #tpu.dot_dimension_numbers<[1], [0], [0], [1], [0, 0, 1, 1], [], []>, transpose_lhs_hint = false} : vector<512x256xbf16>, vector<256x256xbf16>, vector<512x256xf32> -> vector<512x256xf32>
      %get3A_83 = arith.constant 0 : index
      %get3A_84 = arith.constant 0 : index
      %get3A_85 = arith.constant 0 : index
      %get3A_86 = vector.load %arg11[%get3A_83, %get3A_84, %get3A_85] : memref<1x1x384xf32, #tpu.memory_space<vmem>>, vector<1x1x256xf32>
      %get3A_87 = vector.shape_cast %get3A_86 : vector<1x1x256xf32> to vector<1x256xf32>
      %add3A_88 = vector.broadcast %get3A_87 : vector<1x256xf32> to vector<512x256xf32>
      %add3A_89 = arith.addf %dot_general3A_82, %add3A_88 : vector<512x256xf32>
      %max3A_90 = arith.constant 0.000000e+00 : f32
      %max3A_91 = vector.broadcast %max3A_90 : f32 to vector<512x256xf32>
      %max3A_92 = arith.maximumf %add3A_89, %max3A_91 : vector<512x256xf32>
      %convert_element_type3A_93 = arith.truncf %max3A_92 : vector<512x256xf32> to vector<512x256xbf16>
      %get3A_94 = arith.constant 0 : index
      %get3A_95 = arith.constant 0 : index
      %get3A_96 = arith.constant 0 : index
      %get3A_97 = vector.load %arg7[%get3A_94, %get3A_95, %get3A_96] : memref<1x384x256xf32, #tpu.memory_space<vmem>>, vector<1x256x256xf32>
      %get3A_98 = vector.shape_cast %get3A_97 : vector<1x256x256xf32> to vector<256x256xf32>
      %convert_element_type3A_99 = arith.truncf %get3A_98 : vector<256x256xf32> to vector<256x256xbf16>
      %dot_general3A_100 = arith.constant dense<0.000000e+00> : vector<512x256xf32>
      %dot_general3A_101 = tpu.matmul %convert_element_type3A_93, %convert_element_type3A_99, %dot_general3A_100 {dimension_numbers = #tpu.dot_dimension_numbers<[1], [0], [0], [1], [0, 0, 1, 1], [], []>, transpose_lhs_hint = false} : vector<512x256xbf16>, vector<256x256xbf16>, vector<512x256xf32> -> vector<512x256xf32>
      %get3A_102 = arith.constant 0 : index
      %get3A_103 = arith.constant 0 : index
      %get3A_104 = arith.constant 0 : index
      %get3A_105 = vector.load %arg12[%get3A_102, %get3A_103, %get3A_104] : memref<1x1x256xf32, #tpu.memory_space<vmem>>, vector<1x1x256xf32>
      %get3A_106 = vector.shape_cast %get3A_105 : vector<1x1x256xf32> to vector<1x256xf32>
      %add3A_107 = vector.broadcast %get3A_106 : vector<1x256xf32> to vector<512x256xf32>
      %add3A_108 = arith.addf %dot_general3A_101, %add3A_107 : vector<512x256xf32>
      %swap3A = arith.constant 0 : index
      %swap3A_109 = arith.constant 0 : index
      %swap3A_110 = vector.load %arg13[%swap3A, %swap3A_109] : memref<512x256xf32, #tpu.memory_space<vmem>>, vector<512x256xf32>
      tpu.vector_store %arg13[%swap3A, %swap3A_109], %add3A_108 {strides = array<i32>} : memref<512x256xf32, #tpu.memory_space<vmem>>, vector<512x256xf32>,
    } else {
    }
    return
  }
  func.func @transform_0(%arg0: i32, %arg1: memref<72xi32, #tpu.memory_space<smem>>) -> (i32, i32) {
    %c0_i32 = arith.constant 0 : i32
    %c0_i32_0 = arith.constant 0 : i32
    return %arg0, %c0_i32 : i32, i32
  }
  func.func @transform_1(%arg0: i32, %arg1: memref<72xi32, #tpu.memory_space<smem>>) -> (i32, i32, i32) {
    %get3A = arith.index_cast %arg0 : i32 to index
    %get3A_0 = memref.load %arg1[%get3A] : memref<72xi32, #tpu.memory_space<smem>>
    %min3A = arith.constant 7 : i32
    %min3A_1 = arith.minsi %get3A_0, %min3A : i32
    %c0_i32 = arith.constant 0 : i32
    %c0_i32_2 = arith.constant 0 : i32
    %c0_i32_3 = arith.constant 0 : i32
    return %min3A_1, %c0_i32, %c0_i32_2 : i32, i32, i32
  }
  func.func @transform_2(%arg0: i32, %arg1: memref<72xi32, #tpu.memory_space<smem>>) -> (i32, i32, i32) {
    %get3A = arith.index_cast %arg0 : i32 to index
    %get3A_0 = memref.load %arg1[%get3A] : memref<72xi32, #tpu.memory_space<smem>>
    %min3A = arith.constant 7 : i32
    %min3A_1 = arith.minsi %get3A_0, %min3A : i32
    %c0_i32 = arith.constant 0 : i32
    %c0_i32_2 = arith.constant 0 : i32
    %c0_i32_3 = arith.constant 0 : i32
    return %min3A_1, %c0_i32, %c0_i32_2 : i32, i32, i32
  }
  func.func @transform_3(%arg0: i32, %arg1: memref<72xi32, #tpu.memory_space<smem>>) -> (i32, i32, i32) {
    %get3A = arith.index_cast %arg0 : i32 to index
    %get3A_0 = memref.load %arg1[%get3A] : memref<72xi32, #tpu.memory_space<smem>>
    %min3A = arith.constant 7 : i32
    %min3A_1 = arith.minsi %get3A_0, %min3A : i32
    %c0_i32 = arith.constant 0 : i32
    %c0_i32_2 = arith.constant 0 : i32
    %c0_i32_3 = arith.constant 0 : i32
    return %min3A_1, %c0_i32, %c0_i32_2 : i32, i32, i32
  }
  func.func @transform_4(%arg0: i32, %arg1: memref<72xi32, #tpu.memory_space<smem>>) -> (i32, i32, i32) {
    %get3A = arith.index_cast %arg0 : i32 to index
    %get3A_0 = memref.load %arg1[%get3A] : memref<72xi32, #tpu.memory_space<smem>>
    %min3A = arith.constant 7 : i32
    %min3A_1 = arith.minsi %get3A_0, %min3A : i32
    %c0_i32 = arith.constant 0 : i32
    %c0_i32_2 = arith.constant 0 : i32
    %c0_i32_3 = arith.constant 0 : i32
    return %min3A_1, %c0_i32, %c0_i32_2 : i32, i32, i32
  }
  func.func @transform_5(%arg0: i32, %arg1: memref<72xi32, #tpu.memory_space<smem>>) -> (i32, i32, i32) {
    %get3A = arith.index_cast %arg0 : i32 to index
    %get3A_0 = memref.load %arg1[%get3A] : memref<72xi32, #tpu.memory_space<smem>>
    %min3A = arith.constant 7 : i32
    %min3A_1 = arith.minsi %get3A_0, %min3A : i32
    %c0_i32 = arith.constant 0 : i32
    %c0_i32_2 = arith.constant 0 : i32
    %c0_i32_3 = arith.constant 0 : i32
    return %min3A_1, %c0_i32, %c0_i32_2 : i32, i32, i32
  }
  func.func @transform_6(%arg0: i32, %arg1: memref<72xi32, #tpu.memory_space<smem>>) -> (i32, i32, i32) {
    %get3A = arith.index_cast %arg0 : i32 to index
    %get3A_0 = memref.load %arg1[%get3A] : memref<72xi32, #tpu.memory_space<smem>>
    %min3A = arith.constant 7 : i32
    %min3A_1 = arith.minsi %get3A_0, %min3A : i32
    %c0_i32 = arith.constant 0 : i32
    %c0_i32_2 = arith.constant 0 : i32
    %c0_i32_3 = arith.constant 0 : i32
    return %min3A_1, %c0_i32, %c0_i32_2 : i32, i32, i32
  }
  func.func @transform_7(%arg0: i32, %arg1: memref<72xi32, #tpu.memory_space<smem>>) -> (i32, i32, i32) {
    %get3A = arith.index_cast %arg0 : i32 to index
    %get3A_0 = memref.load %arg1[%get3A] : memref<72xi32, #tpu.memory_space<smem>>
    %min3A = arith.constant 7 : i32
    %min3A_1 = arith.minsi %get3A_0, %min3A : i32
    %c0_i32 = arith.constant 0 : i32
    %c0_i32_2 = arith.constant 0 : i32
    %c0_i32_3 = arith.constant 0 : i32
    return %min3A_1, %c0_i32, %c0_i32_2 : i32, i32, i32
  }
  func.func @transform_8(%arg0: i32, %arg1: memref<72xi32, #tpu.memory_space<smem>>) -> (i32, i32, i32) {
    %get3A = arith.index_cast %arg0 : i32 to index
    %get3A_0 = memref.load %arg1[%get3A] : memref<72xi32, #tpu.memory_space<smem>>
    %min3A = arith.constant 7 : i32
    %min3A_1 = arith.minsi %get3A_0, %min3A : i32
    %c0_i32 = arith.constant 0 : i32
    %c0_i32_2 = arith.constant 0 : i32
    %c0_i32_3 = arith.constant 0 : i32
    return %min3A_1, %c0_i32, %c0_i32_2 : i32, i32, i32
  }
  func.func @transform_9(%arg0: i32, %arg1: memref<72xi32, #tpu.memory_space<smem>>) -> (i32, i32, i32) {
    %get3A = arith.index_cast %arg0 : i32 to index
    %get3A_0 = memref.load %arg1[%get3A] : memref<72xi32, #tpu.memory_space<smem>>
    %min3A = arith.constant 7 : i32
    %min3A_1 = arith.minsi %get3A_0, %min3A : i32
    %c0_i32 = arith.constant 0 : i32
    %c0_i32_2 = arith.constant 0 : i32
    %c0_i32_3 = arith.constant 0 : i32
    return %min3A_1, %c0_i32, %c0_i32_2 : i32, i32, i32
  }
  func.func @transform_10(%arg0: i32, %arg1: memref<72xi32, #tpu.memory_space<smem>>) -> (i32, i32, i32) {
    %get3A = arith.index_cast %arg0 : i32 to index
    %get3A_0 = memref.load %arg1[%get3A] : memref<72xi32, #tpu.memory_space<smem>>
    %min3A = arith.constant 7 : i32
    %min3A_1 = arith.minsi %get3A_0, %min3A : i32
    %c0_i32 = arith.constant 0 : i32
    %c0_i32_2 = arith.constant 0 : i32
    %c0_i32_3 = arith.constant 0 : i32
    return %min3A_1, %c0_i32, %c0_i32_2 : i32, i32, i32
  }
  func.func @transform_11(%arg0: i32, %arg1: memref<72xi32, #tpu.memory_space<smem>>) -> (i32, i32) {
    %c0_i32 = arith.constant 0 : i32
    %c0_i32_0 = arith.constant 0 : i32
    return %arg0, %c0_i32 : i32, i32
  }
}

</mosaic_0001>

<sc_bundles>
// kernel: kernel.5.cloned.1.call-start
scs
__scs_entry_jumppad:
0x0: {  	(pc) =	sbr.rel $0x88, $3  }
0x1: {  	(tag) =	ssettag $0x0;
	lr =	simm.s32 $0x1  }
0x2: {  	[smem:$0x3F5B] =	sst lr;
	_ =	strace $0xD0000000  }
0x3: {  	_ = 	snop  }
0x4: {  	_ = 	snop  }
0x5: {  	_ = 	snop  }
0x6: {  	_ = 	snop  }
0x7: {  	_ = 	snop  }
__scs_overlays_trampoline_lowered:
0x8: {  	[smem:$0x3F6A] =	sst s0  }
0x9: {  	[smem:$0x3F6B] =	sst s1  }
0xa: {  	[smem:$0x3F6C] =	sst s2  }
0xb: {  	[smem:$0x3F6D] =	sst s3  }
0xc: {  	[smem:$0x3F6E] =	sst s4  }
0xd: {  	[smem:$0x3F6F] =	sst s5  }
0xe: {  	[smem:$0x3F70] =	sst s6  }
0xf: {  	[smem:$0x3F71] =	sst s7  }
0x10: {  	[smem:$0x3F72] =	sst s8  }
0x11: {  	[smem:$0x3F73] =	sst s9;
	s0 =	simm.s32 @!p0 $0x0  }
0x12: {  	s1 =	sld [smem:$0x3F59];
	s0 =	simm.s32 @p0 $0x1  }
0x13: {  	[smem:$0x3F74] =	sst s0;
	s0 =	simm.s32 @!p1 $0x0  }
0x14: {  	s2 =	sld [smem:$0x3F58];
	s0 =	simm.s32 @p1 $0x1  }
0x15: {  	[smem:$0x3F75] =	sst s0;
	s0 =	simm.s32 @!p2 $0x0  }
0x16: {  	s3 =	sld [smem:$0x3FDB];
	s0 =	simm.s32 @p2 $0x1  }
0x17: {  	s4 =	simm.s32 $0x1BF5;
	[smem:$0x3F77] =	sst s0  }
0x18: {  	s0 =	sld [smem:$0x3F5A];
	_ =	swait.ge [sflag:s4], $0x0  }
0x19: {  	s7 =	sld [smem:$0x3F5B]  }
0x1a: {  	s8 =	sadd.s32 $0xFFFFE003, lr  }
0x1b: {  	s9 =	sadd.s32 $0xFFFFFEF7, lr;
	s5 =	simm.s32 $0xFFFFFFFF;
	p2 =	slt.u32 s8, $0xFFFFF086  }
0x1c: {  	p1 =	slt.u32 s9, $0xF7A;
	s5 =	simm.s32 @!p2 $0x0  }
0x1d: {  	s5 =	simm.s32 @p1 $0x1;
	p0 =	seq.s32 s7, s2  }
0x1e: {  	s7 =	smul.u32 @!p0 $0xF7A, s2;
	p2 =	seq.s32 @!p0 s5, $0x0  }
0x1f: {  	s9 =	smul.u32 $0xF7A, s1;
	s8 =	simm.s32 @!p0 $0x1BF5;
	p2 =	por !p2, p0  }
0x20: {  	[sflag:s8] =	ssyncset.s32 @!p0 $0xFFFFF086;
	s6 =	sadd.s32 @!p0 s3, s7;
	s7 =	simm.s32 @!p0 $0x108  }
0x21: {  	s3 =	sadd.s32 s3, s9;
	s6 =	sadd.s32 @!p0 $0x88, s6;
	s7 =	simm.s32 @p2 $0x1082  }
0x22: {  	[simem:s7], [sflag:s8] =	dma.local @!p0 [hbm:s6], $0xF7A  }
0x23: {  	s9 =	sor.u32 $0xD0000000, s2;
	s6 =	simm.s32 $0x108;
	_ =	swait.ge @!p0 [sflag:s8], $0x0  }
0x24: {  	s3 =	sadd.s32 $0x88, s3;
	s6 =	simm.s32 @!p1 $0x1082;
	[sflag:s4] =	ssyncset.s32 $0xFFFFF086  }
0x25: {  	[simem:s6], [sflag:s4] =	dma.local [hbm:s3], $0xF7A  }
0x26: {  	[smem:$0x3F5B] =	sst s1;
	(tag) =	ssettag s2;
	_ =	strace s9  }
0x27: {  	s1 =	sld [smem:$0x3F6B]  }
0x28: {  	s2 =	sld [smem:$0x3F6C]  }
0x29: {  	s4 =	sld [smem:$0x3F6E]  }
0x2a: {  	p0 =	seq.s32 s5, $0x0;
	s5 =	sld [smem:$0x3F6F]  }
0x2b: {  	s6 =	sld [smem:$0x3F70]  }
0x2c: {  	s7 =	sld [smem:$0x3F71]  }
0x2d: {  	s3 =	simm.s32 $0x108;
	s8 =	sld [smem:$0x3F72]  }
0x2e: {  	s3 =	simm.s32 @!p0 $0x1082;
	s9 =	sld [smem:$0x3F73]  }
0x2f: {  	lr =	sadd.s32 s0, s3;
	s0 =	sld [smem:$0x3F6A]  }
0x30: {  	s3 =	sld [smem:$0x3F6D]  }
0x31: {  	[smem:$0x3F76] =	sst s10  }
0x32: {  	s10 =	sld [smem:$0x3F74];
	_ =	sdelay $0x3  }
0x33: {  	p0 =	seq.s32 s10, $0x1;
	s10 =	sld [smem:$0x3F76];
	_ =	sdelay $0x3  }
0x34: {  	[smem:$0x3F76] =	sst s10  }
0x35: {  	s10 =	sld [smem:$0x3F75];
	_ =	sdelay $0x3  }
0x36: {  	p1 =	seq.s32 s10, $0x1;
	s10 =	sld [smem:$0x3F76];
	_ =	sdelay $0x3  }
0x37: {  	[smem:$0x3F76] =	sst s10  }
0x38: {  	s10 =	sld [smem:$0x3F77]  }
0x39: {  	_ = 	snop;
	(pc) =	sbr.ind lr, $3  }
0x3a: {  	_ = 	snop  }
0x3b: {  	_ = 	snop  }
0x3c: {  	p2 =	seq.s32 s10, $0x1;
	s10 =	sld [smem:$0x3F76]  }
0x3d: {  	_ =	shalt  }
0x3e: {  	_ =	shalt  }
0x3f: {  	_ =	shalt  }
0x40: {  	_ =	shalt  }
0x41: {  	_ =	shalt  }
0x42: {  	_ =	shalt  }
0x43: {  	_ =	shalt  }
0x44: {  	_ =	shalt  }
0x45: {  	_ =	shalt  }
0x46: {  	_ =	shalt  }
0x47: {  	_ =	shalt  }
0x48: {  	_ =	shalt  }
0x49: {  	_ =	shalt  }
0x4a: {  	_ =	shalt  }
0x4b: {  	_ =	shalt  }
0x4c: {  	_ =	shalt  }
0x4d: {  	_ =	shalt  }
0x4e: {  	_ =	shalt  }
0x4f: {  	_ =	shalt  }
0x50: {  	_ =	shalt  }
0x51: {  	_ =	shalt  }
0x52: {  	_ =	shalt  }
0x53: {  	_ =	shalt  }
0x54: {  	_ =	shalt  }
0x55: {  	_ =	shalt  }
0x56: {  	_ =	shalt  }
0x57: {  	_ =	shalt  }
0x58: {  	_ =	shalt  }
0x59: {  	_ =	shalt  }
0x5a: {  	_ =	shalt  }
0x5b: {  	_ =	shalt  }
0x5c: {  	_ =	shalt  }
0x5d: {  	_ =	shalt  }
0x5e: {  	_ =	shalt  }
0x5f: {  	_ =	shalt  }
0x60: {  	_ =	shalt  }
0x61: {  	_ =	shalt  }
0x62: {  	_ =	shalt  }
0x63: {  	_ =	shalt  }
0x64: {  	_ =	shalt  }
0x65: {  	_ =	shalt  }
0x66: {  	_ =	shalt  }
0x67: {  	_ =	shalt  }
0x68: {  	_ =	shalt  }
0x69: {  	_ =	shalt  }
0x6a: {  	_ =	shalt  }
0x6b: {  	_ =	shalt  }
0x6c: {  	_ =	shalt  }
0x6d: {  	_ =	shalt  }
0x6e: {  	_ =	shalt  }
0x6f: {  	_ =	shalt  }
0x70: {  	_ =	shalt  }
0x71: {  	_ =	shalt  }
0x72: {  	_ =	shalt  }
0x73: {  	_ =	shalt  }
0x74: {  	_ =	shalt  }
0x75: {  	_ =	shalt  }
0x76: {  	_ =	shalt  }
0x77: {  	_ =	shalt  }
0x78: {  	_ =	shalt  }
0x79: {  	_ =	shalt  }
0x7a: {  	_ =	shalt  }
0x7b: {  	_ =	shalt  }
0x7c: {  	_ =	shalt  }
0x7d: {  	_ =	shalt  }
0x7e: {  	_ =	shalt  }
0x7f: {  	_ =	shalt  }
0x80: {  	_ =	shalt  }
0x81: {  	_ =	shalt  }
0x82: {  	_ =	shalt  }
0x83: {  	_ =	shalt  }
0x84: {  	_ =	shalt  }
0x85: {  	_ =	shalt  }
0x86: {  	_ =	shalt  }
0x87: {  	_ =	shalt  }
.Lfunc_end0:
.L_simem_size_0:
called_computation_lowered:
.L_overlay_start_0:
0x88: {  	s2 =	sld [smem:$0x3FD9]  }
0x89: {  	s3 =	sld [smem:$0x3FFE];
	_ =	sdelay $0x1  }
0x8a: {  	s1 =	srdreg.scid  }
0x8b: {  	s0 =	sand.u32 $0x1, s1  }
0x8c: {  	s17 =	sshll.u32 s0, $0xA;
	s2 =	sadd.s32 s3, s2  }
0x8d: {  	s2 =	sadd.s32 s2, s17  }
0x8e: {  	[smem:$0x3F82] =	sst s2  }
0x8f: {  	_ = 	snop  }
0x90: {  	s2 =	sld [smem:$0x3FC9];
	(tm) =	ssettm $0x1  }
0x91: {  	s18 =	sld [smem:$0x3FFB];
	_ =	sdelay $0x3  }
0x92: {  	_ =	strace s18  }
0x93: {  	s3 =	sld [smem:$0x3FFC];
	_ =	sdelay $0x3  }
0x94: {  	_ =	strace s3  }
0x95: {  	s3 =	sld [smem:$0x3FFD];
	_ =	sdelay $0x3  }
0x96: {  	_ =	strace s3  }
0x97: {  	_ =	strace $0x8FFFFFFF  }
0x98: {  	s19 =	sld [smem:$0x3FDB];
	_ =	sdelay $0x1  }
0x99: {  	s4 =	simm.s32 $_scs_section_size  }
0x9a: {  	s5 =	simm.s32 $_size__tile_overlayer_lowered;
	s6 =	simm.s32 $_tile_overlayer_lowered  }
0x9b: {  	s22 =	simm.s32 $0x1BFF;
	s21 =	sshll.u32 s6, $0x1;
	s3 =	sadd.s32 s4, s19  }
0x9c: {  	s7 =	simm.s32 $0x0;
	s20 =	sshll.u32 s5, $0x1;
	s5 =	sadd.s32 s21, s3  }
0x9d: {  	[timem:s7], [sflag:s22] =	dma.local [hbm:s5], s20  }
0x9e: {  	_ =	swait.ge [sflag:s22], s20  }
0x9f: {  	s4 =	ssub.s32 $0x0, s20;
	[sflag:s22] =	ssyncset.done $0x0  }
0xa0: {  	[sflag:s22] =	ssyncadd.s32 s4;
	_ =	sdelay $0x1  }
0xa1: {  	s23 =	simm.s32 $0x1B8B  }
0xa2: {  	_ =	swait.ge [sflag:s23], $0x1  }
0xa3: {  	[sflag:s23] =	ssyncset.done $0x0  }
0xa4: {  	s25 =	simm.s32 $0x1B8E;
	s24 =	sld [smem:$0x3FFE];
	[sflag:s23] =	ssyncadd.s32 $0xFFFFFFFF  }
0xa5: {  	s26 =	simm.s32 $execute0_lowered;
	[smem:$0x3FD2] =	sst s25  }
0xa6: {  	s5 =	sshll.u32 s26, $0x1;
	_ =	strace $0x80000046;
	[dreg:$0x1] =	wrdreg $0xFFFFFFFF  }
0xa7: {  	s28 =	simm.s32 $_size_execute0_lowered;
	s3 =	sadd.s32 s3, s5;
	[dreg:$0x0] =	wrdreg $0x0  }
0xa8: {  	s5 =	sshll.u32 s28, $0x1;
	[dreg:$0x2] =	wrdreg s3  }
0xa9: {  	[dreg:$0x3] =	wrdreg s5  }
0xaa: {  	[dreg:$0x4] =	wrdreg $0xC0  }
0xab: {  	_ =	task [dreg:s7], $0x5FFFF  }
0xac: {  	[dreg:$0x1] =	wrdreg $0xFFFFFFFF  }
0xad: {  	[dreg:$0x0] =	wrdreg $0x60  }
0xae: {  	[dreg:$0x2] =	wrdreg s2  }
0xaf: {  	[dreg:$0x3] =	wrdreg s24  }
0xb0: {  	[dreg:$0x4] =	wrdreg $0x9  }
0xb1: {  	_ =	task.clear_ibuf [dreg:s7], $0x5FFFF;
	_ =	strace $0x90000046  }
0xb2: {  	s29 =	simm.s32 $0x9;
	_ =	strace $0x80000048  }
0xb3: {  	_ =	swait.ge [sflag:s29], $0x1  }
0xb4: {  	[sflag:s29] =	ssyncadd.s32 $0xFFFFFFFF  }
0xb5: {  	_ =	strace $0x90000048  }
0xb6: {  	_ =	sfence  }
0xb7: {  	s30 =	sld [smem:$0x0];
	_ =	sdelay $0x2  }
0xb8: {  	s31 =	sshll.u32 s1, $0xD;
	s1 =	sshrl.u32 s1, $0x2  }
0xb9: {  	s3 =	sand.u32 $0x4000, s31;
	s1 =	sadd.s32 s1, s30  }
0xba: {  	s0 =	sor.u32 s3, s0;
	s1 =	sshll.u32 s1, $0x11  }
0xbb: {  	s0 =	sor.u32 s1, s0  }
0xbc: {  	s0 =	sadd.s32 $0x8F2B, s0  }
0xbd: {  	[sflag:s0] =	ssyncadd.remote.s32 $0x1  }
0xbe: {  	_ =	sfence.sel $0xFFFF  }
0xbf: {  	[dreg:$0x0] =	wrdreg $0xFFFFFFFF;
	(pc) =	sbr.abs _section_cstart, $3  }
0xc0: {  	[dreg:$0x1] =	wrdreg $0xFFFFFFFF  }
0xc1: {  	_ =	task.clear_ibuf [dreg:s7], $0x2FFFF;
	_ =	strace $0x9FFFFFFF  }
0xc2: {  	(tm) =	ssettm $0x7FFFFFFF  }
0xc3: {  	_ =	shalt  }
tec
execute0_lowered:
.L_overlay_start_1:
0x0: {  	(tag) =	ssettag $0x1  }
0x1: {  	s1 =	srdreg.scid;
	s2 =	stileid.u32  }
0x2: {  	s1 =	sand.u32 $0x1, s1;
	s2 =	sshll.u32 s2, $0x1  }
0x3: {  	s0 =	rddreg [dreg:$0x0];
	s4 =	sor.u32 s1, s2  }
0x4: {  	s3 =	rddreg [dreg:$0x1];
	s5 =	sshll.u32 s4, $0x8  }
0x5: {  	s2 =	simm.s32 $0x0;
	s6 =	smul.u32 $0x18000, s4;
	s5 =	sadd.s32 s5, s3  }
0x6: {  	[smem:$0x7FF] =	sst s2;
	s5 =	sadd.s32 $0x7000, s5  }
0x7: {  	_ =	strace $0x80000047;
	s6 =	sadd.s32 s0, s6;
	[dreg:$0x3] =	wrdreg s5  }
0x8: {  	s17 =	sadd.s32 $0x1800, s6;
	[dreg:$0x13] =	wrdreg s6  }
0x9: {  	s4 =	smul.u32 $0xC0000, s4;
	s18 =	sadd.s32 $0x3000, s6;
	[dreg:$0x4] =	wrdreg s17  }
0xa: {  	s19 =	sadd.s32 $0x4800, s6;
	[dreg:$0x5] =	wrdreg s18  }
0xb: {  	s4 =	sshrl.u32 s4, $0x3;
	s20 =	sadd.s32 $0x6000, s6;
	[dreg:$0x6] =	wrdreg s19  }
0xc: {  	s21 =	sadd.s32 $0x7800, s6;
	s0 =	sadd.s32 s0, s4;
	[dreg:$0x7] =	wrdreg s20  }
0xd: {  	[dreg:$0x8] =	wrdreg s21;
	s4 =	sadd.s32 $0x9000, s0  }
0xe: {  	s11 =	simm.s32 $0x1;
	s22 =	sadd.s32 $0xA800, s0;
	[dreg:$0x9] =	wrdreg s4  }
0xf: {  	s12 =	simm.s32 $0x3;
	s23 =	sadd.s32 $0xC000, s0;
	[dreg:$0xa] =	wrdreg s22  }
0x10: {  	s13 =	simm.s32 $0x2;
	s24 =	sadd.s32 $0xD800, s0;
	[dreg:$0xb] =	wrdreg s23  }
0x11: {  	s16 =	simm.s32 $0x4;
	s25 =	sadd.s32 $0xF000, s0;
	[dreg:$0xc] =	wrdreg s24  }
0x12: {  	s1 =	ssub.s32 $0x2, s1;
	s26 =	sadd.s32 $0x10800, s0;
	[dreg:$0xd] =	wrdreg s25  }
0x13: {  	s30 =	sshrl.u32 s1, $0x1;
	s28 =	sadd.s32 $0x12000, s0;
	[dreg:$0xe] =	wrdreg s26  }
0x14: {  	s1 =	ssub.s32 s1, s30;
	s29 =	sadd.s32 $0x13800, s0;
	[dreg:$0xf] =	wrdreg s28  }
0x15: {  	v2 =	vlaneseq.u32;
	s5 =	sadd.s32 $0x9100, s3;
	s31 =	sadd.s32 $0x15000, s0;
	[dreg:$0x10] =	wrdreg s29  }
0x16: {  	vm0 =	vmmov $0xffff;
	v1 =	vshrl.u32 v2, $0x3;
	s6 =	sadd.s32 $0x9200, s3;
	s0 =	sadd.s32 $0x16800, s0;
	[dreg:$0x11] =	wrdreg s31  }
0x17: {  	v0 =	vand.u32 $0x7, v2;
	v2 =	vor.u32 $0x8, v2;
	v1 =	vmul.u32 $0x8, v1;
	s4 =	sadd.s32 $0x9000, s3;
	[dreg:$0x12] =	wrdreg s0;
	s0 =	smax.u32 s1, $0x1  }
.LBB2_1:
0x18: {  	[dreg:$0x14] =	wrdreg s0  }
0x19: {  	s17 =	rddreg [dreg:$0x3];
	s20 =	simm.s32 $0x5  }
0x1a: {  	[tilespmem:s2], [sflag:$0x5] =	stream.linear.gather [hbm4b:s17+s2], $0x800, $0x38;
	[tilespmem:$0x18800] =	vst v63  }
0x1b: {  	_ =	swait.ge [sflag:s20], $0x800  }
0x1c: {  	[sflag:s20] =	ssyncset.done $0x0  }
0x1d: {  	s22 =	simm.s32 $0x800;
	s18 =	rddreg [dreg:$0x13];
	[sflag:s20] =	ssyncadd.s32 $0xFFFFF800  }
0x1e: {  	[tilespmem:s22], [sflag:$0x1] =	stream.linear.gather [hbm4b:s18+s2], $0xC000, $0x38;
	[tilespmem:$0x18800] =	vst v63  }
0x1f: {  	s23 =	simm.s32 $0xC800;
	s21 =	rddreg [dreg:$0x4]  }
0x20: {  	[tilespmem:s23], [sflag:$0x2] =	stream.linear.gather [hbm4b:s21+s2], $0xC000, $0x38;
	[tilespmem:$0x18800] =	vst v63  }
0x21: {  	_ =	swait.ge [sflag:s11], $0xC000  }
0x22: {  	[sflag:s11] =	ssyncset.done $0x0  }
0x23: {  	[sflag:s11] =	ssyncadd.s32 $0xFFFF4000  }
0x24: {  	v3 =	vld [tilespmem:$0x0];
	_ =	sdelay $0x4  }
0x25: {  	v4 =	vshrl.u32 v3, $0x3  }
0x26: {  	v4 =	vmul.u32 $0x30, v4  }
0x27: {  	v3 =	vand.u32 $0x7, v3  }
0x28: {  	v3 =	vor.u32 v3, v4  }
0x29: {  	v4 =	vperm.xlane v3, v0;
	_ =	sdelay $0x1  }
0x2a: {  	v4 =	vadd.s32 v1, v4;
	_ =	sdelay $0x3  }
0x2b: {  	s3 =	simm.s32 $0x800;
	v3 =	vperm.xlane v3, v2  }
0x2c: {  	[hbm4b:s4+s2] =	stream.indirect_vreg.scatter [tilespmem:s3], [sflag:$0x3], $0x80, v4, vm0, $0xb8;
	[tilespmem:$0x18800] =	vst v63  }
0x2d: {  	s24 =	simm.s32 $0x1000;
	v3 =	vadd.s32 v1, v3  }
0x2e: {  	[hbm4b:s5+s2] =	stream.indirect_vreg.scatter [tilespmem:s24], [sflag:$0x3], $0x80, v4, vm0, $0xb8;
	[tilespmem:$0x18800] =	vst v63  }
0x2f: {  	s25 =	simm.s32 $0x1800  }
0x30: {  	[hbm4b:s6+s2] =	stream.indirect_vreg.scatter [tilespmem:s25], [sflag:$0x3], $0x80, v4, vm0, $0xb8;
	[tilespmem:$0x18800] =	vst v63  }
0x31: {  	s26 =	simm.s32 $0x2000  }
0x32: {  	[hbm4b:s4+s2] =	stream.indirect_vreg.scatter [tilespmem:s26], [sflag:$0x3], $0x80, v3, vm0, $0xb8;
	[tilespmem:$0x18800] =	vst v63  }
0x33: {  	s28 =	simm.s32 $0x2800  }
0x34: {  	[hbm4b:s5+s2] =	stream.indirect_vreg.scatter [tilespmem:s28], [sflag:$0x3], $0x80, v3, vm0, $0xb8;
	[tilespmem:$0x18800] =	vst v63  }
0x35: {  	s29 =	simm.s32 $0x3000  }
0x36: {  	[hbm4b:s6+s2] =	stream.indirect_vreg.scatter [tilespmem:s29], [sflag:$0x3], $0x80, v3, vm0, $0xb8;
	[tilespmem:$0x18800] =	vst v63  }
0x37: {  	v3 =	vld [tilespmem:$0x10];
	_ =	sdelay $0x4  }
0x38: {  	v57 =	vshrl.u32 v3, $0x3  }
0x39: {  	v4 =	vmul.u32 $0x30, v57  }
0x3a: {  	v3 =	vand.u32 $0x7, v3  }
0x3b: {  	v3 =	vor.u32 v3, v4  }
0x3c: {  	v4 =	vperm.xlane v3, v0;
	_ =	sdelay $0x1  }
0x3d: {  	v4 =	vadd.s32 v1, v4;
	_ =	sdelay $0x3  }
0x3e: {  	s30 =	simm.s32 $0x3800;
	v3 =	vperm.xlane v3, v2  }
0x3f: {  	[hbm4b:s4+s2] =	stream.indirect_vreg.scatter [tilespmem:s30], [sflag:$0x3], $0x80, v4, vm0, $0xb8;
	[tilespmem:$0x18800] =	vst v63  }
0x40: {  	s31 =	simm.s32 $0x4000;
	v3 =	vadd.s32 v1, v3  }
0x41: {  	[hbm4b:s5+s2] =	stream.indirect_vreg.scatter [tilespmem:s31], [sflag:$0x3], $0x80, v4, vm0, $0xb8;
	[tilespmem:$0x18800] =	vst v63  }
0x42: {  	s7 =	simm.s32 $0x4800  }
0x43: {  	[hbm4b:s6+s2] =	stream.indirect_vreg.scatter [tilespmem:s7], [sflag:$0x3], $0x80, v4, vm0, $0xb8;
	[tilespmem:$0x18800] =	vst v63  }
0x44: {  	s9 =	simm.s32 $0x5000  }
0x45: {  	[hbm4b:s4+s2] =	stream.indirect_vreg.scatter [tilespmem:s9], [sflag:$0x3], $0x80, v3, vm0, $0xb8;
	[tilespmem:$0x18800] =	vst v63  }
0x46: {  	s10 =	simm.s32 $0x5800  }
0x47: {  	[hbm4b:s5+s2] =	stream.indirect_vreg.scatter [tilespmem:s10], [sflag:$0x3], $0x80, v3, vm0, $0xb8;
	[tilespmem:$0x18800] =	vst v63  }
0x48: {  	s15 =	simm.s32 $0x6000  }
0x49: {  	[hbm4b:s6+s2] =	stream.indirect_vreg.scatter [tilespmem:s15], [sflag:$0x3], $0x80, v3, vm0, $0xb8;
	[tilespmem:$0x18800] =	vst v63  }
0x4a: {  	v3 =	vld [tilespmem:$0x20];
	_ =	sdelay $0x4  }
0x4b: {  	v58 =	vshrl.u32 v3, $0x3  }
0x4c: {  	v4 =	vmul.u32 $0x30, v58  }
0x4d: {  	v3 =	vand.u32 $0x7, v3  }
0x4e: {  	v3 =	vor.u32 v3, v4  }
0x4f: {  	v4 =	vperm.xlane v3, v0;
	_ =	sdelay $0x1  }
0x50: {  	v4 =	vadd.s32 v1, v4;
	_ =	sdelay $0x3  }
0x51: {  	s17 =	simm.s32 $0x6800;
	v3 =	vperm.xlane v3, v2  }
0x52: {  	[hbm4b:s4+s2] =	stream.indirect_vreg.scatter [tilespmem:s17], [sflag:$0x3], $0x80, v4, vm0, $0xb8;
	[tilespmem:$0x18800] =	vst v63  }
0x53: {  	s18 =	simm.s32 $0x7000;
	v3 =	vadd.s32 v1, v3  }
0x54: {  	[hbm4b:s5+s2] =	stream.indirect_vreg.scatter [tilespmem:s18], [sflag:$0x3], $0x80, v4, vm0, $0xb8;
	[tilespmem:$0x18800] =	vst v63  }
0x55: {  	s19 =	simm.s32 $0x7800  }
0x56: {  	[hbm4b:s6+s2] =	stream.indirect_vreg.scatter [tilespmem:s19], [sflag:$0x3], $0x80, v4, vm0, $0xb8;
	[tilespmem:$0x18800] =	vst v63  }
0x57: {  	s22 =	simm.s32 $0x8000  }
0x58: {  	[hbm4b:s4+s2] =	stream.indirect_vreg.scatter [tilespmem:s22], [sflag:$0x3], $0x80, v3, vm0, $0xb8;
	[tilespmem:$0x18800] =	vst v63  }
0x59: {  	s23 =	simm.s32 $0x8800  }
0x5a: {  	[hbm4b:s5+s2] =	stream.indirect_vreg.scatter [tilespmem:s23], [sflag:$0x3], $0x80, v3, vm0, $0xb8;
	[tilespmem:$0x18800] =	vst v63  }
0x5b: {  	s24 =	simm.s32 $0x9000  }
0x5c: {  	[hbm4b:s6+s2] =	stream.indirect_vreg.scatter [tilespmem:s24], [sflag:$0x3], $0x80, v3, vm0, $0xb8;
	[tilespmem:$0x18800] =	vst v63  }
0x5d: {  	v3 =	vld [tilespmem:$0x30];
	_ =	sdelay $0x4  }
0x5e: {  	v59 =	vshrl.u32 v3, $0x3  }
0x5f: {  	v4 =	vmul.u32 $0x30, v59  }
0x60: {  	v3 =	vand.u32 $0x7, v3  }
0x61: {  	v3 =	vor.u32 v3, v4  }
0x62: {  	v4 =	vperm.xlane v3, v0;
	_ =	sdelay $0x1  }
0x63: {  	v4 =	vadd.s32 v1, v4;
	_ =	sdelay $0x3  }
0x64: {  	s25 =	simm.s32 $0x9800;
	v3 =	vperm.xlane v3, v2  }
0x65: {  	[hbm4b:s4+s2] =	stream.indirect_vreg.scatter [tilespmem:s25], [sflag:$0x3], $0x80, v4, vm0, $0xb8;
	[tilespmem:$0x18800] =	vst v63  }
0x66: {  	s26 =	simm.s32 $0xA000;
	v3 =	vadd.s32 v1, v3  }
0x67: {  	[hbm4b:s5+s2] =	stream.indirect_vreg.scatter [tilespmem:s26], [sflag:$0x3], $0x80, v4, vm0, $0xb8;
	[tilespmem:$0x18800] =	vst v63  }
0x68: {  	s28 =	simm.s32 $0xA800  }
0x69: {  	[hbm4b:s6+s2] =	stream.indirect_vreg.scatter [tilespmem:s28], [sflag:$0x3], $0x80, v4, vm0, $0xb8;
	[tilespmem:$0x18800] =	vst v63  }
0x6a: {  	s29 =	simm.s32 $0xB000  }
0x6b: {  	[hbm4b:s4+s2] =	stream.indirect_vreg.scatter [tilespmem:s29], [sflag:$0x3], $0x80, v3, vm0, $0xb8;
	[tilespmem:$0x18800] =	vst v63  }
0x6c: {  	s30 =	simm.s32 $0xB800  }
0x6d: {  	[hbm4b:s5+s2] =	stream.indirect_vreg.scatter [tilespmem:s30], [sflag:$0x3], $0x80, v3, vm0, $0xb8;
	[tilespmem:$0x18800] =	vst v63  }
0x6e: {  	s31 =	simm.s32 $0xC000  }
0x6f: {  	[hbm4b:s6+s2] =	stream.indirect_vreg.scatter [tilespmem:s31], [sflag:$0x3], $0x80, v3, vm0, $0xb8;
	[tilespmem:$0x18800] =	vst v63  }
0x70: {  	_ =	swait.ge [sflag:s12], $0xC000  }
0x71: {  	[sflag:s12] =	ssyncset.done $0x0  }
0x72: {  	s3 =	simm.s32 $0x800;
	s0 =	rddreg [dreg:$0x5];
	[sflag:s12] =	ssyncadd.s32 $0xFFFF4000  }
0x73: {  	[tilespmem:s3], [sflag:$0x1] =	stream.linear.gather [hbm4b:s0+s2], $0xC000, $0x38;
	[tilespmem:$0x18800] =	vst v63  }
0x74: {  	_ =	swait.ge [sflag:s13], $0xC000  }
0x75: {  	[sflag:s13] =	ssyncset.done $0x0  }
0x76: {  	[sflag:s13] =	ssyncadd.s32 $0xFFFF4000  }
0x77: {  	v3 =	vld [tilespmem:$0x80];
	_ =	sdelay $0x4  }
0x78: {  	v60 =	vshrl.u32 v3, $0x3  }
0x79: {  	v4 =	vmul.u32 $0x30, v60  }
0x7a: {  	v3 =	vand.u32 $0x7, v3  }
0x7b: {  	v3 =	vor.u32 v3, v4  }
0x7c: {  	v4 =	vperm.xlane v3, v0;
	_ =	sdelay $0x1  }
0x7d: {  	v4 =	vadd.s32 v1, v4;
	_ =	sdelay $0x3  }
0x7e: {  	s1 =	simm.s32 $0xC800;
	v3 =	vperm.xlane v3, v2  }
0x7f: {  	[hbm4b:s4+s2] =	stream.indirect_vreg.scatter [tilespmem:s1], [sflag:$0x4], $0x80, v4, vm0, $0xb8;
	[tilespmem:$0x18800] =	vst v63  }
0x80: {  	s7 =	simm.s32 $0xD000;
	v3 =	vadd.s32 v1, v3  }
0x81: {  	[hbm4b:s5+s2] =	stream.indirect_vreg.scatter [tilespmem:s7], [sflag:$0x4], $0x80, v4, vm0, $0xb8;
	[tilespmem:$0x18800] =	vst v63  }
0x82: {  	s9 =	simm.s32 $0xD800  }
0x83: {  	[hbm4b:s6+s2] =	stream.indirect_vreg.scatter [tilespmem:s9], [sflag:$0x4], $0x80, v4, vm0, $0xb8;
	[tilespmem:$0x18800] =	vst v63  }
0x84: {  	s10 =	simm.s32 $0xE000  }
0x85: {  	[hbm4b:s4+s2] =	stream.indirect_vreg.scatter [tilespmem:s10], [sflag:$0x4], $0x80, v3, vm0, $0xb8;
	[tilespmem:$0x18800] =	vst v63  }
0x86: {  	s15 =	simm.s32 $0xE800  }
0x87: {  	[hbm4b:s5+s2] =	stream.indirect_vreg.scatter [tilespmem:s15], [sflag:$0x4], $0x80, v3, vm0, $0xb8;
	[tilespmem:$0x18800] =	vst v63  }
0x88: {  	s17 =	simm.s32 $0xF000  }
0x89: {  	[hbm4b:s6+s2] =	stream.indirect_vreg.scatter [tilespmem:s17], [sflag:$0x4], $0x80, v3, vm0, $0xb8;
	[tilespmem:$0x18800] =	vst v63  }
0x8a: {  	v3 =	vld [tilespmem:$0x90];
	_ =	sdelay $0x4  }
0x8b: {  	v61 =	vshrl.u32 v3, $0x3  }
0x8c: {  	v4 =	vmul.u32 $0x30, v61  }
0x8d: {  	v3 =	vand.u32 $0x7, v3  }
0x8e: {  	v3 =	vor.u32 v3, v4  }
0x8f: {  	v4 =	vperm.xlane v3, v0;
	_ =	sdelay $0x1  }
0x90: {  	v4 =	vadd.s32 v1, v4;
	_ =	sdelay $0x3  }
0x91: {  	s19 =	simm.s32 $0xF800;
	v3 =	vperm.xlane v3, v2  }
0x92: {  	[hbm4b:s4+s2] =	stream.indirect_vreg.scatter [tilespmem:s19], [sflag:$0x4], $0x80, v4, vm0, $0xb8;
	[tilespmem:$0x18800] =	vst v63  }
0x93: {  	s22 =	simm.s32 $0x10000;
	v3 =	vadd.s32 v1, v3  }
0x94: {  	[hbm4b:s5+s2] =	stream.indirect_vreg.scatter [tilespmem:s22], [sflag:$0x4], $0x80, v4, vm0, $0xb8;
	[tilespmem:$0x18800] =	vst v63  }
0x95: {  	s23 =	simm.s32 $0x10800  }
0x96: {  	[hbm4b:s6+s2] =	stream.indirect_vreg.scatter [tilespmem:s23], [sflag:$0x4], $0x80, v4, vm0, $0xb8;
	[tilespmem:$0x18800] =	vst v63  }
0x97: {  	s26 =	simm.s32 $0x11000  }
0x98: {  	[hbm4b:s4+s2] =	stream.indirect_vreg.scatter [tilespmem:s26], [sflag:$0x4], $0x80, v3, vm0, $0xb8;
	[tilespmem:$0x18800] =	vst v63  }
0x99: {  	s28 =	simm.s32 $0x11800  }
0x9a: {  	[hbm4b:s5+s2] =	stream.indirect_vreg.scatter [tilespmem:s28], [sflag:$0x4], $0x80, v3, vm0, $0xb8;
	[tilespmem:$0x18800] =	vst v63  }
0x9b: {  	s29 =	simm.s32 $0x12000  }
0x9c: {  	[hbm4b:s6+s2] =	stream.indirect_vreg.scatter [tilespmem:s29], [sflag:$0x4], $0x80, v3, vm0, $0xb8;
	[tilespmem:$0x18800] =	vst v63  }
0x9d: {  	v3 =	vld [tilespmem:$0xA0];
	_ =	sdelay $0x4  }
0x9e: {  	v62 =	vshrl.u32 v3, $0x3  }
0x9f: {  	v4 =	vmul.u32 $0x30, v62  }
0xa0: {  	v3 =	vand.u32 $0x7, v3  }
0xa1: {  	v3 =	vor.u32 v3, v4  }
0xa2: {  	v4 =	vperm.xlane v3, v0;
	_ =	sdelay $0x1  }
0xa3: {  	v4 =	vadd.s32 v1, v4;
	_ =	sdelay $0x3  }
0xa4: {  	s30 =	simm.s32 $0x12800;
	v3 =	vperm.xlane v3, v2  }
0xa5: {  	[hbm4b:s4+s2] =	stream.indirect_vreg.scatter [tilespmem:s30], [sflag:$0x4], $0x80, v4, vm0, $0xb8;
	[tilespmem:$0x18800] =	vst v63  }
0xa6: {  	s31 =	simm.s32 $0x13000;
	v3 =	vadd.s32 v1, v3  }
0xa7: {  	[hbm4b:s5+s2] =	stream.indirect_vreg.scatter [tilespmem:s31], [sflag:$0x4], $0x80, v4, vm0, $0xb8;
	[tilespmem:$0x18800] =	vst v63  }
0xa8: {  	s3 =	simm.s32 $0x13800  }
0xa9: {  	[hbm4b:s6+s2] =	stream.indirect_vreg.scatter [tilespmem:s3], [sflag:$0x4], $0x80, v4, vm0, $0xb8;
	[tilespmem:$0x18800] =	vst v63  }
0xaa: {  	s7 =	simm.s32 $0x14000  }
0xab: {  	[hbm4b:s4+s2] =	stream.indirect_vreg.scatter [tilespmem:s7], [sflag:$0x4], $0x80, v3, vm0, $0xb8;
	[tilespmem:$0x18800] =	vst v63  }
0xac: {  	s9 =	simm.s32 $0x14800  }
0xad: {  	[hbm4b:s5+s2] =	stream.indirect_vreg.scatter [tilespmem:s9], [sflag:$0x4], $0x80, v3, vm0, $0xb8;
	[tilespmem:$0x18800] =	vst v63  }
0xae: {  	s15 =	simm.s32 $0x15000  }
0xaf: {  	[hbm4b:s6+s2] =	stream.indirect_vreg.scatter [tilespmem:s15], [sflag:$0x4], $0x80, v3, vm0, $0xb8;
	[tilespmem:$0x18800] =	vst v63  }
0xb0: {  	v3 =	vld [tilespmem:$0xB0];
	_ =	sdelay $0x4  }
0xb1: {  	v63 =	vshrl.u32 v3, $0x3  }
0xb2: {  	v4 =	vmul.u32 $0x30, v63  }
0xb3: {  	v3 =	vand.u32 $0x7, v3  }
0xb4: {  	v3 =	vor.u32 v3, v4  }
0xb5: {  	v4 =	vperm.xlane v3, v0;
	_ =	sdelay $0x1  }
0xb6: {  	v4 =	vadd.s32 v1, v4;
	_ =	sdelay $0x3  }
0xb7: {  	s17 =	simm.s32 $0x15800;
	v3 =	vperm.xlane v3, v2  }
0xb8: {  	[hbm4b:s4+s2] =	stream.indirect_vreg.scatter [tilespmem:s17], [sflag:$0x4], $0x80, v4, vm0, $0xb8;
	[tilespmem:$0x18800] =	vst v63  }
0xb9: {  	s19 =	simm.s32 $0x16000;
	v3 =	vadd.s32 v1, v3  }
0xba: {  	[hbm4b:s5+s2] =	stream.indirect_vreg.scatter [tilespmem:s19], [sflag:$0x4], $0x80, v4, vm0, $0xb8;
	[tilespmem:$0x18800] =	vst v63  }
0xbb: {  	s22 =	simm.s32 $0x16800  }
0xbc: {  	[hbm4b:s6+s2] =	stream.indirect_vreg.scatter [tilespmem:s22], [sflag:$0x4], $0x80, v4, vm0, $0xb8;
	[tilespmem:$0x18800] =	vst v63  }
0xbd: {  	s23 =	simm.s32 $0x17000  }
0xbe: {  	[hbm4b:s4+s2] =	stream.indirect_vreg.scatter [tilespmem:s23], [sflag:$0x4], $0x80, v3, vm0, $0xb8;
	[tilespmem:$0x18800] =	vst v63  }
0xbf: {  	s26 =	simm.s32 $0x17800  }
0xc0: {  	[hbm4b:s5+s2] =	stream.indirect_vreg.scatter [tilespmem:s26], [sflag:$0x4], $0x80, v3, vm0, $0xb8;
	[tilespmem:$0x18800] =	vst v63  }
0xc1: {  	s28 =	simm.s32 $0x18000  }
0xc2: {  	[hbm4b:s6+s2] =	stream.indirect_vreg.scatter [tilespmem:s28], [sflag:$0x4], $0x80, v3, vm0, $0xb8;
	[tilespmem:$0x18800] =	vst v63  }
0xc3: {  	_ =	swait.ge [sflag:s16], $0xC000  }
0xc4: {  	[sflag:s16] =	ssyncset.done $0x0  }
0xc5: {  	s1 =	simm.s32 $0xC800;
	s29 =	rddreg [dreg:$0x6];
	[sflag:s16] =	ssyncadd.s32 $0xFFFF4000  }
0xc6: {  	[tilespmem:s1], [sflag:$0x2] =	stream.linear.gather [hbm4b:s29+s2], $0xC000, $0x38;
	[tilespmem:$0x18800] =	vst v63  }
0xc7: {  	_ =	swait.ge [sflag:s11], $0xC000  }
0xc8: {  	[sflag:s11] =	ssyncset.done $0x0  }
0xc9: {  	[sflag:s11] =	ssyncadd.s32 $0xFFFF4000  }
0xca: {  	v3 =	vld [tilespmem:$0x100];
	_ =	sdelay $0x4  }
0xcb: {  	v8 =	vshrl.u32 v3, $0x3  }
0xcc: {  	v4 =	vmul.u32 $0x30, v8  }
0xcd: {  	v3 =	vand.u32 $0x7, v3  }
0xce: {  	v3 =	vor.u32 v3, v4  }
0xcf: {  	v4 =	vperm.xlane v3, v0;
	_ =	sdelay $0x1  }
0xd0: {  	v4 =	vadd.s32 v1, v4;
	_ =	sdelay $0x3  }
0xd1: {  	s9 =	simm.s32 $0x800;
	v3 =	vperm.xlane v3, v2  }
0xd2: {  	[hbm4b:s4+s2] =	stream.indirect_vreg.scatter [tilespmem:s9], [sflag:$0x3], $0x80, v4, vm0, $0xb8;
	[tilespmem:$0x18800] =	vst v63  }
0xd3: {  	s30 =	simm.s32 $0x1000;
	v3 =	vadd.s32 v1, v3  }
0xd4: {  	[hbm4b:s5+s2] =	stream.indirect_vreg.scatter [tilespmem:s30], [sflag:$0x3], $0x80, v4, vm0, $0xb8;
	[tilespmem:$0x18800] =	vst v63  }
0xd5: {  	s31 =	simm.s32 $0x1800  }
0xd6: {  	[hbm4b:s6+s2] =	stream.indirect_vreg.scatter [tilespmem:s31], [sflag:$0x3], $0x80, v4, vm0, $0xb8;
	[tilespmem:$0x18800] =	vst v63  }
0xd7: {  	s1 =	simm.s32 $0x2000  }
0xd8: {  	[hbm4b:s4+s2] =	stream.indirect_vreg.scatter [tilespmem:s1], [sflag:$0x3], $0x80, v3, vm0, $0xb8;
	[tilespmem:$0x18800] =	vst v63  }
0xd9: {  	s7 =	simm.s32 $0x2800  }
0xda: {  	[hbm4b:s5+s2] =	stream.indirect_vreg.scatter [tilespmem:s7], [sflag:$0x3], $0x80, v3, vm0, $0xb8;
	[tilespmem:$0x18800] =	vst v63  }
0xdb: {  	s8 =	simm.s32 $0x3000  }
0xdc: {  	[hbm4b:s6+s2] =	stream.indirect_vreg.scatter [tilespmem:s8], [sflag:$0x3], $0x80, v3, vm0, $0xb8;
	[tilespmem:$0x18800] =	vst v63  }
0xdd: {  	v3 =	vld [tilespmem:$0x110];
	_ =	sdelay $0x4  }
0xde: {  	v9 =	vshrl.u32 v3, $0x3  }
0xdf: {  	v4 =	vmul.u32 $0x30, v9  }
0xe0: {  	v3 =	vand.u32 $0x7, v3  }
0xe1: {  	v3 =	vor.u32 v3, v4  }
0xe2: {  	v4 =	vperm.xlane v3, v0;
	_ =	sdelay $0x1  }
0xe3: {  	v4 =	vadd.s32 v1, v4;
	_ =	sdelay $0x3  }
0xe4: {  	s14 =	simm.s32 $0x3800;
	v3 =	vperm.xlane v3, v2  }
0xe5: {  	[hbm4b:s4+s2] =	stream.indirect_vreg.scatter [tilespmem:s14], [sflag:$0x3], $0x80, v4, vm0, $0xb8;
	[tilespmem:$0x18800] =	vst v63  }
0xe6: {  	s8 =	simm.s32 $0x4000;
	v3 =	vadd.s32 v1, v3  }
0xe7: {  	[hbm4b:s5+s2] =	stream.indirect_vreg.scatter [tilespmem:s8], [sflag:$0x3], $0x80, v4, vm0, $0xb8;
	[tilespmem:$0x18800] =	vst v63  }
0xe8: {  	s14 =	simm.s32 $0x4800  }
0xe9: {  	[hbm4b:s6+s2] =	stream.indirect_vreg.scatter [tilespmem:s14], [sflag:$0x3], $0x80, v4, vm0, $0xb8;
	[tilespmem:$0x18800] =	vst v63  }
0xea: {  	s15 =	simm.s32 $0x5000  }
0xeb: {  	[hbm4b:s4+s2] =	stream.indirect_vreg.scatter [tilespmem:s15], [sflag:$0x3], $0x80, v3, vm0, $0xb8;
	[tilespmem:$0x18800] =	vst v63  }
0xec: {  	s19 =	simm.s32 $0x5800  }
0xed: {  	[hbm4b:s5+s2] =	stream.indirect_vreg.scatter [tilespmem:s19], [sflag:$0x3], $0x80, v3, vm0, $0xb8;
	[tilespmem:$0x18800] =	vst v63  }
0xee: {  	s20 =	simm.s32 $0x6000  }
0xef: {  	[hbm4b:s6+s2] =	stream.indirect_vreg.scatter [tilespmem:s20], [sflag:$0x3], $0x80, v3, vm0, $0xb8;
	[tilespmem:$0x18800] =	vst v63  }
0xf0: {  	v3 =	vld [tilespmem:$0x120];
	_ =	sdelay $0x4  }
0xf1: {  	v10 =	vshrl.u32 v3, $0x3  }
0xf2: {  	v4 =	vmul.u32 $0x30, v10  }
0xf3: {  	v3 =	vand.u32 $0x7, v3  }
0xf4: {  	v3 =	vor.u32 v3, v4  }
0xf5: {  	v4 =	vperm.xlane v3, v0;
	_ =	sdelay $0x1  }
0xf6: {  	v4 =	vadd.s32 v1, v4;
	_ =	sdelay $0x3  }
0xf7: {  	s21 =	simm.s32 $0x6800;
	v3 =	vperm.xlane v3, v2  }
0xf8: {  	[hbm4b:s4+s2] =	stream.indirect_vreg.scatter [tilespmem:s21], [sflag:$0x3], $0x80, v4, vm0, $0xb8;
	[tilespmem:$0x18800] =	vst v63  }
0xf9: {  	s20 =	simm.s32 $0x7000;
	v3 =	vadd.s32 v1, v3  }
0xfa: {  	[hbm4b:s5+s2] =	stream.indirect_vreg.scatter [tilespmem:s20], [sflag:$0x3], $0x80, v4, vm0, $0xb8;
	[tilespmem:$0x18800] =	vst v63  }
0xfb: {  	s21 =	simm.s32 $0x7800  }
0xfc: {  	[hbm4b:s6+s2] =	stream.indirect_vreg.scatter [tilespmem:s21], [sflag:$0x3], $0x80, v4, vm0, $0xb8;
	[tilespmem:$0x18800] =	vst v63  }
0xfd: {  	s22 =	simm.s32 $0x8000  }
0xfe: {  	[hbm4b:s4+s2] =	stream.indirect_vreg.scatter [tilespmem:s22], [sflag:$0x3], $0x80, v3, vm0, $0xb8;
	[tilespmem:$0x18800] =	vst v63  }
0xff: {  	s23 =	simm.s32 $0x8800  }
0x100: {  	[hbm4b:s5+s2] =	stream.indirect_vreg.scatter [tilespmem:s23], [sflag:$0x3], $0x80, v3, vm0, $0xb8;
	[tilespmem:$0x18800] =	vst v63  }
0x101: {  	s24 =	simm.s32 $0x9000  }
0x102: {  	[hbm4b:s6+s2] =	stream.indirect_vreg.scatter [tilespmem:s24], [sflag:$0x3], $0x80, v3, vm0, $0xb8;
	[tilespmem:$0x18800] =	vst v63  }
0x103: {  	v3 =	vld [tilespmem:$0x130];
	_ =	sdelay $0x4  }
0x104: {  	v11 =	vshrl.u32 v3, $0x3  }
0x105: {  	v4 =	vmul.u32 $0x30, v11  }
0x106: {  	v3 =	vand.u32 $0x7, v3  }
0x107: {  	v3 =	vor.u32 v3, v4  }
0x108: {  	v4 =	vperm.xlane v3, v0;
	_ =	sdelay $0x1  }
0x109: {  	v4 =	vadd.s32 v1, v4;
	_ =	sdelay $0x3  }
0x10a: {  	s25 =	simm.s32 $0x9800;
	v3 =	vperm.xlane v3, v2  }
0x10b: {  	[hbm4b:s4+s2] =	stream.indirect_vreg.scatter [tilespmem:s25], [sflag:$0x3], $0x80, v4, vm0, $0xb8;
	[tilespmem:$0x18800] =	vst v63  }
0x10c: {  	s24 =	simm.s32 $0xA000;
	v3 =	vadd.s32 v1, v3  }
0x10d: {  	[hbm4b:s5+s2] =	stream.indirect_vreg.scatter [tilespmem:s24], [sflag:$0x3], $0x80, v4, vm0, $0xb8;
	[tilespmem:$0x18800] =	vst v63  }
0x10e: {  	s25 =	simm.s32 $0xA800  }
0x10f: {  	[hbm4b:s6+s2] =	stream.indirect_vreg.scatter [tilespmem:s25], [sflag:$0x3], $0x80, v4, vm0, $0xb8;
	[tilespmem:$0x18800] =	vst v63  }
0x110: {  	s26 =	simm.s32 $0xB000  }
0x111: {  	[hbm4b:s4+s2] =	stream.indirect_vreg.scatter [tilespmem:s26], [sflag:$0x3], $0x80, v3, vm0, $0xb8;
	[tilespmem:$0x18800] =	vst v63  }
0x112: {  	s28 =	simm.s32 $0xB800  }
0x113: {  	[hbm4b:s5+s2] =	stream.indirect_vreg.scatter [tilespmem:s28], [sflag:$0x3], $0x80, v3, vm0, $0xb8;
	[tilespmem:$0x18800] =	vst v63  }
0x114: {  	s18 =	simm.s32 $0xC000  }
0x115: {  	[hbm4b:s6+s2] =	stream.indirect_vreg.scatter [tilespmem:s18], [sflag:$0x3], $0x80, v3, vm0, $0xb8;
	[tilespmem:$0x18800] =	vst v63  }
0x116: {  	_ =	swait.ge [sflag:s12], $0xC000  }
0x117: {  	[sflag:s12] =	ssyncset.done $0x0  }
0x118: {  	s3 =	rddreg [dreg:$0x7];
	[sflag:s12] =	ssyncadd.s32 $0xFFFF4000  }
0x119: {  	[tilespmem:s9], [sflag:$0x1] =	stream.linear.gather [hbm4b:s3+s2], $0xC000, $0x38;
	[tilespmem:$0x18800] =	vst v63  }
0x11a: {  	_ =	swait.ge [sflag:s13], $0xC000  }
0x11b: {  	[sflag:s13] =	ssyncset.done $0x0  }
0x11c: {  	[sflag:s13] =	ssyncadd.s32 $0xFFFF4000  }
0x11d: {  	v3 =	vld [tilespmem:$0x180];
	_ =	sdelay $0x4  }
0x11e: {  	v12 =	vshrl.u32 v3, $0x3  }
0x11f: {  	v4 =	vmul.u32 $0x30, v12  }
0x120: {  	v3 =	vand.u32 $0x7, v3  }
0x121: {  	v3 =	vor.u32 v3, v4  }
0x122: {  	v4 =	vperm.xlane v3, v0;
	_ =	sdelay $0x1  }
0x123: {  	v4 =	vadd.s32 v1, v4;
	_ =	sdelay $0x3  }
0x124: {  	s29 =	simm.s32 $0xC800;
	v3 =	vperm.xlane v3, v2  }
0x125: {  	[hbm4b:s4+s2] =	stream.indirect_vreg.scatter [tilespmem:s29], [sflag:$0x4], $0x80, v4, vm0, $0xb8;
	[tilespmem:$0x18800] =	vst v63  }
0x126: {  	s18 =	simm.s32 $0xD000;
	v3 =	vadd.s32 v1, v3  }
0x127: {  	[hbm4b:s5+s2] =	stream.indirect_vreg.scatter [tilespmem:s18], [sflag:$0x4], $0x80, v4, vm0, $0xb8;
	[tilespmem:$0x18800] =	vst v63  }
0x128: {  	s29 =	simm.s32 $0xD800  }
0x129: {  	[hbm4b:s6+s2] =	stream.indirect_vreg.scatter [tilespmem:s29], [sflag:$0x4], $0x80, v4, vm0, $0xb8;
	[tilespmem:$0x18800] =	vst v63  }
0x12a: {  	s30 =	simm.s32 $0xE000  }
0x12b: {  	[hbm4b:s4+s2] =	stream.indirect_vreg.scatter [tilespmem:s30], [sflag:$0x4], $0x80, v3, vm0, $0xb8;
	[tilespmem:$0x18800] =	vst v63  }
0x12c: {  	s31 =	simm.s32 $0xE800  }
0x12d: {  	[hbm4b:s5+s2] =	stream.indirect_vreg.scatter [tilespmem:s31], [sflag:$0x4], $0x80, v3, vm0, $0xb8;
	[tilespmem:$0x18800] =	vst v63  }
0x12e: {  	s10 =	simm.s32 $0xF000  }
0x12f: {  	[hbm4b:s6+s2] =	stream.indirect_vreg.scatter [tilespmem:s10], [sflag:$0x4], $0x80, v3, vm0, $0xb8;
	[tilespmem:$0x18800] =	vst v63  }
0x130: {  	v3 =	vld [tilespmem:$0x190];
	_ =	sdelay $0x4  }
0x131: {  	v13 =	vshrl.u32 v3, $0x3  }
0x132: {  	v4 =	vmul.u32 $0x30, v13  }
0x133: {  	v3 =	vand.u32 $0x7, v3  }
0x134: {  	v3 =	vor.u32 v3, v4  }
0x135: {  	v4 =	vperm.xlane v3, v0;
	_ =	sdelay $0x1  }
0x136: {  	v4 =	vadd.s32 v1, v4;
	_ =	sdelay $0x3  }
0x137: {  	s10 =	simm.s32 $0xF800;
	v3 =	vperm.xlane v3, v2  }
0x138: {  	[hbm4b:s4+s2] =	stream.indirect_vreg.scatter [tilespmem:s10], [sflag:$0x4], $0x80, v4, vm0, $0xb8;
	[tilespmem:$0x18800] =	vst v63  }
0x139: {  	s9 =	simm.s32 $0x10000;
	v3 =	vadd.s32 v1, v3  }
0x13a: {  	[hbm4b:s5+s2] =	stream.indirect_vreg.scatter [tilespmem:s9], [sflag:$0x4], $0x80, v4, vm0, $0xb8;
	[tilespmem:$0x18800] =	vst v63  }
0x13b: {  	s10 =	simm.s32 $0x10800  }
0x13c: {  	[hbm4b:s6+s2] =	stream.indirect_vreg.scatter [tilespmem:s10], [sflag:$0x4], $0x80, v4, vm0, $0xb8;
	[tilespmem:$0x18800] =	vst v63  }
0x13d: {  	s17 =	simm.s32 $0x11000  }
0x13e: {  	[hbm4b:s4+s2] =	stream.indirect_vreg.scatter [tilespmem:s17], [sflag:$0x4], $0x80, v3, vm0, $0xb8;
	[tilespmem:$0x18800] =	vst v63  }
0x13f: {  	s17 =	simm.s32 $0x11800  }
0x140: {  	[hbm4b:s5+s2] =	stream.indirect_vreg.scatter [tilespmem:s17], [sflag:$0x4], $0x80, v3, vm0, $0xb8;
	[tilespmem:$0x18800] =	vst v63  }
0x141: {  	s17 =	simm.s32 $0x12000  }
0x142: {  	[hbm4b:s6+s2] =	stream.indirect_vreg.scatter [tilespmem:s17], [sflag:$0x4], $0x80, v3, vm0, $0xb8;
	[tilespmem:$0x18800] =	vst v63  }
0x143: {  	v3 =	vld [tilespmem:$0x1A0];
	_ =	sdelay $0x4  }
0x144: {  	v14 =	vshrl.u32 v3, $0x3  }
0x145: {  	v4 =	vmul.u32 $0x30, v14  }
0x146: {  	v3 =	vand.u32 $0x7, v3  }
0x147: {  	v3 =	vor.u32 v3, v4  }
0x148: {  	v4 =	vperm.xlane v3, v0;
	_ =	sdelay $0x1  }
0x149: {  	v4 =	vadd.s32 v1, v4;
	_ =	sdelay $0x3  }
0x14a: {  	s17 =	simm.s32 $0x12800;
	v3 =	vperm.xlane v3, v2  }
0x14b: {  	[hbm4b:s4+s2] =	stream.indirect_vreg.scatter [tilespmem:s17], [sflag:$0x4], $0x80, v4, vm0, $0xb8;
	[tilespmem:$0x18800] =	vst v63  }
0x14c: {  	v3 =	vadd.s32 v1, v3;
	s17 =	simm.s32 $0x13000  }
0x14d: {  	[hbm4b:s5+s2] =	stream.indirect_vreg.scatter [tilespmem:s17], [sflag:$0x4], $0x80, v4, vm0, $0xb8;
	[tilespmem:$0x18800] =	vst v63  }
0x14e: {  	s17 =	simm.s32 $0x13800  }
0x14f: {  	[hbm4b:s6+s2] =	stream.indirect_vreg.scatter [tilespmem:s17], [sflag:$0x4], $0x80, v4, vm0, $0xb8;
	[tilespmem:$0x18800] =	vst v63  }
0x150: {  	s17 =	simm.s32 $0x14000  }
0x151: {  	[hbm4b:s4+s2] =	stream.indirect_vreg.scatter [tilespmem:s17], [sflag:$0x4], $0x80, v3, vm0, $0xb8;
	[tilespmem:$0x18800] =	vst v63  }
0x152: {  	s17 =	simm.s32 $0x14800  }
0x153: {  	[hbm4b:s5+s2] =	stream.indirect_vreg.scatter [tilespmem:s17], [sflag:$0x4], $0x80, v3, vm0, $0xb8;
	[tilespmem:$0x18800] =	vst v63  }
0x154: {  	s17 =	simm.s32 $0x15000  }
0x155: {  	[hbm4b:s6+s2] =	stream.indirect_vreg.scatter [tilespmem:s17], [sflag:$0x4], $0x80, v3, vm0, $0xb8;
	[tilespmem:$0x18800] =	vst v63  }
0x156: {  	v3 =	vld [tilespmem:$0x1B0];
	_ =	sdelay $0x4  }
0x157: {  	v15 =	vshrl.u32 v3, $0x3  }
0x158: {  	v4 =	vmul.u32 $0x30, v15  }
0x159: {  	v3 =	vand.u32 $0x7, v3  }
0x15a: {  	v3 =	vor.u32 v3, v4  }
0x15b: {  	v4 =	vperm.xlane v3, v0;
	_ =	sdelay $0x1  }
0x15c: {  	v4 =	vadd.s32 v1, v4;
	_ =	sdelay $0x3  }
0x15d: {  	s17 =	simm.s32 $0x15800;
	v3 =	vperm.xlane v3, v2  }
0x15e: {  	[hbm4b:s4+s2] =	stream.indirect_vreg.scatter [tilespmem:s17], [sflag:$0x4], $0x80, v4, vm0, $0xb8;
	[tilespmem:$0x18800] =	vst v63  }
0x15f: {  	v3 =	vadd.s32 v1, v3;
	s17 =	simm.s32 $0x16000  }
0x160: {  	[hbm4b:s5+s2] =	stream.indirect_vreg.scatter [tilespmem:s17], [sflag:$0x4], $0x80, v4, vm0, $0xb8;
	[tilespmem:$0x18800] =	vst v63  }
0x161: {  	s17 =	simm.s32 $0x16800  }
0x162: {  	[hbm4b:s6+s2] =	stream.indirect_vreg.scatter [tilespmem:s17], [sflag:$0x4], $0x80, v4, vm0, $0xb8;
	[tilespmem:$0x18800] =	vst v63  }
0x163: {  	s17 =	simm.s32 $0x17000  }
0x164: {  	[hbm4b:s4+s2] =	stream.indirect_vreg.scatter [tilespmem:s17], [sflag:$0x4], $0x80, v3, vm0, $0xb8;
	[tilespmem:$0x18800] =	vst v63  }
0x165: {  	s17 =	simm.s32 $0x17800  }
0x166: {  	[hbm4b:s5+s2] =	stream.indirect_vreg.scatter [tilespmem:s17], [sflag:$0x4], $0x80, v3, vm0, $0xb8;
	[tilespmem:$0x18800] =	vst v63  }
0x167: {  	s17 =	simm.s32 $0x18000  }
0x168: {  	[hbm4b:s6+s2] =	stream.indirect_vreg.scatter [tilespmem:s17], [sflag:$0x4], $0x80, v3, vm0, $0xb8;
	[tilespmem:$0x18800] =	vst v63  }
0x169: {  	_ =	swait.ge [sflag:s16], $0xC000  }
0x16a: {  	[sflag:s16] =	ssyncset.done $0x0  }
0x16b: {  	s0 =	simm.s32 $0xC800;
	s3 =	rddreg [dreg:$0x8];
	[sflag:s16] =	ssyncadd.s32 $0xFFFF4000  }
0x16c: {  	[tilespmem:s0], [sflag:$0x2] =	stream.linear.gather [hbm4b:s3+s2], $0xC000, $0x38;
	[tilespmem:$0x18800] =	vst v63  }
0x16d: {  	_ =	swait.ge [sflag:s11], $0xC000  }
0x16e: {  	[sflag:s11] =	ssyncset.done $0x0  }
0x16f: {  	[sflag:s11] =	ssyncadd.s32 $0xFFFF4000  }
0x170: {  	v3 =	vld [tilespmem:$0x200];
	_ =	sdelay $0x4  }
0x171: {  	v16 =	vshrl.u32 v3, $0x3  }
0x172: {  	v4 =	vmul.u32 $0x30, v16  }
0x173: {  	v3 =	vand.u32 $0x7, v3  }
0x174: {  	v3 =	vor.u32 v3, v4  }
0x175: {  	v4 =	vperm.xlane v3, v0;
	_ =	sdelay $0x1  }
0x176: {  	v4 =	vadd.s32 v1, v4;
	_ =	sdelay $0x3  }
0x177: {  	s1 =	simm.s32 $0x800;
	v3 =	vperm.xlane v3, v2  }
0x178: {  	[hbm4b:s4+s2] =	stream.indirect_vreg.scatter [tilespmem:s1], [sflag:$0x3], $0x80, v4, vm0, $0xb8;
	[tilespmem:$0x18800] =	vst v63  }
0x179: {  	s17 =	simm.s32 $0x1000;
	v3 =	vadd.s32 v1, v3  }
0x17a: {  	[hbm4b:s5+s2] =	stream.indirect_vreg.scatter [tilespmem:s17], [sflag:$0x3], $0x80, v4, vm0, $0xb8;
	[tilespmem:$0x18800] =	vst v63  }
0x17b: {  	s17 =	simm.s32 $0x1800  }
0x17c: {  	[hbm4b:s6+s2] =	stream.indirect_vreg.scatter [tilespmem:s17], [sflag:$0x3], $0x80, v4, vm0, $0xb8;
	[tilespmem:$0x18800] =	vst v63  }
0x17d: {  	s17 =	simm.s32 $0x2000  }
0x17e: {  	[hbm4b:s4+s2] =	stream.indirect_vreg.scatter [tilespmem:s17], [sflag:$0x3], $0x80, v3, vm0, $0xb8;
	[tilespmem:$0x18800] =	vst v63  }
0x17f: {  	_ = 	snop  }
0x180: {  	[hbm4b:s5+s2] =	stream.indirect_vreg.scatter [tilespmem:s7], [sflag:$0x3], $0x80, v3, vm0, $0xb8;
	[tilespmem:$0x18800] =	vst v63  }
0x181: {  	s1 =	simm.s32 $0x3000  }
0x182: {  	[hbm4b:s6+s2] =	stream.indirect_vreg.scatter [tilespmem:s1], [sflag:$0x3], $0x80, v3, vm0, $0xb8;
	[tilespmem:$0x18800] =	vst v63  }
0x183: {  	v3 =	vld [tilespmem:$0x210];
	_ =	sdelay $0x4  }
0x184: {  	v17 =	vshrl.u32 v3, $0x3  }
0x185: {  	v4 =	vmul.u32 $0x30, v17  }
0x186: {  	v3 =	vand.u32 $0x7, v3  }
0x187: {  	v3 =	vor.u32 v3, v4  }
0x188: {  	v4 =	vperm.xlane v3, v0;
	_ =	sdelay $0x1  }
0x189: {  	v4 =	vadd.s32 v1, v4;
	_ =	sdelay $0x3  }
0x18a: {  	s17 =	simm.s32 $0x3800;
	v3 =	vperm.xlane v3, v2  }
0x18b: {  	[hbm4b:s4+s2] =	stream.indirect_vreg.scatter [tilespmem:s17], [sflag:$0x3], $0x80, v4, vm0, $0xb8;
	[tilespmem:$0x18800] =	vst v63  }
0x18c: {  	v3 =	vadd.s32 v1, v3  }
0x18d: {  	[hbm4b:s5+s2] =	stream.indirect_vreg.scatter [tilespmem:s8], [sflag:$0x3], $0x80, v4, vm0, $0xb8;
	[tilespmem:$0x18800] =	vst v63  }
0x18e: {  	_ = 	snop  }
0x18f: {  	[hbm4b:s6+s2] =	stream.indirect_vreg.scatter [tilespmem:s14], [sflag:$0x3], $0x80, v4, vm0, $0xb8;
	[tilespmem:$0x18800] =	vst v63  }
0x190: {  	_ = 	snop  }
0x191: {  	[hbm4b:s4+s2] =	stream.indirect_vreg.scatter [tilespmem:s15], [sflag:$0x3], $0x80, v3, vm0, $0xb8;
	[tilespmem:$0x18800] =	vst v63  }
0x192: {  	_ = 	snop  }
0x193: {  	[hbm4b:s5+s2] =	stream.indirect_vreg.scatter [tilespmem:s19], [sflag:$0x3], $0x80, v3, vm0, $0xb8;
	[tilespmem:$0x18800] =	vst v63  }
0x194: {  	s7 =	simm.s32 $0x6000  }
0x195: {  	[hbm4b:s6+s2] =	stream.indirect_vreg.scatter [tilespmem:s7], [sflag:$0x3], $0x80, v3, vm0, $0xb8;
	[tilespmem:$0x18800] =	vst v63  }
0x196: {  	v3 =	vld [tilespmem:$0x220];
	_ =	sdelay $0x4  }
0x197: {  	v18 =	vshrl.u32 v3, $0x3  }
0x198: {  	v4 =	vmul.u32 $0x30, v18  }
0x199: {  	v3 =	vand.u32 $0x7, v3  }
0x19a: {  	v3 =	vor.u32 v3, v4  }
0x19b: {  	v4 =	vperm.xlane v3, v0;
	_ =	sdelay $0x1  }
0x19c: {  	v4 =	vadd.s32 v1, v4;
	_ =	sdelay $0x3  }
0x19d: {  	s19 =	simm.s32 $0x6800;
	v3 =	vperm.xlane v3, v2  }
0x19e: {  	[hbm4b:s4+s2] =	stream.indirect_vreg.scatter [tilespmem:s19], [sflag:$0x3], $0x80, v4, vm0, $0xb8;
	[tilespmem:$0x18800] =	vst v63  }
0x19f: {  	v3 =	vadd.s32 v1, v3  }
0x1a0: {  	[hbm4b:s5+s2] =	stream.indirect_vreg.scatter [tilespmem:s20], [sflag:$0x3], $0x80, v4, vm0, $0xb8;
	[tilespmem:$0x18800] =	vst v63  }
0x1a1: {  	_ = 	snop  }
0x1a2: {  	[hbm4b:s6+s2] =	stream.indirect_vreg.scatter [tilespmem:s21], [sflag:$0x3], $0x80, v4, vm0, $0xb8;
	[tilespmem:$0x18800] =	vst v63  }
0x1a3: {  	_ = 	snop  }
0x1a4: {  	[hbm4b:s4+s2] =	stream.indirect_vreg.scatter [tilespmem:s22], [sflag:$0x3], $0x80, v3, vm0, $0xb8;
	[tilespmem:$0x18800] =	vst v63  }
0x1a5: {  	_ = 	snop  }
0x1a6: {  	[hbm4b:s5+s2] =	stream.indirect_vreg.scatter [tilespmem:s23], [sflag:$0x3], $0x80, v3, vm0, $0xb8;
	[tilespmem:$0x18800] =	vst v63  }
0x1a7: {  	s8 =	simm.s32 $0x9000  }
0x1a8: {  	[hbm4b:s6+s2] =	stream.indirect_vreg.scatter [tilespmem:s8], [sflag:$0x3], $0x80, v3, vm0, $0xb8;
	[tilespmem:$0x18800] =	vst v63  }
0x1a9: {  	v3 =	vld [tilespmem:$0x230];
	_ =	sdelay $0x4  }
0x1aa: {  	v19 =	vshrl.u32 v3, $0x3  }
0x1ab: {  	v4 =	vmul.u32 $0x30, v19  }
0x1ac: {  	v3 =	vand.u32 $0x7, v3  }
0x1ad: {  	v3 =	vor.u32 v3, v4  }
0x1ae: {  	v4 =	vperm.xlane v3, v0;
	_ =	sdelay $0x1  }
0x1af: {  	v4 =	vadd.s32 v1, v4;
	_ =	sdelay $0x3  }
0x1b0: {  	s14 =	simm.s32 $0x9800;
	v3 =	vperm.xlane v3, v2  }
0x1b1: {  	[hbm4b:s4+s2] =	stream.indirect_vreg.scatter [tilespmem:s14], [sflag:$0x3], $0x80, v4, vm0, $0xb8;
	[tilespmem:$0x18800] =	vst v63  }
0x1b2: {  	v3 =	vadd.s32 v1, v3  }
0x1b3: {  	[hbm4b:s5+s2] =	stream.indirect_vreg.scatter [tilespmem:s24], [sflag:$0x3], $0x80, v4, vm0, $0xb8;
	[tilespmem:$0x18800] =	vst v63  }
0x1b4: {  	_ = 	snop  }
0x1b5: {  	[hbm4b:s6+s2] =	stream.indirect_vreg.scatter [tilespmem:s25], [sflag:$0x3], $0x80, v4, vm0, $0xb8;
	[tilespmem:$0x18800] =	vst v63  }
0x1b6: {  	_ = 	snop  }
0x1b7: {  	[hbm4b:s4+s2] =	stream.indirect_vreg.scatter [tilespmem:s26], [sflag:$0x3], $0x80, v3, vm0, $0xb8;
	[tilespmem:$0x18800] =	vst v63  }
0x1b8: {  	_ = 	snop  }
0x1b9: {  	[hbm4b:s5+s2] =	stream.indirect_vreg.scatter [tilespmem:s28], [sflag:$0x3], $0x80, v3, vm0, $0xb8;
	[tilespmem:$0x18800] =	vst v63  }
0x1ba: {  	s15 =	simm.s32 $0xC000  }
0x1bb: {  	[hbm4b:s6+s2] =	stream.indirect_vreg.scatter [tilespmem:s15], [sflag:$0x3], $0x80, v3, vm0, $0xb8;
	[tilespmem:$0x18800] =	vst v63  }
0x1bc: {  	_ =	swait.ge [sflag:s12], $0xC000  }
0x1bd: {  	[sflag:s12] =	ssyncset.done $0x0  }
0x1be: {  	s0 =	simm.s32 $0x800;
	s20 =	rddreg [dreg:$0x9];
	[sflag:s12] =	ssyncadd.s32 $0xFFFF4000  }
0x1bf: {  	[tilespmem:s0], [sflag:$0x1] =	stream.linear.gather [hbm4b:s20+s2], $0xC000, $0x38;
	[tilespmem:$0x18800] =	vst v63  }
0x1c0: {  	_ =	swait.ge [sflag:s13], $0xC000  }
0x1c1: {  	[sflag:s13] =	ssyncset.done $0x0  }
0x1c2: {  	[sflag:s13] =	ssyncadd.s32 $0xFFFF4000  }
0x1c3: {  	v3 =	vld [tilespmem:$0x280];
	_ =	sdelay $0x4  }
0x1c4: {  	v20 =	vshrl.u32 v3, $0x3  }
0x1c5: {  	v4 =	vmul.u32 $0x30, v20  }
0x1c6: {  	v3 =	vand.u32 $0x7, v3  }
0x1c7: {  	v3 =	vor.u32 v3, v4  }
0x1c8: {  	v4 =	vperm.xlane v3, v0;
	_ =	sdelay $0x1  }
0x1c9: {  	v4 =	vadd.s32 v1, v4;
	_ =	sdelay $0x3  }
0x1ca: {  	s3 =	simm.s32 $0xC800;
	v3 =	vperm.xlane v3, v2  }
0x1cb: {  	[hbm4b:s4+s2] =	stream.indirect_vreg.scatter [tilespmem:s3], [sflag:$0x4], $0x80, v4, vm0, $0xb8;
	[tilespmem:$0x18800] =	vst v63  }
0x1cc: {  	v3 =	vadd.s32 v1, v3  }
0x1cd: {  	[hbm4b:s5+s2] =	stream.indirect_vreg.scatter [tilespmem:s18], [sflag:$0x4], $0x80, v4, vm0, $0xb8;
	[tilespmem:$0x18800] =	vst v63  }
0x1ce: {  	_ = 	snop  }
0x1cf: {  	[hbm4b:s6+s2] =	stream.indirect_vreg.scatter [tilespmem:s29], [sflag:$0x4], $0x80, v4, vm0, $0xb8;
	[tilespmem:$0x18800] =	vst v63  }
0x1d0: {  	_ = 	snop  }
0x1d1: {  	[hbm4b:s4+s2] =	stream.indirect_vreg.scatter [tilespmem:s30], [sflag:$0x4], $0x80, v3, vm0, $0xb8;
	[tilespmem:$0x18800] =	vst v63  }
0x1d2: {  	_ = 	snop  }
0x1d3: {  	[hbm4b:s5+s2] =	stream.indirect_vreg.scatter [tilespmem:s31], [sflag:$0x4], $0x80, v3, vm0, $0xb8;
	[tilespmem:$0x18800] =	vst v63  }
0x1d4: {  	s31 =	simm.s32 $0xF000  }
0x1d5: {  	[hbm4b:s6+s2] =	stream.indirect_vreg.scatter [tilespmem:s31], [sflag:$0x4], $0x80, v3, vm0, $0xb8;
	[tilespmem:$0x18800] =	vst v63  }
0x1d6: {  	v3 =	vld [tilespmem:$0x290];
	_ =	sdelay $0x4  }
0x1d7: {  	v21 =	vshrl.u32 v3, $0x3  }
0x1d8: {  	v4 =	vmul.u32 $0x30, v21  }
0x1d9: {  	v3 =	vand.u32 $0x7, v3  }
0x1da: {  	v3 =	vor.u32 v3, v4  }
0x1db: {  	v4 =	vperm.xlane v3, v0;
	_ =	sdelay $0x1  }
0x1dc: {  	v4 =	vadd.s32 v1, v4;
	_ =	sdelay $0x3  }
0x1dd: {  	s31 =	simm.s32 $0xF800;
	v3 =	vperm.xlane v3, v2  }
0x1de: {  	[hbm4b:s4+s2] =	stream.indirect_vreg.scatter [tilespmem:s31], [sflag:$0x4], $0x80, v4, vm0, $0xb8;
	[tilespmem:$0x18800] =	vst v63  }
0x1df: {  	v3 =	vadd.s32 v1, v3  }
0x1e0: {  	[hbm4b:s5+s2] =	stream.indirect_vreg.scatter [tilespmem:s9], [sflag:$0x4], $0x80, v4, vm0, $0xb8;
	[tilespmem:$0x18800] =	vst v63  }
0x1e1: {  	_ = 	snop  }
0x1e2: {  	[hbm4b:s6+s2] =	stream.indirect_vreg.scatter [tilespmem:s10], [sflag:$0x4], $0x80, v4, vm0, $0xb8;
	[tilespmem:$0x18800] =	vst v63  }
0x1e3: {  	s31 =	simm.s32 $0x11000  }
0x1e4: {  	[hbm4b:s4+s2] =	stream.indirect_vreg.scatter [tilespmem:s31], [sflag:$0x4], $0x80, v3, vm0, $0xb8;
	[tilespmem:$0x18800] =	vst v63  }
0x1e5: {  	s17 =	simm.s32 $0x11800  }
0x1e6: {  	[hbm4b:s5+s2] =	stream.indirect_vreg.scatter [tilespmem:s17], [sflag:$0x4], $0x80, v3, vm0, $0xb8;
	[tilespmem:$0x18800] =	vst v63  }
0x1e7: {  	s17 =	simm.s32 $0x12000  }
0x1e8: {  	[hbm4b:s6+s2] =	stream.indirect_vreg.scatter [tilespmem:s17], [sflag:$0x4], $0x80, v3, vm0, $0xb8;
	[tilespmem:$0x18800] =	vst v63  }
0x1e9: {  	v3 =	vld [tilespmem:$0x2A0];
	_ =	sdelay $0x4  }
0x1ea: {  	v22 =	vshrl.u32 v3, $0x3  }
0x1eb: {  	v4 =	vmul.u32 $0x30, v22  }
0x1ec: {  	v3 =	vand.u32 $0x7, v3  }
0x1ed: {  	v3 =	vor.u32 v3, v4  }
0x1ee: {  	v4 =	vperm.xlane v3, v0;
	_ =	sdelay $0x1  }
0x1ef: {  	v4 =	vadd.s32 v1, v4;
	_ =	sdelay $0x3  }
0x1f0: {  	s17 =	simm.s32 $0x12800;
	v3 =	vperm.xlane v3, v2  }
0x1f1: {  	[hbm4b:s4+s2] =	stream.indirect_vreg.scatter [tilespmem:s17], [sflag:$0x4], $0x80, v4, vm0, $0xb8;
	[tilespmem:$0x18800] =	vst v63  }
0x1f2: {  	v3 =	vadd.s32 v1, v3;
	s17 =	simm.s32 $0x13000  }
0x1f3: {  	[hbm4b:s5+s2] =	stream.indirect_vreg.scatter [tilespmem:s17], [sflag:$0x4], $0x80, v4, vm0, $0xb8;
	[tilespmem:$0x18800] =	vst v63  }
0x1f4: {  	s17 =	simm.s32 $0x13800  }
0x1f5: {  	[hbm4b:s6+s2] =	stream.indirect_vreg.scatter [tilespmem:s17], [sflag:$0x4], $0x80, v4, vm0, $0xb8;
	[tilespmem:$0x18800] =	vst v63  }
0x1f6: {  	s17 =	simm.s32 $0x14000  }
0x1f7: {  	[hbm4b:s4+s2] =	stream.indirect_vreg.scatter [tilespmem:s17], [sflag:$0x4], $0x80, v3, vm0, $0xb8;
	[tilespmem:$0x18800] =	vst v63  }
0x1f8: {  	s17 =	simm.s32 $0x14800  }
0x1f9: {  	[hbm4b:s5+s2] =	stream.indirect_vreg.scatter [tilespmem:s17], [sflag:$0x4], $0x80, v3, vm0, $0xb8;
	[tilespmem:$0x18800] =	vst v63  }
0x1fa: {  	s17 =	simm.s32 $0x15000  }
0x1fb: {  	[hbm4b:s6+s2] =	stream.indirect_vreg.scatter [tilespmem:s17], [sflag:$0x4], $0x80, v3, vm0, $0xb8;
	[tilespmem:$0x18800] =	vst v63  }
0x1fc: {  	v3 =	vld [tilespmem:$0x2B0];
	_ =	sdelay $0x4  }
0x1fd: {  	v23 =	vshrl.u32 v3, $0x3  }
0x1fe: {  	v4 =	vmul.u32 $0x30, v23  }
0x1ff: {  	v3 =	vand.u32 $0x7, v3  }
0x200: {  	v3 =	vor.u32 v3, v4  }
0x201: {  	v4 =	vperm.xlane v3, v0;
	_ =	sdelay $0x1  }
0x202: {  	v4 =	vadd.s32 v1, v4;
	_ =	sdelay $0x3  }
0x203: {  	s17 =	simm.s32 $0x15800;
	v3 =	vperm.xlane v3, v2  }
0x204: {  	[hbm4b:s4+s2] =	stream.indirect_vreg.scatter [tilespmem:s17], [sflag:$0x4], $0x80, v4, vm0, $0xb8;
	[tilespmem:$0x18800] =	vst v63  }
0x205: {  	v3 =	vadd.s32 v1, v3;
	s17 =	simm.s32 $0x16000  }
0x206: {  	[hbm4b:s5+s2] =	stream.indirect_vreg.scatter [tilespmem:s17], [sflag:$0x4], $0x80, v4, vm0, $0xb8;
	[tilespmem:$0x18800] =	vst v63  }
0x207: {  	s17 =	simm.s32 $0x16800  }
0x208: {  	[hbm4b:s6+s2] =	stream.indirect_vreg.scatter [tilespmem:s17], [sflag:$0x4], $0x80, v4, vm0, $0xb8;
	[tilespmem:$0x18800] =	vst v63  }
0x209: {  	s17 =	simm.s32 $0x17000  }
0x20a: {  	[hbm4b:s4+s2] =	stream.indirect_vreg.scatter [tilespmem:s17], [sflag:$0x4], $0x80, v3, vm0, $0xb8;
	[tilespmem:$0x18800] =	vst v63  }
0x20b: {  	s17 =	simm.s32 $0x17800  }
0x20c: {  	[hbm4b:s5+s2] =	stream.indirect_vreg.scatter [tilespmem:s17], [sflag:$0x4], $0x80, v3, vm0, $0xb8;
	[tilespmem:$0x18800] =	vst v63  }
0x20d: {  	s17 =	simm.s32 $0x18000  }
0x20e: {  	[hbm4b:s6+s2] =	stream.indirect_vreg.scatter [tilespmem:s17], [sflag:$0x4], $0x80, v3, vm0, $0xb8;
	[tilespmem:$0x18800] =	vst v63  }
0x20f: {  	_ =	swait.ge [sflag:s16], $0xC000  }
0x210: {  	[sflag:s16] =	ssyncset.done $0x0  }
0x211: {  	s3 =	simm.s32 $0xC800;
	s17 =	rddreg [dreg:$0xa];
	[sflag:s16] =	ssyncadd.s32 $0xFFFF4000  }
0x212: {  	[tilespmem:s3], [sflag:$0x2] =	stream.linear.gather [hbm4b:s17+s2], $0xC000, $0x38;
	[tilespmem:$0x18800] =	vst v63  }
0x213: {  	_ =	swait.ge [sflag:s11], $0xC000  }
0x214: {  	[sflag:s11] =	ssyncset.done $0x0  }
0x215: {  	[sflag:s11] =	ssyncadd.s32 $0xFFFF4000  }
0x216: {  	v3 =	vld [tilespmem:$0x300];
	_ =	sdelay $0x4  }
0x217: {  	v24 =	vshrl.u32 v3, $0x3  }
0x218: {  	v4 =	vmul.u32 $0x30, v24  }
0x219: {  	v3 =	vand.u32 $0x7, v3  }
0x21a: {  	v3 =	vor.u32 v3, v4  }
0x21b: {  	v4 =	vperm.xlane v3, v0;
	_ =	sdelay $0x1  }
0x21c: {  	v4 =	vadd.s32 v1, v4;
	_ =	sdelay $0x3  }
0x21d: {  	s20 =	simm.s32 $0x800;
	v3 =	vperm.xlane v3, v2  }
0x21e: {  	[hbm4b:s4+s2] =	stream.indirect_vreg.scatter [tilespmem:s20], [sflag:$0x3], $0x80, v4, vm0, $0xb8;
	[tilespmem:$0x18800] =	vst v63  }
0x21f: {  	s17 =	simm.s32 $0x1000;
	v3 =	vadd.s32 v1, v3  }
0x220: {  	[hbm4b:s5+s2] =	stream.indirect_vreg.scatter [tilespmem:s17], [sflag:$0x3], $0x80, v4, vm0, $0xb8;
	[tilespmem:$0x18800] =	vst v63  }
0x221: {  	s17 =	simm.s32 $0x1800  }
0x222: {  	[hbm4b:s6+s2] =	stream.indirect_vreg.scatter [tilespmem:s17], [sflag:$0x3], $0x80, v4, vm0, $0xb8;
	[tilespmem:$0x18800] =	vst v63  }
0x223: {  	s17 =	simm.s32 $0x2000  }
0x224: {  	[hbm4b:s4+s2] =	stream.indirect_vreg.scatter [tilespmem:s17], [sflag:$0x3], $0x80, v3, vm0, $0xb8;
	[tilespmem:$0x18800] =	vst v63  }
0x225: {  	s17 =	simm.s32 $0x2800  }
0x226: {  	[hbm4b:s5+s2] =	stream.indirect_vreg.scatter [tilespmem:s17], [sflag:$0x3], $0x80, v3, vm0, $0xb8;
	[tilespmem:$0x18800] =	vst v63  }
0x227: {  	_ = 	snop  }
0x228: {  	[hbm4b:s6+s2] =	stream.indirect_vreg.scatter [tilespmem:s1], [sflag:$0x3], $0x80, v3, vm0, $0xb8;
	[tilespmem:$0x18800] =	vst v63  }
0x229: {  	v3 =	vld [tilespmem:$0x310];
	_ =	sdelay $0x4  }
0x22a: {  	v25 =	vshrl.u32 v3, $0x3  }
0x22b: {  	v4 =	vmul.u32 $0x30, v25  }
0x22c: {  	v3 =	vand.u32 $0x7, v3  }
0x22d: {  	v3 =	vor.u32 v3, v4  }
0x22e: {  	v4 =	vperm.xlane v3, v0;
	_ =	sdelay $0x1  }
0x22f: {  	v4 =	vadd.s32 v1, v4;
	_ =	sdelay $0x3  }
0x230: {  	s17 =	simm.s32 $0x3800;
	v3 =	vperm.xlane v3, v2  }
0x231: {  	[hbm4b:s4+s2] =	stream.indirect_vreg.scatter [tilespmem:s17], [sflag:$0x3], $0x80, v4, vm0, $0xb8;
	[tilespmem:$0x18800] =	vst v63  }
0x232: {  	v3 =	vadd.s32 v1, v3;
	s17 =	simm.s32 $0x4000  }
0x233: {  	[hbm4b:s5+s2] =	stream.indirect_vreg.scatter [tilespmem:s17], [sflag:$0x3], $0x80, v4, vm0, $0xb8;
	[tilespmem:$0x18800] =	vst v63  }
0x234: {  	s17 =	simm.s32 $0x4800  }
0x235: {  	[hbm4b:s6+s2] =	stream.indirect_vreg.scatter [tilespmem:s17], [sflag:$0x3], $0x80, v4, vm0, $0xb8;
	[tilespmem:$0x18800] =	vst v63  }
0x236: {  	s17 =	simm.s32 $0x5000  }
0x237: {  	[hbm4b:s4+s2] =	stream.indirect_vreg.scatter [tilespmem:s17], [sflag:$0x3], $0x80, v3, vm0, $0xb8;
	[tilespmem:$0x18800] =	vst v63  }
0x238: {  	s17 =	simm.s32 $0x5800  }
0x239: {  	[hbm4b:s5+s2] =	stream.indirect_vreg.scatter [tilespmem:s17], [sflag:$0x3], $0x80, v3, vm0, $0xb8;
	[tilespmem:$0x18800] =	vst v63  }
0x23a: {  	_ = 	snop  }
0x23b: {  	[hbm4b:s6+s2] =	stream.indirect_vreg.scatter [tilespmem:s7], [sflag:$0x3], $0x80, v3, vm0, $0xb8;
	[tilespmem:$0x18800] =	vst v63  }
0x23c: {  	v3 =	vld [tilespmem:$0x320];
	_ =	sdelay $0x4  }
0x23d: {  	v26 =	vshrl.u32 v3, $0x3  }
0x23e: {  	v4 =	vmul.u32 $0x30, v26  }
0x23f: {  	v3 =	vand.u32 $0x7, v3  }
0x240: {  	v3 =	vor.u32 v3, v4  }
0x241: {  	v4 =	vperm.xlane v3, v0;
	_ =	sdelay $0x1  }
0x242: {  	v4 =	vadd.s32 v1, v4;
	_ =	sdelay $0x3  }
0x243: {  	v3 =	vperm.xlane v3, v2  }
0x244: {  	[hbm4b:s4+s2] =	stream.indirect_vreg.scatter [tilespmem:s19], [sflag:$0x3], $0x80, v4, vm0, $0xb8;
	[tilespmem:$0x18800] =	vst v63  }
0x245: {  	s17 =	simm.s32 $0x7000;
	v3 =	vadd.s32 v1, v3  }
0x246: {  	[hbm4b:s5+s2] =	stream.indirect_vreg.scatter [tilespmem:s17], [sflag:$0x3], $0x80, v4, vm0, $0xb8;
	[tilespmem:$0x18800] =	vst v63  }
0x247: {  	s21 =	simm.s32 $0x7800  }
0x248: {  	[hbm4b:s6+s2] =	stream.indirect_vreg.scatter [tilespmem:s21], [sflag:$0x3], $0x80, v4, vm0, $0xb8;
	[tilespmem:$0x18800] =	vst v63  }
0x249: {  	s22 =	simm.s32 $0x8000  }
0x24a: {  	[hbm4b:s4+s2] =	stream.indirect_vreg.scatter [tilespmem:s22], [sflag:$0x3], $0x80, v3, vm0, $0xb8;
	[tilespmem:$0x18800] =	vst v63  }
0x24b: {  	s23 =	simm.s32 $0x8800  }
0x24c: {  	[hbm4b:s5+s2] =	stream.indirect_vreg.scatter [tilespmem:s23], [sflag:$0x3], $0x80, v3, vm0, $0xb8;
	[tilespmem:$0x18800] =	vst v63  }
0x24d: {  	_ = 	snop  }
0x24e: {  	[hbm4b:s6+s2] =	stream.indirect_vreg.scatter [tilespmem:s8], [sflag:$0x3], $0x80, v3, vm0, $0xb8;
	[tilespmem:$0x18800] =	vst v63  }
0x24f: {  	v3 =	vld [tilespmem:$0x330];
	_ =	sdelay $0x4  }
0x250: {  	v27 =	vshrl.u32 v3, $0x3  }
0x251: {  	v4 =	vmul.u32 $0x30, v27  }
0x252: {  	v3 =	vand.u32 $0x7, v3  }
0x253: {  	v3 =	vor.u32 v3, v4  }
0x254: {  	v4 =	vperm.xlane v3, v0;
	_ =	sdelay $0x1  }
0x255: {  	v4 =	vadd.s32 v1, v4;
	_ =	sdelay $0x3  }
0x256: {  	v3 =	vperm.xlane v3, v2  }
0x257: {  	[hbm4b:s4+s2] =	stream.indirect_vreg.scatter [tilespmem:s14], [sflag:$0x3], $0x80, v4, vm0, $0xb8;
	[tilespmem:$0x18800] =	vst v63  }
0x258: {  	s24 =	simm.s32 $0xA000;
	v3 =	vadd.s32 v1, v3  }
0x259: {  	[hbm4b:s5+s2] =	stream.indirect_vreg.scatter [tilespmem:s24], [sflag:$0x3], $0x80, v4, vm0, $0xb8;
	[tilespmem:$0x18800] =	vst v63  }
0x25a: {  	s25 =	simm.s32 $0xA800  }
0x25b: {  	[hbm4b:s6+s2] =	stream.indirect_vreg.scatter [tilespmem:s25], [sflag:$0x3], $0x80, v4, vm0, $0xb8;
	[tilespmem:$0x18800] =	vst v63  }
0x25c: {  	s26 =	simm.s32 $0xB000  }
0x25d: {  	[hbm4b:s4+s2] =	stream.indirect_vreg.scatter [tilespmem:s26], [sflag:$0x3], $0x80, v3, vm0, $0xb8;
	[tilespmem:$0x18800] =	vst v63  }
0x25e: {  	s28 =	simm.s32 $0xB800  }
0x25f: {  	[hbm4b:s5+s2] =	stream.indirect_vreg.scatter [tilespmem:s28], [sflag:$0x3], $0x80, v3, vm0, $0xb8;
	[tilespmem:$0x18800] =	vst v63  }
0x260: {  	_ = 	snop  }
0x261: {  	[hbm4b:s6+s2] =	stream.indirect_vreg.scatter [tilespmem:s15], [sflag:$0x3], $0x80, v3, vm0, $0xb8;
	[tilespmem:$0x18800] =	vst v63  }
0x262: {  	_ =	swait.ge [sflag:s12], $0xC000  }
0x263: {  	[sflag:s12] =	ssyncset.done $0x0  }
0x264: {  	s17 =	rddreg [dreg:$0xb];
	[sflag:s12] =	ssyncadd.s32 $0xFFFF4000  }
0x265: {  	[tilespmem:s20], [sflag:$0x1] =	stream.linear.gather [hbm4b:s17+s2], $0xC000, $0x38;
	[tilespmem:$0x18800] =	vst v63  }
0x266: {  	_ =	swait.ge [sflag:s13], $0xC000  }
0x267: {  	[sflag:s13] =	ssyncset.done $0x0  }
0x268: {  	[sflag:s13] =	ssyncadd.s32 $0xFFFF4000  }
0x269: {  	v3 =	vld [tilespmem:$0x380];
	_ =	sdelay $0x4  }
0x26a: {  	v28 =	vshrl.u32 v3, $0x3  }
0x26b: {  	v4 =	vmul.u32 $0x30, v28  }
0x26c: {  	v3 =	vand.u32 $0x7, v3  }
0x26d: {  	v3 =	vor.u32 v3, v4  }
0x26e: {  	v4 =	vperm.xlane v3, v0;
	_ =	sdelay $0x1  }
0x26f: {  	v4 =	vadd.s32 v1, v4;
	_ =	sdelay $0x3  }
0x270: {  	v3 =	vperm.xlane v3, v2  }
0x271: {  	[hbm4b:s4+s2] =	stream.indirect_vreg.scatter [tilespmem:s3], [sflag:$0x4], $0x80, v4, vm0, $0xb8;
	[tilespmem:$0x18800] =	vst v63  }
0x272: {  	s0 =	simm.s32 $0xD000;
	v3 =	vadd.s32 v1, v3  }
0x273: {  	[hbm4b:s5+s2] =	stream.indirect_vreg.scatter [tilespmem:s0], [sflag:$0x4], $0x80, v4, vm0, $0xb8;
	[tilespmem:$0x18800] =	vst v63  }
0x274: {  	s18 =	simm.s32 $0xD800  }
0x275: {  	[hbm4b:s6+s2] =	stream.indirect_vreg.scatter [tilespmem:s18], [sflag:$0x4], $0x80, v4, vm0, $0xb8;
	[tilespmem:$0x18800] =	vst v63  }
0x276: {  	s29 =	simm.s32 $0xE000  }
0x277: {  	[hbm4b:s4+s2] =	stream.indirect_vreg.scatter [tilespmem:s29], [sflag:$0x4], $0x80, v3, vm0, $0xb8;
	[tilespmem:$0x18800] =	vst v63  }
0x278: {  	s30 =	simm.s32 $0xE800  }
0x279: {  	[hbm4b:s5+s2] =	stream.indirect_vreg.scatter [tilespmem:s30], [sflag:$0x4], $0x80, v3, vm0, $0xb8;
	[tilespmem:$0x18800] =	vst v63  }
0x27a: {  	s17 =	simm.s32 $0xF000  }
0x27b: {  	[hbm4b:s6+s2] =	stream.indirect_vreg.scatter [tilespmem:s17], [sflag:$0x4], $0x80, v3, vm0, $0xb8;
	[tilespmem:$0x18800] =	vst v63  }
0x27c: {  	v3 =	vld [tilespmem:$0x390];
	_ =	sdelay $0x4  }
0x27d: {  	v29 =	vshrl.u32 v3, $0x3  }
0x27e: {  	v4 =	vmul.u32 $0x30, v29  }
0x27f: {  	v3 =	vand.u32 $0x7, v3  }
0x280: {  	v3 =	vor.u32 v3, v4  }
0x281: {  	v4 =	vperm.xlane v3, v0;
	_ =	sdelay $0x1  }
0x282: {  	v4 =	vadd.s32 v1, v4;
	_ =	sdelay $0x3  }
0x283: {  	s17 =	simm.s32 $0xF800;
	v3 =	vperm.xlane v3, v2  }
0x284: {  	[hbm4b:s4+s2] =	stream.indirect_vreg.scatter [tilespmem:s17], [sflag:$0x4], $0x80, v4, vm0, $0xb8;
	[tilespmem:$0x18800] =	vst v63  }
0x285: {  	s9 =	simm.s32 $0x10000;
	v3 =	vadd.s32 v1, v3  }
0x286: {  	[hbm4b:s5+s2] =	stream.indirect_vreg.scatter [tilespmem:s9], [sflag:$0x4], $0x80, v4, vm0, $0xb8;
	[tilespmem:$0x18800] =	vst v63  }
0x287: {  	s10 =	simm.s32 $0x10800  }
0x288: {  	[hbm4b:s6+s2] =	stream.indirect_vreg.scatter [tilespmem:s10], [sflag:$0x4], $0x80, v4, vm0, $0xb8;
	[tilespmem:$0x18800] =	vst v63  }
0x289: {  	s31 =	simm.s32 $0x11000  }
0x28a: {  	[hbm4b:s4+s2] =	stream.indirect_vreg.scatter [tilespmem:s31], [sflag:$0x4], $0x80, v3, vm0, $0xb8;
	[tilespmem:$0x18800] =	vst v63  }
0x28b: {  	s17 =	simm.s32 $0x11800  }
0x28c: {  	[hbm4b:s5+s2] =	stream.indirect_vreg.scatter [tilespmem:s17], [sflag:$0x4], $0x80, v3, vm0, $0xb8;
	[tilespmem:$0x18800] =	vst v63  }
0x28d: {  	s17 =	simm.s32 $0x12000  }
0x28e: {  	[hbm4b:s6+s2] =	stream.indirect_vreg.scatter [tilespmem:s17], [sflag:$0x4], $0x80, v3, vm0, $0xb8;
	[tilespmem:$0x18800] =	vst v63  }
0x28f: {  	v3 =	vld [tilespmem:$0x3A0];
	_ =	sdelay $0x4  }
0x290: {  	v30 =	vshrl.u32 v3, $0x3  }
0x291: {  	v4 =	vmul.u32 $0x30, v30  }
0x292: {  	v3 =	vand.u32 $0x7, v3  }
0x293: {  	v3 =	vor.u32 v3, v4  }
0x294: {  	v4 =	vperm.xlane v3, v0;
	_ =	sdelay $0x1  }
0x295: {  	v4 =	vadd.s32 v1, v4;
	_ =	sdelay $0x3  }
0x296: {  	s17 =	simm.s32 $0x12800;
	v3 =	vperm.xlane v3, v2  }
0x297: {  	[hbm4b:s4+s2] =	stream.indirect_vreg.scatter [tilespmem:s17], [sflag:$0x4], $0x80, v4, vm0, $0xb8;
	[tilespmem:$0x18800] =	vst v63  }
0x298: {  	v3 =	vadd.s32 v1, v3;
	s17 =	simm.s32 $0x13000  }
0x299: {  	[hbm4b:s5+s2] =	stream.indirect_vreg.scatter [tilespmem:s17], [sflag:$0x4], $0x80, v4, vm0, $0xb8;
	[tilespmem:$0x18800] =	vst v63  }
0x29a: {  	s17 =	simm.s32 $0x13800  }
0x29b: {  	[hbm4b:s6+s2] =	stream.indirect_vreg.scatter [tilespmem:s17], [sflag:$0x4], $0x80, v4, vm0, $0xb8;
	[tilespmem:$0x18800] =	vst v63  }
0x29c: {  	s17 =	simm.s32 $0x14000  }
0x29d: {  	[hbm4b:s4+s2] =	stream.indirect_vreg.scatter [tilespmem:s17], [sflag:$0x4], $0x80, v3, vm0, $0xb8;
	[tilespmem:$0x18800] =	vst v63  }
0x29e: {  	s17 =	simm.s32 $0x14800  }
0x29f: {  	[hbm4b:s5+s2] =	stream.indirect_vreg.scatter [tilespmem:s17], [sflag:$0x4], $0x80, v3, vm0, $0xb8;
	[tilespmem:$0x18800] =	vst v63  }
0x2a0: {  	s17 =	simm.s32 $0x15000  }
0x2a1: {  	[hbm4b:s6+s2] =	stream.indirect_vreg.scatter [tilespmem:s17], [sflag:$0x4], $0x80, v3, vm0, $0xb8;
	[tilespmem:$0x18800] =	vst v63  }
0x2a2: {  	v3 =	vld [tilespmem:$0x3B0];
	_ =	sdelay $0x4  }
0x2a3: {  	v31 =	vshrl.u32 v3, $0x3  }
0x2a4: {  	v4 =	vmul.u32 $0x30, v31  }
0x2a5: {  	v3 =	vand.u32 $0x7, v3  }
0x2a6: {  	v3 =	vor.u32 v3, v4  }
0x2a7: {  	v4 =	vperm.xlane v3, v0;
	_ =	sdelay $0x1  }
0x2a8: {  	v4 =	vadd.s32 v1, v4;
	_ =	sdelay $0x3  }
0x2a9: {  	s17 =	simm.s32 $0x15800;
	v3 =	vperm.xlane v3, v2  }
0x2aa: {  	[hbm4b:s4+s2] =	stream.indirect_vreg.scatter [tilespmem:s17], [sflag:$0x4], $0x80, v4, vm0, $0xb8;
	[tilespmem:$0x18800] =	vst v63  }
0x2ab: {  	v3 =	vadd.s32 v1, v3;
	s17 =	simm.s32 $0x16000  }
0x2ac: {  	[hbm4b:s5+s2] =	stream.indirect_vreg.scatter [tilespmem:s17], [sflag:$0x4], $0x80, v4, vm0, $0xb8;
	[tilespmem:$0x18800] =	vst v63  }
0x2ad: {  	s17 =	simm.s32 $0x16800  }
0x2ae: {  	[hbm4b:s6+s2] =	stream.indirect_vreg.scatter [tilespmem:s17], [sflag:$0x4], $0x80, v4, vm0, $0xb8;
	[tilespmem:$0x18800] =	vst v63  }
0x2af: {  	s17 =	simm.s32 $0x17000  }
0x2b0: {  	[hbm4b:s4+s2] =	stream.indirect_vreg.scatter [tilespmem:s17], [sflag:$0x4], $0x80, v3, vm0, $0xb8;
	[tilespmem:$0x18800] =	vst v63  }
0x2b1: {  	s17 =	simm.s32 $0x17800  }
0x2b2: {  	[hbm4b:s5+s2] =	stream.indirect_vreg.scatter [tilespmem:s17], [sflag:$0x4], $0x80, v3, vm0, $0xb8;
	[tilespmem:$0x18800] =	vst v63  }
0x2b3: {  	s17 =	simm.s32 $0x18000  }
0x2b4: {  	[hbm4b:s6+s2] =	stream.indirect_vreg.scatter [tilespmem:s17], [sflag:$0x4], $0x80, v3, vm0, $0xb8;
	[tilespmem:$0x18800] =	vst v63  }
0x2b5: {  	_ =	swait.ge [sflag:s16], $0xC000  }
0x2b6: {  	[sflag:s16] =	ssyncset.done $0x0  }
0x2b7: {  	s17 =	rddreg [dreg:$0xc];
	[sflag:s16] =	ssyncadd.s32 $0xFFFF4000  }
0x2b8: {  	[tilespmem:s3], [sflag:$0x2] =	stream.linear.gather [hbm4b:s17+s2], $0xC000, $0x38;
	[tilespmem:$0x18800] =	vst v63  }
0x2b9: {  	_ =	swait.ge [sflag:s11], $0xC000  }
0x2ba: {  	[sflag:s11] =	ssyncset.done $0x0  }
0x2bb: {  	[sflag:s11] =	ssyncadd.s32 $0xFFFF4000  }
0x2bc: {  	v3 =	vld [tilespmem:$0x400];
	_ =	sdelay $0x4  }
0x2bd: {  	v32 =	vshrl.u32 v3, $0x3  }
0x2be: {  	v4 =	vmul.u32 $0x30, v32  }
0x2bf: {  	v3 =	vand.u32 $0x7, v3  }
0x2c0: {  	v3 =	vor.u32 v3, v4  }
0x2c1: {  	v4 =	vperm.xlane v3, v0;
	_ =	sdelay $0x1  }
0x2c2: {  	v4 =	vadd.s32 v1, v4;
	_ =	sdelay $0x3  }
0x2c3: {  	v3 =	vperm.xlane v3, v2  }
0x2c4: {  	[hbm4b:s4+s2] =	stream.indirect_vreg.scatter [tilespmem:s20], [sflag:$0x3], $0x80, v4, vm0, $0xb8;
	[tilespmem:$0x18800] =	vst v63  }
0x2c5: {  	s17 =	simm.s32 $0x1000;
	v3 =	vadd.s32 v1, v3  }
0x2c6: {  	[hbm4b:s5+s2] =	stream.indirect_vreg.scatter [tilespmem:s17], [sflag:$0x3], $0x80, v4, vm0, $0xb8;
	[tilespmem:$0x18800] =	vst v63  }
0x2c7: {  	s17 =	simm.s32 $0x1800  }
0x2c8: {  	[hbm4b:s6+s2] =	stream.indirect_vreg.scatter [tilespmem:s17], [sflag:$0x3], $0x80, v4, vm0, $0xb8;
	[tilespmem:$0x18800] =	vst v63  }
0x2c9: {  	s17 =	simm.s32 $0x2000  }
0x2ca: {  	[hbm4b:s4+s2] =	stream.indirect_vreg.scatter [tilespmem:s17], [sflag:$0x3], $0x80, v3, vm0, $0xb8;
	[tilespmem:$0x18800] =	vst v63  }
0x2cb: {  	s17 =	simm.s32 $0x2800  }
0x2cc: {  	[hbm4b:s5+s2] =	stream.indirect_vreg.scatter [tilespmem:s17], [sflag:$0x3], $0x80, v3, vm0, $0xb8;
	[tilespmem:$0x18800] =	vst v63  }
0x2cd: {  	s1 =	simm.s32 $0x3000  }
0x2ce: {  	[hbm4b:s6+s2] =	stream.indirect_vreg.scatter [tilespmem:s1], [sflag:$0x3], $0x80, v3, vm0, $0xb8;
	[tilespmem:$0x18800] =	vst v63  }
0x2cf: {  	v3 =	vld [tilespmem:$0x410];
	_ =	sdelay $0x4  }
0x2d0: {  	v33 =	vshrl.u32 v3, $0x3  }
0x2d1: {  	v4 =	vmul.u32 $0x30, v33  }
0x2d2: {  	v3 =	vand.u32 $0x7, v3  }
0x2d3: {  	v3 =	vor.u32 v3, v4  }
0x2d4: {  	v4 =	vperm.xlane v3, v0;
	_ =	sdelay $0x1  }
0x2d5: {  	v4 =	vadd.s32 v1, v4;
	_ =	sdelay $0x3  }
0x2d6: {  	s17 =	simm.s32 $0x3800;
	v3 =	vperm.xlane v3, v2  }
0x2d7: {  	[hbm4b:s4+s2] =	stream.indirect_vreg.scatter [tilespmem:s17], [sflag:$0x3], $0x80, v4, vm0, $0xb8;
	[tilespmem:$0x18800] =	vst v63  }
0x2d8: {  	v3 =	vadd.s32 v1, v3;
	s17 =	simm.s32 $0x4000  }
0x2d9: {  	[hbm4b:s5+s2] =	stream.indirect_vreg.scatter [tilespmem:s17], [sflag:$0x3], $0x80, v4, vm0, $0xb8;
	[tilespmem:$0x18800] =	vst v63  }
0x2da: {  	s17 =	simm.s32 $0x4800  }
0x2db: {  	[hbm4b:s6+s2] =	stream.indirect_vreg.scatter [tilespmem:s17], [sflag:$0x3], $0x80, v4, vm0, $0xb8;
	[tilespmem:$0x18800] =	vst v63  }
0x2dc: {  	s17 =	simm.s32 $0x5000  }
0x2dd: {  	[hbm4b:s4+s2] =	stream.indirect_vreg.scatter [tilespmem:s17], [sflag:$0x3], $0x80, v3, vm0, $0xb8;
	[tilespmem:$0x18800] =	vst v63  }
0x2de: {  	s17 =	simm.s32 $0x5800  }
0x2df: {  	[hbm4b:s5+s2] =	stream.indirect_vreg.scatter [tilespmem:s17], [sflag:$0x3], $0x80, v3, vm0, $0xb8;
	[tilespmem:$0x18800] =	vst v63  }
0x2e0: {  	s7 =	simm.s32 $0x6000  }
0x2e1: {  	[hbm4b:s6+s2] =	stream.indirect_vreg.scatter [tilespmem:s7], [sflag:$0x3], $0x80, v3, vm0, $0xb8;
	[tilespmem:$0x18800] =	vst v63  }
0x2e2: {  	v3 =	vld [tilespmem:$0x420];
	_ =	sdelay $0x4  }
0x2e3: {  	v34 =	vshrl.u32 v3, $0x3  }
0x2e4: {  	v4 =	vmul.u32 $0x30, v34  }
0x2e5: {  	v3 =	vand.u32 $0x7, v3  }
0x2e6: {  	v3 =	vor.u32 v3, v4  }
0x2e7: {  	v4 =	vperm.xlane v3, v0;
	_ =	sdelay $0x1  }
0x2e8: {  	v4 =	vadd.s32 v1, v4;
	_ =	sdelay $0x3  }
0x2e9: {  	s19 =	simm.s32 $0x6800;
	v3 =	vperm.xlane v3, v2  }
0x2ea: {  	[hbm4b:s4+s2] =	stream.indirect_vreg.scatter [tilespmem:s19], [sflag:$0x3], $0x80, v4, vm0, $0xb8;
	[tilespmem:$0x18800] =	vst v63  }
0x2eb: {  	s17 =	simm.s32 $0x7000;
	v3 =	vadd.s32 v1, v3  }
0x2ec: {  	[hbm4b:s5+s2] =	stream.indirect_vreg.scatter [tilespmem:s17], [sflag:$0x3], $0x80, v4, vm0, $0xb8;
	[tilespmem:$0x18800] =	vst v63  }
0x2ed: {  	s21 =	simm.s32 $0x7800  }
0x2ee: {  	[hbm4b:s6+s2] =	stream.indirect_vreg.scatter [tilespmem:s21], [sflag:$0x3], $0x80, v4, vm0, $0xb8;
	[tilespmem:$0x18800] =	vst v63  }
0x2ef: {  	s22 =	simm.s32 $0x8000  }
0x2f0: {  	[hbm4b:s4+s2] =	stream.indirect_vreg.scatter [tilespmem:s22], [sflag:$0x3], $0x80, v3, vm0, $0xb8;
	[tilespmem:$0x18800] =	vst v63  }
0x2f1: {  	s23 =	simm.s32 $0x8800  }
0x2f2: {  	[hbm4b:s5+s2] =	stream.indirect_vreg.scatter [tilespmem:s23], [sflag:$0x3], $0x80, v3, vm0, $0xb8;
	[tilespmem:$0x18800] =	vst v63  }
0x2f3: {  	s8 =	simm.s32 $0x9000  }
0x2f4: {  	[hbm4b:s6+s2] =	stream.indirect_vreg.scatter [tilespmem:s8], [sflag:$0x3], $0x80, v3, vm0, $0xb8;
	[tilespmem:$0x18800] =	vst v63  }
0x2f5: {  	v3 =	vld [tilespmem:$0x430];
	_ =	sdelay $0x4  }
0x2f6: {  	v35 =	vshrl.u32 v3, $0x3  }
0x2f7: {  	v4 =	vmul.u32 $0x30, v35  }
0x2f8: {  	v3 =	vand.u32 $0x7, v3  }
0x2f9: {  	v3 =	vor.u32 v3, v4  }
0x2fa: {  	v4 =	vperm.xlane v3, v0;
	_ =	sdelay $0x1  }
0x2fb: {  	v4 =	vadd.s32 v1, v4;
	_ =	sdelay $0x3  }
0x2fc: {  	s14 =	simm.s32 $0x9800;
	v3 =	vperm.xlane v3, v2  }
0x2fd: {  	[hbm4b:s4+s2] =	stream.indirect_vreg.scatter [tilespmem:s14], [sflag:$0x3], $0x80, v4, vm0, $0xb8;
	[tilespmem:$0x18800] =	vst v63  }
0x2fe: {  	s24 =	simm.s32 $0xA000;
	v3 =	vadd.s32 v1, v3  }
0x2ff: {  	[hbm4b:s5+s2] =	stream.indirect_vreg.scatter [tilespmem:s24], [sflag:$0x3], $0x80, v4, vm0, $0xb8;
	[tilespmem:$0x18800] =	vst v63  }
0x300: {  	s25 =	simm.s32 $0xA800  }
0x301: {  	[hbm4b:s6+s2] =	stream.indirect_vreg.scatter [tilespmem:s25], [sflag:$0x3], $0x80, v4, vm0, $0xb8;
	[tilespmem:$0x18800] =	vst v63  }
0x302: {  	s26 =	simm.s32 $0xB000  }
0x303: {  	[hbm4b:s4+s2] =	stream.indirect_vreg.scatter [tilespmem:s26], [sflag:$0x3], $0x80, v3, vm0, $0xb8;
	[tilespmem:$0x18800] =	vst v63  }
0x304: {  	s28 =	simm.s32 $0xB800  }
0x305: {  	[hbm4b:s5+s2] =	stream.indirect_vreg.scatter [tilespmem:s28], [sflag:$0x3], $0x80, v3, vm0, $0xb8;
	[tilespmem:$0x18800] =	vst v63  }
0x306: {  	s15 =	simm.s32 $0xC000  }
0x307: {  	[hbm4b:s6+s2] =	stream.indirect_vreg.scatter [tilespmem:s15], [sflag:$0x3], $0x80, v3, vm0, $0xb8;
	[tilespmem:$0x18800] =	vst v63  }
0x308: {  	_ =	swait.ge [sflag:s12], $0xC000  }
0x309: {  	[sflag:s12] =	ssyncset.done $0x0  }
0x30a: {  	s17 =	rddreg [dreg:$0xd];
	[sflag:s12] =	ssyncadd.s32 $0xFFFF4000  }
0x30b: {  	[tilespmem:s20], [sflag:$0x1] =	stream.linear.gather [hbm4b:s17+s2], $0xC000, $0x38;
	[tilespmem:$0x18800] =	vst v63  }
0x30c: {  	_ =	swait.ge [sflag:s13], $0xC000  }
0x30d: {  	[sflag:s13] =	ssyncset.done $0x0  }
0x30e: {  	[sflag:s13] =	ssyncadd.s32 $0xFFFF4000  }
0x30f: {  	v3 =	vld [tilespmem:$0x480];
	_ =	sdelay $0x4  }
0x310: {  	v36 =	vshrl.u32 v3, $0x3  }
0x311: {  	v4 =	vmul.u32 $0x30, v36  }
0x312: {  	v3 =	vand.u32 $0x7, v3  }
0x313: {  	v3 =	vor.u32 v3, v4  }
0x314: {  	v4 =	vperm.xlane v3, v0;
	_ =	sdelay $0x1  }
0x315: {  	v4 =	vadd.s32 v1, v4;
	_ =	sdelay $0x3  }
0x316: {  	v3 =	vperm.xlane v3, v2  }
0x317: {  	[hbm4b:s4+s2] =	stream.indirect_vreg.scatter [tilespmem:s3], [sflag:$0x4], $0x80, v4, vm0, $0xb8;
	[tilespmem:$0x18800] =	vst v63  }
0x318: {  	s0 =	simm.s32 $0xD000;
	v3 =	vadd.s32 v1, v3  }
0x319: {  	[hbm4b:s5+s2] =	stream.indirect_vreg.scatter [tilespmem:s0], [sflag:$0x4], $0x80, v4, vm0, $0xb8;
	[tilespmem:$0x18800] =	vst v63  }
0x31a: {  	s18 =	simm.s32 $0xD800  }
0x31b: {  	[hbm4b:s6+s2] =	stream.indirect_vreg.scatter [tilespmem:s18], [sflag:$0x4], $0x80, v4, vm0, $0xb8;
	[tilespmem:$0x18800] =	vst v63  }
0x31c: {  	s29 =	simm.s32 $0xE000  }
0x31d: {  	[hbm4b:s4+s2] =	stream.indirect_vreg.scatter [tilespmem:s29], [sflag:$0x4], $0x80, v3, vm0, $0xb8;
	[tilespmem:$0x18800] =	vst v63  }
0x31e: {  	s30 =	simm.s32 $0xE800  }
0x31f: {  	[hbm4b:s5+s2] =	stream.indirect_vreg.scatter [tilespmem:s30], [sflag:$0x4], $0x80, v3, vm0, $0xb8;
	[tilespmem:$0x18800] =	vst v63  }
0x320: {  	s17 =	simm.s32 $0xF000  }
0x321: {  	[hbm4b:s6+s2] =	stream.indirect_vreg.scatter [tilespmem:s17], [sflag:$0x4], $0x80, v3, vm0, $0xb8;
	[tilespmem:$0x18800] =	vst v63  }
0x322: {  	v3 =	vld [tilespmem:$0x490];
	_ =	sdelay $0x4  }
0x323: {  	v37 =	vshrl.u32 v3, $0x3  }
0x324: {  	v4 =	vmul.u32 $0x30, v37  }
0x325: {  	v3 =	vand.u32 $0x7, v3  }
0x326: {  	v3 =	vor.u32 v3, v4  }
0x327: {  	v4 =	vperm.xlane v3, v0;
	_ =	sdelay $0x1  }
0x328: {  	v4 =	vadd.s32 v1, v4;
	_ =	sdelay $0x3  }
0x329: {  	s17 =	simm.s32 $0xF800;
	v3 =	vperm.xlane v3, v2  }
0x32a: {  	[hbm4b:s4+s2] =	stream.indirect_vreg.scatter [tilespmem:s17], [sflag:$0x4], $0x80, v4, vm0, $0xb8;
	[tilespmem:$0x18800] =	vst v63  }
0x32b: {  	s9 =	simm.s32 $0x10000;
	v3 =	vadd.s32 v1, v3  }
0x32c: {  	[hbm4b:s5+s2] =	stream.indirect_vreg.scatter [tilespmem:s9], [sflag:$0x4], $0x80, v4, vm0, $0xb8;
	[tilespmem:$0x18800] =	vst v63  }
0x32d: {  	s10 =	simm.s32 $0x10800  }
0x32e: {  	[hbm4b:s6+s2] =	stream.indirect_vreg.scatter [tilespmem:s10], [sflag:$0x4], $0x80, v4, vm0, $0xb8;
	[tilespmem:$0x18800] =	vst v63  }
0x32f: {  	s31 =	simm.s32 $0x11000  }
0x330: {  	[hbm4b:s4+s2] =	stream.indirect_vreg.scatter [tilespmem:s31], [sflag:$0x4], $0x80, v3, vm0, $0xb8;
	[tilespmem:$0x18800] =	vst v63  }
0x331: {  	s17 =	simm.s32 $0x11800  }
0x332: {  	[hbm4b:s5+s2] =	stream.indirect_vreg.scatter [tilespmem:s17], [sflag:$0x4], $0x80, v3, vm0, $0xb8;
	[tilespmem:$0x18800] =	vst v63  }
0x333: {  	s17 =	simm.s32 $0x12000  }
0x334: {  	[hbm4b:s6+s2] =	stream.indirect_vreg.scatter [tilespmem:s17], [sflag:$0x4], $0x80, v3, vm0, $0xb8;
	[tilespmem:$0x18800] =	vst v63  }
0x335: {  	v3 =	vld [tilespmem:$0x4A0];
	_ =	sdelay $0x4  }
0x336: {  	v38 =	vshrl.u32 v3, $0x3  }
0x337: {  	v4 =	vmul.u32 $0x30, v38  }
0x338: {  	v3 =	vand.u32 $0x7, v3  }
0x339: {  	v3 =	vor.u32 v3, v4  }
0x33a: {  	v4 =	vperm.xlane v3, v0;
	_ =	sdelay $0x1  }
0x33b: {  	v4 =	vadd.s32 v1, v4;
	_ =	sdelay $0x3  }
0x33c: {  	s17 =	simm.s32 $0x12800;
	v3 =	vperm.xlane v3, v2  }
0x33d: {  	[hbm4b:s4+s2] =	stream.indirect_vreg.scatter [tilespmem:s17], [sflag:$0x4], $0x80, v4, vm0, $0xb8;
	[tilespmem:$0x18800] =	vst v63  }
0x33e: {  	v3 =	vadd.s32 v1, v3;
	s17 =	simm.s32 $0x13000  }
0x33f: {  	[hbm4b:s5+s2] =	stream.indirect_vreg.scatter [tilespmem:s17], [sflag:$0x4], $0x80, v4, vm0, $0xb8;
	[tilespmem:$0x18800] =	vst v63  }
0x340: {  	s17 =	simm.s32 $0x13800  }
0x341: {  	[hbm4b:s6+s2] =	stream.indirect_vreg.scatter [tilespmem:s17], [sflag:$0x4], $0x80, v4, vm0, $0xb8;
	[tilespmem:$0x18800] =	vst v63  }
0x342: {  	s17 =	simm.s32 $0x14000  }
0x343: {  	[hbm4b:s4+s2] =	stream.indirect_vreg.scatter [tilespmem:s17], [sflag:$0x4], $0x80, v3, vm0, $0xb8;
	[tilespmem:$0x18800] =	vst v63  }
0x344: {  	s17 =	simm.s32 $0x14800  }
0x345: {  	[hbm4b:s5+s2] =	stream.indirect_vreg.scatter [tilespmem:s17], [sflag:$0x4], $0x80, v3, vm0, $0xb8;
	[tilespmem:$0x18800] =	vst v63  }
0x346: {  	s17 =	simm.s32 $0x15000  }
0x347: {  	[hbm4b:s6+s2] =	stream.indirect_vreg.scatter [tilespmem:s17], [sflag:$0x4], $0x80, v3, vm0, $0xb8;
	[tilespmem:$0x18800] =	vst v63  }
0x348: {  	v3 =	vld [tilespmem:$0x4B0];
	_ =	sdelay $0x4  }
0x349: {  	v39 =	vshrl.u32 v3, $0x3  }
0x34a: {  	v4 =	vmul.u32 $0x30, v39  }
0x34b: {  	v3 =	vand.u32 $0x7, v3  }
0x34c: {  	v3 =	vor.u32 v3, v4  }
0x34d: {  	v4 =	vperm.xlane v3, v0;
	_ =	sdelay $0x1  }
0x34e: {  	v4 =	vadd.s32 v1, v4;
	_ =	sdelay $0x3  }
0x34f: {  	s17 =	simm.s32 $0x15800;
	v3 =	vperm.xlane v3, v2  }
0x350: {  	[hbm4b:s4+s2] =	stream.indirect_vreg.scatter [tilespmem:s17], [sflag:$0x4], $0x80, v4, vm0, $0xb8;
	[tilespmem:$0x18800] =	vst v63  }
0x351: {  	v3 =	vadd.s32 v1, v3;
	s17 =	simm.s32 $0x16000  }
0x352: {  	[hbm4b:s5+s2] =	stream.indirect_vreg.scatter [tilespmem:s17], [sflag:$0x4], $0x80, v4, vm0, $0xb8;
	[tilespmem:$0x18800] =	vst v63  }
0x353: {  	s17 =	simm.s32 $0x16800  }
0x354: {  	[hbm4b:s6+s2] =	stream.indirect_vreg.scatter [tilespmem:s17], [sflag:$0x4], $0x80, v4, vm0, $0xb8;
	[tilespmem:$0x18800] =	vst v63  }
0x355: {  	s17 =	simm.s32 $0x17000  }
0x356: {  	[hbm4b:s4+s2] =	stream.indirect_vreg.scatter [tilespmem:s17], [sflag:$0x4], $0x80, v3, vm0, $0xb8;
	[tilespmem:$0x18800] =	vst v63  }
0x357: {  	s17 =	simm.s32 $0x17800  }
0x358: {  	[hbm4b:s5+s2] =	stream.indirect_vreg.scatter [tilespmem:s17], [sflag:$0x4], $0x80, v3, vm0, $0xb8;
	[tilespmem:$0x18800] =	vst v63  }
0x359: {  	s17 =	simm.s32 $0x18000  }
0x35a: {  	[hbm4b:s6+s2] =	stream.indirect_vreg.scatter [tilespmem:s17], [sflag:$0x4], $0x80, v3, vm0, $0xb8;
	[tilespmem:$0x18800] =	vst v63  }
0x35b: {  	_ =	swait.ge [sflag:s16], $0xC000  }
0x35c: {  	[sflag:s16] =	ssyncset.done $0x0  }
0x35d: {  	s17 =	rddreg [dreg:$0xe];
	[sflag:s16] =	ssyncadd.s32 $0xFFFF4000  }
0x35e: {  	[tilespmem:s3], [sflag:$0x2] =	stream.linear.gather [hbm4b:s17+s2], $0xC000, $0x38;
	[tilespmem:$0x18800] =	vst v63  }
0x35f: {  	_ =	swait.ge [sflag:s11], $0xC000  }
0x360: {  	[sflag:s11] =	ssyncset.done $0x0  }
0x361: {  	[sflag:s11] =	ssyncadd.s32 $0xFFFF4000  }
0x362: {  	v3 =	vld [tilespmem:$0x500];
	_ =	sdelay $0x4  }
0x363: {  	v40 =	vshrl.u32 v3, $0x3  }
0x364: {  	v4 =	vmul.u32 $0x30, v40  }
0x365: {  	v3 =	vand.u32 $0x7, v3  }
0x366: {  	v3 =	vor.u32 v3, v4  }
0x367: {  	v4 =	vperm.xlane v3, v0;
	_ =	sdelay $0x1  }
0x368: {  	v4 =	vadd.s32 v1, v4;
	_ =	sdelay $0x3  }
0x369: {  	v3 =	vperm.xlane v3, v2  }
0x36a: {  	[hbm4b:s4+s2] =	stream.indirect_vreg.scatter [tilespmem:s20], [sflag:$0x3], $0x80, v4, vm0, $0xb8;
	[tilespmem:$0x18800] =	vst v63  }
0x36b: {  	s17 =	simm.s32 $0x1000;
	v3 =	vadd.s32 v1, v3  }
0x36c: {  	[hbm4b:s5+s2] =	stream.indirect_vreg.scatter [tilespmem:s17], [sflag:$0x3], $0x80, v4, vm0, $0xb8;
	[tilespmem:$0x18800] =	vst v63  }
0x36d: {  	s17 =	simm.s32 $0x1800  }
0x36e: {  	[hbm4b:s6+s2] =	stream.indirect_vreg.scatter [tilespmem:s17], [sflag:$0x3], $0x80, v4, vm0, $0xb8;
	[tilespmem:$0x18800] =	vst v63  }
0x36f: {  	s17 =	simm.s32 $0x2000  }
0x370: {  	[hbm4b:s4+s2] =	stream.indirect_vreg.scatter [tilespmem:s17], [sflag:$0x3], $0x80, v3, vm0, $0xb8;
	[tilespmem:$0x18800] =	vst v63  }
0x371: {  	s17 =	simm.s32 $0x2800  }
0x372: {  	[hbm4b:s5+s2] =	stream.indirect_vreg.scatter [tilespmem:s17], [sflag:$0x3], $0x80, v3, vm0, $0xb8;
	[tilespmem:$0x18800] =	vst v63  }
0x373: {  	s1 =	simm.s32 $0x3000  }
0x374: {  	[hbm4b:s6+s2] =	stream.indirect_vreg.scatter [tilespmem:s1], [sflag:$0x3], $0x80, v3, vm0, $0xb8;
	[tilespmem:$0x18800] =	vst v63  }
0x375: {  	v3 =	vld [tilespmem:$0x510];
	_ =	sdelay $0x4  }
0x376: {  	v41 =	vshrl.u32 v3, $0x3  }
0x377: {  	v4 =	vmul.u32 $0x30, v41  }
0x378: {  	v3 =	vand.u32 $0x7, v3  }
0x379: {  	v3 =	vor.u32 v3, v4  }
0x37a: {  	v4 =	vperm.xlane v3, v0;
	_ =	sdelay $0x1  }
0x37b: {  	v4 =	vadd.s32 v1, v4;
	_ =	sdelay $0x3  }
0x37c: {  	s17 =	simm.s32 $0x3800;
	v3 =	vperm.xlane v3, v2  }
0x37d: {  	[hbm4b:s4+s2] =	stream.indirect_vreg.scatter [tilespmem:s17], [sflag:$0x3], $0x80, v4, vm0, $0xb8;
	[tilespmem:$0x18800] =	vst v63  }
0x37e: {  	v3 =	vadd.s32 v1, v3;
	s17 =	simm.s32 $0x4000  }
0x37f: {  	[hbm4b:s5+s2] =	stream.indirect_vreg.scatter [tilespmem:s17], [sflag:$0x3], $0x80, v4, vm0, $0xb8;
	[tilespmem:$0x18800] =	vst v63  }
0x380: {  	s17 =	simm.s32 $0x4800  }
0x381: {  	[hbm4b:s6+s2] =	stream.indirect_vreg.scatter [tilespmem:s17], [sflag:$0x3], $0x80, v4, vm0, $0xb8;
	[tilespmem:$0x18800] =	vst v63  }
0x382: {  	s17 =	simm.s32 $0x5000  }
0x383: {  	[hbm4b:s4+s2] =	stream.indirect_vreg.scatter [tilespmem:s17], [sflag:$0x3], $0x80, v3, vm0, $0xb8;
	[tilespmem:$0x18800] =	vst v63  }
0x384: {  	s17 =	simm.s32 $0x5800  }
0x385: {  	[hbm4b:s5+s2] =	stream.indirect_vreg.scatter [tilespmem:s17], [sflag:$0x3], $0x80, v3, vm0, $0xb8;
	[tilespmem:$0x18800] =	vst v63  }
0x386: {  	s7 =	simm.s32 $0x6000  }
0x387: {  	[hbm4b:s6+s2] =	stream.indirect_vreg.scatter [tilespmem:s7], [sflag:$0x3], $0x80, v3, vm0, $0xb8;
	[tilespmem:$0x18800] =	vst v63  }
0x388: {  	v3 =	vld [tilespmem:$0x520];
	_ =	sdelay $0x4  }
0x389: {  	v42 =	vshrl.u32 v3, $0x3  }
0x38a: {  	v4 =	vmul.u32 $0x30, v42  }
0x38b: {  	v3 =	vand.u32 $0x7, v3  }
0x38c: {  	v3 =	vor.u32 v3, v4  }
0x38d: {  	v4 =	vperm.xlane v3, v0;
	_ =	sdelay $0x1  }
0x38e: {  	v4 =	vadd.s32 v1, v4;
	_ =	sdelay $0x3  }
0x38f: {  	s19 =	simm.s32 $0x6800;
	v3 =	vperm.xlane v3, v2  }
0x390: {  	[hbm4b:s4+s2] =	stream.indirect_vreg.scatter [tilespmem:s19], [sflag:$0x3], $0x80, v4, vm0, $0xb8;
	[tilespmem:$0x18800] =	vst v63  }
0x391: {  	s17 =	simm.s32 $0x7000;
	v3 =	vadd.s32 v1, v3  }
0x392: {  	[hbm4b:s5+s2] =	stream.indirect_vreg.scatter [tilespmem:s17], [sflag:$0x3], $0x80, v4, vm0, $0xb8;
	[tilespmem:$0x18800] =	vst v63  }
0x393: {  	s21 =	simm.s32 $0x7800  }
0x394: {  	[hbm4b:s6+s2] =	stream.indirect_vreg.scatter [tilespmem:s21], [sflag:$0x3], $0x80, v4, vm0, $0xb8;
	[tilespmem:$0x18800] =	vst v63  }
0x395: {  	s22 =	simm.s32 $0x8000  }
0x396: {  	[hbm4b:s4+s2] =	stream.indirect_vreg.scatter [tilespmem:s22], [sflag:$0x3], $0x80, v3, vm0, $0xb8;
	[tilespmem:$0x18800] =	vst v63  }
0x397: {  	s23 =	simm.s32 $0x8800  }
0x398: {  	[hbm4b:s5+s2] =	stream.indirect_vreg.scatter [tilespmem:s23], [sflag:$0x3], $0x80, v3, vm0, $0xb8;
	[tilespmem:$0x18800] =	vst v63  }
0x399: {  	s8 =	simm.s32 $0x9000  }
0x39a: {  	[hbm4b:s6+s2] =	stream.indirect_vreg.scatter [tilespmem:s8], [sflag:$0x3], $0x80, v3, vm0, $0xb8;
	[tilespmem:$0x18800] =	vst v63  }
0x39b: {  	v3 =	vld [tilespmem:$0x530];
	_ =	sdelay $0x4  }
0x39c: {  	v43 =	vshrl.u32 v3, $0x3  }
0x39d: {  	v4 =	vmul.u32 $0x30, v43  }
0x39e: {  	v3 =	vand.u32 $0x7, v3  }
0x39f: {  	v3 =	vor.u32 v3, v4  }
0x3a0: {  	v4 =	vperm.xlane v3, v0;
	_ =	sdelay $0x1  }
0x3a1: {  	v4 =	vadd.s32 v1, v4;
	_ =	sdelay $0x3  }
0x3a2: {  	s14 =	simm.s32 $0x9800;
	v3 =	vperm.xlane v3, v2  }
0x3a3: {  	[hbm4b:s4+s2] =	stream.indirect_vreg.scatter [tilespmem:s14], [sflag:$0x3], $0x80, v4, vm0, $0xb8;
	[tilespmem:$0x18800] =	vst v63  }
0x3a4: {  	s24 =	simm.s32 $0xA000;
	v3 =	vadd.s32 v1, v3  }
0x3a5: {  	[hbm4b:s5+s2] =	stream.indirect_vreg.scatter [tilespmem:s24], [sflag:$0x3], $0x80, v4, vm0, $0xb8;
	[tilespmem:$0x18800] =	vst v63  }
0x3a6: {  	s25 =	simm.s32 $0xA800  }
0x3a7: {  	[hbm4b:s6+s2] =	stream.indirect_vreg.scatter [tilespmem:s25], [sflag:$0x3], $0x80, v4, vm0, $0xb8;
	[tilespmem:$0x18800] =	vst v63  }
0x3a8: {  	s26 =	simm.s32 $0xB000  }
0x3a9: {  	[hbm4b:s4+s2] =	stream.indirect_vreg.scatter [tilespmem:s26], [sflag:$0x3], $0x80, v3, vm0, $0xb8;
	[tilespmem:$0x18800] =	vst v63  }
0x3aa: {  	s28 =	simm.s32 $0xB800  }
0x3ab: {  	[hbm4b:s5+s2] =	stream.indirect_vreg.scatter [tilespmem:s28], [sflag:$0x3], $0x80, v3, vm0, $0xb8;
	[tilespmem:$0x18800] =	vst v63  }
0x3ac: {  	s15 =	simm.s32 $0xC000  }
0x3ad: {  	[hbm4b:s6+s2] =	stream.indirect_vreg.scatter [tilespmem:s15], [sflag:$0x3], $0x80, v3, vm0, $0xb8;
	[tilespmem:$0x18800] =	vst v63  }
0x3ae: {  	_ =	swait.ge [sflag:s12], $0xC000  }
0x3af: {  	[sflag:s12] =	ssyncset.done $0x0  }
0x3b0: {  	s8 =	rddreg [dreg:$0xf];
	[sflag:s12] =	ssyncadd.s32 $0xFFFF4000  }
0x3b1: {  	[tilespmem:s20], [sflag:$0x1] =	stream.linear.gather [hbm4b:s8+s2], $0xC000, $0x38;
	[tilespmem:$0x18800] =	vst v63  }
0x3b2: {  	_ =	swait.ge [sflag:s13], $0xC000  }
0x3b3: {  	[sflag:s13] =	ssyncset.done $0x0  }
0x3b4: {  	[sflag:s13] =	ssyncadd.s32 $0xFFFF4000  }
0x3b5: {  	v3 =	vld [tilespmem:$0x580];
	_ =	sdelay $0x4  }
0x3b6: {  	v44 =	vshrl.u32 v3, $0x3  }
0x3b7: {  	v4 =	vmul.u32 $0x30, v44  }
0x3b8: {  	v3 =	vand.u32 $0x7, v3  }
0x3b9: {  	v3 =	vor.u32 v3, v4  }
0x3ba: {  	v4 =	vperm.xlane v3, v0;
	_ =	sdelay $0x1  }
0x3bb: {  	v4 =	vadd.s32 v1, v4;
	_ =	sdelay $0x3  }
0x3bc: {  	v3 =	vperm.xlane v3, v2  }
0x3bd: {  	[hbm4b:s4+s2] =	stream.indirect_vreg.scatter [tilespmem:s3], [sflag:$0x4], $0x80, v4, vm0, $0xb8;
	[tilespmem:$0x18800] =	vst v63  }
0x3be: {  	s0 =	simm.s32 $0xD000;
	v3 =	vadd.s32 v1, v3  }
0x3bf: {  	[hbm4b:s5+s2] =	stream.indirect_vreg.scatter [tilespmem:s0], [sflag:$0x4], $0x80, v4, vm0, $0xb8;
	[tilespmem:$0x18800] =	vst v63  }
0x3c0: {  	s18 =	simm.s32 $0xD800  }
0x3c1: {  	[hbm4b:s6+s2] =	stream.indirect_vreg.scatter [tilespmem:s18], [sflag:$0x4], $0x80, v4, vm0, $0xb8;
	[tilespmem:$0x18800] =	vst v63  }
0x3c2: {  	s29 =	simm.s32 $0xE000  }
0x3c3: {  	[hbm4b:s4+s2] =	stream.indirect_vreg.scatter [tilespmem:s29], [sflag:$0x4], $0x80, v3, vm0, $0xb8;
	[tilespmem:$0x18800] =	vst v63  }
0x3c4: {  	s30 =	simm.s32 $0xE800  }
0x3c5: {  	[hbm4b:s5+s2] =	stream.indirect_vreg.scatter [tilespmem:s30], [sflag:$0x4], $0x80, v3, vm0, $0xb8;
	[tilespmem:$0x18800] =	vst v63  }
0x3c6: {  	s22 =	simm.s32 $0xF000  }
0x3c7: {  	[hbm4b:s6+s2] =	stream.indirect_vreg.scatter [tilespmem:s22], [sflag:$0x4], $0x80, v3, vm0, $0xb8;
	[tilespmem:$0x18800] =	vst v63  }
0x3c8: {  	v3 =	vld [tilespmem:$0x590];
	_ =	sdelay $0x4  }
0x3c9: {  	v45 =	vshrl.u32 v3, $0x3  }
0x3ca: {  	v4 =	vmul.u32 $0x30, v45  }
0x3cb: {  	v3 =	vand.u32 $0x7, v3  }
0x3cc: {  	v3 =	vor.u32 v3, v4  }
0x3cd: {  	v4 =	vperm.xlane v3, v0;
	_ =	sdelay $0x1  }
0x3ce: {  	v4 =	vadd.s32 v1, v4;
	_ =	sdelay $0x3  }
0x3cf: {  	s23 =	simm.s32 $0xF800;
	v3 =	vperm.xlane v3, v2  }
0x3d0: {  	[hbm4b:s4+s2] =	stream.indirect_vreg.scatter [tilespmem:s23], [sflag:$0x4], $0x80, v4, vm0, $0xb8;
	[tilespmem:$0x18800] =	vst v63  }
0x3d1: {  	s9 =	simm.s32 $0x10000;
	v3 =	vadd.s32 v1, v3  }
0x3d2: {  	[hbm4b:s5+s2] =	stream.indirect_vreg.scatter [tilespmem:s9], [sflag:$0x4], $0x80, v4, vm0, $0xb8;
	[tilespmem:$0x18800] =	vst v63  }
0x3d3: {  	s10 =	simm.s32 $0x10800  }
0x3d4: {  	[hbm4b:s6+s2] =	stream.indirect_vreg.scatter [tilespmem:s10], [sflag:$0x4], $0x80, v4, vm0, $0xb8;
	[tilespmem:$0x18800] =	vst v63  }
0x3d5: {  	s31 =	simm.s32 $0x11000  }
0x3d6: {  	[hbm4b:s4+s2] =	stream.indirect_vreg.scatter [tilespmem:s31], [sflag:$0x4], $0x80, v3, vm0, $0xb8;
	[tilespmem:$0x18800] =	vst v63  }
0x3d7: {  	s24 =	simm.s32 $0x11800  }
0x3d8: {  	[hbm4b:s5+s2] =	stream.indirect_vreg.scatter [tilespmem:s24], [sflag:$0x4], $0x80, v3, vm0, $0xb8;
	[tilespmem:$0x18800] =	vst v63  }
0x3d9: {  	s25 =	simm.s32 $0x12000  }
0x3da: {  	[hbm4b:s6+s2] =	stream.indirect_vreg.scatter [tilespmem:s25], [sflag:$0x4], $0x80, v3, vm0, $0xb8;
	[tilespmem:$0x18800] =	vst v63  }
0x3db: {  	v3 =	vld [tilespmem:$0x5A0];
	_ =	sdelay $0x4  }
0x3dc: {  	v46 =	vshrl.u32 v3, $0x3  }
0x3dd: {  	v4 =	vmul.u32 $0x30, v46  }
0x3de: {  	v3 =	vand.u32 $0x7, v3  }
0x3df: {  	v3 =	vor.u32 v3, v4  }
0x3e0: {  	v4 =	vperm.xlane v3, v0;
	_ =	sdelay $0x1  }
0x3e1: {  	v4 =	vadd.s32 v1, v4;
	_ =	sdelay $0x3  }
0x3e2: {  	s26 =	simm.s32 $0x12800;
	v3 =	vperm.xlane v3, v2  }
0x3e3: {  	[hbm4b:s4+s2] =	stream.indirect_vreg.scatter [tilespmem:s26], [sflag:$0x4], $0x80, v4, vm0, $0xb8;
	[tilespmem:$0x18800] =	vst v63  }
0x3e4: {  	s29 =	simm.s32 $0x13000;
	v3 =	vadd.s32 v1, v3  }
0x3e5: {  	[hbm4b:s5+s2] =	stream.indirect_vreg.scatter [tilespmem:s29], [sflag:$0x4], $0x80, v4, vm0, $0xb8;
	[tilespmem:$0x18800] =	vst v63  }
0x3e6: {  	s30 =	simm.s32 $0x13800  }
0x3e7: {  	[hbm4b:s6+s2] =	stream.indirect_vreg.scatter [tilespmem:s30], [sflag:$0x4], $0x80, v4, vm0, $0xb8;
	[tilespmem:$0x18800] =	vst v63  }
0x3e8: {  	s31 =	simm.s32 $0x14000  }
0x3e9: {  	[hbm4b:s4+s2] =	stream.indirect_vreg.scatter [tilespmem:s31], [sflag:$0x4], $0x80, v3, vm0, $0xb8;
	[tilespmem:$0x18800] =	vst v63  }
0x3ea: {  	s7 =	simm.s32 $0x14800  }
0x3eb: {  	[hbm4b:s5+s2] =	stream.indirect_vreg.scatter [tilespmem:s7], [sflag:$0x4], $0x80, v3, vm0, $0xb8;
	[tilespmem:$0x18800] =	vst v63  }
0x3ec: {  	s8 =	simm.s32 $0x15000  }
0x3ed: {  	[hbm4b:s6+s2] =	stream.indirect_vreg.scatter [tilespmem:s8], [sflag:$0x4], $0x80, v3, vm0, $0xb8;
	[tilespmem:$0x18800] =	vst v63  }
0x3ee: {  	v3 =	vld [tilespmem:$0x5B0];
	_ =	sdelay $0x4  }
0x3ef: {  	v47 =	vshrl.u32 v3, $0x3  }
0x3f0: {  	v4 =	vmul.u32 $0x30, v47  }
0x3f1: {  	v3 =	vand.u32 $0x7, v3  }
0x3f2: {  	v3 =	vor.u32 v3, v4  }
0x3f3: {  	v4 =	vperm.xlane v3, v0;
	_ =	sdelay $0x1  }
0x3f4: {  	v4 =	vadd.s32 v1, v4;
	_ =	sdelay $0x3  }
0x3f5: {  	s9 =	simm.s32 $0x15800;
	v3 =	vperm.xlane v3, v2  }
0x3f6: {  	[hbm4b:s4+s2] =	stream.indirect_vreg.scatter [tilespmem:s9], [sflag:$0x4], $0x80, v4, vm0, $0xb8;
	[tilespmem:$0x18800] =	vst v63  }
0x3f7: {  	s10 =	simm.s32 $0x16000;
	v3 =	vadd.s32 v1, v3  }
0x3f8: {  	[hbm4b:s5+s2] =	stream.indirect_vreg.scatter [tilespmem:s10], [sflag:$0x4], $0x80, v4, vm0, $0xb8;
	[tilespmem:$0x18800] =	vst v63  }
0x3f9: {  	s17 =	simm.s32 $0x16800  }
0x3fa: {  	[hbm4b:s6+s2] =	stream.indirect_vreg.scatter [tilespmem:s17], [sflag:$0x4], $0x80, v4, vm0, $0xb8;
	[tilespmem:$0x18800] =	vst v63  }
0x3fb: {  	s29 =	simm.s32 $0x17000  }
0x3fc: {  	[hbm4b:s4+s2] =	stream.indirect_vreg.scatter [tilespmem:s29], [sflag:$0x4], $0x80, v3, vm0, $0xb8;
	[tilespmem:$0x18800] =	vst v63  }
0x3fd: {  	s30 =	simm.s32 $0x17800  }
0x3fe: {  	[hbm4b:s5+s2] =	stream.indirect_vreg.scatter [tilespmem:s30], [sflag:$0x4], $0x80, v3, vm0, $0xb8;
	[tilespmem:$0x18800] =	vst v63  }
0x3ff: {  	s31 =	simm.s32 $0x18000  }
0x400: {  	[hbm4b:s6+s2] =	stream.indirect_vreg.scatter [tilespmem:s31], [sflag:$0x4], $0x80, v3, vm0, $0xb8;
	[tilespmem:$0x18800] =	vst v63  }
0x401: {  	_ =	swait.ge [sflag:s16], $0xC000  }
0x402: {  	[sflag:s16] =	ssyncset.done $0x0  }
0x403: {  	s7 =	rddreg [dreg:$0x10];
	[sflag:s16] =	ssyncadd.s32 $0xFFFF4000  }
0x404: {  	[tilespmem:s3], [sflag:$0x2] =	stream.linear.gather [hbm4b:s7+s2], $0xC000, $0x38;
	[tilespmem:$0x18800] =	vst v63  }
0x405: {  	_ =	swait.ge [sflag:s11], $0xC000  }
0x406: {  	[sflag:s11] =	ssyncset.done $0x0  }
0x407: {  	[sflag:s11] =	ssyncadd.s32 $0xFFFF4000  }
0x408: {  	v3 =	vld [tilespmem:$0x600];
	_ =	sdelay $0x4  }
0x409: {  	v48 =	vshrl.u32 v3, $0x3  }
0x40a: {  	v4 =	vmul.u32 $0x30, v48  }
0x40b: {  	v3 =	vand.u32 $0x7, v3  }
0x40c: {  	v3 =	vor.u32 v3, v4  }
0x40d: {  	v4 =	vperm.xlane v3, v0;
	_ =	sdelay $0x1  }
0x40e: {  	v4 =	vadd.s32 v1, v4;
	_ =	sdelay $0x3  }
0x40f: {  	v3 =	vperm.xlane v3, v2  }
0x410: {  	[hbm4b:s4+s2] =	stream.indirect_vreg.scatter [tilespmem:s20], [sflag:$0x3], $0x80, v4, vm0, $0xb8;
	[tilespmem:$0x18800] =	vst v63  }
0x411: {  	s8 =	simm.s32 $0x1000;
	v3 =	vadd.s32 v1, v3  }
0x412: {  	[hbm4b:s5+s2] =	stream.indirect_vreg.scatter [tilespmem:s8], [sflag:$0x3], $0x80, v4, vm0, $0xb8;
	[tilespmem:$0x18800] =	vst v63  }
0x413: {  	s9 =	simm.s32 $0x1800  }
0x414: {  	[hbm4b:s6+s2] =	stream.indirect_vreg.scatter [tilespmem:s9], [sflag:$0x3], $0x80, v4, vm0, $0xb8;
	[tilespmem:$0x18800] =	vst v63  }
0x415: {  	s10 =	simm.s32 $0x2000  }
0x416: {  	[hbm4b:s4+s2] =	stream.indirect_vreg.scatter [tilespmem:s10], [sflag:$0x3], $0x80, v3, vm0, $0xb8;
	[tilespmem:$0x18800] =	vst v63  }
0x417: {  	s17 =	simm.s32 $0x2800  }
0x418: {  	[hbm4b:s5+s2] =	stream.indirect_vreg.scatter [tilespmem:s17], [sflag:$0x3], $0x80, v3, vm0, $0xb8;
	[tilespmem:$0x18800] =	vst v63  }
0x419: {  	s1 =	simm.s32 $0x3000  }
0x41a: {  	[hbm4b:s6+s2] =	stream.indirect_vreg.scatter [tilespmem:s1], [sflag:$0x3], $0x80, v3, vm0, $0xb8;
	[tilespmem:$0x18800] =	vst v63  }
0x41b: {  	v3 =	vld [tilespmem:$0x610];
	_ =	sdelay $0x4  }
0x41c: {  	v49 =	vshrl.u32 v3, $0x3  }
0x41d: {  	v4 =	vmul.u32 $0x30, v49  }
0x41e: {  	v3 =	vand.u32 $0x7, v3  }
0x41f: {  	v3 =	vor.u32 v3, v4  }
0x420: {  	v4 =	vperm.xlane v3, v0;
	_ =	sdelay $0x1  }
0x421: {  	v4 =	vadd.s32 v1, v4;
	_ =	sdelay $0x3  }
0x422: {  	s29 =	simm.s32 $0x3800;
	v3 =	vperm.xlane v3, v2  }
0x423: {  	[hbm4b:s4+s2] =	stream.indirect_vreg.scatter [tilespmem:s29], [sflag:$0x3], $0x80, v4, vm0, $0xb8;
	[tilespmem:$0x18800] =	vst v63  }
0x424: {  	s30 =	simm.s32 $0x4000;
	v3 =	vadd.s32 v1, v3  }
0x425: {  	[hbm4b:s5+s2] =	stream.indirect_vreg.scatter [tilespmem:s30], [sflag:$0x3], $0x80, v4, vm0, $0xb8;
	[tilespmem:$0x18800] =	vst v63  }
0x426: {  	s31 =	simm.s32 $0x4800  }
0x427: {  	[hbm4b:s6+s2] =	stream.indirect_vreg.scatter [tilespmem:s31], [sflag:$0x3], $0x80, v4, vm0, $0xb8;
	[tilespmem:$0x18800] =	vst v63  }
0x428: {  	s1 =	simm.s32 $0x5000  }
0x429: {  	[hbm4b:s4+s2] =	stream.indirect_vreg.scatter [tilespmem:s1], [sflag:$0x3], $0x80, v3, vm0, $0xb8;
	[tilespmem:$0x18800] =	vst v63  }
0x42a: {  	s7 =	simm.s32 $0x5800  }
0x42b: {  	[hbm4b:s5+s2] =	stream.indirect_vreg.scatter [tilespmem:s7], [sflag:$0x3], $0x80, v3, vm0, $0xb8;
	[tilespmem:$0x18800] =	vst v63  }
0x42c: {  	s8 =	simm.s32 $0x6000  }
0x42d: {  	[hbm4b:s6+s2] =	stream.indirect_vreg.scatter [tilespmem:s8], [sflag:$0x3], $0x80, v3, vm0, $0xb8;
	[tilespmem:$0x18800] =	vst v63  }
0x42e: {  	v3 =	vld [tilespmem:$0x620];
	_ =	sdelay $0x4  }
0x42f: {  	v50 =	vshrl.u32 v3, $0x3  }
0x430: {  	v4 =	vmul.u32 $0x30, v50  }
0x431: {  	v3 =	vand.u32 $0x7, v3  }
0x432: {  	v3 =	vor.u32 v3, v4  }
0x433: {  	v4 =	vperm.xlane v3, v0;
	_ =	sdelay $0x1  }
0x434: {  	v4 =	vadd.s32 v1, v4;
	_ =	sdelay $0x3  }
0x435: {  	s19 =	simm.s32 $0x6800;
	v3 =	vperm.xlane v3, v2  }
0x436: {  	[hbm4b:s4+s2] =	stream.indirect_vreg.scatter [tilespmem:s19], [sflag:$0x3], $0x80, v4, vm0, $0xb8;
	[tilespmem:$0x18800] =	vst v63  }
0x437: {  	s9 =	simm.s32 $0x7000;
	v3 =	vadd.s32 v1, v3  }
0x438: {  	[hbm4b:s5+s2] =	stream.indirect_vreg.scatter [tilespmem:s9], [sflag:$0x3], $0x80, v4, vm0, $0xb8;
	[tilespmem:$0x18800] =	vst v63  }
0x439: {  	s10 =	simm.s32 $0x7800  }
0x43a: {  	[hbm4b:s6+s2] =	stream.indirect_vreg.scatter [tilespmem:s10], [sflag:$0x3], $0x80, v4, vm0, $0xb8;
	[tilespmem:$0x18800] =	vst v63  }
0x43b: {  	s17 =	simm.s32 $0x8000  }
0x43c: {  	[hbm4b:s4+s2] =	stream.indirect_vreg.scatter [tilespmem:s17], [sflag:$0x3], $0x80, v3, vm0, $0xb8;
	[tilespmem:$0x18800] =	vst v63  }
0x43d: {  	s19 =	simm.s32 $0x8800  }
0x43e: {  	[hbm4b:s5+s2] =	stream.indirect_vreg.scatter [tilespmem:s19], [sflag:$0x3], $0x80, v3, vm0, $0xb8;
	[tilespmem:$0x18800] =	vst v63  }
0x43f: {  	s21 =	simm.s32 $0x9000  }
0x440: {  	[hbm4b:s6+s2] =	stream.indirect_vreg.scatter [tilespmem:s21], [sflag:$0x3], $0x80, v3, vm0, $0xb8;
	[tilespmem:$0x18800] =	vst v63  }
0x441: {  	v3 =	vld [tilespmem:$0x630];
	_ =	sdelay $0x4  }
0x442: {  	v51 =	vshrl.u32 v3, $0x3  }
0x443: {  	v4 =	vmul.u32 $0x30, v51  }
0x444: {  	v3 =	vand.u32 $0x7, v3  }
0x445: {  	v3 =	vor.u32 v3, v4  }
0x446: {  	v4 =	vperm.xlane v3, v0;
	_ =	sdelay $0x1  }
0x447: {  	v4 =	vadd.s32 v1, v4;
	_ =	sdelay $0x3  }
0x448: {  	s14 =	simm.s32 $0x9800;
	v3 =	vperm.xlane v3, v2  }
0x449: {  	[hbm4b:s4+s2] =	stream.indirect_vreg.scatter [tilespmem:s14], [sflag:$0x3], $0x80, v4, vm0, $0xb8;
	[tilespmem:$0x18800] =	vst v63  }
0x44a: {  	s21 =	simm.s32 $0xA000;
	v3 =	vadd.s32 v1, v3  }
0x44b: {  	[hbm4b:s5+s2] =	stream.indirect_vreg.scatter [tilespmem:s21], [sflag:$0x3], $0x80, v4, vm0, $0xb8;
	[tilespmem:$0x18800] =	vst v63  }
0x44c: {  	s29 =	simm.s32 $0xA800  }
0x44d: {  	[hbm4b:s6+s2] =	stream.indirect_vreg.scatter [tilespmem:s29], [sflag:$0x3], $0x80, v4, vm0, $0xb8;
	[tilespmem:$0x18800] =	vst v63  }
0x44e: {  	s30 =	simm.s32 $0xB000  }
0x44f: {  	[hbm4b:s4+s2] =	stream.indirect_vreg.scatter [tilespmem:s30], [sflag:$0x3], $0x80, v3, vm0, $0xb8;
	[tilespmem:$0x18800] =	vst v63  }
0x450: {  	s31 =	simm.s32 $0xB800  }
0x451: {  	[hbm4b:s5+s2] =	stream.indirect_vreg.scatter [tilespmem:s31], [sflag:$0x3], $0x80, v3, vm0, $0xb8;
	[tilespmem:$0x18800] =	vst v63  }
0x452: {  	s15 =	simm.s32 $0xC000  }
0x453: {  	[hbm4b:s6+s2] =	stream.indirect_vreg.scatter [tilespmem:s15], [sflag:$0x3], $0x80, v3, vm0, $0xb8;
	[tilespmem:$0x18800] =	vst v63  }
0x454: {  	_ =	swait.ge [sflag:s12], $0xC000  }
0x455: {  	[sflag:s12] =	ssyncset.done $0x0  }
0x456: {  	s0 =	rddreg [dreg:$0x11];
	[sflag:s12] =	ssyncadd.s32 $0xFFFF4000  }
0x457: {  	[tilespmem:s20], [sflag:$0x1] =	stream.linear.gather [hbm4b:s0+s2], $0xC000, $0x38;
	[tilespmem:$0x18800] =	vst v63  }
0x458: {  	_ =	swait.ge [sflag:s13], $0xC000  }
0x459: {  	[sflag:s13] =	ssyncset.done $0x0  }
0x45a: {  	[sflag:s13] =	ssyncadd.s32 $0xFFFF4000  }
0x45b: {  	v3 =	vld [tilespmem:$0x680];
	_ =	sdelay $0x4  }
0x45c: {  	v52 =	vshrl.u32 v3, $0x3  }
0x45d: {  	v4 =	vmul.u32 $0x30, v52  }
0x45e: {  	v3 =	vand.u32 $0x7, v3  }
0x45f: {  	v3 =	vor.u32 v3, v4  }
0x460: {  	v4 =	vperm.xlane v3, v0;
	_ =	sdelay $0x1  }
0x461: {  	v4 =	vadd.s32 v1, v4;
	_ =	sdelay $0x3  }
0x462: {  	v3 =	vperm.xlane v3, v2  }
0x463: {  	[hbm4b:s4+s2] =	stream.indirect_vreg.scatter [tilespmem:s3], [sflag:$0x4], $0x80, v4, vm0, $0xb8;
	[tilespmem:$0x18800] =	vst v63  }
0x464: {  	s1 =	simm.s32 $0xD000;
	v3 =	vadd.s32 v1, v3  }
0x465: {  	[hbm4b:s5+s2] =	stream.indirect_vreg.scatter [tilespmem:s1], [sflag:$0x4], $0x80, v4, vm0, $0xb8;
	[tilespmem:$0x18800] =	vst v63  }
0x466: {  	s7 =	simm.s32 $0xD800  }
0x467: {  	[hbm4b:s6+s2] =	stream.indirect_vreg.scatter [tilespmem:s7], [sflag:$0x4], $0x80, v4, vm0, $0xb8;
	[tilespmem:$0x18800] =	vst v63  }
0x468: {  	s8 =	simm.s32 $0xE000  }
0x469: {  	[hbm4b:s4+s2] =	stream.indirect_vreg.scatter [tilespmem:s8], [sflag:$0x4], $0x80, v3, vm0, $0xb8;
	[tilespmem:$0x18800] =	vst v63  }
0x46a: {  	s9 =	simm.s32 $0xE800  }
0x46b: {  	[hbm4b:s5+s2] =	stream.indirect_vreg.scatter [tilespmem:s9], [sflag:$0x4], $0x80, v3, vm0, $0xb8;
	[tilespmem:$0x18800] =	vst v63  }
0x46c: {  	s28 =	simm.s32 $0xF000  }
0x46d: {  	[hbm4b:s6+s2] =	stream.indirect_vreg.scatter [tilespmem:s28], [sflag:$0x4], $0x80, v3, vm0, $0xb8;
	[tilespmem:$0x18800] =	vst v63  }
0x46e: {  	v3 =	vld [tilespmem:$0x690];
	_ =	sdelay $0x4  }
0x46f: {  	v53 =	vshrl.u32 v3, $0x3  }
0x470: {  	v4 =	vmul.u32 $0x30, v53  }
0x471: {  	v3 =	vand.u32 $0x7, v3  }
0x472: {  	v3 =	vor.u32 v3, v4  }
0x473: {  	v4 =	vperm.xlane v3, v0;
	_ =	sdelay $0x1  }
0x474: {  	v4 =	vadd.s32 v1, v4;
	_ =	sdelay $0x3  }
0x475: {  	s18 =	simm.s32 $0xF800;
	v3 =	vperm.xlane v3, v2  }
0x476: {  	[hbm4b:s4+s2] =	stream.indirect_vreg.scatter [tilespmem:s18], [sflag:$0x4], $0x80, v4, vm0, $0xb8;
	[tilespmem:$0x18800] =	vst v63  }
0x477: {  	s10 =	simm.s32 $0x10000;
	v3 =	vadd.s32 v1, v3  }
0x478: {  	[hbm4b:s5+s2] =	stream.indirect_vreg.scatter [tilespmem:s10], [sflag:$0x4], $0x80, v4, vm0, $0xb8;
	[tilespmem:$0x18800] =	vst v63  }
0x479: {  	s14 =	simm.s32 $0x10800  }
0x47a: {  	[hbm4b:s6+s2] =	stream.indirect_vreg.scatter [tilespmem:s14], [sflag:$0x4], $0x80, v4, vm0, $0xb8;
	[tilespmem:$0x18800] =	vst v63  }
0x47b: {  	s17 =	simm.s32 $0x11000  }
0x47c: {  	[hbm4b:s4+s2] =	stream.indirect_vreg.scatter [tilespmem:s17], [sflag:$0x4], $0x80, v3, vm0, $0xb8;
	[tilespmem:$0x18800] =	vst v63  }
0x47d: {  	s18 =	simm.s32 $0x11800  }
0x47e: {  	[hbm4b:s5+s2] =	stream.indirect_vreg.scatter [tilespmem:s18], [sflag:$0x4], $0x80, v3, vm0, $0xb8;
	[tilespmem:$0x18800] =	vst v63  }
0x47f: {  	s22 =	simm.s32 $0x12000  }
0x480: {  	[hbm4b:s6+s2] =	stream.indirect_vreg.scatter [tilespmem:s22], [sflag:$0x4], $0x80, v3, vm0, $0xb8;
	[tilespmem:$0x18800] =	vst v63  }
0x481: {  	v3 =	vld [tilespmem:$0x6A0];
	_ =	sdelay $0x4  }
0x482: {  	v54 =	vshrl.u32 v3, $0x3  }
0x483: {  	v4 =	vmul.u32 $0x30, v54  }
0x484: {  	v3 =	vand.u32 $0x7, v3  }
0x485: {  	v3 =	vor.u32 v3, v4  }
0x486: {  	v4 =	vperm.xlane v3, v0;
	_ =	sdelay $0x1  }
0x487: {  	v4 =	vadd.s32 v1, v4;
	_ =	sdelay $0x3  }
0x488: {  	s23 =	simm.s32 $0x12800;
	v3 =	vperm.xlane v3, v2  }
0x489: {  	[hbm4b:s4+s2] =	stream.indirect_vreg.scatter [tilespmem:s23], [sflag:$0x4], $0x80, v4, vm0, $0xb8;
	[tilespmem:$0x18800] =	vst v63  }
0x48a: {  	s19 =	simm.s32 $0x13000;
	v3 =	vadd.s32 v1, v3  }
0x48b: {  	[hbm4b:s5+s2] =	stream.indirect_vreg.scatter [tilespmem:s19], [sflag:$0x4], $0x80, v4, vm0, $0xb8;
	[tilespmem:$0x18800] =	vst v63  }
0x48c: {  	s21 =	simm.s32 $0x13800  }
0x48d: {  	[hbm4b:s6+s2] =	stream.indirect_vreg.scatter [tilespmem:s21], [sflag:$0x4], $0x80, v4, vm0, $0xb8;
	[tilespmem:$0x18800] =	vst v63  }
0x48e: {  	s22 =	simm.s32 $0x14000  }
0x48f: {  	[hbm4b:s4+s2] =	stream.indirect_vreg.scatter [tilespmem:s22], [sflag:$0x4], $0x80, v3, vm0, $0xb8;
	[tilespmem:$0x18800] =	vst v63  }
0x490: {  	s23 =	simm.s32 $0x14800  }
0x491: {  	[hbm4b:s5+s2] =	stream.indirect_vreg.scatter [tilespmem:s23], [sflag:$0x4], $0x80, v3, vm0, $0xb8;
	[tilespmem:$0x18800] =	vst v63  }
0x492: {  	s25 =	simm.s32 $0x15000  }
0x493: {  	[hbm4b:s6+s2] =	stream.indirect_vreg.scatter [tilespmem:s25], [sflag:$0x4], $0x80, v3, vm0, $0xb8;
	[tilespmem:$0x18800] =	vst v63  }
0x494: {  	v3 =	vld [tilespmem:$0x6B0];
	_ =	sdelay $0x4  }
0x495: {  	v55 =	vshrl.u32 v3, $0x3  }
0x496: {  	v4 =	vmul.u32 $0x30, v55  }
0x497: {  	v3 =	vand.u32 $0x7, v3  }
0x498: {  	v3 =	vor.u32 v3, v4  }
0x499: {  	v4 =	vperm.xlane v3, v0;
	_ =	sdelay $0x1  }
0x49a: {  	v4 =	vadd.s32 v1, v4;
	_ =	sdelay $0x3  }
0x49b: {  	s26 =	simm.s32 $0x15800;
	v3 =	vperm.xlane v3, v2  }
0x49c: {  	[hbm4b:s4+s2] =	stream.indirect_vreg.scatter [tilespmem:s26], [sflag:$0x4], $0x80, v4, vm0, $0xb8;
	[tilespmem:$0x18800] =	vst v63  }
0x49d: {  	s24 =	simm.s32 $0x16000;
	v3 =	vadd.s32 v1, v3  }
0x49e: {  	[hbm4b:s5+s2] =	stream.indirect_vreg.scatter [tilespmem:s24], [sflag:$0x4], $0x80, v4, vm0, $0xb8;
	[tilespmem:$0x18800] =	vst v63  }
0x49f: {  	s24 =	simm.s32 $0x16800  }
0x4a0: {  	[hbm4b:s6+s2] =	stream.indirect_vreg.scatter [tilespmem:s24], [sflag:$0x4], $0x80, v4, vm0, $0xb8;
	[tilespmem:$0x18800] =	vst v63  }
0x4a1: {  	s25 =	simm.s32 $0x17000  }
0x4a2: {  	[hbm4b:s4+s2] =	stream.indirect_vreg.scatter [tilespmem:s25], [sflag:$0x4], $0x80, v3, vm0, $0xb8;
	[tilespmem:$0x18800] =	vst v63  }
0x4a3: {  	s26 =	simm.s32 $0x17800  }
0x4a4: {  	[hbm4b:s5+s2] =	stream.indirect_vreg.scatter [tilespmem:s26], [sflag:$0x4], $0x80, v3, vm0, $0xb8;
	[tilespmem:$0x18800] =	vst v63  }
0x4a5: {  	s17 =	simm.s32 $0x18000  }
0x4a6: {  	[hbm4b:s6+s2] =	stream.indirect_vreg.scatter [tilespmem:s17], [sflag:$0x4], $0x80, v3, vm0, $0xb8;
	[tilespmem:$0x18800] =	vst v63  }
0x4a7: {  	_ =	swait.ge [sflag:s16], $0xC000  }
0x4a8: {  	[sflag:s16] =	ssyncset.done $0x0  }
0x4a9: {  	s0 =	rddreg [dreg:$0x12];
	[sflag:s16] =	ssyncadd.s32 $0xFFFF4000  }
0x4aa: {  	[tilespmem:s3], [sflag:$0x2] =	stream.linear.gather [hbm4b:s0+s2], $0xC000, $0x38;
	[tilespmem:$0x18800] =	vst v63  }
0x4ab: {  	_ =	swait.ge [sflag:s11], $0xC000  }
0x4ac: {  	[sflag:s11] =	ssyncset.done $0x0  }
0x4ad: {  	[sflag:s11] =	ssyncadd.s32 $0xFFFF4000  }
0x4ae: {  	v3 =	vld [tilespmem:$0x700];
	_ =	sdelay $0x4  }
0x4af: {  	v56 =	vshrl.u32 v3, $0x3  }
0x4b0: {  	v4 =	vmul.u32 $0x30, v56  }
0x4b1: {  	v3 =	vand.u32 $0x7, v3  }
0x4b2: {  	v3 =	vor.u32 v3, v4  }
0x4b3: {  	v4 =	vperm.xlane v3, v0;
	_ =	sdelay $0x1  }
0x4b4: {  	v4 =	vadd.s32 v1, v4;
	_ =	sdelay $0x3  }
0x4b5: {  	v3 =	vperm.xlane v3, v2  }
0x4b6: {  	[hbm4b:s4+s2] =	stream.indirect_vreg.scatter [tilespmem:s20], [sflag:$0x3], $0x80, v4, vm0, $0xb8;
	[tilespmem:$0x18800] =	vst v63  }
0x4b7: {  	v3 =	vadd.s32 v1, v3;
	s20 =	simm.s32 $0x1000  }
0x4b8: {  	[hbm4b:s5+s2] =	stream.indirect_vreg.scatter [tilespmem:s20], [sflag:$0x3], $0x80, v4, vm0, $0xb8;
	[tilespmem:$0x18800] =	vst v63  }
0x4b9: {  	s17 =	simm.s32 $0x1800  }
0x4ba: {  	[hbm4b:s6+s2] =	stream.indirect_vreg.scatter [tilespmem:s17], [sflag:$0x3], $0x80, v4, vm0, $0xb8;
	[tilespmem:$0x18800] =	vst v63  }
0x4bb: {  	s20 =	simm.s32 $0x2000  }
0x4bc: {  	[hbm4b:s4+s2] =	stream.indirect_vreg.scatter [tilespmem:s20], [sflag:$0x3], $0x80, v3, vm0, $0xb8;
	[tilespmem:$0x18800] =	vst v63  }
0x4bd: {  	s20 =	simm.s32 $0x2800  }
0x4be: {  	[hbm4b:s5+s2] =	stream.indirect_vreg.scatter [tilespmem:s20], [sflag:$0x3], $0x80, v3, vm0, $0xb8;
	[tilespmem:$0x18800] =	vst v63  }
0x4bf: {  	s20 =	simm.s32 $0x3000  }
0x4c0: {  	[hbm4b:s6+s2] =	stream.indirect_vreg.scatter [tilespmem:s20], [sflag:$0x3], $0x80, v3, vm0, $0xb8;
	[tilespmem:$0x18800] =	vst v63  }
0x4c1: {  	v3 =	vld [tilespmem:$0x710];
	_ =	sdelay $0x4  }
0x4c2: {  	v57 =	vshrl.u32 v3, $0x3  }
0x4c3: {  	v4 =	vmul.u32 $0x30, v57  }
0x4c4: {  	v3 =	vand.u32 $0x7, v3  }
0x4c5: {  	v3 =	vor.u32 v3, v4  }
0x4c6: {  	v4 =	vperm.xlane v3, v0;
	_ =	sdelay $0x1  }
0x4c7: {  	v4 =	vadd.s32 v1, v4;
	_ =	sdelay $0x3  }
0x4c8: {  	s20 =	simm.s32 $0x3800;
	v3 =	vperm.xlane v3, v2  }
0x4c9: {  	[hbm4b:s4+s2] =	stream.indirect_vreg.scatter [tilespmem:s20], [sflag:$0x3], $0x80, v4, vm0, $0xb8;
	[tilespmem:$0x18800] =	vst v63  }
0x4ca: {  	v3 =	vadd.s32 v1, v3;
	s20 =	simm.s32 $0x4000  }
0x4cb: {  	[hbm4b:s5+s2] =	stream.indirect_vreg.scatter [tilespmem:s20], [sflag:$0x3], $0x80, v4, vm0, $0xb8;
	[tilespmem:$0x18800] =	vst v63  }
0x4cc: {  	s20 =	simm.s32 $0x4800  }
0x4cd: {  	[hbm4b:s6+s2] =	stream.indirect_vreg.scatter [tilespmem:s20], [sflag:$0x3], $0x80, v4, vm0, $0xb8;
	[tilespmem:$0x18800] =	vst v63  }
0x4ce: {  	s20 =	simm.s32 $0x5000  }
0x4cf: {  	[hbm4b:s4+s2] =	stream.indirect_vreg.scatter [tilespmem:s20], [sflag:$0x3], $0x80, v3, vm0, $0xb8;
	[tilespmem:$0x18800] =	vst v63  }
0x4d0: {  	s20 =	simm.s32 $0x5800  }
0x4d1: {  	[hbm4b:s5+s2] =	stream.indirect_vreg.scatter [tilespmem:s20], [sflag:$0x3], $0x80, v3, vm0, $0xb8;
	[tilespmem:$0x18800] =	vst v63  }
0x4d2: {  	s20 =	simm.s32 $0x6000  }
0x4d3: {  	[hbm4b:s6+s2] =	stream.indirect_vreg.scatter [tilespmem:s20], [sflag:$0x3], $0x80, v3, vm0, $0xb8;
	[tilespmem:$0x18800] =	vst v63  }
0x4d4: {  	v3 =	vld [tilespmem:$0x720];
	_ =	sdelay $0x4  }
0x4d5: {  	v58 =	vshrl.u32 v3, $0x3  }
0x4d6: {  	v4 =	vmul.u32 $0x30, v58  }
0x4d7: {  	v3 =	vand.u32 $0x7, v3  }
0x4d8: {  	v3 =	vor.u32 v3, v4  }
0x4d9: {  	v4 =	vperm.xlane v3, v0;
	_ =	sdelay $0x1  }
0x4da: {  	v4 =	vadd.s32 v1, v4;
	_ =	sdelay $0x3  }
0x4db: {  	s20 =	simm.s32 $0x6800;
	v3 =	vperm.xlane v3, v2  }
0x4dc: {  	[hbm4b:s4+s2] =	stream.indirect_vreg.scatter [tilespmem:s20], [sflag:$0x3], $0x80, v4, vm0, $0xb8;
	[tilespmem:$0x18800] =	vst v63  }
0x4dd: {  	v3 =	vadd.s32 v1, v3;
	s20 =	simm.s32 $0x7000  }
0x4de: {  	[hbm4b:s5+s2] =	stream.indirect_vreg.scatter [tilespmem:s20], [sflag:$0x3], $0x80, v4, vm0, $0xb8;
	[tilespmem:$0x18800] =	vst v63  }
0x4df: {  	s20 =	simm.s32 $0x7800  }
0x4e0: {  	[hbm4b:s6+s2] =	stream.indirect_vreg.scatter [tilespmem:s20], [sflag:$0x3], $0x80, v4, vm0, $0xb8;
	[tilespmem:$0x18800] =	vst v63  }
0x4e1: {  	s20 =	simm.s32 $0x8000  }
0x4e2: {  	[hbm4b:s4+s2] =	stream.indirect_vreg.scatter [tilespmem:s20], [sflag:$0x3], $0x80, v3, vm0, $0xb8;
	[tilespmem:$0x18800] =	vst v63  }
0x4e3: {  	s20 =	simm.s32 $0x8800  }
0x4e4: {  	[hbm4b:s5+s2] =	stream.indirect_vreg.scatter [tilespmem:s20], [sflag:$0x3], $0x80, v3, vm0, $0xb8;
	[tilespmem:$0x18800] =	vst v63  }
0x4e5: {  	s20 =	simm.s32 $0x9000  }
0x4e6: {  	[hbm4b:s6+s2] =	stream.indirect_vreg.scatter [tilespmem:s20], [sflag:$0x3], $0x80, v3, vm0, $0xb8;
	[tilespmem:$0x18800] =	vst v63  }
0x4e7: {  	v3 =	vld [tilespmem:$0x730];
	_ =	sdelay $0x4  }
0x4e8: {  	v59 =	vshrl.u32 v3, $0x3  }
0x4e9: {  	v4 =	vmul.u32 $0x30, v59  }
0x4ea: {  	v3 =	vand.u32 $0x7, v3  }
0x4eb: {  	v3 =	vor.u32 v3, v4  }
0x4ec: {  	v4 =	vperm.xlane v3, v0;
	_ =	sdelay $0x1  }
0x4ed: {  	v4 =	vadd.s32 v1, v4;
	_ =	sdelay $0x3  }
0x4ee: {  	s20 =	simm.s32 $0x9800;
	v3 =	vperm.xlane v3, v2  }
0x4ef: {  	[hbm4b:s4+s2] =	stream.indirect_vreg.scatter [tilespmem:s20], [sflag:$0x3], $0x80, v4, vm0, $0xb8;
	[tilespmem:$0x18800] =	vst v63  }
0x4f0: {  	v3 =	vadd.s32 v1, v3;
	s20 =	simm.s32 $0xA000  }
0x4f1: {  	[hbm4b:s5+s2] =	stream.indirect_vreg.scatter [tilespmem:s20], [sflag:$0x3], $0x80, v4, vm0, $0xb8;
	[tilespmem:$0x18800] =	vst v63  }
0x4f2: {  	s20 =	simm.s32 $0xA800  }
0x4f3: {  	[hbm4b:s6+s2] =	stream.indirect_vreg.scatter [tilespmem:s20], [sflag:$0x3], $0x80, v4, vm0, $0xb8;
	[tilespmem:$0x18800] =	vst v63  }
0x4f4: {  	s20 =	simm.s32 $0xB000  }
0x4f5: {  	[hbm4b:s4+s2] =	stream.indirect_vreg.scatter [tilespmem:s20], [sflag:$0x3], $0x80, v3, vm0, $0xb8;
	[tilespmem:$0x18800] =	vst v63  }
0x4f6: {  	s20 =	simm.s32 $0xB800  }
0x4f7: {  	[hbm4b:s5+s2] =	stream.indirect_vreg.scatter [tilespmem:s20], [sflag:$0x3], $0x80, v3, vm0, $0xb8;
	[tilespmem:$0x18800] =	vst v63  }
0x4f8: {  	s20 =	simm.s32 $0xC000  }
0x4f9: {  	[hbm4b:s6+s2] =	stream.indirect_vreg.scatter [tilespmem:s20], [sflag:$0x3], $0x80, v3, vm0, $0xb8;
	[tilespmem:$0x18800] =	vst v63  }
0x4fa: {  	s0 =	rddreg [dreg:$0x14];
	_ =	swait.ge [sflag:s13], $0xC000  }
0x4fb: {  	[sflag:s13] =	ssyncset.done $0x0  }
0x4fc: {  	[sflag:s13] =	ssyncadd.s32 $0xFFFF4000  }
0x4fd: {  	v3 =	vld [tilespmem:$0x780];
	_ =	sdelay $0x4  }
0x4fe: {  	v60 =	vshrl.u32 v3, $0x3  }
0x4ff: {  	v4 =	vmul.u32 $0x30, v60  }
0x500: {  	v3 =	vand.u32 $0x7, v3  }
0x501: {  	v3 =	vor.u32 v3, v4  }
0x502: {  	v4 =	vperm.xlane v3, v0;
	_ =	sdelay $0x1  }
0x503: {  	v4 =	vadd.s32 v1, v4;
	_ =	sdelay $0x3  }
0x504: {  	v3 =	vperm.xlane v3, v2  }
0x505: {  	[hbm4b:s4+s2] =	stream.indirect_vreg.scatter [tilespmem:s3], [sflag:$0x4], $0x80, v4, vm0, $0xb8;
	[tilespmem:$0x18800] =	vst v63  }
0x506: {  	s15 =	simm.s32 $0xD000;
	v3 =	vadd.s32 v1, v3  }
0x507: {  	[hbm4b:s5+s2] =	stream.indirect_vreg.scatter [tilespmem:s15], [sflag:$0x4], $0x80, v4, vm0, $0xb8;
	[tilespmem:$0x18800] =	vst v63  }
0x508: {  	s1 =	simm.s32 $0xD800  }
0x509: {  	[hbm4b:s6+s2] =	stream.indirect_vreg.scatter [tilespmem:s1], [sflag:$0x4], $0x80, v4, vm0, $0xb8;
	[tilespmem:$0x18800] =	vst v63  }
0x50a: {  	s7 =	simm.s32 $0xE000  }
0x50b: {  	[hbm4b:s4+s2] =	stream.indirect_vreg.scatter [tilespmem:s7], [sflag:$0x4], $0x80, v3, vm0, $0xb8;
	[tilespmem:$0x18800] =	vst v63  }
0x50c: {  	s8 =	simm.s32 $0xE800  }
0x50d: {  	[hbm4b:s5+s2] =	stream.indirect_vreg.scatter [tilespmem:s8], [sflag:$0x4], $0x80, v3, vm0, $0xb8;
	[tilespmem:$0x18800] =	vst v63  }
0x50e: {  	s20 =	simm.s32 $0xF000  }
0x50f: {  	[hbm4b:s6+s2] =	stream.indirect_vreg.scatter [tilespmem:s20], [sflag:$0x4], $0x80, v3, vm0, $0xb8;
	[tilespmem:$0x18800] =	vst v63  }
0x510: {  	v3 =	vld [tilespmem:$0x790];
	_ =	sdelay $0x4  }
0x511: {  	v61 =	vshrl.u32 v3, $0x3  }
0x512: {  	v4 =	vmul.u32 $0x30, v61  }
0x513: {  	v3 =	vand.u32 $0x7, v3  }
0x514: {  	v3 =	vor.u32 v3, v4  }
0x515: {  	v4 =	vperm.xlane v3, v0;
	_ =	sdelay $0x1  }
0x516: {  	v4 =	vadd.s32 v1, v4;
	_ =	sdelay $0x3  }
0x517: {  	s28 =	simm.s32 $0xF800;
	v3 =	vperm.xlane v3, v2  }
0x518: {  	[hbm4b:s4+s2] =	stream.indirect_vreg.scatter [tilespmem:s28], [sflag:$0x4], $0x80, v4, vm0, $0xb8;
	[tilespmem:$0x18800] =	vst v63  }
0x519: {  	s9 =	simm.s32 $0x10000;
	v3 =	vadd.s32 v1, v3  }
0x51a: {  	[hbm4b:s5+s2] =	stream.indirect_vreg.scatter [tilespmem:s9], [sflag:$0x4], $0x80, v4, vm0, $0xb8;
	[tilespmem:$0x18800] =	vst v63  }
0x51b: {  	s10 =	simm.s32 $0x10800  }
0x51c: {  	[hbm4b:s6+s2] =	stream.indirect_vreg.scatter [tilespmem:s10], [sflag:$0x4], $0x80, v4, vm0, $0xb8;
	[tilespmem:$0x18800] =	vst v63  }
0x51d: {  	s14 =	simm.s32 $0x11000  }
0x51e: {  	[hbm4b:s4+s2] =	stream.indirect_vreg.scatter [tilespmem:s14], [sflag:$0x4], $0x80, v3, vm0, $0xb8;
	[tilespmem:$0x18800] =	vst v63  }
0x51f: {  	s18 =	simm.s32 $0x11800  }
0x520: {  	[hbm4b:s5+s2] =	stream.indirect_vreg.scatter [tilespmem:s18], [sflag:$0x4], $0x80, v3, vm0, $0xb8;
	[tilespmem:$0x18800] =	vst v63  }
0x521: {  	s29 =	simm.s32 $0x12000  }
0x522: {  	[hbm4b:s6+s2] =	stream.indirect_vreg.scatter [tilespmem:s29], [sflag:$0x4], $0x80, v3, vm0, $0xb8;
	[tilespmem:$0x18800] =	vst v63  }
0x523: {  	v3 =	vld [tilespmem:$0x7A0];
	_ =	sdelay $0x4  }
0x524: {  	v62 =	vshrl.u32 v3, $0x3  }
0x525: {  	v4 =	vmul.u32 $0x30, v62  }
0x526: {  	v3 =	vand.u32 $0x7, v3  }
0x527: {  	v3 =	vor.u32 v3, v4  }
0x528: {  	v4 =	vperm.xlane v3, v0;
	_ =	sdelay $0x1  }
0x529: {  	v4 =	vadd.s32 v1, v4;
	_ =	sdelay $0x3  }
0x52a: {  	s30 =	simm.s32 $0x12800;
	v3 =	vperm.xlane v3, v2  }
0x52b: {  	[hbm4b:s4+s2] =	stream.indirect_vreg.scatter [tilespmem:s30], [sflag:$0x4], $0x80, v4, vm0, $0xb8;
	[tilespmem:$0x18800] =	vst v63  }
0x52c: {  	s19 =	simm.s32 $0x13000;
	v3 =	vadd.s32 v1, v3  }
0x52d: {  	[hbm4b:s5+s2] =	stream.indirect_vreg.scatter [tilespmem:s19], [sflag:$0x4], $0x80, v4, vm0, $0xb8;
	[tilespmem:$0x18800] =	vst v63  }
0x52e: {  	s21 =	simm.s32 $0x13800  }
0x52f: {  	[hbm4b:s6+s2] =	stream.indirect_vreg.scatter [tilespmem:s21], [sflag:$0x4], $0x80, v4, vm0, $0xb8;
	[tilespmem:$0x18800] =	vst v63  }
0x530: {  	s22 =	simm.s32 $0x14000  }
0x531: {  	[hbm4b:s4+s2] =	stream.indirect_vreg.scatter [tilespmem:s22], [sflag:$0x4], $0x80, v3, vm0, $0xb8;
	[tilespmem:$0x18800] =	vst v63  }
0x532: {  	s23 =	simm.s32 $0x14800  }
0x533: {  	[hbm4b:s5+s2] =	stream.indirect_vreg.scatter [tilespmem:s23], [sflag:$0x4], $0x80, v3, vm0, $0xb8;
	[tilespmem:$0x18800] =	vst v63  }
0x534: {  	s31 =	simm.s32 $0x15000  }
0x535: {  	[hbm4b:s6+s2] =	stream.indirect_vreg.scatter [tilespmem:s31], [sflag:$0x4], $0x80, v3, vm0, $0xb8;
	[tilespmem:$0x18800] =	vst v63  }
0x536: {  	v3 =	vld [tilespmem:$0x7B0];
	_ =	sdelay $0x4  }
0x537: {  	v63 =	vshrl.u32 v3, $0x3  }
0x538: {  	v4 =	vmul.u32 $0x30, v63  }
0x539: {  	v3 =	vand.u32 $0x7, v3  }
0x53a: {  	v3 =	vor.u32 v3, v4  }
0x53b: {  	v4 =	vperm.xlane v3, v0;
	_ =	sdelay $0x1  }
0x53c: {  	v4 =	vadd.s32 v1, v4;
	_ =	sdelay $0x3  }
0x53d: {  	s29 =	simm.s32 $0x15800;
	v3 =	vperm.xlane v3, v2  }
0x53e: {  	[hbm4b:s4+s2] =	stream.indirect_vreg.scatter [tilespmem:s29], [sflag:$0x4], $0x80, v4, vm0, $0xb8;
	[tilespmem:$0x18800] =	vst v63  }
0x53f: {  	s30 =	simm.s32 $0x16000;
	v3 =	vadd.s32 v1, v3  }
0x540: {  	[hbm4b:s5+s2] =	stream.indirect_vreg.scatter [tilespmem:s30], [sflag:$0x4], $0x80, v4, vm0, $0xb8;
	[tilespmem:$0x18800] =	vst v63  }
0x541: {  	s24 =	simm.s32 $0x16800  }
0x542: {  	[hbm4b:s6+s2] =	stream.indirect_vreg.scatter [tilespmem:s24], [sflag:$0x4], $0x80, v4, vm0, $0xb8;
	[tilespmem:$0x18800] =	vst v63  }
0x543: {  	s25 =	simm.s32 $0x17000  }
0x544: {  	[hbm4b:s4+s2] =	stream.indirect_vreg.scatter [tilespmem:s25], [sflag:$0x4], $0x80, v3, vm0, $0xb8;
	[tilespmem:$0x18800] =	vst v63  }
0x545: {  	s26 =	simm.s32 $0x17800  }
0x546: {  	[hbm4b:s5+s2] =	stream.indirect_vreg.scatter [tilespmem:s26], [sflag:$0x4], $0x80, v3, vm0, $0xb8;
	[tilespmem:$0x18800] =	vst v63  }
0x547: {  	s31 =	simm.s32 $0x18000  }
0x548: {  	[hbm4b:s6+s2] =	stream.indirect_vreg.scatter [tilespmem:s31], [sflag:$0x4], $0x80, v3, vm0, $0xb8;
	[tilespmem:$0x18800] =	vst v63  }
0x549: {  	p0 =	sne.s32 s0, $0x1;
	_ =	swait.ge [sflag:s16], $0xC000  }
.Ltmp0:
0x54a: {  	[sflag:s16] =	ssyncset.done $0x0;
	(pc) =	sbr.rel @p0 .LBB2_1-.Ltmp0, $4  }
0x54b: {  	[sflag:s16] =	ssyncadd.s32 $0xFFFF4000  }
0x54c: {  	_ =	swait.ge [sflag:s12], $0xC000  }
0x54d: {  	[sflag:s12] =	ssyncset.done $0x0  }
0x54e: {  	s0 =	sadd.s32 $0xFFFFFFFF, s0;
	[sflag:s12] =	ssyncadd.s32 $0xFFFF4000  }
0x54f: {  	_ =	sfence.sel $0x180000  }
0x550: {  	[bflag:$0x0] =	sbarrier.arrive $0xFFFF  }
0x551: {  	_ =	strace $0x90000047  }
0x552: {  	s0 =	stileid.u32;
	[bflag:$0x2] =	sbarrier.arrive $0xFFFF  }
0x553: {  	p0 =	sne.s32 s0, $0x0;
	s0 =	rddreg [dreg:$0x2]  }
0x554: {  	s0 =	sadd.s32 @!p0 $0x100000, s0  }
0x555: {  	[sflag:s0] =	ssyncadd.tile.s32 @!p0 $0x1;
	_ =	shalt  }
.Lfunc_end2:
_tile_overlayer_lowered:
.L_overlay_start_2:
0x556: {  	(tag) =	ssettag $0x2  }
0x557: {  	s0 =	rddreg [dreg:$0x0];
	s2 =	stileid.u32  }
0x558: {  	s1 =	rddreg [dreg:$0x1];
	p0 =	sne.s32 s2, $0x0  }
0x559: {  	s3 =	rddreg [dreg:$0x2];
	[bflag:$0x3] =	sbarrier.arrive $0xFFFF;
	s2 =	simm.s32 @!p0 $0x1C05  }
0x55a: {  	[timem:s3], [sflag:s2] =	dma.local @!p0 [hbm:s0], s1  }
0x55b: {  	s0 =	simm.s32 @!p0 $0x5  }
0x55c: {  	_ =	swait.ge @!p0 [sflag:s0], s1  }
0x55d: {  	s1 =	ssub.s32 @!p0 $0x0, s1;
	[sflag:s0] =	ssyncset.done @!p0 $0x0  }
0x55e: {  	[sflag:s0] =	ssyncadd.s32 @!p0 s1  }
0x55f: {  	[bflag:$0x3] =	sbarrier.arrive $0xFFFF  }
0x560: {  	_ =	shalt  }

// kernel: kernel.8.cloned.1.call-start
scs
__scs_entry_jumppad:
0x0: {  	(pc) =	sbr.rel $0x88, $3  }
0x1: {  	(tag) =	ssettag $0x0;
	lr =	simm.s32 $0x1  }
0x2: {  	[smem:$0x3F5B] =	sst lr;
	_ =	strace $0xD0000000  }
0x3: {  	_ = 	snop  }
0x4: {  	_ = 	snop  }
0x5: {  	_ = 	snop  }
0x6: {  	_ = 	snop  }
0x7: {  	_ = 	snop  }
__scs_overlays_trampoline_lowered:
0x8: {  	[smem:$0x3F6A] =	sst s0  }
0x9: {  	[smem:$0x3F6B] =	sst s1  }
0xa: {  	[smem:$0x3F6C] =	sst s2  }
0xb: {  	[smem:$0x3F6D] =	sst s3  }
0xc: {  	[smem:$0x3F6E] =	sst s4  }
0xd: {  	[smem:$0x3F6F] =	sst s5  }
0xe: {  	[smem:$0x3F70] =	sst s6  }
0xf: {  	[smem:$0x3F71] =	sst s7  }
0x10: {  	[smem:$0x3F72] =	sst s8  }
0x11: {  	[smem:$0x3F73] =	sst s9;
	s0 =	simm.s32 @!p0 $0x0  }
0x12: {  	s1 =	sld [smem:$0x3F59];
	s0 =	simm.s32 @p0 $0x1  }
0x13: {  	[smem:$0x3F74] =	sst s0;
	s0 =	simm.s32 @!p1 $0x0  }
0x14: {  	s2 =	sld [smem:$0x3F58];
	s0 =	simm.s32 @p1 $0x1  }
0x15: {  	[smem:$0x3F75] =	sst s0;
	s0 =	simm.s32 @!p2 $0x0  }
0x16: {  	s3 =	sld [smem:$0x3FDB];
	s0 =	simm.s32 @p2 $0x1  }
0x17: {  	s4 =	simm.s32 $0x1BF5;
	[smem:$0x3F77] =	sst s0  }
0x18: {  	s0 =	sld [smem:$0x3F5A];
	_ =	swait.ge [sflag:s4], $0x0  }
0x19: {  	s7 =	sld [smem:$0x3F5B]  }
0x1a: {  	s8 =	sadd.s32 $0xFFFFE003, lr  }
0x1b: {  	s9 =	sadd.s32 $0xFFFFFEF7, lr;
	s5 =	simm.s32 $0xFFFFFFFF;
	p2 =	slt.u32 s8, $0xFFFFF086  }
0x1c: {  	p1 =	slt.u32 s9, $0xF7A;
	s5 =	simm.s32 @!p2 $0x0  }
0x1d: {  	s5 =	simm.s32 @p1 $0x1;
	p0 =	seq.s32 s7, s2  }
0x1e: {  	s7 =	smul.u32 @!p0 $0xF7A, s2;
	p2 =	seq.s32 @!p0 s5, $0x0  }
0x1f: {  	s9 =	smul.u32 $0xF7A, s1;
	s8 =	simm.s32 @!p0 $0x1BF5;
	p2 =	por !p2, p0  }
0x20: {  	[sflag:s8] =	ssyncset.s32 @!p0 $0xFFFFF086;
	s6 =	sadd.s32 @!p0 s3, s7;
	s7 =	simm.s32 @!p0 $0x108  }
0x21: {  	s3 =	sadd.s32 s3, s9;
	s6 =	sadd.s32 @!p0 $0x88, s6;
	s7 =	simm.s32 @p2 $0x1082  }
0x22: {  	[simem:s7], [sflag:s8] =	dma.local @!p0 [hbm:s6], $0xF7A  }
0x23: {  	s9 =	sor.u32 $0xD0000000, s2;
	s6 =	simm.s32 $0x108;
	_ =	swait.ge @!p0 [sflag:s8], $0x0  }
0x24: {  	s3 =	sadd.s32 $0x88, s3;
	s6 =	simm.s32 @!p1 $0x1082;
	[sflag:s4] =	ssyncset.s32 $0xFFFFF086  }
0x25: {  	[simem:s6], [sflag:s4] =	dma.local [hbm:s3], $0xF7A  }
0x26: {  	[smem:$0x3F5B] =	sst s1;
	(tag) =	ssettag s2;
	_ =	strace s9  }
0x27: {  	s1 =	sld [smem:$0x3F6B]  }
0x28: {  	s2 =	sld [smem:$0x3F6C]  }
0x29: {  	s4 =	sld [smem:$0x3F6E]  }
0x2a: {  	p0 =	seq.s32 s5, $0x0;
	s5 =	sld [smem:$0x3F6F]  }
0x2b: {  	s6 =	sld [smem:$0x3F70]  }
0x2c: {  	s7 =	sld [smem:$0x3F71]  }
0x2d: {  	s3 =	simm.s32 $0x108;
	s8 =	sld [smem:$0x3F72]  }
0x2e: {  	s3 =	simm.s32 @!p0 $0x1082;
	s9 =	sld [smem:$0x3F73]  }
0x2f: {  	lr =	sadd.s32 s0, s3;
	s0 =	sld [smem:$0x3F6A]  }
0x30: {  	s3 =	sld [smem:$0x3F6D]  }
0x31: {  	[smem:$0x3F76] =	sst s10  }
0x32: {  	s10 =	sld [smem:$0x3F74];
	_ =	sdelay $0x3  }
0x33: {  	p0 =	seq.s32 s10, $0x1;
	s10 =	sld [smem:$0x3F76];
	_ =	sdelay $0x3  }
0x34: {  	[smem:$0x3F76] =	sst s10  }
0x35: {  	s10 =	sld [smem:$0x3F75];
	_ =	sdelay $0x3  }
0x36: {  	p1 =	seq.s32 s10, $0x1;
	s10 =	sld [smem:$0x3F76];
	_ =	sdelay $0x3  }
0x37: {  	[smem:$0x3F76] =	sst s10  }
0x38: {  	s10 =	sld [smem:$0x3F77]  }
0x39: {  	_ = 	snop;
	(pc) =	sbr.ind lr, $3  }
0x3a: {  	_ = 	snop  }
0x3b: {  	_ = 	snop  }
0x3c: {  	p2 =	seq.s32 s10, $0x1;
	s10 =	sld [smem:$0x3F76]  }
0x3d: {  	_ =	shalt  }
0x3e: {  	_ =	shalt  }
0x3f: {  	_ =	shalt  }
0x40: {  	_ =	shalt  }
0x41: {  	_ =	shalt  }
0x42: {  	_ =	shalt  }
0x43: {  	_ =	shalt  }
0x44: {  	_ =	shalt  }
0x45: {  	_ =	shalt  }
0x46: {  	_ =	shalt  }
0x47: {  	_ =	shalt  }
0x48: {  	_ =	shalt  }
0x49: {  	_ =	shalt  }
0x4a: {  	_ =	shalt  }
0x4b: {  	_ =	shalt  }
0x4c: {  	_ =	shalt  }
0x4d: {  	_ =	shalt  }
0x4e: {  	_ =	shalt  }
0x4f: {  	_ =	shalt  }
0x50: {  	_ =	shalt  }
0x51: {  	_ =	shalt  }
0x52: {  	_ =	shalt  }
0x53: {  	_ =	shalt  }
0x54: {  	_ =	shalt  }
0x55: {  	_ =	shalt  }
0x56: {  	_ =	shalt  }
0x57: {  	_ =	shalt  }
0x58: {  	_ =	shalt  }
0x59: {  	_ =	shalt  }
0x5a: {  	_ =	shalt  }
0x5b: {  	_ =	shalt  }
0x5c: {  	_ =	shalt  }
0x5d: {  	_ =	shalt  }
0x5e: {  	_ =	shalt  }
0x5f: {  	_ =	shalt  }
0x60: {  	_ =	shalt  }
0x61: {  	_ =	shalt  }
0x62: {  	_ =	shalt  }
0x63: {  	_ =	shalt  }
0x64: {  	_ =	shalt  }
0x65: {  	_ =	shalt  }
0x66: {  	_ =	shalt  }
0x67: {  	_ =	shalt  }
0x68: {  	_ =	shalt  }
0x69: {  	_ =	shalt  }
0x6a: {  	_ =	shalt  }
0x6b: {  	_ =	shalt  }
0x6c: {  	_ =	shalt  }
0x6d: {  	_ =	shalt  }
0x6e: {  	_ =	shalt  }
0x6f: {  	_ =	shalt  }
0x70: {  	_ =	shalt  }
0x71: {  	_ =	shalt  }
0x72: {  	_ =	shalt  }
0x73: {  	_ =	shalt  }
0x74: {  	_ =	shalt  }
0x75: {  	_ =	shalt  }
0x76: {  	_ =	shalt  }
0x77: {  	_ =	shalt  }
0x78: {  	_ =	shalt  }
0x79: {  	_ =	shalt  }
0x7a: {  	_ =	shalt  }
0x7b: {  	_ =	shalt  }
0x7c: {  	_ =	shalt  }
0x7d: {  	_ =	shalt  }
0x7e: {  	_ =	shalt  }
0x7f: {  	_ =	shalt  }
0x80: {  	_ =	shalt  }
0x81: {  	_ =	shalt  }
0x82: {  	_ =	shalt  }
0x83: {  	_ =	shalt  }
0x84: {  	_ =	shalt  }
0x85: {  	_ =	shalt  }
0x86: {  	_ =	shalt  }
0x87: {  	_ =	shalt  }
.Lfunc_end0:
.L_simem_size_0:
called_computation.1_lowered:
.L_overlay_start_0:
0x88: {  	s2 =	sld [smem:$0x3FD9]  }
0x89: {  	s3 =	sld [smem:$0x3FFE];
	_ =	sdelay $0x1  }
0x8a: {  	s1 =	srdreg.scid  }
0x8b: {  	s0 =	sand.u32 $0x1, s1  }
0x8c: {  	s17 =	sshll.u32 s0, $0xA;
	s2 =	sadd.s32 s3, s2  }
0x8d: {  	s2 =	sadd.s32 s2, s17  }
0x8e: {  	[smem:$0x3F82] =	sst s2  }
0x8f: {  	_ = 	snop  }
0x90: {  	s2 =	sld [smem:$0x3FD0];
	(tm) =	ssettm $0x1  }
0x91: {  	s18 =	sld [smem:$0x3FFB];
	_ =	sdelay $0x3  }
0x92: {  	_ =	strace s18  }
0x93: {  	s3 =	sld [smem:$0x3FFC];
	_ =	sdelay $0x3  }
0x94: {  	_ =	strace s3  }
0x95: {  	s3 =	sld [smem:$0x3FFD];
	_ =	sdelay $0x3  }
0x96: {  	_ =	strace s3  }
0x97: {  	_ =	strace $0x8FFFFFFF  }
0x98: {  	s19 =	sld [smem:$0x3FDB];
	_ =	sdelay $0x1  }
0x99: {  	s4 =	simm.s32 $_scs_section_size  }
0x9a: {  	s5 =	simm.s32 $_size__tile_overlayer_lowered;
	s6 =	simm.s32 $_tile_overlayer_lowered  }
0x9b: {  	s22 =	simm.s32 $0x1BFF;
	s21 =	sshll.u32 s6, $0x1;
	s3 =	sadd.s32 s4, s19  }
0x9c: {  	s7 =	simm.s32 $0x0;
	s20 =	sshll.u32 s5, $0x1;
	s5 =	sadd.s32 s21, s3  }
0x9d: {  	[timem:s7], [sflag:s22] =	dma.local [hbm:s5], s20  }
0x9e: {  	_ =	swait.ge [sflag:s22], s20  }
0x9f: {  	s4 =	ssub.s32 $0x0, s20;
	[sflag:s22] =	ssyncset.done $0x0  }
0xa0: {  	[sflag:s22] =	ssyncadd.s32 s4;
	_ =	sdelay $0x1  }
0xa1: {  	s23 =	simm.s32 $0x1B8B  }
0xa2: {  	_ =	swait.ge [sflag:s23], $0x1  }
0xa3: {  	[sflag:s23] =	ssyncset.done $0x0  }
0xa4: {  	s25 =	simm.s32 $0x1B8E;
	s24 =	sld [smem:$0x3FFE];
	[sflag:s23] =	ssyncadd.s32 $0xFFFFFFFF  }
0xa5: {  	s26 =	simm.s32 $execute0_lowered;
	[smem:$0x3FD2] =	sst s25  }
0xa6: {  	s5 =	sshll.u32 s26, $0x1;
	_ =	strace $0x80000049;
	[dreg:$0x1] =	wrdreg $0xFFFFFFFF  }
0xa7: {  	s28 =	simm.s32 $_size_execute0_lowered;
	s3 =	sadd.s32 s3, s5;
	[dreg:$0x0] =	wrdreg $0x0  }
0xa8: {  	s5 =	sshll.u32 s28, $0x1;
	[dreg:$0x2] =	wrdreg s3  }
0xa9: {  	[dreg:$0x3] =	wrdreg s5  }
0xaa: {  	[dreg:$0x4] =	wrdreg $0xC0  }
0xab: {  	_ =	task [dreg:s7], $0x5FFFF  }
0xac: {  	[dreg:$0x1] =	wrdreg $0xFFFFFFFF  }
0xad: {  	[dreg:$0x0] =	wrdreg $0x60  }
0xae: {  	[dreg:$0x2] =	wrdreg s24  }
0xaf: {  	[dreg:$0x3] =	wrdreg s2  }
0xb0: {  	[dreg:$0x4] =	wrdreg $0x9  }
0xb1: {  	_ =	task.clear_ibuf [dreg:s7], $0x5FFFF;
	_ =	strace $0x90000049  }
0xb2: {  	s29 =	simm.s32 $0x9;
	_ =	strace $0x8000004B  }
0xb3: {  	_ =	swait.ge [sflag:s29], $0x1  }
0xb4: {  	[sflag:s29] =	ssyncadd.s32 $0xFFFFFFFF  }
0xb5: {  	_ =	strace $0x9000004B  }
0xb6: {  	_ =	sfence  }
0xb7: {  	s30 =	sld [smem:$0x0];
	_ =	sdelay $0x2  }
0xb8: {  	s31 =	sshll.u32 s1, $0xD;
	s1 =	sshrl.u32 s1, $0x2  }
0xb9: {  	s3 =	sand.u32 $0x4000, s31;
	s1 =	sadd.s32 s1, s30  }
0xba: {  	s0 =	sor.u32 s3, s0;
	s1 =	sshll.u32 s1, $0x11  }
0xbb: {  	s0 =	sor.u32 s1, s0  }
0xbc: {  	s0 =	sadd.s32 $0x8F2B, s0  }
0xbd: {  	[sflag:s0] =	ssyncadd.remote.s32 $0x1  }
0xbe: {  	_ =	sfence.sel $0xFFFF  }
0xbf: {  	[dreg:$0x0] =	wrdreg $0xFFFFFFFF;
	(pc) =	sbr.abs _section_cstart, $3  }
0xc0: {  	[dreg:$0x1] =	wrdreg $0xFFFFFFFF  }
0xc1: {  	_ =	task.clear_ibuf [dreg:s7], $0x2FFFF;
	_ =	strace $0x9FFFFFFF  }
0xc2: {  	(tm) =	ssettm $0x7FFFFFFF  }
0xc3: {  	_ =	shalt  }
tec
execute0_lowered:
.L_overlay_start_1:
0x0: {  	(tag) =	ssettag $0x1  }
0x1: {  	s0 =	srdreg.scid  }
0x2: {  	s2 =	stileid.u32;
	s1 =	rddreg [dreg:$0x0];
	s0 =	sand.u32 $0x1, s0  }
0x3: {  	s4 =	rddreg [dreg:$0x1];
	s2 =	sshll.u32 s2, $0xB;
	s3 =	sshll.u32 s0, $0xA  }
0x4: {  	s22 =	simm.s32 $0x400;
	s23 =	simm.s32 $0x8400;
	s3 =	sor.u32 s3, s2  }
0x5: {  	s2 =	simm.s32 $0x0;
	s5 =	sshrl.u32 s3, $0x3;
	s3 =	sshll.u32 s3, $0x5  }
0x6: {  	[smem:$0x7FF] =	sst s2;
	s5 =	sadd.s32 s5, s1;
	s6 =	sadd.s32 s4, s3  }
0x7: {  	_ =	strace $0x8000004A;
	s5 =	sadd.s32 $0x6000, s5;
	[dreg:$0xb] =	wrdreg s6  }
0x8: {  	s12 =	simm.s32 $0x1;
	s3 =	sadd.s32 $0x1000, s6;
	[dreg:$0x3] =	wrdreg s5  }
0x9: {  	s13 =	simm.s32 $0x3;
	s24 =	sadd.s32 $0x2000, s6;
	[dreg:$0x4] =	wrdreg s3  }
0xa: {  	s14 =	simm.s32 $0x2;
	s25 =	sadd.s32 $0x3000, s6;
	[dreg:$0x5] =	wrdreg s24  }
0xb: {  	s15 =	simm.s32 $0x4;
	s26 =	sadd.s32 $0x4000, s6;
	[dreg:$0x6] =	wrdreg s25  }
0xc: {  	s0 =	ssub.s32 $0x2, s0;
	s28 =	sadd.s32 $0x5000, s6;
	[dreg:$0x7] =	wrdreg s26  }
0xd: {  	v2 =	vlaneseq.u32;
	s29 =	sshrl.u32 s0, $0x1;
	s30 =	sadd.s32 $0x6000, s6;
	[dreg:$0x8] =	wrdreg s28  }
0xe: {  	vm0 =	vmmov $0xffff;
	v1 =	vshrl.u32 v2, $0x3;
	s0 =	ssub.s32 s0, s29;
	s31 =	sadd.s32 $0x7000, s6;
	[dreg:$0x9] =	wrdreg s30  }
0xf: {  	v0 =	vand.u32 $0x7, v2;
	v2 =	vor.u32 $0x8, v2;
	v1 =	vmul.u32 $0x8, v1;
	s4 =	sadd.s32 $0x369000, s1;
	[dreg:$0xa] =	wrdreg s31;
	s5 =	smax.u32 s0, $0x1  }
.LBB2_1:
0x10: {  	s16 =	rddreg [dreg:$0x3];
	s30 =	simm.s32 $0x5  }
0x11: {  	[tilespmem:s2], [sflag:$0x5] =	stream.linear.gather [hbm4b:s16+s2], $0x400, $0x38;
	[tilespmem:$0x10400] =	vst v63  }
0x12: {  	_ =	swait.ge [sflag:s30], $0x400  }
0x13: {  	[sflag:s30] =	ssyncset.done $0x0  }
0x14: {  	[sflag:s30] =	ssyncadd.s32 $0xFFFFFC00  }
0x15: {  	v3 =	vld [tilespmem:$0x0];
	_ =	sdelay $0x4  }
0x16: {  	v4 =	vshll.u32 v3, $0x1  }
0x17: {  	v3 =	vand.u32 $0x7, v3;
	v4 =	vand.u32 $0xFFFFFFF0, v4  }
0x18: {  	v3 =	vor.u32 v3, v4  }
0x19: {  	v4 =	vperm.xlane v3, v0;
	_ =	sdelay $0x1  }
0x1a: {  	v3 =	vperm.xlane v3, v2;
	v4 =	vadd.s32 v1, v4;
	_ =	sdelay $0x1  }
0x1b: {  	v3 =	vadd.s32 v1, v3;
	_ =	sdelay $0x2  }
0x1c: {  	[tilespmem:s22], [sflag:$0x1] =	stream.indirect_vreg.gather [hbm4b:s4+s2], $0x80, v4, vm0, $0xb8;
	[tilespmem:$0x10400] =	vst v63  }
0x1d: {  	s0 =	simm.s32 $0xC00  }
0x1e: {  	[tilespmem:s0], [sflag:$0x1] =	stream.indirect_vreg.gather [hbm4b:s4+s2], $0x80, v3, vm0, $0xb8;
	[tilespmem:$0x10400] =	vst v63  }
0x1f: {  	v3 =	vld [tilespmem:$0x10];
	_ =	sdelay $0x4  }
0x20: {  	v57 =	vshll.u32 v3, $0x1  }
0x21: {  	v3 =	vand.u32 $0x7, v3;
	v4 =	vand.u32 $0xFFFFFFF0, v57  }
0x22: {  	v3 =	vor.u32 v3, v4  }
0x23: {  	v4 =	vperm.xlane v3, v0;
	_ =	sdelay $0x1  }
0x24: {  	v3 =	vperm.xlane v3, v2;
	v4 =	vadd.s32 v1, v4;
	_ =	sdelay $0x1  }
0x25: {  	v3 =	vadd.s32 v1, v3;
	_ =	sdelay $0x1  }
0x26: {  	s31 =	simm.s32 $0x1400  }
0x27: {  	[tilespmem:s31], [sflag:$0x1] =	stream.indirect_vreg.gather [hbm4b:s4+s2], $0x80, v4, vm0, $0xb8;
	[tilespmem:$0x10400] =	vst v63  }
0x28: {  	s1 =	simm.s32 $0x1C00  }
0x29: {  	[tilespmem:s1], [sflag:$0x1] =	stream.indirect_vreg.gather [hbm4b:s4+s2], $0x80, v3, vm0, $0xb8;
	[tilespmem:$0x10400] =	vst v63  }
0x2a: {  	v3 =	vld [tilespmem:$0x20];
	_ =	sdelay $0x4  }
0x2b: {  	v58 =	vshll.u32 v3, $0x1  }
0x2c: {  	v3 =	vand.u32 $0x7, v3;
	v4 =	vand.u32 $0xFFFFFFF0, v58  }
0x2d: {  	v3 =	vor.u32 v3, v4  }
0x2e: {  	v4 =	vperm.xlane v3, v0;
	_ =	sdelay $0x1  }
0x2f: {  	v3 =	vperm.xlane v3, v2;
	v4 =	vadd.s32 v1, v4;
	_ =	sdelay $0x1  }
0x30: {  	v3 =	vadd.s32 v1, v3;
	_ =	sdelay $0x1  }
0x31: {  	s6 =	simm.s32 $0x2400  }
0x32: {  	[tilespmem:s6], [sflag:$0x1] =	stream.indirect_vreg.gather [hbm4b:s4+s2], $0x80, v4, vm0, $0xb8;
	[tilespmem:$0x10400] =	vst v63  }
0x33: {  	s8 =	simm.s32 $0x2C00  }
0x34: {  	[tilespmem:s8], [sflag:$0x1] =	stream.indirect_vreg.gather [hbm4b:s4+s2], $0x80, v3, vm0, $0xb8;
	[tilespmem:$0x10400] =	vst v63  }
0x35: {  	v3 =	vld [tilespmem:$0x30];
	_ =	sdelay $0x4  }
0x36: {  	v59 =	vshll.u32 v3, $0x1  }
0x37: {  	v3 =	vand.u32 $0x7, v3;
	v4 =	vand.u32 $0xFFFFFFF0, v59  }
0x38: {  	v3 =	vor.u32 v3, v4  }
0x39: {  	v4 =	vperm.xlane v3, v0;
	_ =	sdelay $0x1  }
0x3a: {  	v3 =	vperm.xlane v3, v2;
	v4 =	vadd.s32 v1, v4;
	_ =	sdelay $0x1  }
0x3b: {  	v3 =	vadd.s32 v1, v3;
	_ =	sdelay $0x1  }
0x3c: {  	s9 =	simm.s32 $0x3400  }
0x3d: {  	[tilespmem:s9], [sflag:$0x1] =	stream.indirect_vreg.gather [hbm4b:s4+s2], $0x80, v4, vm0, $0xb8;
	[tilespmem:$0x10400] =	vst v63  }
0x3e: {  	s10 =	simm.s32 $0x3C00  }
0x3f: {  	[tilespmem:s10], [sflag:$0x1] =	stream.indirect_vreg.gather [hbm4b:s4+s2], $0x80, v3, vm0, $0xb8;
	[tilespmem:$0x10400] =	vst v63  }
0x40: {  	v3 =	vld [tilespmem:$0x40];
	_ =	sdelay $0x4  }
0x41: {  	v60 =	vshll.u32 v3, $0x1  }
0x42: {  	v3 =	vand.u32 $0x7, v3;
	v4 =	vand.u32 $0xFFFFFFF0, v60  }
0x43: {  	v3 =	vor.u32 v3, v4  }
0x44: {  	v4 =	vperm.xlane v3, v0;
	_ =	sdelay $0x1  }
0x45: {  	v3 =	vperm.xlane v3, v2;
	v4 =	vadd.s32 v1, v4;
	_ =	sdelay $0x1  }
0x46: {  	v3 =	vadd.s32 v1, v3;
	_ =	sdelay $0x1  }
0x47: {  	s11 =	simm.s32 $0x4400  }
0x48: {  	[tilespmem:s11], [sflag:$0x1] =	stream.indirect_vreg.gather [hbm4b:s4+s2], $0x80, v4, vm0, $0xb8;
	[tilespmem:$0x10400] =	vst v63  }
0x49: {  	s16 =	simm.s32 $0x4C00  }
0x4a: {  	[tilespmem:s16], [sflag:$0x1] =	stream.indirect_vreg.gather [hbm4b:s4+s2], $0x80, v3, vm0, $0xb8;
	[tilespmem:$0x10400] =	vst v63  }
0x4b: {  	v3 =	vld [tilespmem:$0x50];
	_ =	sdelay $0x4  }
0x4c: {  	v61 =	vshll.u32 v3, $0x1  }
0x4d: {  	v3 =	vand.u32 $0x7, v3;
	v4 =	vand.u32 $0xFFFFFFF0, v61  }
0x4e: {  	v3 =	vor.u32 v3, v4  }
0x4f: {  	v4 =	vperm.xlane v3, v0;
	_ =	sdelay $0x1  }
0x50: {  	v3 =	vperm.xlane v3, v2;
	v4 =	vadd.s32 v1, v4;
	_ =	sdelay $0x1  }
0x51: {  	v3 =	vadd.s32 v1, v3;
	_ =	sdelay $0x1  }
0x52: {  	s17 =	simm.s32 $0x5400  }
0x53: {  	[tilespmem:s17], [sflag:$0x1] =	stream.indirect_vreg.gather [hbm4b:s4+s2], $0x80, v4, vm0, $0xb8;
	[tilespmem:$0x10400] =	vst v63  }
0x54: {  	s18 =	simm.s32 $0x5C00  }
0x55: {  	[tilespmem:s18], [sflag:$0x1] =	stream.indirect_vreg.gather [hbm4b:s4+s2], $0x80, v3, vm0, $0xb8;
	[tilespmem:$0x10400] =	vst v63  }
0x56: {  	v3 =	vld [tilespmem:$0x60];
	_ =	sdelay $0x4  }
0x57: {  	v62 =	vshll.u32 v3, $0x1  }
0x58: {  	v3 =	vand.u32 $0x7, v3;
	v4 =	vand.u32 $0xFFFFFFF0, v62  }
0x59: {  	v3 =	vor.u32 v3, v4  }
0x5a: {  	v4 =	vperm.xlane v3, v0;
	_ =	sdelay $0x1  }
0x5b: {  	v3 =	vperm.xlane v3, v2;
	v4 =	vadd.s32 v1, v4;
	_ =	sdelay $0x1  }
0x5c: {  	v3 =	vadd.s32 v1, v3;
	_ =	sdelay $0x1  }
0x5d: {  	s19 =	simm.s32 $0x6400  }
0x5e: {  	[tilespmem:s19], [sflag:$0x1] =	stream.indirect_vreg.gather [hbm4b:s4+s2], $0x80, v4, vm0, $0xb8;
	[tilespmem:$0x10400] =	vst v63  }
0x5f: {  	s20 =	simm.s32 $0x6C00  }
0x60: {  	[tilespmem:s20], [sflag:$0x1] =	stream.indirect_vreg.gather [hbm4b:s4+s2], $0x80, v3, vm0, $0xb8;
	[tilespmem:$0x10400] =	vst v63  }
0x61: {  	v3 =	vld [tilespmem:$0x70];
	_ =	sdelay $0x4  }
0x62: {  	v63 =	vshll.u32 v3, $0x1  }
0x63: {  	v3 =	vand.u32 $0x7, v3;
	v4 =	vand.u32 $0xFFFFFFF0, v63  }
0x64: {  	v3 =	vor.u32 v3, v4  }
0x65: {  	v4 =	vperm.xlane v3, v0;
	_ =	sdelay $0x1  }
0x66: {  	v3 =	vperm.xlane v3, v2;
	v4 =	vadd.s32 v1, v4;
	_ =	sdelay $0x1  }
0x67: {  	v3 =	vadd.s32 v1, v3;
	_ =	sdelay $0x1  }
0x68: {  	s21 =	simm.s32 $0x7400  }
0x69: {  	[tilespmem:s21], [sflag:$0x1] =	stream.indirect_vreg.gather [hbm4b:s4+s2], $0x80, v4, vm0, $0xb8;
	[tilespmem:$0x10400] =	vst v63  }
0x6a: {  	s24 =	simm.s32 $0x7C00  }
0x6b: {  	[tilespmem:s24], [sflag:$0x1] =	stream.indirect_vreg.gather [hbm4b:s4+s2], $0x80, v3, vm0, $0xb8;
	[tilespmem:$0x10400] =	vst v63  }
0x6c: {  	v3 =	vld [tilespmem:$0x80];
	_ =	sdelay $0x4  }
0x6d: {  	v8 =	vshll.u32 v3, $0x1  }
0x6e: {  	v3 =	vand.u32 $0x7, v3;
	v4 =	vand.u32 $0xFFFFFFF0, v8  }
0x6f: {  	v3 =	vor.u32 v3, v4  }
0x70: {  	v4 =	vperm.xlane v3, v0;
	_ =	sdelay $0x1  }
0x71: {  	v3 =	vperm.xlane v3, v2;
	v4 =	vadd.s32 v1, v4;
	_ =	sdelay $0x1  }
0x72: {  	v3 =	vadd.s32 v1, v3;
	_ =	sdelay $0x2  }
0x73: {  	[tilespmem:s23], [sflag:$0x2] =	stream.indirect_vreg.gather [hbm4b:s4+s2], $0x80, v4, vm0, $0xb8;
	[tilespmem:$0x10400] =	vst v63  }
0x74: {  	s25 =	simm.s32 $0x8C00  }
0x75: {  	[tilespmem:s25], [sflag:$0x2] =	stream.indirect_vreg.gather [hbm4b:s4+s2], $0x80, v3, vm0, $0xb8;
	[tilespmem:$0x10400] =	vst v63  }
0x76: {  	v3 =	vld [tilespmem:$0x90];
	_ =	sdelay $0x4  }
0x77: {  	v9 =	vshll.u32 v3, $0x1  }
0x78: {  	v3 =	vand.u32 $0x7, v3;
	v4 =	vand.u32 $0xFFFFFFF0, v9  }
0x79: {  	v3 =	vor.u32 v3, v4  }
0x7a: {  	v4 =	vperm.xlane v3, v0;
	_ =	sdelay $0x1  }
0x7b: {  	v3 =	vperm.xlane v3, v2;
	v4 =	vadd.s32 v1, v4;
	_ =	sdelay $0x1  }
0x7c: {  	v3 =	vadd.s32 v1, v3;
	_ =	sdelay $0x1  }
0x7d: {  	s26 =	simm.s32 $0x9400  }
0x7e: {  	[tilespmem:s26], [sflag:$0x2] =	stream.indirect_vreg.gather [hbm4b:s4+s2], $0x80, v4, vm0, $0xb8;
	[tilespmem:$0x10400] =	vst v63  }
0x7f: {  	s28 =	simm.s32 $0x9C00  }
0x80: {  	[tilespmem:s28], [sflag:$0x2] =	stream.indirect_vreg.gather [hbm4b:s4+s2], $0x80, v3, vm0, $0xb8;
	[tilespmem:$0x10400] =	vst v63  }
0x81: {  	v3 =	vld [tilespmem:$0xA0];
	_ =	sdelay $0x4  }
0x82: {  	v10 =	vshll.u32 v3, $0x1  }
0x83: {  	v3 =	vand.u32 $0x7, v3;
	v4 =	vand.u32 $0xFFFFFFF0, v10  }
0x84: {  	v3 =	vor.u32 v3, v4  }
0x85: {  	v4 =	vperm.xlane v3, v0;
	_ =	sdelay $0x1  }
0x86: {  	v3 =	vperm.xlane v3, v2;
	v4 =	vadd.s32 v1, v4;
	_ =	sdelay $0x1  }
0x87: {  	v3 =	vadd.s32 v1, v3;
	_ =	sdelay $0x1  }
0x88: {  	s29 =	simm.s32 $0xA400  }
0x89: {  	[tilespmem:s29], [sflag:$0x2] =	stream.indirect_vreg.gather [hbm4b:s4+s2], $0x80, v4, vm0, $0xb8;
	[tilespmem:$0x10400] =	vst v63  }
0x8a: {  	s30 =	simm.s32 $0xAC00  }
0x8b: {  	[tilespmem:s30], [sflag:$0x2] =	stream.indirect_vreg.gather [hbm4b:s4+s2], $0x80, v3, vm0, $0xb8;
	[tilespmem:$0x10400] =	vst v63  }
0x8c: {  	v3 =	vld [tilespmem:$0xB0];
	_ =	sdelay $0x4  }
0x8d: {  	v11 =	vshll.u32 v3, $0x1  }
0x8e: {  	v3 =	vand.u32 $0x7, v3;
	v4 =	vand.u32 $0xFFFFFFF0, v11  }
0x8f: {  	v3 =	vor.u32 v3, v4  }
0x90: {  	v4 =	vperm.xlane v3, v0;
	_ =	sdelay $0x1  }
0x91: {  	v3 =	vperm.xlane v3, v2;
	v4 =	vadd.s32 v1, v4;
	_ =	sdelay $0x1  }
0x92: {  	v3 =	vadd.s32 v1, v3;
	_ =	sdelay $0x1  }
0x93: {  	s31 =	simm.s32 $0xB400  }
0x94: {  	[tilespmem:s31], [sflag:$0x2] =	stream.indirect_vreg.gather [hbm4b:s4+s2], $0x80, v4, vm0, $0xb8;
	[tilespmem:$0x10400] =	vst v63  }
0x95: {  	s11 =	simm.s32 $0xBC00  }
0x96: {  	[tilespmem:s11], [sflag:$0x2] =	stream.indirect_vreg.gather [hbm4b:s4+s2], $0x80, v3, vm0, $0xb8;
	[tilespmem:$0x10400] =	vst v63  }
0x97: {  	v3 =	vld [tilespmem:$0xC0];
	_ =	sdelay $0x4  }
0x98: {  	v12 =	vshll.u32 v3, $0x1  }
0x99: {  	v3 =	vand.u32 $0x7, v3;
	v4 =	vand.u32 $0xFFFFFFF0, v12  }
0x9a: {  	v3 =	vor.u32 v3, v4  }
0x9b: {  	v4 =	vperm.xlane v3, v0;
	_ =	sdelay $0x1  }
0x9c: {  	v3 =	vperm.xlane v3, v2;
	v4 =	vadd.s32 v1, v4;
	_ =	sdelay $0x1  }
0x9d: {  	v3 =	vadd.s32 v1, v3;
	_ =	sdelay $0x1  }
0x9e: {  	s17 =	simm.s32 $0xC400  }
0x9f: {  	[tilespmem:s17], [sflag:$0x2] =	stream.indirect_vreg.gather [hbm4b:s4+s2], $0x80, v4, vm0, $0xb8;
	[tilespmem:$0x10400] =	vst v63  }
0xa0: {  	s18 =	simm.s32 $0xCC00  }
0xa1: {  	[tilespmem:s18], [sflag:$0x2] =	stream.indirect_vreg.gather [hbm4b:s4+s2], $0x80, v3, vm0, $0xb8;
	[tilespmem:$0x10400] =	vst v63  }
0xa2: {  	v3 =	vld [tilespmem:$0xD0];
	_ =	sdelay $0x4  }
0xa3: {  	v13 =	vshll.u32 v3, $0x1  }
0xa4: {  	v3 =	vand.u32 $0x7, v3;
	v4 =	vand.u32 $0xFFFFFFF0, v13  }
0xa5: {  	v3 =	vor.u32 v3, v4  }
0xa6: {  	v4 =	vperm.xlane v3, v0;
	_ =	sdelay $0x1  }
0xa7: {  	v3 =	vperm.xlane v3, v2;
	v4 =	vadd.s32 v1, v4;
	_ =	sdelay $0x1  }
0xa8: {  	v3 =	vadd.s32 v1, v3;
	_ =	sdelay $0x1  }
0xa9: {  	s19 =	simm.s32 $0xD400  }
0xaa: {  	[tilespmem:s19], [sflag:$0x2] =	stream.indirect_vreg.gather [hbm4b:s4+s2], $0x80, v4, vm0, $0xb8;
	[tilespmem:$0x10400] =	vst v63  }
0xab: {  	s20 =	simm.s32 $0xDC00  }
0xac: {  	[tilespmem:s20], [sflag:$0x2] =	stream.indirect_vreg.gather [hbm4b:s4+s2], $0x80, v3, vm0, $0xb8;
	[tilespmem:$0x10400] =	vst v63  }
0xad: {  	v3 =	vld [tilespmem:$0xE0];
	_ =	sdelay $0x4  }
0xae: {  	v14 =	vshll.u32 v3, $0x1  }
0xaf: {  	v3 =	vand.u32 $0x7, v3;
	v4 =	vand.u32 $0xFFFFFFF0, v14  }
0xb0: {  	v3 =	vor.u32 v3, v4  }
0xb1: {  	v4 =	vperm.xlane v3, v0;
	_ =	sdelay $0x1  }
0xb2: {  	v3 =	vperm.xlane v3, v2;
	v4 =	vadd.s32 v1, v4;
	_ =	sdelay $0x1  }
0xb3: {  	v3 =	vadd.s32 v1, v3;
	_ =	sdelay $0x1  }
0xb4: {  	s24 =	simm.s32 $0xE400  }
0xb5: {  	[tilespmem:s24], [sflag:$0x2] =	stream.indirect_vreg.gather [hbm4b:s4+s2], $0x80, v4, vm0, $0xb8;
	[tilespmem:$0x10400] =	vst v63  }
0xb6: {  	s26 =	simm.s32 $0xEC00  }
0xb7: {  	[tilespmem:s26], [sflag:$0x2] =	stream.indirect_vreg.gather [hbm4b:s4+s2], $0x80, v3, vm0, $0xb8;
	[tilespmem:$0x10400] =	vst v63  }
0xb8: {  	v3 =	vld [tilespmem:$0xF0];
	_ =	sdelay $0x4  }
0xb9: {  	v15 =	vshll.u32 v3, $0x1  }
0xba: {  	v3 =	vand.u32 $0x7, v3;
	v4 =	vand.u32 $0xFFFFFFF0, v15  }
0xbb: {  	v3 =	vor.u32 v3, v4  }
0xbc: {  	v4 =	vperm.xlane v3, v0;
	_ =	sdelay $0x1  }
0xbd: {  	v3 =	vperm.xlane v3, v2;
	v4 =	vadd.s32 v1, v4;
	_ =	sdelay $0x1  }
0xbe: {  	v3 =	vadd.s32 v1, v3;
	_ =	sdelay $0x1  }
0xbf: {  	s28 =	simm.s32 $0xF400  }
0xc0: {  	[tilespmem:s28], [sflag:$0x2] =	stream.indirect_vreg.gather [hbm4b:s4+s2], $0x80, v4, vm0, $0xb8;
	[tilespmem:$0x10400] =	vst v63  }
0xc1: {  	s31 =	simm.s32 $0xFC00  }
0xc2: {  	[tilespmem:s31], [sflag:$0x2] =	stream.indirect_vreg.gather [hbm4b:s4+s2], $0x80, v3, vm0, $0xb8;
	[tilespmem:$0x10400] =	vst v63  }
0xc3: {  	_ =	swait.ge [sflag:s12], $0x8000  }
0xc4: {  	[sflag:s12] =	ssyncset.done $0x0  }
0xc5: {  	s0 =	rddreg [dreg:$0xb];
	[sflag:s12] =	ssyncadd.s32 $0xFFFF8000  }
0xc6: {  	[hbm4b:s0+s2] =	stream.linear.scatter [tilespmem:s22], [sflag:$0x3], $0x8000, $0x38;
	[tilespmem:$0x10400] =	vst v63  }
0xc7: {  	_ =	swait.ge [sflag:s13], $0x8000  }
0xc8: {  	[sflag:s13] =	ssyncset.done $0x0  }
0xc9: {  	[sflag:s13] =	ssyncadd.s32 $0xFFFF8000  }
0xca: {  	v3 =	vld [tilespmem:$0x100];
	_ =	sdelay $0x4  }
0xcb: {  	v16 =	vshll.u32 v3, $0x1  }
0xcc: {  	v3 =	vand.u32 $0x7, v3;
	v4 =	vand.u32 $0xFFFFFFF0, v16  }
0xcd: {  	v3 =	vor.u32 v3, v4  }
0xce: {  	v4 =	vperm.xlane v3, v0;
	_ =	sdelay $0x1  }
0xcf: {  	v3 =	vperm.xlane v3, v2;
	v4 =	vadd.s32 v1, v4;
	_ =	sdelay $0x1  }
0xd0: {  	v3 =	vadd.s32 v1, v3;
	_ =	sdelay $0x2  }
0xd1: {  	[tilespmem:s22], [sflag:$0x1] =	stream.indirect_vreg.gather [hbm4b:s4+s2], $0x80, v4, vm0, $0xb8;
	[tilespmem:$0x10400] =	vst v63  }
0xd2: {  	s7 =	simm.s32 $0xC00  }
0xd3: {  	[tilespmem:s7], [sflag:$0x1] =	stream.indirect_vreg.gather [hbm4b:s4+s2], $0x80, v3, vm0, $0xb8;
	[tilespmem:$0x10400] =	vst v63  }
0xd4: {  	v3 =	vld [tilespmem:$0x110];
	_ =	sdelay $0x4  }
0xd5: {  	v17 =	vshll.u32 v3, $0x1  }
0xd6: {  	v3 =	vand.u32 $0x7, v3;
	v4 =	vand.u32 $0xFFFFFFF0, v17  }
0xd7: {  	v3 =	vor.u32 v3, v4  }
0xd8: {  	v4 =	vperm.xlane v3, v0;
	_ =	sdelay $0x1  }
0xd9: {  	v3 =	vperm.xlane v3, v2;
	v4 =	vadd.s32 v1, v4;
	_ =	sdelay $0x1  }
0xda: {  	v3 =	vadd.s32 v1, v3;
	_ =	sdelay $0x1  }
0xdb: {  	s3 =	simm.s32 $0x1400  }
0xdc: {  	[tilespmem:s3], [sflag:$0x1] =	stream.indirect_vreg.gather [hbm4b:s4+s2], $0x80, v4, vm0, $0xb8;
	[tilespmem:$0x10400] =	vst v63  }
0xdd: {  	s24 =	simm.s32 $0x1C00  }
0xde: {  	[tilespmem:s24], [sflag:$0x1] =	stream.indirect_vreg.gather [hbm4b:s4+s2], $0x80, v3, vm0, $0xb8;
	[tilespmem:$0x10400] =	vst v63  }
0xdf: {  	v3 =	vld [tilespmem:$0x120];
	_ =	sdelay $0x4  }
0xe0: {  	v18 =	vshll.u32 v3, $0x1  }
0xe1: {  	v3 =	vand.u32 $0x7, v3;
	v4 =	vand.u32 $0xFFFFFFF0, v18  }
0xe2: {  	v3 =	vor.u32 v3, v4  }
0xe3: {  	v4 =	vperm.xlane v3, v0;
	_ =	sdelay $0x1  }
0xe4: {  	v3 =	vperm.xlane v3, v2;
	v4 =	vadd.s32 v1, v4;
	_ =	sdelay $0x1  }
0xe5: {  	v3 =	vadd.s32 v1, v3;
	_ =	sdelay $0x1  }
0xe6: {  	s6 =	simm.s32 $0x2400  }
0xe7: {  	[tilespmem:s6], [sflag:$0x1] =	stream.indirect_vreg.gather [hbm4b:s4+s2], $0x80, v4, vm0, $0xb8;
	[tilespmem:$0x10400] =	vst v63  }
0xe8: {  	s26 =	simm.s32 $0x2C00  }
0xe9: {  	[tilespmem:s26], [sflag:$0x1] =	stream.indirect_vreg.gather [hbm4b:s4+s2], $0x80, v3, vm0, $0xb8;
	[tilespmem:$0x10400] =	vst v63  }
0xea: {  	v3 =	vld [tilespmem:$0x130];
	_ =	sdelay $0x4  }
0xeb: {  	v19 =	vshll.u32 v3, $0x1  }
0xec: {  	v3 =	vand.u32 $0x7, v3;
	v4 =	vand.u32 $0xFFFFFFF0, v19  }
0xed: {  	v3 =	vor.u32 v3, v4  }
0xee: {  	v4 =	vperm.xlane v3, v0;
	_ =	sdelay $0x1  }
0xef: {  	v3 =	vperm.xlane v3, v2;
	v4 =	vadd.s32 v1, v4;
	_ =	sdelay $0x1  }
0xf0: {  	v3 =	vadd.s32 v1, v3;
	_ =	sdelay $0x1  }
0xf1: {  	s7 =	simm.s32 $0x3400  }
0xf2: {  	[tilespmem:s7], [sflag:$0x1] =	stream.indirect_vreg.gather [hbm4b:s4+s2], $0x80, v4, vm0, $0xb8;
	[tilespmem:$0x10400] =	vst v63  }
0xf3: {  	s9 =	simm.s32 $0x3C00  }
0xf4: {  	[tilespmem:s9], [sflag:$0x1] =	stream.indirect_vreg.gather [hbm4b:s4+s2], $0x80, v3, vm0, $0xb8;
	[tilespmem:$0x10400] =	vst v63  }
0xf5: {  	v3 =	vld [tilespmem:$0x140];
	_ =	sdelay $0x4  }
0xf6: {  	v20 =	vshll.u32 v3, $0x1  }
0xf7: {  	v3 =	vand.u32 $0x7, v3;
	v4 =	vand.u32 $0xFFFFFFF0, v20  }
0xf8: {  	v3 =	vor.u32 v3, v4  }
0xf9: {  	v4 =	vperm.xlane v3, v0;
	_ =	sdelay $0x1  }
0xfa: {  	v3 =	vperm.xlane v3, v2;
	v4 =	vadd.s32 v1, v4;
	_ =	sdelay $0x1  }
0xfb: {  	v3 =	vadd.s32 v1, v3;
	_ =	sdelay $0x1  }
0xfc: {  	s8 =	simm.s32 $0x4400  }
0xfd: {  	[tilespmem:s8], [sflag:$0x1] =	stream.indirect_vreg.gather [hbm4b:s4+s2], $0x80, v4, vm0, $0xb8;
	[tilespmem:$0x10400] =	vst v63  }
0xfe: {  	s28 =	simm.s32 $0x4C00  }
0xff: {  	[tilespmem:s28], [sflag:$0x1] =	stream.indirect_vreg.gather [hbm4b:s4+s2], $0x80, v3, vm0, $0xb8;
	[tilespmem:$0x10400] =	vst v63  }
0x100: {  	v3 =	vld [tilespmem:$0x150];
	_ =	sdelay $0x4  }
0x101: {  	v21 =	vshll.u32 v3, $0x1  }
0x102: {  	v3 =	vand.u32 $0x7, v3;
	v4 =	vand.u32 $0xFFFFFFF0, v21  }
0x103: {  	v3 =	vor.u32 v3, v4  }
0x104: {  	v4 =	vperm.xlane v3, v0;
	_ =	sdelay $0x1  }
0x105: {  	v3 =	vperm.xlane v3, v2;
	v4 =	vadd.s32 v1, v4;
	_ =	sdelay $0x1  }
0x106: {  	v3 =	vadd.s32 v1, v3;
	_ =	sdelay $0x1  }
0x107: {  	s9 =	simm.s32 $0x5400  }
0x108: {  	[tilespmem:s9], [sflag:$0x1] =	stream.indirect_vreg.gather [hbm4b:s4+s2], $0x80, v4, vm0, $0xb8;
	[tilespmem:$0x10400] =	vst v63  }
0x109: {  	s11 =	simm.s32 $0x5C00  }
0x10a: {  	[tilespmem:s11], [sflag:$0x1] =	stream.indirect_vreg.gather [hbm4b:s4+s2], $0x80, v3, vm0, $0xb8;
	[tilespmem:$0x10400] =	vst v63  }
0x10b: {  	v3 =	vld [tilespmem:$0x160];
	_ =	sdelay $0x4  }
0x10c: {  	v22 =	vshll.u32 v3, $0x1  }
0x10d: {  	v3 =	vand.u32 $0x7, v3;
	v4 =	vand.u32 $0xFFFFFFF0, v22  }
0x10e: {  	v3 =	vor.u32 v3, v4  }
0x10f: {  	v4 =	vperm.xlane v3, v0;
	_ =	sdelay $0x1  }
0x110: {  	v3 =	vperm.xlane v3, v2;
	v4 =	vadd.s32 v1, v4;
	_ =	sdelay $0x1  }
0x111: {  	v3 =	vadd.s32 v1, v3;
	_ =	sdelay $0x1  }
0x112: {  	s10 =	simm.s32 $0x6400  }
0x113: {  	[tilespmem:s10], [sflag:$0x1] =	stream.indirect_vreg.gather [hbm4b:s4+s2], $0x80, v4, vm0, $0xb8;
	[tilespmem:$0x10400] =	vst v63  }
0x114: {  	s31 =	simm.s32 $0x6C00  }
0x115: {  	[tilespmem:s31], [sflag:$0x1] =	stream.indirect_vreg.gather [hbm4b:s4+s2], $0x80, v3, vm0, $0xb8;
	[tilespmem:$0x10400] =	vst v63  }
0x116: {  	v3 =	vld [tilespmem:$0x170];
	_ =	sdelay $0x4  }
0x117: {  	v23 =	vshll.u32 v3, $0x1  }
0x118: {  	v3 =	vand.u32 $0x7, v3;
	v4 =	vand.u32 $0xFFFFFFF0, v23  }
0x119: {  	v3 =	vor.u32 v3, v4  }
0x11a: {  	v4 =	vperm.xlane v3, v0;
	_ =	sdelay $0x1  }
0x11b: {  	v3 =	vperm.xlane v3, v2;
	v4 =	vadd.s32 v1, v4;
	_ =	sdelay $0x1  }
0x11c: {  	v3 =	vadd.s32 v1, v3;
	_ =	sdelay $0x1  }
0x11d: {  	s8 =	simm.s32 $0x7400  }
0x11e: {  	[tilespmem:s8], [sflag:$0x1] =	stream.indirect_vreg.gather [hbm4b:s4+s2], $0x80, v4, vm0, $0xb8;
	[tilespmem:$0x10400] =	vst v63  }
0x11f: {  	s10 =	simm.s32 $0x7C00  }
0x120: {  	[tilespmem:s10], [sflag:$0x1] =	stream.indirect_vreg.gather [hbm4b:s4+s2], $0x80, v3, vm0, $0xb8;
	[tilespmem:$0x10400] =	vst v63  }
0x121: {  	_ =	swait.ge [sflag:s14], $0x8000  }
0x122: {  	[sflag:s14] =	ssyncset.done $0x0  }
0x123: {  	s6 =	rddreg [dreg:$0x4];
	[sflag:s14] =	ssyncadd.s32 $0xFFFF8000  }
0x124: {  	[hbm4b:s6+s2] =	stream.linear.scatter [tilespmem:s23], [sflag:$0x4], $0x8000, $0x38;
	[tilespmem:$0x10400] =	vst v63  }
0x125: {  	_ =	swait.ge [sflag:s15], $0x8000  }
0x126: {  	[sflag:s15] =	ssyncset.done $0x0  }
0x127: {  	[sflag:s15] =	ssyncadd.s32 $0xFFFF8000  }
0x128: {  	v3 =	vld [tilespmem:$0x180];
	_ =	sdelay $0x4  }
0x129: {  	v24 =	vshll.u32 v3, $0x1  }
0x12a: {  	v3 =	vand.u32 $0x7, v3;
	v4 =	vand.u32 $0xFFFFFFF0, v24  }
0x12b: {  	v3 =	vor.u32 v3, v4  }
0x12c: {  	v4 =	vperm.xlane v3, v0;
	_ =	sdelay $0x1  }
0x12d: {  	v3 =	vperm.xlane v3, v2;
	v4 =	vadd.s32 v1, v4;
	_ =	sdelay $0x1  }
0x12e: {  	v3 =	vadd.s32 v1, v3;
	_ =	sdelay $0x2  }
0x12f: {  	[tilespmem:s23], [sflag:$0x2] =	stream.indirect_vreg.gather [hbm4b:s4+s2], $0x80, v4, vm0, $0xb8;
	[tilespmem:$0x10400] =	vst v63  }
0x130: {  	s1 =	simm.s32 $0x8C00  }
0x131: {  	[tilespmem:s1], [sflag:$0x2] =	stream.indirect_vreg.gather [hbm4b:s4+s2], $0x80, v3, vm0, $0xb8;
	[tilespmem:$0x10400] =	vst v63  }
0x132: {  	v3 =	vld [tilespmem:$0x190];
	_ =	sdelay $0x4  }
0x133: {  	v25 =	vshll.u32 v3, $0x1  }
0x134: {  	v3 =	vand.u32 $0x7, v3;
	v4 =	vand.u32 $0xFFFFFFF0, v25  }
0x135: {  	v3 =	vor.u32 v3, v4  }
0x136: {  	v4 =	vperm.xlane v3, v0;
	_ =	sdelay $0x1  }
0x137: {  	v3 =	vperm.xlane v3, v2;
	v4 =	vadd.s32 v1, v4;
	_ =	sdelay $0x1  }
0x138: {  	v3 =	vadd.s32 v1, v3;
	_ =	sdelay $0x1  }
0x139: {  	s0 =	simm.s32 $0x9400  }
0x13a: {  	[tilespmem:s0], [sflag:$0x2] =	stream.indirect_vreg.gather [hbm4b:s4+s2], $0x80, v4, vm0, $0xb8;
	[tilespmem:$0x10400] =	vst v63  }
0x13b: {  	s3 =	simm.s32 $0x9C00  }
0x13c: {  	[tilespmem:s3], [sflag:$0x2] =	stream.indirect_vreg.gather [hbm4b:s4+s2], $0x80, v3, vm0, $0xb8;
	[tilespmem:$0x10400] =	vst v63  }
0x13d: {  	v3 =	vld [tilespmem:$0x1A0];
	_ =	sdelay $0x4  }
0x13e: {  	v26 =	vshll.u32 v3, $0x1  }
0x13f: {  	v3 =	vand.u32 $0x7, v3;
	v4 =	vand.u32 $0xFFFFFFF0, v26  }
0x140: {  	v3 =	vor.u32 v3, v4  }
0x141: {  	v4 =	vperm.xlane v3, v0;
	_ =	sdelay $0x1  }
0x142: {  	v3 =	vperm.xlane v3, v2;
	v4 =	vadd.s32 v1, v4;
	_ =	sdelay $0x1  }
0x143: {  	v3 =	vadd.s32 v1, v3;
	_ =	sdelay $0x1  }
0x144: {  	s1 =	simm.s32 $0xA400  }
0x145: {  	[tilespmem:s1], [sflag:$0x2] =	stream.indirect_vreg.gather [hbm4b:s4+s2], $0x80, v4, vm0, $0xb8;
	[tilespmem:$0x10400] =	vst v63  }
0x146: {  	s6 =	simm.s32 $0xAC00  }
0x147: {  	[tilespmem:s6], [sflag:$0x2] =	stream.indirect_vreg.gather [hbm4b:s4+s2], $0x80, v3, vm0, $0xb8;
	[tilespmem:$0x10400] =	vst v63  }
0x148: {  	v3 =	vld [tilespmem:$0x1B0];
	_ =	sdelay $0x4  }
0x149: {  	v27 =	vshll.u32 v3, $0x1  }
0x14a: {  	v3 =	vand.u32 $0x7, v3;
	v4 =	vand.u32 $0xFFFFFFF0, v27  }
0x14b: {  	v3 =	vor.u32 v3, v4  }
0x14c: {  	v4 =	vperm.xlane v3, v0;
	_ =	sdelay $0x1  }
0x14d: {  	v3 =	vperm.xlane v3, v2;
	v4 =	vadd.s32 v1, v4;
	_ =	sdelay $0x1  }
0x14e: {  	v3 =	vadd.s32 v1, v3;
	_ =	sdelay $0x1  }
0x14f: {  	s30 =	simm.s32 $0xB400  }
0x150: {  	[tilespmem:s30], [sflag:$0x2] =	stream.indirect_vreg.gather [hbm4b:s4+s2], $0x80, v4, vm0, $0xb8;
	[tilespmem:$0x10400] =	vst v63  }
0x151: {  	s21 =	simm.s32 $0xBC00  }
0x152: {  	[tilespmem:s21], [sflag:$0x2] =	stream.indirect_vreg.gather [hbm4b:s4+s2], $0x80, v3, vm0, $0xb8;
	[tilespmem:$0x10400] =	vst v63  }
0x153: {  	v3 =	vld [tilespmem:$0x1C0];
	_ =	sdelay $0x4  }
0x154: {  	v28 =	vshll.u32 v3, $0x1  }
0x155: {  	v3 =	vand.u32 $0x7, v3;
	v4 =	vand.u32 $0xFFFFFFF0, v28  }
0x156: {  	v3 =	vor.u32 v3, v4  }
0x157: {  	v4 =	vperm.xlane v3, v0;
	_ =	sdelay $0x1  }
0x158: {  	v3 =	vperm.xlane v3, v2;
	v4 =	vadd.s32 v1, v4;
	_ =	sdelay $0x1  }
0x159: {  	v3 =	vadd.s32 v1, v3;
	_ =	sdelay $0x1  }
0x15a: {  	s25 =	simm.s32 $0xC400  }
0x15b: {  	[tilespmem:s25], [sflag:$0x2] =	stream.indirect_vreg.gather [hbm4b:s4+s2], $0x80, v4, vm0, $0xb8;
	[tilespmem:$0x10400] =	vst v63  }
0x15c: {  	s17 =	simm.s32 $0xCC00  }
0x15d: {  	[tilespmem:s17], [sflag:$0x2] =	stream.indirect_vreg.gather [hbm4b:s4+s2], $0x80, v3, vm0, $0xb8;
	[tilespmem:$0x10400] =	vst v63  }
0x15e: {  	v3 =	vld [tilespmem:$0x1D0];
	_ =	sdelay $0x4  }
0x15f: {  	v29 =	vshll.u32 v3, $0x1  }
0x160: {  	v3 =	vand.u32 $0x7, v3;
	v4 =	vand.u32 $0xFFFFFFF0, v29  }
0x161: {  	v3 =	vor.u32 v3, v4  }
0x162: {  	v4 =	vperm.xlane v3, v0;
	_ =	sdelay $0x1  }
0x163: {  	v3 =	vperm.xlane v3, v2;
	v4 =	vadd.s32 v1, v4;
	_ =	sdelay $0x1  }
0x164: {  	v3 =	vadd.s32 v1, v3;
	_ =	sdelay $0x1  }
0x165: {  	s29 =	simm.s32 $0xD400  }
0x166: {  	[tilespmem:s29], [sflag:$0x2] =	stream.indirect_vreg.gather [hbm4b:s4+s2], $0x80, v4, vm0, $0xb8;
	[tilespmem:$0x10400] =	vst v63  }
0x167: {  	s18 =	simm.s32 $0xDC00  }
0x168: {  	[tilespmem:s18], [sflag:$0x2] =	stream.indirect_vreg.gather [hbm4b:s4+s2], $0x80, v3, vm0, $0xb8;
	[tilespmem:$0x10400] =	vst v63  }
0x169: {  	v3 =	vld [tilespmem:$0x1E0];
	_ =	sdelay $0x4  }
0x16a: {  	v30 =	vshll.u32 v3, $0x1  }
0x16b: {  	v3 =	vand.u32 $0x7, v3;
	v4 =	vand.u32 $0xFFFFFFF0, v30  }
0x16c: {  	v3 =	vor.u32 v3, v4  }
0x16d: {  	v4 =	vperm.xlane v3, v0;
	_ =	sdelay $0x1  }
0x16e: {  	v3 =	vperm.xlane v3, v2;
	v4 =	vadd.s32 v1, v4;
	_ =	sdelay $0x1  }
0x16f: {  	v3 =	vadd.s32 v1, v3;
	_ =	sdelay $0x1  }
0x170: {  	s18 =	simm.s32 $0xE400  }
0x171: {  	[tilespmem:s18], [sflag:$0x2] =	stream.indirect_vreg.gather [hbm4b:s4+s2], $0x80, v4, vm0, $0xb8;
	[tilespmem:$0x10400] =	vst v63  }
0x172: {  	s19 =	simm.s32 $0xEC00  }
0x173: {  	[tilespmem:s19], [sflag:$0x2] =	stream.indirect_vreg.gather [hbm4b:s4+s2], $0x80, v3, vm0, $0xb8;
	[tilespmem:$0x10400] =	vst v63  }
0x174: {  	v3 =	vld [tilespmem:$0x1F0];
	_ =	sdelay $0x4  }
0x175: {  	v31 =	vshll.u32 v3, $0x1  }
0x176: {  	v3 =	vand.u32 $0x7, v3;
	v4 =	vand.u32 $0xFFFFFFF0, v31  }
0x177: {  	v3 =	vor.u32 v3, v4  }
0x178: {  	v4 =	vperm.xlane v3, v0;
	_ =	sdelay $0x1  }
0x179: {  	v3 =	vperm.xlane v3, v2;
	v4 =	vadd.s32 v1, v4;
	_ =	sdelay $0x1  }
0x17a: {  	v3 =	vadd.s32 v1, v3;
	_ =	sdelay $0x1  }
0x17b: {  	s19 =	simm.s32 $0xF400  }
0x17c: {  	[tilespmem:s19], [sflag:$0x2] =	stream.indirect_vreg.gather [hbm4b:s4+s2], $0x80, v4, vm0, $0xb8;
	[tilespmem:$0x10400] =	vst v63  }
0x17d: {  	s20 =	simm.s32 $0xFC00  }
0x17e: {  	[tilespmem:s20], [sflag:$0x2] =	stream.indirect_vreg.gather [hbm4b:s4+s2], $0x80, v3, vm0, $0xb8;
	[tilespmem:$0x10400] =	vst v63  }
0x17f: {  	_ =	swait.ge [sflag:s12], $0x8000  }
0x180: {  	[sflag:s12] =	ssyncset.done $0x0  }
0x181: {  	s20 =	rddreg [dreg:$0x5];
	[sflag:s12] =	ssyncadd.s32 $0xFFFF8000  }
0x182: {  	[hbm4b:s20+s2] =	stream.linear.scatter [tilespmem:s22], [sflag:$0x3], $0x8000, $0x38;
	[tilespmem:$0x10400] =	vst v63  }
0x183: {  	_ =	swait.ge [sflag:s13], $0x8000  }
0x184: {  	[sflag:s13] =	ssyncset.done $0x0  }
0x185: {  	[sflag:s13] =	ssyncadd.s32 $0xFFFF8000  }
0x186: {  	v3 =	vld [tilespmem:$0x200];
	_ =	sdelay $0x4  }
0x187: {  	v32 =	vshll.u32 v3, $0x1  }
0x188: {  	v3 =	vand.u32 $0x7, v3;
	v4 =	vand.u32 $0xFFFFFFF0, v32  }
0x189: {  	v3 =	vor.u32 v3, v4  }
0x18a: {  	v4 =	vperm.xlane v3, v0;
	_ =	sdelay $0x1  }
0x18b: {  	v3 =	vperm.xlane v3, v2;
	v4 =	vadd.s32 v1, v4;
	_ =	sdelay $0x1  }
0x18c: {  	v3 =	vadd.s32 v1, v3;
	_ =	sdelay $0x2  }
0x18d: {  	[tilespmem:s22], [sflag:$0x1] =	stream.indirect_vreg.gather [hbm4b:s4+s2], $0x80, v4, vm0, $0xb8;
	[tilespmem:$0x10400] =	vst v63  }
0x18e: {  	s25 =	simm.s32 $0xC00  }
0x18f: {  	[tilespmem:s25], [sflag:$0x1] =	stream.indirect_vreg.gather [hbm4b:s4+s2], $0x80, v3, vm0, $0xb8;
	[tilespmem:$0x10400] =	vst v63  }
0x190: {  	v3 =	vld [tilespmem:$0x210];
	_ =	sdelay $0x4  }
0x191: {  	v33 =	vshll.u32 v3, $0x1  }
0x192: {  	v3 =	vand.u32 $0x7, v3;
	v4 =	vand.u32 $0xFFFFFFF0, v33  }
0x193: {  	v3 =	vor.u32 v3, v4  }
0x194: {  	v4 =	vperm.xlane v3, v0;
	_ =	sdelay $0x1  }
0x195: {  	v3 =	vperm.xlane v3, v2;
	v4 =	vadd.s32 v1, v4;
	_ =	sdelay $0x1  }
0x196: {  	v3 =	vadd.s32 v1, v3;
	_ =	sdelay $0x1  }
0x197: {  	s19 =	simm.s32 $0x1400  }
0x198: {  	[tilespmem:s19], [sflag:$0x1] =	stream.indirect_vreg.gather [hbm4b:s4+s2], $0x80, v4, vm0, $0xb8;
	[tilespmem:$0x10400] =	vst v63  }
0x199: {  	_ = 	snop  }
0x19a: {  	[tilespmem:s24], [sflag:$0x1] =	stream.indirect_vreg.gather [hbm4b:s4+s2], $0x80, v3, vm0, $0xb8;
	[tilespmem:$0x10400] =	vst v63  }
0x19b: {  	v3 =	vld [tilespmem:$0x220];
	_ =	sdelay $0x4  }
0x19c: {  	v34 =	vshll.u32 v3, $0x1  }
0x19d: {  	v3 =	vand.u32 $0x7, v3;
	v4 =	vand.u32 $0xFFFFFFF0, v34  }
0x19e: {  	v3 =	vor.u32 v3, v4  }
0x19f: {  	v4 =	vperm.xlane v3, v0;
	_ =	sdelay $0x1  }
0x1a0: {  	v3 =	vperm.xlane v3, v2;
	v4 =	vadd.s32 v1, v4;
	_ =	sdelay $0x1  }
0x1a1: {  	v3 =	vadd.s32 v1, v3;
	_ =	sdelay $0x1  }
0x1a2: {  	s20 =	simm.s32 $0x2400  }
0x1a3: {  	[tilespmem:s20], [sflag:$0x1] =	stream.indirect_vreg.gather [hbm4b:s4+s2], $0x80, v4, vm0, $0xb8;
	[tilespmem:$0x10400] =	vst v63  }
0x1a4: {  	_ = 	snop  }
0x1a5: {  	[tilespmem:s26], [sflag:$0x1] =	stream.indirect_vreg.gather [hbm4b:s4+s2], $0x80, v3, vm0, $0xb8;
	[tilespmem:$0x10400] =	vst v63  }
0x1a6: {  	v3 =	vld [tilespmem:$0x230];
	_ =	sdelay $0x4  }
0x1a7: {  	v35 =	vshll.u32 v3, $0x1  }
0x1a8: {  	v3 =	vand.u32 $0x7, v3;
	v4 =	vand.u32 $0xFFFFFFF0, v35  }
0x1a9: {  	v3 =	vor.u32 v3, v4  }
0x1aa: {  	v4 =	vperm.xlane v3, v0;
	_ =	sdelay $0x1  }
0x1ab: {  	v3 =	vperm.xlane v3, v2;
	v4 =	vadd.s32 v1, v4;
	_ =	sdelay $0x1  }
0x1ac: {  	v3 =	vadd.s32 v1, v3;
	_ =	sdelay $0x2  }
0x1ad: {  	[tilespmem:s7], [sflag:$0x1] =	stream.indirect_vreg.gather [hbm4b:s4+s2], $0x80, v4, vm0, $0xb8;
	[tilespmem:$0x10400] =	vst v63  }
0x1ae: {  	s24 =	simm.s32 $0x3C00  }
0x1af: {  	[tilespmem:s24], [sflag:$0x1] =	stream.indirect_vreg.gather [hbm4b:s4+s2], $0x80, v3, vm0, $0xb8;
	[tilespmem:$0x10400] =	vst v63  }
0x1b0: {  	v3 =	vld [tilespmem:$0x240];
	_ =	sdelay $0x4  }
0x1b1: {  	v36 =	vshll.u32 v3, $0x1  }
0x1b2: {  	v3 =	vand.u32 $0x7, v3;
	v4 =	vand.u32 $0xFFFFFFF0, v36  }
0x1b3: {  	v3 =	vor.u32 v3, v4  }
0x1b4: {  	v4 =	vperm.xlane v3, v0;
	_ =	sdelay $0x1  }
0x1b5: {  	v3 =	vperm.xlane v3, v2;
	v4 =	vadd.s32 v1, v4;
	_ =	sdelay $0x1  }
0x1b6: {  	v3 =	vadd.s32 v1, v3;
	_ =	sdelay $0x1  }
0x1b7: {  	s25 =	simm.s32 $0x4400  }
0x1b8: {  	[tilespmem:s25], [sflag:$0x1] =	stream.indirect_vreg.gather [hbm4b:s4+s2], $0x80, v4, vm0, $0xb8;
	[tilespmem:$0x10400] =	vst v63  }
0x1b9: {  	_ = 	snop  }
0x1ba: {  	[tilespmem:s28], [sflag:$0x1] =	stream.indirect_vreg.gather [hbm4b:s4+s2], $0x80, v3, vm0, $0xb8;
	[tilespmem:$0x10400] =	vst v63  }
0x1bb: {  	v3 =	vld [tilespmem:$0x250];
	_ =	sdelay $0x4  }
0x1bc: {  	v37 =	vshll.u32 v3, $0x1  }
0x1bd: {  	v3 =	vand.u32 $0x7, v3;
	v4 =	vand.u32 $0xFFFFFFF0, v37  }
0x1be: {  	v3 =	vor.u32 v3, v4  }
0x1bf: {  	v4 =	vperm.xlane v3, v0;
	_ =	sdelay $0x1  }
0x1c0: {  	v3 =	vperm.xlane v3, v2;
	v4 =	vadd.s32 v1, v4;
	_ =	sdelay $0x1  }
0x1c1: {  	v3 =	vadd.s32 v1, v3;
	_ =	sdelay $0x2  }
0x1c2: {  	[tilespmem:s9], [sflag:$0x1] =	stream.indirect_vreg.gather [hbm4b:s4+s2], $0x80, v4, vm0, $0xb8;
	[tilespmem:$0x10400] =	vst v63  }
0x1c3: {  	_ = 	snop  }
0x1c4: {  	[tilespmem:s11], [sflag:$0x1] =	stream.indirect_vreg.gather [hbm4b:s4+s2], $0x80, v3, vm0, $0xb8;
	[tilespmem:$0x10400] =	vst v63  }
0x1c5: {  	v3 =	vld [tilespmem:$0x260];
	_ =	sdelay $0x4  }
0x1c6: {  	v38 =	vshll.u32 v3, $0x1  }
0x1c7: {  	v3 =	vand.u32 $0x7, v3;
	v4 =	vand.u32 $0xFFFFFFF0, v38  }
0x1c8: {  	v3 =	vor.u32 v3, v4  }
0x1c9: {  	v4 =	vperm.xlane v3, v0;
	_ =	sdelay $0x1  }
0x1ca: {  	v3 =	vperm.xlane v3, v2;
	v4 =	vadd.s32 v1, v4;
	_ =	sdelay $0x1  }
0x1cb: {  	v3 =	vadd.s32 v1, v3;
	_ =	sdelay $0x1  }
0x1cc: {  	s26 =	simm.s32 $0x6400  }
0x1cd: {  	[tilespmem:s26], [sflag:$0x1] =	stream.indirect_vreg.gather [hbm4b:s4+s2], $0x80, v4, vm0, $0xb8;
	[tilespmem:$0x10400] =	vst v63  }
0x1ce: {  	_ = 	snop  }
0x1cf: {  	[tilespmem:s31], [sflag:$0x1] =	stream.indirect_vreg.gather [hbm4b:s4+s2], $0x80, v3, vm0, $0xb8;
	[tilespmem:$0x10400] =	vst v63  }
0x1d0: {  	v3 =	vld [tilespmem:$0x270];
	_ =	sdelay $0x4  }
0x1d1: {  	v39 =	vshll.u32 v3, $0x1  }
0x1d2: {  	v3 =	vand.u32 $0x7, v3;
	v4 =	vand.u32 $0xFFFFFFF0, v39  }
0x1d3: {  	v3 =	vor.u32 v3, v4  }
0x1d4: {  	v4 =	vperm.xlane v3, v0;
	_ =	sdelay $0x1  }
0x1d5: {  	v3 =	vperm.xlane v3, v2;
	v4 =	vadd.s32 v1, v4;
	_ =	sdelay $0x1  }
0x1d6: {  	v3 =	vadd.s32 v1, v3;
	_ =	sdelay $0x2  }
0x1d7: {  	[tilespmem:s8], [sflag:$0x1] =	stream.indirect_vreg.gather [hbm4b:s4+s2], $0x80, v4, vm0, $0xb8;
	[tilespmem:$0x10400] =	vst v63  }
0x1d8: {  	_ = 	snop  }
0x1d9: {  	[tilespmem:s10], [sflag:$0x1] =	stream.indirect_vreg.gather [hbm4b:s4+s2], $0x80, v3, vm0, $0xb8;
	[tilespmem:$0x10400] =	vst v63  }
0x1da: {  	_ =	swait.ge [sflag:s14], $0x8000  }
0x1db: {  	[sflag:s14] =	ssyncset.done $0x0  }
0x1dc: {  	s28 =	rddreg [dreg:$0x6];
	[sflag:s14] =	ssyncadd.s32 $0xFFFF8000  }
0x1dd: {  	[hbm4b:s28+s2] =	stream.linear.scatter [tilespmem:s23], [sflag:$0x4], $0x8000, $0x38;
	[tilespmem:$0x10400] =	vst v63  }
0x1de: {  	_ =	swait.ge [sflag:s15], $0x8000  }
0x1df: {  	[sflag:s15] =	ssyncset.done $0x0  }
0x1e0: {  	[sflag:s15] =	ssyncadd.s32 $0xFFFF8000  }
0x1e1: {  	v3 =	vld [tilespmem:$0x280];
	_ =	sdelay $0x4  }
0x1e2: {  	v40 =	vshll.u32 v3, $0x1  }
0x1e3: {  	v3 =	vand.u32 $0x7, v3;
	v4 =	vand.u32 $0xFFFFFFF0, v40  }
0x1e4: {  	v3 =	vor.u32 v3, v4  }
0x1e5: {  	v4 =	vperm.xlane v3, v0;
	_ =	sdelay $0x1  }
0x1e6: {  	v3 =	vperm.xlane v3, v2;
	v4 =	vadd.s32 v1, v4;
	_ =	sdelay $0x1  }
0x1e7: {  	v3 =	vadd.s32 v1, v3;
	_ =	sdelay $0x2  }
0x1e8: {  	[tilespmem:s23], [sflag:$0x2] =	stream.indirect_vreg.gather [hbm4b:s4+s2], $0x80, v4, vm0, $0xb8;
	[tilespmem:$0x10400] =	vst v63  }
0x1e9: {  	s31 =	simm.s32 $0x8C00  }
0x1ea: {  	[tilespmem:s31], [sflag:$0x2] =	stream.indirect_vreg.gather [hbm4b:s4+s2], $0x80, v3, vm0, $0xb8;
	[tilespmem:$0x10400] =	vst v63  }
0x1eb: {  	v3 =	vld [tilespmem:$0x290];
	_ =	sdelay $0x4  }
0x1ec: {  	v41 =	vshll.u32 v3, $0x1  }
0x1ed: {  	v3 =	vand.u32 $0x7, v3;
	v4 =	vand.u32 $0xFFFFFFF0, v41  }
0x1ee: {  	v3 =	vor.u32 v3, v4  }
0x1ef: {  	v4 =	vperm.xlane v3, v0;
	_ =	sdelay $0x1  }
0x1f0: {  	v3 =	vperm.xlane v3, v2;
	v4 =	vadd.s32 v1, v4;
	_ =	sdelay $0x1  }
0x1f1: {  	v3 =	vadd.s32 v1, v3;
	_ =	sdelay $0x2  }
0x1f2: {  	[tilespmem:s0], [sflag:$0x2] =	stream.indirect_vreg.gather [hbm4b:s4+s2], $0x80, v4, vm0, $0xb8;
	[tilespmem:$0x10400] =	vst v63  }
0x1f3: {  	_ = 	snop  }
0x1f4: {  	[tilespmem:s3], [sflag:$0x2] =	stream.indirect_vreg.gather [hbm4b:s4+s2], $0x80, v3, vm0, $0xb8;
	[tilespmem:$0x10400] =	vst v63  }
0x1f5: {  	v3 =	vld [tilespmem:$0x2A0];
	_ =	sdelay $0x4  }
0x1f6: {  	v42 =	vshll.u32 v3, $0x1  }
0x1f7: {  	v3 =	vand.u32 $0x7, v3;
	v4 =	vand.u32 $0xFFFFFFF0, v42  }
0x1f8: {  	v3 =	vor.u32 v3, v4  }
0x1f9: {  	v4 =	vperm.xlane v3, v0;
	_ =	sdelay $0x1  }
0x1fa: {  	v3 =	vperm.xlane v3, v2;
	v4 =	vadd.s32 v1, v4;
	_ =	sdelay $0x1  }
0x1fb: {  	v3 =	vadd.s32 v1, v3;
	_ =	sdelay $0x2  }
0x1fc: {  	[tilespmem:s1], [sflag:$0x2] =	stream.indirect_vreg.gather [hbm4b:s4+s2], $0x80, v4, vm0, $0xb8;
	[tilespmem:$0x10400] =	vst v63  }
0x1fd: {  	_ = 	snop  }
0x1fe: {  	[tilespmem:s6], [sflag:$0x2] =	stream.indirect_vreg.gather [hbm4b:s4+s2], $0x80, v3, vm0, $0xb8;
	[tilespmem:$0x10400] =	vst v63  }
0x1ff: {  	v3 =	vld [tilespmem:$0x2B0];
	_ =	sdelay $0x4  }
0x200: {  	v43 =	vshll.u32 v3, $0x1  }
0x201: {  	v3 =	vand.u32 $0x7, v3;
	v4 =	vand.u32 $0xFFFFFFF0, v43  }
0x202: {  	v3 =	vor.u32 v3, v4  }
0x203: {  	v4 =	vperm.xlane v3, v0;
	_ =	sdelay $0x1  }
0x204: {  	v3 =	vperm.xlane v3, v2;
	v4 =	vadd.s32 v1, v4;
	_ =	sdelay $0x1  }
0x205: {  	v3 =	vadd.s32 v1, v3;
	_ =	sdelay $0x1  }
0x206: {  	s30 =	simm.s32 $0xB400  }
0x207: {  	[tilespmem:s30], [sflag:$0x2] =	stream.indirect_vreg.gather [hbm4b:s4+s2], $0x80, v4, vm0, $0xb8;
	[tilespmem:$0x10400] =	vst v63  }
0x208: {  	s25 =	simm.s32 $0xBC00  }
0x209: {  	[tilespmem:s25], [sflag:$0x2] =	stream.indirect_vreg.gather [hbm4b:s4+s2], $0x80, v3, vm0, $0xb8;
	[tilespmem:$0x10400] =	vst v63  }
0x20a: {  	v3 =	vld [tilespmem:$0x2C0];
	_ =	sdelay $0x4  }
0x20b: {  	v44 =	vshll.u32 v3, $0x1  }
0x20c: {  	v3 =	vand.u32 $0x7, v3;
	v4 =	vand.u32 $0xFFFFFFF0, v44  }
0x20d: {  	v3 =	vor.u32 v3, v4  }
0x20e: {  	v4 =	vperm.xlane v3, v0;
	_ =	sdelay $0x1  }
0x20f: {  	v3 =	vperm.xlane v3, v2;
	v4 =	vadd.s32 v1, v4;
	_ =	sdelay $0x1  }
0x210: {  	v3 =	vadd.s32 v1, v3;
	_ =	sdelay $0x1  }
0x211: {  	s21 =	simm.s32 $0xC400  }
0x212: {  	[tilespmem:s21], [sflag:$0x2] =	stream.indirect_vreg.gather [hbm4b:s4+s2], $0x80, v4, vm0, $0xb8;
	[tilespmem:$0x10400] =	vst v63  }
0x213: {  	s28 =	simm.s32 $0xCC00  }
0x214: {  	[tilespmem:s28], [sflag:$0x2] =	stream.indirect_vreg.gather [hbm4b:s4+s2], $0x80, v3, vm0, $0xb8;
	[tilespmem:$0x10400] =	vst v63  }
0x215: {  	v3 =	vld [tilespmem:$0x2D0];
	_ =	sdelay $0x4  }
0x216: {  	v45 =	vshll.u32 v3, $0x1  }
0x217: {  	v3 =	vand.u32 $0x7, v3;
	v4 =	vand.u32 $0xFFFFFFF0, v45  }
0x218: {  	v3 =	vor.u32 v3, v4  }
0x219: {  	v4 =	vperm.xlane v3, v0;
	_ =	sdelay $0x1  }
0x21a: {  	v3 =	vperm.xlane v3, v2;
	v4 =	vadd.s32 v1, v4;
	_ =	sdelay $0x1  }
0x21b: {  	v3 =	vadd.s32 v1, v3;
	_ =	sdelay $0x1  }
0x21c: {  	s17 =	simm.s32 $0xD400  }
0x21d: {  	[tilespmem:s17], [sflag:$0x2] =	stream.indirect_vreg.gather [hbm4b:s4+s2], $0x80, v4, vm0, $0xb8;
	[tilespmem:$0x10400] =	vst v63  }
0x21e: {  	s21 =	simm.s32 $0xDC00  }
0x21f: {  	[tilespmem:s21], [sflag:$0x2] =	stream.indirect_vreg.gather [hbm4b:s4+s2], $0x80, v3, vm0, $0xb8;
	[tilespmem:$0x10400] =	vst v63  }
0x220: {  	v3 =	vld [tilespmem:$0x2E0];
	_ =	sdelay $0x4  }
0x221: {  	v46 =	vshll.u32 v3, $0x1  }
0x222: {  	v3 =	vand.u32 $0x7, v3;
	v4 =	vand.u32 $0xFFFFFFF0, v46  }
0x223: {  	v3 =	vor.u32 v3, v4  }
0x224: {  	v4 =	vperm.xlane v3, v0;
	_ =	sdelay $0x1  }
0x225: {  	v3 =	vperm.xlane v3, v2;
	v4 =	vadd.s32 v1, v4;
	_ =	sdelay $0x1  }
0x226: {  	v3 =	vadd.s32 v1, v3;
	_ =	sdelay $0x1  }
0x227: {  	s29 =	simm.s32 $0xE400  }
0x228: {  	[tilespmem:s29], [sflag:$0x2] =	stream.indirect_vreg.gather [hbm4b:s4+s2], $0x80, v4, vm0, $0xb8;
	[tilespmem:$0x10400] =	vst v63  }
0x229: {  	s17 =	simm.s32 $0xEC00  }
0x22a: {  	[tilespmem:s17], [sflag:$0x2] =	stream.indirect_vreg.gather [hbm4b:s4+s2], $0x80, v3, vm0, $0xb8;
	[tilespmem:$0x10400] =	vst v63  }
0x22b: {  	v3 =	vld [tilespmem:$0x2F0];
	_ =	sdelay $0x4  }
0x22c: {  	v47 =	vshll.u32 v3, $0x1  }
0x22d: {  	v3 =	vand.u32 $0x7, v3;
	v4 =	vand.u32 $0xFFFFFFF0, v47  }
0x22e: {  	v3 =	vor.u32 v3, v4  }
0x22f: {  	v4 =	vperm.xlane v3, v0;
	_ =	sdelay $0x1  }
0x230: {  	v3 =	vperm.xlane v3, v2;
	v4 =	vadd.s32 v1, v4;
	_ =	sdelay $0x1  }
0x231: {  	v3 =	vadd.s32 v1, v3;
	_ =	sdelay $0x1  }
0x232: {  	s18 =	simm.s32 $0xF400  }
0x233: {  	[tilespmem:s18], [sflag:$0x2] =	stream.indirect_vreg.gather [hbm4b:s4+s2], $0x80, v4, vm0, $0xb8;
	[tilespmem:$0x10400] =	vst v63  }
0x234: {  	s18 =	simm.s32 $0xFC00  }
0x235: {  	[tilespmem:s18], [sflag:$0x2] =	stream.indirect_vreg.gather [hbm4b:s4+s2], $0x80, v3, vm0, $0xb8;
	[tilespmem:$0x10400] =	vst v63  }
0x236: {  	_ =	swait.ge [sflag:s12], $0x8000  }
0x237: {  	[sflag:s12] =	ssyncset.done $0x0  }
0x238: {  	s16 =	rddreg [dreg:$0x7];
	[sflag:s12] =	ssyncadd.s32 $0xFFFF8000  }
0x239: {  	[hbm4b:s16+s2] =	stream.linear.scatter [tilespmem:s22], [sflag:$0x3], $0x8000, $0x38;
	[tilespmem:$0x10400] =	vst v63  }
0x23a: {  	_ =	swait.ge [sflag:s13], $0x8000  }
0x23b: {  	[sflag:s13] =	ssyncset.done $0x0  }
0x23c: {  	[sflag:s13] =	ssyncadd.s32 $0xFFFF8000  }
0x23d: {  	v3 =	vld [tilespmem:$0x300];
	_ =	sdelay $0x4  }
0x23e: {  	v48 =	vshll.u32 v3, $0x1  }
0x23f: {  	v3 =	vand.u32 $0x7, v3;
	v4 =	vand.u32 $0xFFFFFFF0, v48  }
0x240: {  	v3 =	vor.u32 v3, v4  }
0x241: {  	v4 =	vperm.xlane v3, v0;
	_ =	sdelay $0x1  }
0x242: {  	v3 =	vperm.xlane v3, v2;
	v4 =	vadd.s32 v1, v4;
	_ =	sdelay $0x1  }
0x243: {  	v3 =	vadd.s32 v1, v3;
	_ =	sdelay $0x2  }
0x244: {  	[tilespmem:s22], [sflag:$0x1] =	stream.indirect_vreg.gather [hbm4b:s4+s2], $0x80, v4, vm0, $0xb8;
	[tilespmem:$0x10400] =	vst v63  }
0x245: {  	s16 =	simm.s32 $0xC00  }
0x246: {  	[tilespmem:s16], [sflag:$0x1] =	stream.indirect_vreg.gather [hbm4b:s4+s2], $0x80, v3, vm0, $0xb8;
	[tilespmem:$0x10400] =	vst v63  }
0x247: {  	v3 =	vld [tilespmem:$0x310];
	_ =	sdelay $0x4  }
0x248: {  	v49 =	vshll.u32 v3, $0x1  }
0x249: {  	v3 =	vand.u32 $0x7, v3;
	v4 =	vand.u32 $0xFFFFFFF0, v49  }
0x24a: {  	v3 =	vor.u32 v3, v4  }
0x24b: {  	v4 =	vperm.xlane v3, v0;
	_ =	sdelay $0x1  }
0x24c: {  	v3 =	vperm.xlane v3, v2;
	v4 =	vadd.s32 v1, v4;
	_ =	sdelay $0x1  }
0x24d: {  	v3 =	vadd.s32 v1, v3;
	_ =	sdelay $0x1  }
0x24e: {  	s16 =	simm.s32 $0x1400  }
0x24f: {  	[tilespmem:s16], [sflag:$0x1] =	stream.indirect_vreg.gather [hbm4b:s4+s2], $0x80, v4, vm0, $0xb8;
	[tilespmem:$0x10400] =	vst v63  }
0x250: {  	s19 =	simm.s32 $0x1C00  }
0x251: {  	[tilespmem:s19], [sflag:$0x1] =	stream.indirect_vreg.gather [hbm4b:s4+s2], $0x80, v3, vm0, $0xb8;
	[tilespmem:$0x10400] =	vst v63  }
0x252: {  	v3 =	vld [tilespmem:$0x320];
	_ =	sdelay $0x4  }
0x253: {  	v50 =	vshll.u32 v3, $0x1  }
0x254: {  	v3 =	vand.u32 $0x7, v3;
	v4 =	vand.u32 $0xFFFFFFF0, v50  }
0x255: {  	v3 =	vor.u32 v3, v4  }
0x256: {  	v4 =	vperm.xlane v3, v0;
	_ =	sdelay $0x1  }
0x257: {  	v3 =	vperm.xlane v3, v2;
	v4 =	vadd.s32 v1, v4;
	_ =	sdelay $0x1  }
0x258: {  	v3 =	vadd.s32 v1, v3;
	_ =	sdelay $0x1  }
0x259: {  	s19 =	simm.s32 $0x2400  }
0x25a: {  	[tilespmem:s19], [sflag:$0x1] =	stream.indirect_vreg.gather [hbm4b:s4+s2], $0x80, v4, vm0, $0xb8;
	[tilespmem:$0x10400] =	vst v63  }
0x25b: {  	s20 =	simm.s32 $0x2C00  }
0x25c: {  	[tilespmem:s20], [sflag:$0x1] =	stream.indirect_vreg.gather [hbm4b:s4+s2], $0x80, v3, vm0, $0xb8;
	[tilespmem:$0x10400] =	vst v63  }
0x25d: {  	v3 =	vld [tilespmem:$0x330];
	_ =	sdelay $0x4  }
0x25e: {  	v51 =	vshll.u32 v3, $0x1  }
0x25f: {  	v3 =	vand.u32 $0x7, v3;
	v4 =	vand.u32 $0xFFFFFFF0, v51  }
0x260: {  	v3 =	vor.u32 v3, v4  }
0x261: {  	v4 =	vperm.xlane v3, v0;
	_ =	sdelay $0x1  }
0x262: {  	v3 =	vperm.xlane v3, v2;
	v4 =	vadd.s32 v1, v4;
	_ =	sdelay $0x1  }
0x263: {  	v3 =	vadd.s32 v1, v3;
	_ =	sdelay $0x1  }
0x264: {  	s7 =	simm.s32 $0x3400  }
0x265: {  	[tilespmem:s7], [sflag:$0x1] =	stream.indirect_vreg.gather [hbm4b:s4+s2], $0x80, v4, vm0, $0xb8;
	[tilespmem:$0x10400] =	vst v63  }
0x266: {  	s20 =	simm.s32 $0x3C00  }
0x267: {  	[tilespmem:s20], [sflag:$0x1] =	stream.indirect_vreg.gather [hbm4b:s4+s2], $0x80, v3, vm0, $0xb8;
	[tilespmem:$0x10400] =	vst v63  }
0x268: {  	v3 =	vld [tilespmem:$0x340];
	_ =	sdelay $0x4  }
0x269: {  	v52 =	vshll.u32 v3, $0x1  }
0x26a: {  	v3 =	vand.u32 $0x7, v3;
	v4 =	vand.u32 $0xFFFFFFF0, v52  }
0x26b: {  	v3 =	vor.u32 v3, v4  }
0x26c: {  	v4 =	vperm.xlane v3, v0;
	_ =	sdelay $0x1  }
0x26d: {  	v3 =	vperm.xlane v3, v2;
	v4 =	vadd.s32 v1, v4;
	_ =	sdelay $0x1  }
0x26e: {  	v3 =	vadd.s32 v1, v3;
	_ =	sdelay $0x1  }
0x26f: {  	s16 =	simm.s32 $0x4400  }
0x270: {  	[tilespmem:s16], [sflag:$0x1] =	stream.indirect_vreg.gather [hbm4b:s4+s2], $0x80, v4, vm0, $0xb8;
	[tilespmem:$0x10400] =	vst v63  }
0x271: {  	s24 =	simm.s32 $0x4C00  }
0x272: {  	[tilespmem:s24], [sflag:$0x1] =	stream.indirect_vreg.gather [hbm4b:s4+s2], $0x80, v3, vm0, $0xb8;
	[tilespmem:$0x10400] =	vst v63  }
0x273: {  	v3 =	vld [tilespmem:$0x350];
	_ =	sdelay $0x4  }
0x274: {  	v53 =	vshll.u32 v3, $0x1  }
0x275: {  	v3 =	vand.u32 $0x7, v3;
	v4 =	vand.u32 $0xFFFFFFF0, v53  }
0x276: {  	v3 =	vor.u32 v3, v4  }
0x277: {  	v4 =	vperm.xlane v3, v0;
	_ =	sdelay $0x1  }
0x278: {  	v3 =	vperm.xlane v3, v2;
	v4 =	vadd.s32 v1, v4;
	_ =	sdelay $0x1  }
0x279: {  	v3 =	vadd.s32 v1, v3;
	_ =	sdelay $0x1  }
0x27a: {  	s9 =	simm.s32 $0x5400  }
0x27b: {  	[tilespmem:s9], [sflag:$0x1] =	stream.indirect_vreg.gather [hbm4b:s4+s2], $0x80, v4, vm0, $0xb8;
	[tilespmem:$0x10400] =	vst v63  }
0x27c: {  	s11 =	simm.s32 $0x5C00  }
0x27d: {  	[tilespmem:s11], [sflag:$0x1] =	stream.indirect_vreg.gather [hbm4b:s4+s2], $0x80, v3, vm0, $0xb8;
	[tilespmem:$0x10400] =	vst v63  }
0x27e: {  	v3 =	vld [tilespmem:$0x360];
	_ =	sdelay $0x4  }
0x27f: {  	v54 =	vshll.u32 v3, $0x1  }
0x280: {  	v3 =	vand.u32 $0x7, v3;
	v4 =	vand.u32 $0xFFFFFFF0, v54  }
0x281: {  	v3 =	vor.u32 v3, v4  }
0x282: {  	v4 =	vperm.xlane v3, v0;
	_ =	sdelay $0x1  }
0x283: {  	v3 =	vperm.xlane v3, v2;
	v4 =	vadd.s32 v1, v4;
	_ =	sdelay $0x1  }
0x284: {  	v3 =	vadd.s32 v1, v3;
	_ =	sdelay $0x1  }
0x285: {  	s19 =	simm.s32 $0x6400  }
0x286: {  	[tilespmem:s19], [sflag:$0x1] =	stream.indirect_vreg.gather [hbm4b:s4+s2], $0x80, v4, vm0, $0xb8;
	[tilespmem:$0x10400] =	vst v63  }
0x287: {  	s26 =	simm.s32 $0x6C00  }
0x288: {  	[tilespmem:s26], [sflag:$0x1] =	stream.indirect_vreg.gather [hbm4b:s4+s2], $0x80, v3, vm0, $0xb8;
	[tilespmem:$0x10400] =	vst v63  }
0x289: {  	v3 =	vld [tilespmem:$0x370];
	_ =	sdelay $0x4  }
0x28a: {  	v55 =	vshll.u32 v3, $0x1  }
0x28b: {  	v3 =	vand.u32 $0x7, v3;
	v4 =	vand.u32 $0xFFFFFFF0, v55  }
0x28c: {  	v3 =	vor.u32 v3, v4  }
0x28d: {  	v4 =	vperm.xlane v3, v0;
	_ =	sdelay $0x1  }
0x28e: {  	v3 =	vperm.xlane v3, v2;
	v4 =	vadd.s32 v1, v4;
	_ =	sdelay $0x1  }
0x28f: {  	v3 =	vadd.s32 v1, v3;
	_ =	sdelay $0x1  }
0x290: {  	s8 =	simm.s32 $0x7400  }
0x291: {  	[tilespmem:s8], [sflag:$0x1] =	stream.indirect_vreg.gather [hbm4b:s4+s2], $0x80, v4, vm0, $0xb8;
	[tilespmem:$0x10400] =	vst v63  }
0x292: {  	s10 =	simm.s32 $0x7C00  }
0x293: {  	[tilespmem:s10], [sflag:$0x1] =	stream.indirect_vreg.gather [hbm4b:s4+s2], $0x80, v3, vm0, $0xb8;
	[tilespmem:$0x10400] =	vst v63  }
0x294: {  	_ =	swait.ge [sflag:s14], $0x8000  }
0x295: {  	[sflag:s14] =	ssyncset.done $0x0  }
0x296: {  	s20 =	rddreg [dreg:$0x8];
	[sflag:s14] =	ssyncadd.s32 $0xFFFF8000  }
0x297: {  	[hbm4b:s20+s2] =	stream.linear.scatter [tilespmem:s23], [sflag:$0x4], $0x8000, $0x38;
	[tilespmem:$0x10400] =	vst v63  }
0x298: {  	_ =	swait.ge [sflag:s15], $0x8000  }
0x299: {  	[sflag:s15] =	ssyncset.done $0x0  }
0x29a: {  	[sflag:s15] =	ssyncadd.s32 $0xFFFF8000  }
0x29b: {  	v3 =	vld [tilespmem:$0x380];
	_ =	sdelay $0x4  }
0x29c: {  	v56 =	vshll.u32 v3, $0x1  }
0x29d: {  	v3 =	vand.u32 $0x7, v3;
	v4 =	vand.u32 $0xFFFFFFF0, v56  }
0x29e: {  	v3 =	vor.u32 v3, v4  }
0x29f: {  	v4 =	vperm.xlane v3, v0;
	_ =	sdelay $0x1  }
0x2a0: {  	v3 =	vperm.xlane v3, v2;
	v4 =	vadd.s32 v1, v4;
	_ =	sdelay $0x1  }
0x2a1: {  	v3 =	vadd.s32 v1, v3;
	_ =	sdelay $0x2  }
0x2a2: {  	[tilespmem:s23], [sflag:$0x2] =	stream.indirect_vreg.gather [hbm4b:s4+s2], $0x80, v4, vm0, $0xb8;
	[tilespmem:$0x10400] =	vst v63  }
0x2a3: {  	s24 =	simm.s32 $0x8C00  }
0x2a4: {  	[tilespmem:s24], [sflag:$0x2] =	stream.indirect_vreg.gather [hbm4b:s4+s2], $0x80, v3, vm0, $0xb8;
	[tilespmem:$0x10400] =	vst v63  }
0x2a5: {  	v3 =	vld [tilespmem:$0x390];
	_ =	sdelay $0x4  }
0x2a6: {  	v57 =	vshll.u32 v3, $0x1  }
0x2a7: {  	v3 =	vand.u32 $0x7, v3;
	v4 =	vand.u32 $0xFFFFFFF0, v57  }
0x2a8: {  	v3 =	vor.u32 v3, v4  }
0x2a9: {  	v4 =	vperm.xlane v3, v0;
	_ =	sdelay $0x1  }
0x2aa: {  	v3 =	vperm.xlane v3, v2;
	v4 =	vadd.s32 v1, v4;
	_ =	sdelay $0x1  }
0x2ab: {  	v3 =	vadd.s32 v1, v3;
	_ =	sdelay $0x1  }
0x2ac: {  	s0 =	simm.s32 $0x9400  }
0x2ad: {  	[tilespmem:s0], [sflag:$0x2] =	stream.indirect_vreg.gather [hbm4b:s4+s2], $0x80, v4, vm0, $0xb8;
	[tilespmem:$0x10400] =	vst v63  }
0x2ae: {  	s3 =	simm.s32 $0x9C00  }
0x2af: {  	[tilespmem:s3], [sflag:$0x2] =	stream.indirect_vreg.gather [hbm4b:s4+s2], $0x80, v3, vm0, $0xb8;
	[tilespmem:$0x10400] =	vst v63  }
0x2b0: {  	v3 =	vld [tilespmem:$0x3A0];
	_ =	sdelay $0x4  }
0x2b1: {  	v58 =	vshll.u32 v3, $0x1  }
0x2b2: {  	v3 =	vand.u32 $0x7, v3;
	v4 =	vand.u32 $0xFFFFFFF0, v58  }
0x2b3: {  	v3 =	vor.u32 v3, v4  }
0x2b4: {  	v4 =	vperm.xlane v3, v0;
	_ =	sdelay $0x1  }
0x2b5: {  	v3 =	vperm.xlane v3, v2;
	v4 =	vadd.s32 v1, v4;
	_ =	sdelay $0x1  }
0x2b6: {  	v3 =	vadd.s32 v1, v3;
	_ =	sdelay $0x1  }
0x2b7: {  	s1 =	simm.s32 $0xA400  }
0x2b8: {  	[tilespmem:s1], [sflag:$0x2] =	stream.indirect_vreg.gather [hbm4b:s4+s2], $0x80, v4, vm0, $0xb8;
	[tilespmem:$0x10400] =	vst v63  }
0x2b9: {  	s6 =	simm.s32 $0xAC00  }
0x2ba: {  	[tilespmem:s6], [sflag:$0x2] =	stream.indirect_vreg.gather [hbm4b:s4+s2], $0x80, v3, vm0, $0xb8;
	[tilespmem:$0x10400] =	vst v63  }
0x2bb: {  	v3 =	vld [tilespmem:$0x3B0];
	_ =	sdelay $0x4  }
0x2bc: {  	v59 =	vshll.u32 v3, $0x1  }
0x2bd: {  	v3 =	vand.u32 $0x7, v3;
	v4 =	vand.u32 $0xFFFFFFF0, v59  }
0x2be: {  	v3 =	vor.u32 v3, v4  }
0x2bf: {  	v4 =	vperm.xlane v3, v0;
	_ =	sdelay $0x1  }
0x2c0: {  	v3 =	vperm.xlane v3, v2;
	v4 =	vadd.s32 v1, v4;
	_ =	sdelay $0x1  }
0x2c1: {  	v3 =	vadd.s32 v1, v3;
	_ =	sdelay $0x1  }
0x2c2: {  	s31 =	simm.s32 $0xB400  }
0x2c3: {  	[tilespmem:s31], [sflag:$0x2] =	stream.indirect_vreg.gather [hbm4b:s4+s2], $0x80, v4, vm0, $0xb8;
	[tilespmem:$0x10400] =	vst v63  }
0x2c4: {  	s25 =	simm.s32 $0xBC00  }
0x2c5: {  	[tilespmem:s25], [sflag:$0x2] =	stream.indirect_vreg.gather [hbm4b:s4+s2], $0x80, v3, vm0, $0xb8;
	[tilespmem:$0x10400] =	vst v63  }
0x2c6: {  	v3 =	vld [tilespmem:$0x3C0];
	_ =	sdelay $0x4  }
0x2c7: {  	v60 =	vshll.u32 v3, $0x1  }
0x2c8: {  	v3 =	vand.u32 $0x7, v3;
	v4 =	vand.u32 $0xFFFFFFF0, v60  }
0x2c9: {  	v3 =	vor.u32 v3, v4  }
0x2ca: {  	v4 =	vperm.xlane v3, v0;
	_ =	sdelay $0x1  }
0x2cb: {  	v3 =	vperm.xlane v3, v2;
	v4 =	vadd.s32 v1, v4;
	_ =	sdelay $0x1  }
0x2cc: {  	v3 =	vadd.s32 v1, v3;
	_ =	sdelay $0x1  }
0x2cd: {  	s30 =	simm.s32 $0xC400  }
0x2ce: {  	[tilespmem:s30], [sflag:$0x2] =	stream.indirect_vreg.gather [hbm4b:s4+s2], $0x80, v4, vm0, $0xb8;
	[tilespmem:$0x10400] =	vst v63  }
0x2cf: {  	s26 =	simm.s32 $0xCC00  }
0x2d0: {  	[tilespmem:s26], [sflag:$0x2] =	stream.indirect_vreg.gather [hbm4b:s4+s2], $0x80, v3, vm0, $0xb8;
	[tilespmem:$0x10400] =	vst v63  }
0x2d1: {  	v3 =	vld [tilespmem:$0x3D0];
	_ =	sdelay $0x4  }
0x2d2: {  	v61 =	vshll.u32 v3, $0x1  }
0x2d3: {  	v3 =	vand.u32 $0x7, v3;
	v4 =	vand.u32 $0xFFFFFFF0, v61  }
0x2d4: {  	v3 =	vor.u32 v3, v4  }
0x2d5: {  	v4 =	vperm.xlane v3, v0;
	_ =	sdelay $0x1  }
0x2d6: {  	v3 =	vperm.xlane v3, v2;
	v4 =	vadd.s32 v1, v4;
	_ =	sdelay $0x1  }
0x2d7: {  	v3 =	vadd.s32 v1, v3;
	_ =	sdelay $0x1  }
0x2d8: {  	s28 =	simm.s32 $0xD400  }
0x2d9: {  	[tilespmem:s28], [sflag:$0x2] =	stream.indirect_vreg.gather [hbm4b:s4+s2], $0x80, v4, vm0, $0xb8;
	[tilespmem:$0x10400] =	vst v63  }
0x2da: {  	s28 =	simm.s32 $0xDC00  }
0x2db: {  	[tilespmem:s28], [sflag:$0x2] =	stream.indirect_vreg.gather [hbm4b:s4+s2], $0x80, v3, vm0, $0xb8;
	[tilespmem:$0x10400] =	vst v63  }
0x2dc: {  	v3 =	vld [tilespmem:$0x3E0];
	_ =	sdelay $0x4  }
0x2dd: {  	v62 =	vshll.u32 v3, $0x1  }
0x2de: {  	v3 =	vand.u32 $0x7, v3;
	v4 =	vand.u32 $0xFFFFFFF0, v62  }
0x2df: {  	v3 =	vor.u32 v3, v4  }
0x2e0: {  	v4 =	vperm.xlane v3, v0;
	_ =	sdelay $0x1  }
0x2e1: {  	v3 =	vperm.xlane v3, v2;
	v4 =	vadd.s32 v1, v4;
	_ =	sdelay $0x1  }
0x2e2: {  	v3 =	vadd.s32 v1, v3;
	_ =	sdelay $0x1  }
0x2e3: {  	s21 =	simm.s32 $0xE400  }
0x2e4: {  	[tilespmem:s21], [sflag:$0x2] =	stream.indirect_vreg.gather [hbm4b:s4+s2], $0x80, v4, vm0, $0xb8;
	[tilespmem:$0x10400] =	vst v63  }
0x2e5: {  	s29 =	simm.s32 $0xEC00  }
0x2e6: {  	[tilespmem:s29], [sflag:$0x2] =	stream.indirect_vreg.gather [hbm4b:s4+s2], $0x80, v3, vm0, $0xb8;
	[tilespmem:$0x10400] =	vst v63  }
0x2e7: {  	v3 =	vld [tilespmem:$0x3F0];
	_ =	sdelay $0x4  }
0x2e8: {  	v63 =	vshll.u32 v3, $0x1  }
0x2e9: {  	v3 =	vand.u32 $0x7, v3;
	v4 =	vand.u32 $0xFFFFFFF0, v63  }
0x2ea: {  	v3 =	vor.u32 v3, v4  }
0x2eb: {  	v4 =	vperm.xlane v3, v0;
	_ =	sdelay $0x1  }
0x2ec: {  	v3 =	vperm.xlane v3, v2;
	v4 =	vadd.s32 v1, v4;
	_ =	sdelay $0x1  }
0x2ed: {  	v3 =	vadd.s32 v1, v3;
	_ =	sdelay $0x1  }
0x2ee: {  	s17 =	simm.s32 $0xF400  }
0x2ef: {  	[tilespmem:s17], [sflag:$0x2] =	stream.indirect_vreg.gather [hbm4b:s4+s2], $0x80, v4, vm0, $0xb8;
	[tilespmem:$0x10400] =	vst v63  }
0x2f0: {  	s18 =	simm.s32 $0xFC00  }
0x2f1: {  	[tilespmem:s18], [sflag:$0x2] =	stream.indirect_vreg.gather [hbm4b:s4+s2], $0x80, v3, vm0, $0xb8;
	[tilespmem:$0x10400] =	vst v63  }
0x2f2: {  	_ =	swait.ge [sflag:s12], $0x8000  }
0x2f3: {  	[sflag:s12] =	ssyncset.done $0x0  }
0x2f4: {  	s30 =	rddreg [dreg:$0x9];
	[sflag:s12] =	ssyncadd.s32 $0xFFFF8000  }
0x2f5: {  	[hbm4b:s30+s2] =	stream.linear.scatter [tilespmem:s22], [sflag:$0x3], $0x8000, $0x38;
	[tilespmem:$0x10400] =	vst v63  }
0x2f6: {  	_ =	swait.ge [sflag:s14], $0x8000  }
0x2f7: {  	[sflag:s14] =	ssyncset.done $0x0  }
0x2f8: {  	s31 =	rddreg [dreg:$0xa];
	[sflag:s14] =	ssyncadd.s32 $0xFFFF8000  }
0x2f9: {  	[hbm4b:s31+s2] =	stream.linear.scatter [tilespmem:s23], [sflag:$0x4], $0x8000, $0x38;
	[tilespmem:$0x10400] =	vst v63  }
0x2fa: {  	p0 =	sne.s32 s5, $0x1;
	_ =	swait.ge [sflag:s15], $0x8000  }
.Ltmp0:
0x2fb: {  	[sflag:s15] =	ssyncset.done $0x0;
	(pc) =	sbr.rel @p0 .LBB2_1-.Ltmp0, $4  }
0x2fc: {  	[sflag:s15] =	ssyncadd.s32 $0xFFFF8000  }
0x2fd: {  	_ =	swait.ge [sflag:s13], $0x8000  }
0x2fe: {  	[sflag:s13] =	ssyncset.done $0x0  }
0x2ff: {  	s5 =	sadd.s32 $0xFFFFFFFF, s5;
	[sflag:s13] =	ssyncadd.s32 $0xFFFF8000  }
0x300: {  	_ =	sfence.sel $0x180000  }
0x301: {  	[bflag:$0x0] =	sbarrier.arrive $0xFFFF  }
0x302: {  	_ =	strace $0x9000004A  }
0x303: {  	s0 =	stileid.u32;
	[bflag:$0x2] =	sbarrier.arrive $0xFFFF  }
0x304: {  	p0 =	sne.s32 s0, $0x0;
	s0 =	rddreg [dreg:$0x2]  }
0x305: {  	s0 =	sadd.s32 @!p0 $0x100000, s0  }
0x306: {  	[sflag:s0] =	ssyncadd.tile.s32 @!p0 $0x1;
	_ =	shalt  }
.Lfunc_end2:
_tile_overlayer_lowered:
.L_overlay_start_2:
0x307: {  	(tag) =	ssettag $0x2  }
0x308: {  	s0 =	rddreg [dreg:$0x0];
	s2 =	stileid.u32  }
0x309: {  	s1 =	rddreg [dreg:$0x1];
	p0 =	sne.s32 s2, $0x0  }
0x30a: {  	s3 =	rddreg [dreg:$0x2];
	[bflag:$0x3] =	sbarrier.arrive $0xFFFF;
	s2 =	simm.s32 @!p0 $0x1C05  }
0x30b: {  	[timem:s3], [sflag:s2] =	dma.local @!p0 [hbm:s0], s1  }
0x30c: {  	s0 =	simm.s32 @!p0 $0x5  }
0x30d: {  	_ =	swait.ge @!p0 [sflag:s0], s1  }
0x30e: {  	s1 =	ssub.s32 @!p0 $0x0, s1;
	[sflag:s0] =	ssyncset.done @!p0 $0x0  }
0x30f: {  	[sflag:s0] =	ssyncadd.s32 @!p0 s1  }
0x310: {  	[bflag:$0x3] =	sbarrier.arrive $0xFFFF  }
0x311: {  	_ =	shalt  }

</sc_bundles>
